<compile_context>
chip_gen: v7x
topology: tpu7x:2x2x1
jax: 0.10.2.dev20260603
libtpu: 0.0.44.dev20260713+nightly
codegen_flags: <defaults>
</compile_context>

<pallas_src>
import math

import jax
import jax.numpy as jnp
from jax import lax
from jax.experimental import pallas as pl
from jax.experimental.pallas import tpu as pltpu
from jax.experimental.pallas import tpu_sc as plsc

N = 10000
E = 320000
D = 128
DH = D // 2
NELEM = 10
RADIAL_IN = 8
MAG_IN = 16
H = 64
AVG_NEIGH = 32.0

NSUB = 16
EDGES_PER_TILE = E // NSUB
CHUNK = 80
CHUNKS_PER_TILE = EDGES_PER_TILE // CHUNK
NPAD = 10240
ROWS_PER_TILE = NPAD // NSUB
LAST_ROWS = N - (NSUB - 1) * ROWS_PER_TILE
DEN_W = 16
DEN_ROWS = NPAD // 16
DEN_ROWS_PER_TILE = DEN_ROWS // NSUB

_INV_SQRT_D = 1.0 / math.sqrt(float(D))
_INV_SQRT_R = 1.0 / math.sqrt(float(RADIAL_IN))
_INV_SQRT_H = 1.0 / math.sqrt(float(H))
_INV_SQRT_M = 1.0 / math.sqrt(float(MAG_IN))
_INV_SQRT_UV = 1.0 / math.sqrt(float(D * NELEM))


_NB = 1000


def _pre_body(nf, minv, mga, wup, wmr, xlo, xhi, vlo, vhi):
    x = jnp.dot(nf[...], wup[...], preferred_element_type=jnp.float32) * _INV_SQRT_D
    magr = jnp.dot(minv[...], wmr[...], preferred_element_type=jnp.float32) * _INV_SQRT_M
    v = x * mga[...] * magr
    xlo[...] = x[:, :DH]
    xhi[...] = x[:, DH:]
    vlo[...] = v[:, :DH]
    vhi[...] = v[:, DH:]


def _pre_call(node_feats, minv, mga, W_up, W_mag_radial):
    grid = (N // _NB,)
    return pl.pallas_call(
        _pre_body,
        grid=grid,
        in_specs=[
            pl.BlockSpec((_NB, D), lambda i: (i, 0)),
            pl.BlockSpec((_NB, MAG_IN), lambda i: (i, 0)),
            pl.BlockSpec((_NB, 1), lambda i: (i, 0)),
            pl.BlockSpec((D, D), lambda i: (0, 0)),
            pl.BlockSpec((MAG_IN, D), lambda i: (0, 0)),
        ],
        out_specs=[pl.BlockSpec((_NB, DH), lambda i: (i, 0))] * 4,
        out_shape=[jax.ShapeDtypeStruct((N, DH), jnp.float32)] * 4,
    )(node_feats, minv, mga, W_up, W_mag_radial)


_EB = 2000


def _edge_body(ef, ea, wr1, wr2, wr3, wr4, wd, ew_out, eden_out):
    bf = jnp.bfloat16
    f = ef[...]
    h = jax.nn.silu(jnp.dot(f, wr1[...],
                            preferred_element_type=jnp.float32) * _INV_SQRT_R)
    h = jax.nn.silu(jnp.dot(h.astype(bf), wr2[...].astype(bf),
                            preferred_element_type=jnp.float32) * _INV_SQRT_H)
    h = jax.nn.silu(jnp.dot(h.astype(bf), wr3[...].astype(bf),
                            preferred_element_type=jnp.float32) * _INV_SQRT_H)
    tpw = jnp.dot(h.astype(bf), wr4[...].astype(bf),
                  preferred_element_type=jnp.float32) * _INV_SQRT_H
    ew_out[...] = tpw * ea[...]
    dd = jnp.dot(f, wd[...], preferred_element_type=jnp.float32) * _INV_SQRT_R
    d = jnp.tanh(dd * dd)
    lane = lax.broadcasted_iota(jnp.int32, (_EB, DEN_W), 1)
    eden_out[...] = jnp.where(lane == 0, d, 0.0)


def _edge_call(edge_feats, edge_attrs, Wr1, Wr2, Wr3, Wr4, W_density):
    grid = (E // _EB,)
    return pl.pallas_call(
        _edge_body,
        grid=grid,
        in_specs=[
            pl.BlockSpec((_EB, RADIAL_IN), lambda i: (i, 0)),
            pl.BlockSpec((_EB, 1), lambda i: (i, 0)),
            pl.BlockSpec((RADIAL_IN, H), lambda i: (0, 0)),
            pl.BlockSpec((H, H), lambda i: (0, 0)),
            pl.BlockSpec((H, H), lambda i: (0, 0)),
            pl.BlockSpec((H, D), lambda i: (0, 0)),
            pl.BlockSpec((RADIAL_IN, 1), lambda i: (0, 0)),
        ],
        out_specs=[
            pl.BlockSpec((_EB, D), lambda i: (i, 0)),
            pl.BlockSpec((_EB, DEN_W), lambda i: (i, 0)),
        ],
        out_shape=[
            jax.ShapeDtypeStruct((E, D), jnp.float32),
            jax.ShapeDtypeStruct((E, DEN_W), jnp.float32),
        ],
    )(edge_feats, edge_attrs, Wr1, Wr2, Wr3, Wr4, W_density)


def _zero_rows(rows):
    zero16 = jnp.zeros((16,), jnp.float32)

    def _z(i, _):
        for j in range(DH // 16):
            rows[0, i, pl.ds(j * 16, 16)] = zero16
        return 0

    lax.fori_loop(0, CHUNK, _z, 0)


def _zero_acc_slice(rows, shared_acc, sid):
    base = sid * ROWS_PER_TILE
    for z in range(ROWS_PER_TILE // CHUNK):
        pltpu.sync_copy(rows.at[0], shared_acc.at[pl.ds(base + z * CHUNK, CHUNK)])


def _gather_pass(src, ewsrc, eden, sidx, ridx, rows, ewb, edenb,
                 shared_acc, shared_den, gsems, esems, dsems, ssems, tsems,
                 sid, ecol, do_mul, do_den):
    ebase0 = sid * EDGES_PER_TILE

    def _issue(c, s):
        pltpu.async_copy(src.at[sidx.at[c]], rows.at[s], gsems[s])
        if do_mul:
            pltpu.async_copy(
                ewsrc.at[pl.ds(ebase0 + c * CHUNK, CHUNK), pl.ds(ecol, DH)],
                ewb.at[s], esems[s])
        if do_den:
            pltpu.async_copy(eden.at[pl.ds(ebase0 + c * CHUNK, CHUNK)],
                             edenb.at[s], dsems[s])

    def _wait_in(c, s):
        pltpu.make_async_copy(src.at[sidx.at[c]], rows.at[s], gsems[s]).wait()
        if do_mul:
            pltpu.make_async_copy(
                ewsrc.at[pl.ds(ebase0 + c * CHUNK, CHUNK), pl.ds(ecol, DH)],
                ewb.at[s], esems[s]).wait()
        if do_den:
            pltpu.make_async_copy(eden.at[pl.ds(ebase0 + c * CHUNK, CHUNK)],
                                  edenb.at[s], dsems[s]).wait()

    def _drain_out(c, s):
        pltpu.make_async_copy(rows.at[s], shared_acc.at[ridx.at[c]],
                              ssems[s]).wait()
        if do_den:
            pltpu.make_async_copy(edenb.at[s], shared_den.at[ridx.at[c]],
                                  tsems[s]).wait()

    def _process(c, s):
        _wait_in(c, s)
        if do_mul:
            def _mul(i, _2):
                for j in range(DH // 16):
                    sl = pl.ds(j * 16, 16)
                    rows[s, i, sl] = rows[s, i, sl] * ewb[s, i, sl]
                return 0

            lax.fori_loop(0, CHUNK, _mul, 0)
        pltpu.async_copy(rows.at[s], shared_acc.at[ridx.at[c]], ssems[s],
                         add=True)
        if do_den:
            pltpu.async_copy(edenb.at[s], shared_den.at[ridx.at[c]], tsems[s],
                             add=True)

    _issue(0, 0)
    _issue(1, 1)

    def _chunk3(c3, _):
        for s in range(3):
            c = c3 * 3 + s
            prv = (s + 2) % 3

            _process(c, s)

            @pl.when(c >= 1)
            def _dr():
                _drain_out(c - 1, prv)

            @pl.when(c < CHUNKS_PER_TILE - 2)
            def _pref():
                _issue(c + 2, prv)
        return 0

    lax.fori_loop(0, CHUNKS_PER_TILE // 3, _chunk3, 0)

    c_last = CHUNKS_PER_TILE - 1
    _process(c_last, c_last % 3)
    _drain_out(c_last - 1, (c_last - 1) % 3)
    _drain_out(c_last, c_last % 3)


def _copy_out(shared_acc, out, sid):
    @pl.when(sid < NSUB - 1)
    def _full():
        osl = pl.ds(sid * ROWS_PER_TILE, ROWS_PER_TILE)
        pltpu.sync_copy(shared_acc.at[osl], out.at[osl])

    @pl.when(sid == NSUB - 1)
    def _part():
        osl = pl.ds((NSUB - 1) * ROWS_PER_TILE, LAST_ROWS)
        pltpu.sync_copy(shared_acc.at[osl], out.at[osl])


def _sc_body(s3d, r3d, xlo, xhi, vlo, vhi, ew, eden,
             msg_lo, msg_hi, mag_lo, mag_hi, den_out,
             sidx, ridx, rows, ewb, edenb,
             shared_acc, shared_den,
             gsem0, gsem1, gsem2, esem0, esem1, esem2,
             dsem0, dsem1, dsem2, ssem0, ssem1, ssem2,
             tsem0, tsem1, tsem2):
    gsems = (gsem0, gsem1, gsem2)
    esems = (esem0, esem1, esem2)
    dsems = (dsem0, dsem1, dsem2)
    ssems = (ssem0, ssem1, ssem2)
    tsems = (tsem0, tsem1, tsem2)
    cid = lax.axis_index("c")
    sid = lax.axis_index("s")

    pltpu.sync_copy(s3d.at[sid], sidx)
    pltpu.sync_copy(r3d.at[sid], ridx)

    _zero_rows(rows)
    zero16 = jnp.zeros((16,), jnp.float32)

    def _zd(i, _):
        edenb[0, i, pl.ds(0, 16)] = zero16
        return 0

    lax.fori_loop(0, CHUNK, _zd, 0)
    _zero_acc_slice(rows, shared_acc, sid)
    base = sid * ROWS_PER_TILE
    for z in range(ROWS_PER_TILE // CHUNK):
        pltpu.sync_copy(edenb.at[0], shared_den.at[pl.ds(base + z * CHUNK, CHUNK)])
    plsc.subcore_barrier()

    @pl.when(cid == 0)
    def _a0():
        _gather_pass(xlo, ew, eden, sidx, ridx, rows, ewb, edenb,
                     shared_acc, shared_den, gsems, esems, dsems, ssems,
                     tsems, sid, 0, True, True)

    @pl.when(cid == 1)
    def _a1():
        _gather_pass(xhi, ew, eden, sidx, ridx, rows, ewb, edenb,
                     shared_acc, shared_den, gsems, esems, dsems, ssems,
                     tsems, sid, DH, True, False)

    plsc.subcore_barrier()

    @pl.when(cid == 0)
    def _oa0():
        _copy_out(shared_acc, msg_lo, sid)
        dsl = pl.ds(sid * ROWS_PER_TILE, ROWS_PER_TILE)
        pltpu.sync_copy(shared_den.at[dsl], den_out.at[dsl])

    @pl.when(cid == 1)
    def _oa1():
        _copy_out(shared_acc, msg_hi, sid)

    plsc.subcore_barrier()

    _zero_rows(rows)
    _zero_acc_slice(rows, shared_acc, sid)
    plsc.subcore_barrier()

    @pl.when(cid == 0)
    def _b0():
        _gather_pass(vlo, ew, eden, sidx, ridx, rows, ewb, edenb,
                     shared_acc, shared_den, gsems, esems, dsems, ssems,
                     tsems, sid, 0, False, False)

    @pl.when(cid == 1)
    def _b1():
        _gather_pass(vhi, ew, eden, sidx, ridx, rows, ewb, edenb,
                     shared_acc, shared_den, gsems, esems, dsems, ssems,
                     tsems, sid, 0, False, False)

    plsc.subcore_barrier()

    @pl.when(cid == 0)
    def _ob0():
        _copy_out(shared_acc, mag_lo, sid)

    @pl.when(cid == 1)
    def _ob1():
        _copy_out(shared_acc, mag_hi, sid)


def _sc_call(s3d, r3d, xlo, xhi, vlo, vhi, ew, eden):
    mesh = plsc.VectorSubcoreMesh(core_axis_name="c", subcore_axis_name="s")
    f = pl.kernel(
        _sc_body,
        compiler_params=pltpu.CompilerParams(use_tc_tiling_on_sc=False),
        out_type=[
            jax.ShapeDtypeStruct((N, DH), jnp.float32),
            jax.ShapeDtypeStruct((N, DH), jnp.float32),
            jax.ShapeDtypeStruct((N, DH), jnp.float32),
            jax.ShapeDtypeStruct((N, DH), jnp.float32),
            jax.ShapeDtypeStruct((NPAD, DEN_W), jnp.float32),
        ],
        mesh=mesh,
        scratch_types=[
            pltpu.VMEM((CHUNKS_PER_TILE, CHUNK), jnp.int32),
            pltpu.VMEM((CHUNKS_PER_TILE, CHUNK), jnp.int32),
            pltpu.VMEM((3, CHUNK, DH), jnp.float32),
            pltpu.VMEM((3, CHUNK, DH), jnp.float32),
            pltpu.VMEM((3, CHUNK, DEN_W), jnp.float32),
            pltpu.VMEM_SHARED((NPAD, DH), jnp.float32),
            pltpu.VMEM_SHARED((NPAD, DEN_W), jnp.float32),
            pltpu.SemaphoreType.DMA,
            pltpu.SemaphoreType.DMA,
            pltpu.SemaphoreType.DMA,
            pltpu.SemaphoreType.DMA,
            pltpu.SemaphoreType.DMA,
            pltpu.SemaphoreType.DMA,
            pltpu.SemaphoreType.DMA,
            pltpu.SemaphoreType.DMA,
            pltpu.SemaphoreType.DMA,
            pltpu.SemaphoreType.DMA,
            pltpu.SemaphoreType.DMA,
            pltpu.SemaphoreType.DMA,
            pltpu.SemaphoreType.DMA,
            pltpu.SemaphoreType.DMA,
            pltpu.SemaphoreType.DMA,
        ],
    )
    return f(s3d, r3d, xlo, xhi, vlo, vhi, ew, eden)


def _post_body(mlo, mhi, glo, ghi, den, na, wl_lo, wl_hi, wm_lo, wm_hi,
               wskip, wmagskip, o1, o2):
    m = (jnp.dot(mlo[...], wl_lo[...], preferred_element_type=jnp.float32)
         + jnp.dot(mhi[...], wl_hi[...], preferred_element_type=jnp.float32)) * _INV_SQRT_D
    m = m / (den[...] + 1.0)
    g = (jnp.dot(glo[...], wm_lo[...], preferred_element_type=jnp.float32)
         + jnp.dot(ghi[...], wm_hi[...], preferred_element_type=jnp.float32)) * (
        _INV_SQRT_D / AVG_NEIGH)
    a = na[...]
    acc1 = jnp.zeros((_NB, D), jnp.float32)
    acc2 = jnp.zeros((_NB, D), jnp.float32)
    for vv in range(NELEM):
        av = a[:, vv:vv + 1]
        acc1 = acc1 + jnp.dot(m * av, wskip[vv], preferred_element_type=jnp.float32)
        acc2 = acc2 + jnp.dot(g * av, wmagskip[vv], preferred_element_type=jnp.float32)
    o1[...] = acc1 * _INV_SQRT_UV
    o2[...] = acc2 * _INV_SQRT_UV


def _post_call(mlo, mhi, glo, ghi, den2d, node_attrs,
               wl_lo, wl_hi, wm_lo, wm_hi, W_skip_t, W_magskip_t):
    grid = (N // _NB,)
    return pl.pallas_call(
        _post_body,
        grid=grid,
        in_specs=[
            pl.BlockSpec((_NB, DH), lambda i: (i, 0)),
            pl.BlockSpec((_NB, DH), lambda i: (i, 0)),
            pl.BlockSpec((_NB, DH), lambda i: (i, 0)),
            pl.BlockSpec((_NB, DH), lambda i: (i, 0)),
            pl.BlockSpec((_NB, 1), lambda i: (i, 0)),
            pl.BlockSpec((_NB, NELEM), lambda i: (i, 0)),
            pl.BlockSpec((DH, D), lambda i: (0, 0)),
            pl.BlockSpec((DH, D), lambda i: (0, 0)),
            pl.BlockSpec((DH, D), lambda i: (0, 0)),
            pl.BlockSpec((DH, D), lambda i: (0, 0)),
            pl.BlockSpec((NELEM, D, D), lambda i: (0, 0, 0)),
            pl.BlockSpec((NELEM, D, D), lambda i: (0, 0, 0)),
        ],
        out_specs=[
            pl.BlockSpec((_NB, D), lambda i: (i, 0)),
            pl.BlockSpec((_NB, D), lambda i: (i, 0)),
        ],
        out_shape=[
            jax.ShapeDtypeStruct((N, D), jnp.float32),
            jax.ShapeDtypeStruct((N, D), jnp.float32),
        ],
    )(mlo, mhi, glo, ghi, den2d, node_attrs, wl_lo, wl_hi, wm_lo, wm_hi,
      W_skip_t, W_magskip_t)


def kernel(node_attrs, node_feats, edge_attrs, edge_feats, edge_index,
           magmom_node_inv_feats, magmom_node_attrs,
           W_up, Wr1, Wr2, Wr3, Wr4, W_density, W_mag_radial,
           W_lin, W_maglin, W_skip, W_magskip):
    xlo, xhi, vlo, vhi = _pre_call(node_feats, magmom_node_inv_feats,
                                   magmom_node_attrs, W_up, W_mag_radial)
    ew, eden = _edge_call(edge_feats, edge_attrs, Wr1, Wr2, Wr3, Wr4,
                          W_density)
    s3d = edge_index[0].reshape(NSUB, CHUNKS_PER_TILE, CHUNK)
    r3d = edge_index[1].reshape(NSUB, CHUNKS_PER_TILE, CHUNK)
    msg_lo, msg_hi, mag_lo, mag_hi, den = _sc_call(
        s3d, r3d, xlo, xhi, vlo, vhi, ew, eden)
    W_skip_t = jnp.transpose(W_skip, (1, 0, 2))
    W_magskip_t = jnp.transpose(W_magskip, (1, 0, 2))
    den1 = den[:N, 0:1]
    o1, o2 = _post_call(msg_lo, msg_hi, mag_lo, mag_hi, den1,
                        node_attrs, W_lin[:DH], W_lin[DH:],
                        W_maglin[:DH], W_maglin[DH:], W_skip_t, W_magskip_t)
    return (o1.reshape(N, D, 1), o2.reshape(N, D, 1))

# --- scband reference (transcript-rebuilt; emitter-appended) ---
"""Pipeline reference for scband-magnetic-real-agnostic-separate-radial-density-interaction-block-42125039239752 (READ-ONLY COPY).

The authoritative reference and input builder live on the scoring server;
editing this copy changes nothing except your own understanding.
"""

import jax, jax.numpy as jnp
import numpy as np

N = 10000
E = 320000
D = 128
NELEM = 10
RADIAL_IN = 8
MAG_IN = 16
H = 64
AVG_NEIGH = 32.0


def setup_inputs(seed: int = 0) -> dict:
    key = jax.random.key(seed)
    ks = jax.random.split(key, 20)
    inp = {}
    inp["node_attrs"] = jax.random.uniform(ks[0], (N, NELEM), dtype=jnp.float32)
    inp["node_feats"] = jax.random.normal(ks[1], (N, D), dtype=jnp.float32)
    inp["edge_attrs"] = jax.random.normal(ks[2], (E, 1), dtype=jnp.float32)
    inp["edge_feats"] = jax.random.uniform(ks[3], (E, RADIAL_IN), dtype=jnp.float32)
    inp["edge_index"] = jax.random.randint(ks[4], (2, E), 0, N, dtype=jnp.int32)
    inp["magmom_node_inv_feats"] = jax.random.normal(ks[5], (N, MAG_IN), dtype=jnp.float32)
    inp["magmom_node_attrs"] = jax.random.normal(ks[6], (N, 1), dtype=jnp.float32)
    # learned parameters (all irreps are scalar 0e, so e3nn Linear/TP reduce to dense ops)
    inp["W_up"] = jax.random.normal(ks[7], (D, D), dtype=jnp.float32)
    inp["Wr1"] = jax.random.normal(ks[8], (RADIAL_IN, H), dtype=jnp.float32)
    inp["Wr2"] = jax.random.normal(ks[9], (H, H), dtype=jnp.float32)
    inp["Wr3"] = jax.random.normal(ks[10], (H, H), dtype=jnp.float32)
    inp["Wr4"] = jax.random.normal(ks[11], (H, D), dtype=jnp.float32)
    inp["W_density"] = jax.random.normal(ks[12], (RADIAL_IN, 1), dtype=jnp.float32)
    inp["W_mag_radial"] = jax.random.normal(ks[13], (MAG_IN, D), dtype=jnp.float32)
    inp["W_lin"] = jax.random.normal(ks[14], (D, D), dtype=jnp.float32)
    inp["W_maglin"] = jax.random.normal(ks[15], (D, D), dtype=jnp.float32)
    inp["W_skip"] = jax.random.normal(ks[16], (D, NELEM, D), dtype=jnp.float32)
    inp["W_magskip"] = jax.random.normal(ks[17], (D, NELEM, D), dtype=jnp.float32)
    return inp


def reference(node_attrs, node_feats, edge_attrs, edge_feats, edge_index,
              magmom_node_inv_feats, magmom_node_attrs,
              W_up, Wr1, Wr2, Wr3, Wr4, W_density, W_mag_radial,
              W_lin, W_maglin, W_skip, W_magskip):
    sender = edge_index[0]
    receiver = edge_index[1]
    num_nodes = node_feats.shape[0]
    # linear_up (o3.Linear on 128x0e -> matmul with 1/sqrt(fan_in) norm)
    x = node_feats @ W_up / jnp.sqrt(float(D))
    magmom_inv_feats_j = magmom_node_inv_feats[sender]
    # conv_tp_weights: FullyConnectedNet([8,64,64,64,128], silu)
    h = jax.nn.silu(edge_feats @ Wr1 / jnp.sqrt(float(RADIAL_IN)))
    h = jax.nn.silu(h @ Wr2 / jnp.sqrt(float(H)))
    h = jax.nn.silu(h @ Wr3 / jnp.sqrt(float(H)))
    tp_weights = h @ Wr4 / jnp.sqrt(float(H))  # [E, 128]
    # density_fn: FullyConnectedNet([8,1]) then tanh(f**2)
    edge_density = jnp.tanh((edge_feats @ W_density / jnp.sqrt(float(RADIAL_IN))) ** 2)  # [E,1]
    # conv_tp: 128x0e (x) 1x0e -> 128x0e, per-edge weights (gather on sender)
    mji = x[sender] * edge_attrs * tp_weights  # [E, 128]
    # magmom conv_tp weights: FullyConnectedNet([16,128]) (single linear)
    tp_weights_magmom = magmom_inv_feats_j @ W_mag_radial / jnp.sqrt(float(MAG_IN))
    magmom_mji = x[sender] * magmom_node_attrs[sender] * tp_weights_magmom  # [E,128]
    # scatter_sum over receiver
    density = jax.ops.segment_sum(edge_density, receiver, num_segments=num_nodes)
    message = jax.ops.segment_sum(mji, receiver, num_segments=num_nodes)
    magmom_message = jax.ops.segment_sum(magmom_mji, receiver, num_segments=num_nodes)
    # linear + density normalization
    message = (message @ W_lin / jnp.sqrt(float(D))) / (density + 1.0)
    # skip_tp: FullyConnectedTensorProduct(128x0e, 10x0e -> 128x0e)
    message = jnp.einsum('nu,nv,uvk->nk', message, node_attrs, W_skip) / jnp.sqrt(float(D * NELEM))
    magmom_message = (magmom_message @ W_maglin / jnp.sqrt(float(D))) / AVG_NEIGH
    magmom_message = jnp.einsum('nu,nv,uvk->nk', magmom_message, node_attrs, W_magskip) / jnp.sqrt(float(D * NELEM))
    # reshape_irreps: [N, 128] -> [N, 128, 1] for 128x0e
    return (message.reshape(num_nodes, D, 1), magmom_message.reshape(num_nodes, D, 1))

if __name__ == "__main__":
    import jax
    _d = setup_inputs()
    print(jax.jit(kernel)(*tuple(_d.values())))

</pallas_src>

<mosaic_0001>
#map = affine_map<(d0, d1) -> (0, 0, 0)>
#map1 = affine_map<(d0, d1) -> (0, 0)>
module attributes {stable_mosaic.version = 14 : i64} {
  func.func @_sc_body(%arg0: i32, %arg1: i32, %arg2: memref<16x250x80xi32, #tpu.memory_space<hbm>>, %arg3: memref<16x250x80xi32, #tpu.memory_space<hbm>>, %arg4: memref<10000x64xf32, #tpu.memory_space<hbm>>, %arg5: memref<10000x64xf32, #tpu.memory_space<hbm>>, %arg6: memref<10000x64xf32, #tpu.memory_space<hbm>>, %arg7: memref<10000x64xf32, #tpu.memory_space<hbm>>, %arg8: memref<320000x128xf32, #tpu.memory_space<hbm>>, %arg9: memref<320000x16xf32, #tpu.memory_space<hbm>>, %arg10: memref<10000x64xf32, #tpu.memory_space<hbm>>, %arg11: memref<10000x64xf32, #tpu.memory_space<hbm>>, %arg12: memref<10000x64xf32, #tpu.memory_space<hbm>>, %arg13: memref<10000x64xf32, #tpu.memory_space<hbm>>, %arg14: memref<10240x16xf32, #tpu.memory_space<hbm>>, %arg15: memref<250x80xi32, #tpu.memory_space<vmem>>, %arg16: memref<250x80xi32, #tpu.memory_space<vmem>>, %arg17: memref<3x80x64xf32, #tpu.memory_space<vmem>>, %arg18: memref<3x80x64xf32, #tpu.memory_space<vmem>>, %arg19: memref<3x80x16xf32, #tpu.memory_space<vmem>>, %arg20: memref<10240x64xf32, #tpu.memory_space<vmem_shared>>, %arg21: memref<10240x16xf32, #tpu.memory_space<vmem_shared>>, %arg22: memref<!tpu.dma_semaphore, #tpu.memory_space<semaphore_mem>>, %arg23: memref<!tpu.dma_semaphore, #tpu.memory_space<semaphore_mem>>, %arg24: memref<!tpu.dma_semaphore, #tpu.memory_space<semaphore_mem>>, %arg25: memref<!tpu.dma_semaphore, #tpu.memory_space<semaphore_mem>>, %arg26: memref<!tpu.dma_semaphore, #tpu.memory_space<semaphore_mem>>, %arg27: memref<!tpu.dma_semaphore, #tpu.memory_space<semaphore_mem>>, %arg28: memref<!tpu.dma_semaphore, #tpu.memory_space<semaphore_mem>>, %arg29: memref<!tpu.dma_semaphore, #tpu.memory_space<semaphore_mem>>, %arg30: memref<!tpu.dma_semaphore, #tpu.memory_space<semaphore_mem>>, %arg31: memref<!tpu.dma_semaphore, #tpu.memory_space<semaphore_mem>>, %arg32: memref<!tpu.dma_semaphore, #tpu.memory_space<semaphore_mem>>, %arg33: memref<!tpu.dma_semaphore, #tpu.memory_space<semaphore_mem>>, %arg34: memref<!tpu.dma_semaphore, #tpu.memory_space<semaphore_mem>>, %arg35: memref<!tpu.dma_semaphore, #tpu.memory_space<semaphore_mem>>, %arg36: memref<!tpu.dma_semaphore, #tpu.memory_space<semaphore_mem>>) attributes {dimension_semantics = [#tpu.dimension_semantics<core_parallel>, #tpu.dimension_semantics<subcore_parallel>], iteration_bounds = array<i64: 2, 16>, scalar_prefetch = 0 : i64, scratch_operands = 22 : i64, tpu.core_type = #tpu.core_type<sc_vector_subcore>, window_params = [{transform_indices = #map}, {transform_indices = #map}, {transform_indices = #map1}, {transform_indices = #map1}, {transform_indices = #map1}, {transform_indices = #map1}, {transform_indices = #map1}, {transform_indices = #map1}, {transform_indices = #map1}, {transform_indices = #map1}, {transform_indices = #map1}, {transform_indices = #map1}, {transform_indices = #map1}]} {
    "tpu.region"() ({
      %run_scoped3A_141 = tpu.sem_alloc : memref<!tpu.dma_semaphore, #tpu.memory_space<semaphore_mem>>
      %dma_start3A = arith.constant 0 : i32
      %dma_start3A_142 = arith.constant 0 : i32
      %dma_start3A_143 = tpu.memref_slice %arg2[%arg1, %dma_start3A, %dma_start3A_142] : memref<16x250x80xi32, #tpu.memory_space<hbm>> -> memref<1x250x80xi32, #tpu.memory_space<hbm>>
      %dma_start3A_144 = tpu.memref_squeeze %dma_start3A_143 : memref<1x250x80xi32, #tpu.memory_space<hbm>> -> memref<250x80xi32, #tpu.memory_space<hbm>>
      %dma_start3A_145 = arith.constant 0 : i32
      %dma_start3A_146 = arith.constant 0 : i32
      %dma_start3A_147 = tpu.memref_slice %arg2[%arg1, %dma_start3A_145, %dma_start3A_146] : memref<16x250x80xi32, #tpu.memory_space<hbm>> -> memref<1x250x80xi32, #tpu.memory_space<hbm>>
      %dma_start3A_148 = tpu.memref_squeeze %dma_start3A_147 : memref<1x250x80xi32, #tpu.memory_space<hbm>> -> memref<250x80xi32, #tpu.memory_space<hbm>>
      tpu.enqueue_dma source(%dma_start3A_148 : memref<250x80xi32, #tpu.memory_space<hbm>>) target(%arg15 : memref<250x80xi32, #tpu.memory_space<vmem>>) target_semaphore(%run_scoped3A_141 : memref<!tpu.dma_semaphore, #tpu.memory_space<semaphore_mem>>)
      %dma_wait3A = arith.constant 0 : i32
      %dma_wait3A_149 = arith.constant 0 : i32
      %dma_wait3A_150 = tpu.memref_slice %arg2[%arg1, %dma_wait3A, %dma_wait3A_149] : memref<16x250x80xi32, #tpu.memory_space<hbm>> -> memref<1x250x80xi32, #tpu.memory_space<hbm>>
      %dma_wait3A_151 = tpu.memref_squeeze %dma_wait3A_150 : memref<1x250x80xi32, #tpu.memory_space<hbm>> -> memref<250x80xi32, #tpu.memory_space<hbm>>
      %dma_wait3A_152 = arith.constant 0 : i32
      %dma_wait3A_153 = arith.constant 0 : i32
      %dma_wait3A_154 = tpu.memref_slice %arg2[%arg1, %dma_wait3A_152, %dma_wait3A_153] : memref<16x250x80xi32, #tpu.memory_space<hbm>> -> memref<1x250x80xi32, #tpu.memory_space<hbm>>
      %dma_wait3A_155 = tpu.memref_squeeze %dma_wait3A_154 : memref<1x250x80xi32, #tpu.memory_space<hbm>> -> memref<250x80xi32, #tpu.memory_space<hbm>>
      tpu.wait_dma2 semaphore(%run_scoped3A_141 : memref<!tpu.dma_semaphore, #tpu.memory_space<semaphore_mem>>) src(%dma_wait3A_155 : memref<250x80xi32, #tpu.memory_space<hbm>>) dst(%arg15 : memref<250x80xi32, #tpu.memory_space<vmem>>)
      tpu.yield
    }) : () -> ()
    "tpu.region"() ({
      %run_scoped3A_141 = tpu.sem_alloc : memref<!tpu.dma_semaphore, #tpu.memory_space<semaphore_mem>>
      %dma_start3A = arith.constant 0 : i32
      %dma_start3A_142 = arith.constant 0 : i32
      %dma_start3A_143 = tpu.memref_slice %arg3[%arg1, %dma_start3A, %dma_start3A_142] : memref<16x250x80xi32, #tpu.memory_space<hbm>> -> memref<1x250x80xi32, #tpu.memory_space<hbm>>
      %dma_start3A_144 = tpu.memref_squeeze %dma_start3A_143 : memref<1x250x80xi32, #tpu.memory_space<hbm>> -> memref<250x80xi32, #tpu.memory_space<hbm>>
      %dma_start3A_145 = arith.constant 0 : i32
      %dma_start3A_146 = arith.constant 0 : i32
      %dma_start3A_147 = tpu.memref_slice %arg3[%arg1, %dma_start3A_145, %dma_start3A_146] : memref<16x250x80xi32, #tpu.memory_space<hbm>> -> memref<1x250x80xi32, #tpu.memory_space<hbm>>
      %dma_start3A_148 = tpu.memref_squeeze %dma_start3A_147 : memref<1x250x80xi32, #tpu.memory_space<hbm>> -> memref<250x80xi32, #tpu.memory_space<hbm>>
      tpu.enqueue_dma source(%dma_start3A_148 : memref<250x80xi32, #tpu.memory_space<hbm>>) target(%arg16 : memref<250x80xi32, #tpu.memory_space<vmem>>) target_semaphore(%run_scoped3A_141 : memref<!tpu.dma_semaphore, #tpu.memory_space<semaphore_mem>>)
      %dma_wait3A = arith.constant 0 : i32
      %dma_wait3A_149 = arith.constant 0 : i32
      %dma_wait3A_150 = tpu.memref_slice %arg3[%arg1, %dma_wait3A, %dma_wait3A_149] : memref<16x250x80xi32, #tpu.memory_space<hbm>> -> memref<1x250x80xi32, #tpu.memory_space<hbm>>
      %dma_wait3A_151 = tpu.memref_squeeze %dma_wait3A_150 : memref<1x250x80xi32, #tpu.memory_space<hbm>> -> memref<250x80xi32, #tpu.memory_space<hbm>>
      %dma_wait3A_152 = arith.constant 0 : i32
      %dma_wait3A_153 = arith.constant 0 : i32
      %dma_wait3A_154 = tpu.memref_slice %arg3[%arg1, %dma_wait3A_152, %dma_wait3A_153] : memref<16x250x80xi32, #tpu.memory_space<hbm>> -> memref<1x250x80xi32, #tpu.memory_space<hbm>>
      %dma_wait3A_155 = tpu.memref_squeeze %dma_wait3A_154 : memref<1x250x80xi32, #tpu.memory_space<hbm>> -> memref<250x80xi32, #tpu.memory_space<hbm>>
      tpu.wait_dma2 semaphore(%run_scoped3A_141 : memref<!tpu.dma_semaphore, #tpu.memory_space<semaphore_mem>>) src(%dma_wait3A_155 : memref<250x80xi32, #tpu.memory_space<hbm>>) dst(%arg16 : memref<250x80xi32, #tpu.memory_space<vmem>>)
      tpu.yield
    }) : () -> ()
    %broadcast_in_dim3A = arith.constant 0.000000e+00 : f32
    %broadcast_in_dim3A_0 = vector.broadcast %broadcast_in_dim3A : f32 to vector<16xf32>
    %scan3A = arith.constant 0 : i32
    %scan3A_1 = arith.constant 0 : i32
    %scan3A_2 = arith.constant 80 : i32
    %scan3A_3 = arith.addi %scan3A_1, %scan3A_2 : i32
    %scan3A_4 = arith.constant 1 : i32
    %scan3A_5 = scf.for %scan3A_141 = %scan3A_1 to %scan3A_3 step %scan3A_4 iter_args(%scan3A_142 = %scan3A) -> (i32)  : i32 {
      %swap3A = arith.constant 0 : i32
      %swap3A_143 = arith.index_cast %swap3A : i32 to index
      %swap3A_144 = arith.index_cast %scan3A_141 : i32 to index
      %swap3A_145 = arith.constant 0 : index
      %swap3A_146 = tpu.vector_load %arg17[%swap3A_143, %swap3A_144, %swap3A_145] {strides = array<i32>} : memref<3x80x64xf32, #tpu.memory_space<vmem>>, vector<1x1x16xf32>,
      %swap3A_147 = vector.shape_cast %swap3A_146 : vector<1x1x16xf32> to vector<16xf32>
      %swap3A_148 = vector.shape_cast %broadcast_in_dim3A_0 : vector<16xf32> to vector<1x1x16xf32>
      tpu.vector_store %arg17[%swap3A_143, %swap3A_144, %swap3A_145], %swap3A_148 {strides = array<i32>} : memref<3x80x64xf32, #tpu.memory_space<vmem>>, vector<1x1x16xf32>,
      %swap3A_149 = arith.constant 0 : i32
      %swap3A_150 = arith.index_cast %swap3A_149 : i32 to index
      %swap3A_151 = arith.index_cast %scan3A_141 : i32 to index
      %swap3A_152 = arith.constant 16 : index
      %swap3A_153 = tpu.vector_load %arg17[%swap3A_150, %swap3A_151, %swap3A_152] {strides = array<i32>} : memref<3x80x64xf32, #tpu.memory_space<vmem>>, vector<1x1x16xf32>,
      %swap3A_154 = vector.shape_cast %swap3A_153 : vector<1x1x16xf32> to vector<16xf32>
      %swap3A_155 = vector.shape_cast %broadcast_in_dim3A_0 : vector<16xf32> to vector<1x1x16xf32>
      tpu.vector_store %arg17[%swap3A_150, %swap3A_151, %swap3A_152], %swap3A_155 {strides = array<i32>} : memref<3x80x64xf32, #tpu.memory_space<vmem>>, vector<1x1x16xf32>,
      %swap3A_156 = arith.constant 0 : i32
      %swap3A_157 = arith.index_cast %swap3A_156 : i32 to index
      %swap3A_158 = arith.index_cast %scan3A_141 : i32 to index
      %swap3A_159 = arith.constant 32 : index
      %swap3A_160 = tpu.vector_load %arg17[%swap3A_157, %swap3A_158, %swap3A_159] {strides = array<i32>} : memref<3x80x64xf32, #tpu.memory_space<vmem>>, vector<1x1x16xf32>,
      %swap3A_161 = vector.shape_cast %swap3A_160 : vector<1x1x16xf32> to vector<16xf32>
      %swap3A_162 = vector.shape_cast %broadcast_in_dim3A_0 : vector<16xf32> to vector<1x1x16xf32>
      tpu.vector_store %arg17[%swap3A_157, %swap3A_158, %swap3A_159], %swap3A_162 {strides = array<i32>} : memref<3x80x64xf32, #tpu.memory_space<vmem>>, vector<1x1x16xf32>,
      %swap3A_163 = arith.constant 0 : i32
      %swap3A_164 = arith.index_cast %swap3A_163 : i32 to index
      %swap3A_165 = arith.index_cast %scan3A_141 : i32 to index
      %swap3A_166 = arith.constant 48 : index
      %swap3A_167 = tpu.vector_load %arg17[%swap3A_164, %swap3A_165, %swap3A_166] {strides = array<i32>} : memref<3x80x64xf32, #tpu.memory_space<vmem>>, vector<1x1x16xf32>,
      %swap3A_168 = vector.shape_cast %swap3A_167 : vector<1x1x16xf32> to vector<16xf32>
      %swap3A_169 = vector.shape_cast %broadcast_in_dim3A_0 : vector<16xf32> to vector<1x1x16xf32>
      tpu.vector_store %arg17[%swap3A_164, %swap3A_165, %swap3A_166], %swap3A_169 {strides = array<i32>} : memref<3x80x64xf32, #tpu.memory_space<vmem>>, vector<1x1x16xf32>,
      %scan3A_170 = arith.constant 0 : i32
      scf.yield %scan3A_170 : i32
    }
    %scan3A_6 = arith.constant 80 : i32
    %broadcast_in_dim3A_7 = arith.constant 0.000000e+00 : f32
    %broadcast_in_dim3A_8 = vector.broadcast %broadcast_in_dim3A_7 : f32 to vector<16xf32>
    %scan3A_9 = arith.constant 0 : i32
    %scan3A_10 = arith.constant 0 : i32
    %scan3A_11 = arith.constant 80 : i32
    %scan3A_12 = arith.addi %scan3A_10, %scan3A_11 : i32
    %scan3A_13 = arith.constant 1 : i32
    %scan3A_14 = scf.for %scan3A_141 = %scan3A_10 to %scan3A_12 step %scan3A_13 iter_args(%scan3A_142 = %scan3A_9) -> (i32)  : i32 {
      %swap3A = arith.constant 0 : i32
      %swap3A_143 = arith.index_cast %swap3A : i32 to index
      %swap3A_144 = arith.index_cast %scan3A_141 : i32 to index
      %swap3A_145 = arith.constant 0 : index
      %swap3A_146 = tpu.vector_load %arg19[%swap3A_143, %swap3A_144, %swap3A_145] {strides = array<i32>} : memref<3x80x16xf32, #tpu.memory_space<vmem>>, vector<1x1x16xf32>,
      %swap3A_147 = vector.shape_cast %swap3A_146 : vector<1x1x16xf32> to vector<16xf32>
      %swap3A_148 = vector.shape_cast %broadcast_in_dim3A_8 : vector<16xf32> to vector<1x1x16xf32>
      tpu.vector_store %arg19[%swap3A_143, %swap3A_144, %swap3A_145], %swap3A_148 {strides = array<i32>} : memref<3x80x16xf32, #tpu.memory_space<vmem>>, vector<1x1x16xf32>,
      %scan3A_149 = arith.constant 0 : i32
      scf.yield %scan3A_149 : i32
    }
    %scan3A_15 = arith.constant 80 : i32
    %mul3A = arith.constant 640 : i32
    %mul3A_16 = arith.muli %arg1, %mul3A : i32
    %add3A = arith.constant 0 : i32
    %add3A_17 = arith.addi %mul3A_16, %add3A : i32
    %run_scoped3A = arith.constant 0 : i32
    "tpu.region"() ({
      %run_scoped3A_141 = tpu.sem_alloc : memref<!tpu.dma_semaphore, #tpu.memory_space<semaphore_mem>>
      %dma_start3A = arith.constant 0 : i32
      %dma_start3A_142 = arith.constant 0 : i32
      %dma_start3A_143 = tpu.memref_slice %arg17[%run_scoped3A, %dma_start3A, %dma_start3A_142] : memref<3x80x64xf32, #tpu.memory_space<vmem>> -> memref<1x80x64xf32, #tpu.memory_space<vmem>>
      %dma_start3A_144 = tpu.memref_squeeze %dma_start3A_143 : memref<1x80x64xf32, #tpu.memory_space<vmem>> -> memref<80x64xf32, #tpu.memory_space<vmem>>
      %dma_start3A_145 = arith.constant 0 : i32
      %dma_start3A_146 = tpu.memref_slice %arg20[%add3A_17, %dma_start3A_145] : memref<10240x64xf32, #tpu.memory_space<vmem_shared>> -> memref<80x64xf32, #tpu.memory_space<vmem_shared>>
      %dma_start3A_147 = arith.constant 0 : i32
      %dma_start3A_148 = tpu.memref_slice %arg20[%add3A_17, %dma_start3A_147] : memref<10240x64xf32, #tpu.memory_space<vmem_shared>> -> memref<80x64xf32, #tpu.memory_space<vmem_shared>>
      %dma_start3A_149 = arith.constant 0 : i32
      %dma_start3A_150 = arith.constant 0 : i32
      %dma_start3A_151 = tpu.memref_slice %arg17[%run_scoped3A, %dma_start3A_149, %dma_start3A_150] : memref<3x80x64xf32, #tpu.memory_space<vmem>> -> memref<1x80x64xf32, #tpu.memory_space<vmem>>
      %dma_start3A_152 = tpu.memref_squeeze %dma_start3A_151 : memref<1x80x64xf32, #tpu.memory_space<vmem>> -> memref<80x64xf32, #tpu.memory_space<vmem>>
      tpu.enqueue_dma source(%dma_start3A_152 : memref<80x64xf32, #tpu.memory_space<vmem>>) target(%dma_start3A_148 : memref<80x64xf32, #tpu.memory_space<vmem_shared>>) target_semaphore(%run_scoped3A_141 : memref<!tpu.dma_semaphore, #tpu.memory_space<semaphore_mem>>)
      %dma_wait3A = arith.constant 0 : i32
      %dma_wait3A_153 = arith.constant 0 : i32
      %dma_wait3A_154 = tpu.memref_slice %arg17[%run_scoped3A, %dma_wait3A, %dma_wait3A_153] : memref<3x80x64xf32, #tpu.memory_space<vmem>> -> memref<1x80x64xf32, #tpu.memory_space<vmem>>
      %dma_wait3A_155 = tpu.memref_squeeze %dma_wait3A_154 : memref<1x80x64xf32, #tpu.memory_space<vmem>> -> memref<80x64xf32, #tpu.memory_space<vmem>>
      %dma_wait3A_156 = arith.constant 0 : i32
      %dma_wait3A_157 = tpu.memref_slice %arg20[%add3A_17, %dma_wait3A_156] : memref<10240x64xf32, #tpu.memory_space<vmem_shared>> -> memref<80x64xf32, #tpu.memory_space<vmem_shared>>
      %dma_wait3A_158 = arith.constant 0 : i32
      %dma_wait3A_159 = tpu.memref_slice %arg20[%add3A_17, %dma_wait3A_158] : memref<10240x64xf32, #tpu.memory_space<vmem_shared>> -> memref<80x64xf32, #tpu.memory_space<vmem_shared>>
      %dma_wait3A_160 = arith.constant 0 : i32
      %dma_wait3A_161 = arith.constant 0 : i32
      %dma_wait3A_162 = tpu.memref_slice %arg17[%run_scoped3A, %dma_wait3A_160, %dma_wait3A_161] : memref<3x80x64xf32, #tpu.memory_space<vmem>> -> memref<1x80x64xf32, #tpu.memory_space<vmem>>
      %dma_wait3A_163 = tpu.memref_squeeze %dma_wait3A_162 : memref<1x80x64xf32, #tpu.memory_space<vmem>> -> memref<80x64xf32, #tpu.memory_space<vmem>>
      tpu.wait_dma2 semaphore(%run_scoped3A_141 : memref<!tpu.dma_semaphore, #tpu.memory_space<semaphore_mem>>) src(%dma_wait3A_163 : memref<80x64xf32, #tpu.memory_space<vmem>>) dst(%dma_wait3A_159 : memref<80x64xf32, #tpu.memory_space<vmem_shared>>)
      tpu.yield
    }) : () -> ()
    %add3A_18 = arith.constant 80 : i32
    %add3A_19 = arith.addi %mul3A_16, %add3A_18 : i32
    %run_scoped3A_20 = arith.constant 0 : i32
    "tpu.region"() ({
      %run_scoped3A_141 = tpu.sem_alloc : memref<!tpu.dma_semaphore, #tpu.memory_space<semaphore_mem>>
      %dma_start3A = arith.constant 0 : i32
      %dma_start3A_142 = arith.constant 0 : i32
      %dma_start3A_143 = tpu.memref_slice %arg17[%run_scoped3A_20, %dma_start3A, %dma_start3A_142] : memref<3x80x64xf32, #tpu.memory_space<vmem>> -> memref<1x80x64xf32, #tpu.memory_space<vmem>>
      %dma_start3A_144 = tpu.memref_squeeze %dma_start3A_143 : memref<1x80x64xf32, #tpu.memory_space<vmem>> -> memref<80x64xf32, #tpu.memory_space<vmem>>
      %dma_start3A_145 = arith.constant 0 : i32
      %dma_start3A_146 = tpu.memref_slice %arg20[%add3A_19, %dma_start3A_145] : memref<10240x64xf32, #tpu.memory_space<vmem_shared>> -> memref<80x64xf32, #tpu.memory_space<vmem_shared>>
      %dma_start3A_147 = arith.constant 0 : i32
      %dma_start3A_148 = tpu.memref_slice %arg20[%add3A_19, %dma_start3A_147] : memref<10240x64xf32, #tpu.memory_space<vmem_shared>> -> memref<80x64xf32, #tpu.memory_space<vmem_shared>>
      %dma_start3A_149 = arith.constant 0 : i32
      %dma_start3A_150 = arith.constant 0 : i32
      %dma_start3A_151 = tpu.memref_slice %arg17[%run_scoped3A_20, %dma_start3A_149, %dma_start3A_150] : memref<3x80x64xf32, #tpu.memory_space<vmem>> -> memref<1x80x64xf32, #tpu.memory_space<vmem>>
      %dma_start3A_152 = tpu.memref_squeeze %dma_start3A_151 : memref<1x80x64xf32, #tpu.memory_space<vmem>> -> memref<80x64xf32, #tpu.memory_space<vmem>>
      tpu.enqueue_dma source(%dma_start3A_152 : memref<80x64xf32, #tpu.memory_space<vmem>>) target(%dma_start3A_148 : memref<80x64xf32, #tpu.memory_space<vmem_shared>>) target_semaphore(%run_scoped3A_141 : memref<!tpu.dma_semaphore, #tpu.memory_space<semaphore_mem>>)
      %dma_wait3A = arith.constant 0 : i32
      %dma_wait3A_153 = arith.constant 0 : i32
      %dma_wait3A_154 = tpu.memref_slice %arg17[%run_scoped3A_20, %dma_wait3A, %dma_wait3A_153] : memref<3x80x64xf32, #tpu.memory_space<vmem>> -> memref<1x80x64xf32, #tpu.memory_space<vmem>>
      %dma_wait3A_155 = tpu.memref_squeeze %dma_wait3A_154 : memref<1x80x64xf32, #tpu.memory_space<vmem>> -> memref<80x64xf32, #tpu.memory_space<vmem>>
      %dma_wait3A_156 = arith.constant 0 : i32
      %dma_wait3A_157 = tpu.memref_slice %arg20[%add3A_19, %dma_wait3A_156] : memref<10240x64xf32, #tpu.memory_space<vmem_shared>> -> memref<80x64xf32, #tpu.memory_space<vmem_shared>>
      %dma_wait3A_158 = arith.constant 0 : i32
      %dma_wait3A_159 = tpu.memref_slice %arg20[%add3A_19, %dma_wait3A_158] : memref<10240x64xf32, #tpu.memory_space<vmem_shared>> -> memref<80x64xf32, #tpu.memory_space<vmem_shared>>
      %dma_wait3A_160 = arith.constant 0 : i32
      %dma_wait3A_161 = arith.constant 0 : i32
      %dma_wait3A_162 = tpu.memref_slice %arg17[%run_scoped3A_20, %dma_wait3A_160, %dma_wait3A_161] : memref<3x80x64xf32, #tpu.memory_space<vmem>> -> memref<1x80x64xf32, #tpu.memory_space<vmem>>
      %dma_wait3A_163 = tpu.memref_squeeze %dma_wait3A_162 : memref<1x80x64xf32, #tpu.memory_space<vmem>> -> memref<80x64xf32, #tpu.memory_space<vmem>>
      tpu.wait_dma2 semaphore(%run_scoped3A_141 : memref<!tpu.dma_semaphore, #tpu.memory_space<semaphore_mem>>) src(%dma_wait3A_163 : memref<80x64xf32, #tpu.memory_space<vmem>>) dst(%dma_wait3A_159 : memref<80x64xf32, #tpu.memory_space<vmem_shared>>)
      tpu.yield
    }) : () -> ()
    %add3A_21 = arith.constant 160 : i32
    %add3A_22 = arith.addi %mul3A_16, %add3A_21 : i32
    %run_scoped3A_23 = arith.constant 0 : i32
    "tpu.region"() ({
      %run_scoped3A_141 = tpu.sem_alloc : memref<!tpu.dma_semaphore, #tpu.memory_space<semaphore_mem>>
      %dma_start3A = arith.constant 0 : i32
      %dma_start3A_142 = arith.constant 0 : i32
      %dma_start3A_143 = tpu.memref_slice %arg17[%run_scoped3A_23, %dma_start3A, %dma_start3A_142] : memref<3x80x64xf32, #tpu.memory_space<vmem>> -> memref<1x80x64xf32, #tpu.memory_space<vmem>>
      %dma_start3A_144 = tpu.memref_squeeze %dma_start3A_143 : memref<1x80x64xf32, #tpu.memory_space<vmem>> -> memref<80x64xf32, #tpu.memory_space<vmem>>
      %dma_start3A_145 = arith.constant 0 : i32
      %dma_start3A_146 = tpu.memref_slice %arg20[%add3A_22, %dma_start3A_145] : memref<10240x64xf32, #tpu.memory_space<vmem_shared>> -> memref<80x64xf32, #tpu.memory_space<vmem_shared>>
      %dma_start3A_147 = arith.constant 0 : i32
      %dma_start3A_148 = tpu.memref_slice %arg20[%add3A_22, %dma_start3A_147] : memref<10240x64xf32, #tpu.memory_space<vmem_shared>> -> memref<80x64xf32, #tpu.memory_space<vmem_shared>>
      %dma_start3A_149 = arith.constant 0 : i32
      %dma_start3A_150 = arith.constant 0 : i32
      %dma_start3A_151 = tpu.memref_slice %arg17[%run_scoped3A_23, %dma_start3A_149, %dma_start3A_150] : memref<3x80x64xf32, #tpu.memory_space<vmem>> -> memref<1x80x64xf32, #tpu.memory_space<vmem>>
      %dma_start3A_152 = tpu.memref_squeeze %dma_start3A_151 : memref<1x80x64xf32, #tpu.memory_space<vmem>> -> memref<80x64xf32, #tpu.memory_space<vmem>>
      tpu.enqueue_dma source(%dma_start3A_152 : memref<80x64xf32, #tpu.memory_space<vmem>>) target(%dma_start3A_148 : memref<80x64xf32, #tpu.memory_space<vmem_shared>>) target_semaphore(%run_scoped3A_141 : memref<!tpu.dma_semaphore, #tpu.memory_space<semaphore_mem>>)
      %dma_wait3A = arith.constant 0 : i32
      %dma_wait3A_153 = arith.constant 0 : i32
      %dma_wait3A_154 = tpu.memref_slice %arg17[%run_scoped3A_23, %dma_wait3A, %dma_wait3A_153] : memref<3x80x64xf32, #tpu.memory_space<vmem>> -> memref<1x80x64xf32, #tpu.memory_space<vmem>>
      %dma_wait3A_155 = tpu.memref_squeeze %dma_wait3A_154 : memref<1x80x64xf32, #tpu.memory_space<vmem>> -> memref<80x64xf32, #tpu.memory_space<vmem>>
      %dma_wait3A_156 = arith.constant 0 : i32
      %dma_wait3A_157 = tpu.memref_slice %arg20[%add3A_22, %dma_wait3A_156] : memref<10240x64xf32, #tpu.memory_space<vmem_shared>> -> memref<80x64xf32, #tpu.memory_space<vmem_shared>>
      %dma_wait3A_158 = arith.constant 0 : i32
      %dma_wait3A_159 = tpu.memref_slice %arg20[%add3A_22, %dma_wait3A_158] : memref<10240x64xf32, #tpu.memory_space<vmem_shared>> -> memref<80x64xf32, #tpu.memory_space<vmem_shared>>
      %dma_wait3A_160 = arith.constant 0 : i32
      %dma_wait3A_161 = arith.constant 0 : i32
      %dma_wait3A_162 = tpu.memref_slice %arg17[%run_scoped3A_23, %dma_wait3A_160, %dma_wait3A_161] : memref<3x80x64xf32, #tpu.memory_space<vmem>> -> memref<1x80x64xf32, #tpu.memory_space<vmem>>
      %dma_wait3A_163 = tpu.memref_squeeze %dma_wait3A_162 : memref<1x80x64xf32, #tpu.memory_space<vmem>> -> memref<80x64xf32, #tpu.memory_space<vmem>>
      tpu.wait_dma2 semaphore(%run_scoped3A_141 : memref<!tpu.dma_semaphore, #tpu.memory_space<semaphore_mem>>) src(%dma_wait3A_163 : memref<80x64xf32, #tpu.memory_space<vmem>>) dst(%dma_wait3A_159 : memref<80x64xf32, #tpu.memory_space<vmem_shared>>)
      tpu.yield
    }) : () -> ()
    %add3A_24 = arith.constant 240 : i32
    %add3A_25 = arith.addi %mul3A_16, %add3A_24 : i32
    %run_scoped3A_26 = arith.constant 0 : i32
    "tpu.region"() ({
      %run_scoped3A_141 = tpu.sem_alloc : memref<!tpu.dma_semaphore, #tpu.memory_space<semaphore_mem>>
      %dma_start3A = arith.constant 0 : i32
      %dma_start3A_142 = arith.constant 0 : i32
      %dma_start3A_143 = tpu.memref_slice %arg17[%run_scoped3A_26, %dma_start3A, %dma_start3A_142] : memref<3x80x64xf32, #tpu.memory_space<vmem>> -> memref<1x80x64xf32, #tpu.memory_space<vmem>>
      %dma_start3A_144 = tpu.memref_squeeze %dma_start3A_143 : memref<1x80x64xf32, #tpu.memory_space<vmem>> -> memref<80x64xf32, #tpu.memory_space<vmem>>
      %dma_start3A_145 = arith.constant 0 : i32
      %dma_start3A_146 = tpu.memref_slice %arg20[%add3A_25, %dma_start3A_145] : memref<10240x64xf32, #tpu.memory_space<vmem_shared>> -> memref<80x64xf32, #tpu.memory_space<vmem_shared>>
      %dma_start3A_147 = arith.constant 0 : i32
      %dma_start3A_148 = tpu.memref_slice %arg20[%add3A_25, %dma_start3A_147] : memref<10240x64xf32, #tpu.memory_space<vmem_shared>> -> memref<80x64xf32, #tpu.memory_space<vmem_shared>>
      %dma_start3A_149 = arith.constant 0 : i32
      %dma_start3A_150 = arith.constant 0 : i32
      %dma_start3A_151 = tpu.memref_slice %arg17[%run_scoped3A_26, %dma_start3A_149, %dma_start3A_150] : memref<3x80x64xf32, #tpu.memory_space<vmem>> -> memref<1x80x64xf32, #tpu.memory_space<vmem>>
      %dma_start3A_152 = tpu.memref_squeeze %dma_start3A_151 : memref<1x80x64xf32, #tpu.memory_space<vmem>> -> memref<80x64xf32, #tpu.memory_space<vmem>>
      tpu.enqueue_dma source(%dma_start3A_152 : memref<80x64xf32, #tpu.memory_space<vmem>>) target(%dma_start3A_148 : memref<80x64xf32, #tpu.memory_space<vmem_shared>>) target_semaphore(%run_scoped3A_141 : memref<!tpu.dma_semaphore, #tpu.memory_space<semaphore_mem>>)
      %dma_wait3A = arith.constant 0 : i32
      %dma_wait3A_153 = arith.constant 0 : i32
      %dma_wait3A_154 = tpu.memref_slice %arg17[%run_scoped3A_26, %dma_wait3A, %dma_wait3A_153] : memref<3x80x64xf32, #tpu.memory_space<vmem>> -> memref<1x80x64xf32, #tpu.memory_space<vmem>>
      %dma_wait3A_155 = tpu.memref_squeeze %dma_wait3A_154 : memref<1x80x64xf32, #tpu.memory_space<vmem>> -> memref<80x64xf32, #tpu.memory_space<vmem>>
      %dma_wait3A_156 = arith.constant 0 : i32
      %dma_wait3A_157 = tpu.memref_slice %arg20[%add3A_25, %dma_wait3A_156] : memref<10240x64xf32, #tpu.memory_space<vmem_shared>> -> memref<80x64xf32, #tpu.memory_space<vmem_shared>>
      %dma_wait3A_158 = arith.constant 0 : i32
      %dma_wait3A_159 = tpu.memref_slice %arg20[%add3A_25, %dma_wait3A_158] : memref<10240x64xf32, #tpu.memory_space<vmem_shared>> -> memref<80x64xf32, #tpu.memory_space<vmem_shared>>
      %dma_wait3A_160 = arith.constant 0 : i32
      %dma_wait3A_161 = arith.constant 0 : i32
      %dma_wait3A_162 = tpu.memref_slice %arg17[%run_scoped3A_26, %dma_wait3A_160, %dma_wait3A_161] : memref<3x80x64xf32, #tpu.memory_space<vmem>> -> memref<1x80x64xf32, #tpu.memory_space<vmem>>
      %dma_wait3A_163 = tpu.memref_squeeze %dma_wait3A_162 : memref<1x80x64xf32, #tpu.memory_space<vmem>> -> memref<80x64xf32, #tpu.memory_space<vmem>>
      tpu.wait_dma2 semaphore(%run_scoped3A_141 : memref<!tpu.dma_semaphore, #tpu.memory_space<semaphore_mem>>) src(%dma_wait3A_163 : memref<80x64xf32, #tpu.memory_space<vmem>>) dst(%dma_wait3A_159 : memref<80x64xf32, #tpu.memory_space<vmem_shared>>)
      tpu.yield
    }) : () -> ()
    %add3A_27 = arith.constant 320 : i32
    %add3A_28 = arith.addi %mul3A_16, %add3A_27 : i32
    %run_scoped3A_29 = arith.constant 0 : i32
    "tpu.region"() ({
      %run_scoped3A_141 = tpu.sem_alloc : memref<!tpu.dma_semaphore, #tpu.memory_space<semaphore_mem>>
      %dma_start3A = arith.constant 0 : i32
      %dma_start3A_142 = arith.constant 0 : i32
      %dma_start3A_143 = tpu.memref_slice %arg17[%run_scoped3A_29, %dma_start3A, %dma_start3A_142] : memref<3x80x64xf32, #tpu.memory_space<vmem>> -> memref<1x80x64xf32, #tpu.memory_space<vmem>>
      %dma_start3A_144 = tpu.memref_squeeze %dma_start3A_143 : memref<1x80x64xf32, #tpu.memory_space<vmem>> -> memref<80x64xf32, #tpu.memory_space<vmem>>
      %dma_start3A_145 = arith.constant 0 : i32
      %dma_start3A_146 = tpu.memref_slice %arg20[%add3A_28, %dma_start3A_145] : memref<10240x64xf32, #tpu.memory_space<vmem_shared>> -> memref<80x64xf32, #tpu.memory_space<vmem_shared>>
      %dma_start3A_147 = arith.constant 0 : i32
      %dma_start3A_148 = tpu.memref_slice %arg20[%add3A_28, %dma_start3A_147] : memref<10240x64xf32, #tpu.memory_space<vmem_shared>> -> memref<80x64xf32, #tpu.memory_space<vmem_shared>>
      %dma_start3A_149 = arith.constant 0 : i32
      %dma_start3A_150 = arith.constant 0 : i32
      %dma_start3A_151 = tpu.memref_slice %arg17[%run_scoped3A_29, %dma_start3A_149, %dma_start3A_150] : memref<3x80x64xf32, #tpu.memory_space<vmem>> -> memref<1x80x64xf32, #tpu.memory_space<vmem>>
      %dma_start3A_152 = tpu.memref_squeeze %dma_start3A_151 : memref<1x80x64xf32, #tpu.memory_space<vmem>> -> memref<80x64xf32, #tpu.memory_space<vmem>>
      tpu.enqueue_dma source(%dma_start3A_152 : memref<80x64xf32, #tpu.memory_space<vmem>>) target(%dma_start3A_148 : memref<80x64xf32, #tpu.memory_space<vmem_shared>>) target_semaphore(%run_scoped3A_141 : memref<!tpu.dma_semaphore, #tpu.memory_space<semaphore_mem>>)
      %dma_wait3A = arith.constant 0 : i32
      %dma_wait3A_153 = arith.constant 0 : i32
      %dma_wait3A_154 = tpu.memref_slice %arg17[%run_scoped3A_29, %dma_wait3A, %dma_wait3A_153] : memref<3x80x64xf32, #tpu.memory_space<vmem>> -> memref<1x80x64xf32, #tpu.memory_space<vmem>>
      %dma_wait3A_155 = tpu.memref_squeeze %dma_wait3A_154 : memref<1x80x64xf32, #tpu.memory_space<vmem>> -> memref<80x64xf32, #tpu.memory_space<vmem>>
      %dma_wait3A_156 = arith.constant 0 : i32
      %dma_wait3A_157 = tpu.memref_slice %arg20[%add3A_28, %dma_wait3A_156] : memref<10240x64xf32, #tpu.memory_space<vmem_shared>> -> memref<80x64xf32, #tpu.memory_space<vmem_shared>>
      %dma_wait3A_158 = arith.constant 0 : i32
      %dma_wait3A_159 = tpu.memref_slice %arg20[%add3A_28, %dma_wait3A_158] : memref<10240x64xf32, #tpu.memory_space<vmem_shared>> -> memref<80x64xf32, #tpu.memory_space<vmem_shared>>
      %dma_wait3A_160 = arith.constant 0 : i32
      %dma_wait3A_161 = arith.constant 0 : i32
      %dma_wait3A_162 = tpu.memref_slice %arg17[%run_scoped3A_29, %dma_wait3A_160, %dma_wait3A_161] : memref<3x80x64xf32, #tpu.memory_space<vmem>> -> memref<1x80x64xf32, #tpu.memory_space<vmem>>
      %dma_wait3A_163 = tpu.memref_squeeze %dma_wait3A_162 : memref<1x80x64xf32, #tpu.memory_space<vmem>> -> memref<80x64xf32, #tpu.memory_space<vmem>>
      tpu.wait_dma2 semaphore(%run_scoped3A_141 : memref<!tpu.dma_semaphore, #tpu.memory_space<semaphore_mem>>) src(%dma_wait3A_163 : memref<80x64xf32, #tpu.memory_space<vmem>>) dst(%dma_wait3A_159 : memref<80x64xf32, #tpu.memory_space<vmem_shared>>)
      tpu.yield
    }) : () -> ()
    %add3A_30 = arith.constant 400 : i32
    %add3A_31 = arith.addi %mul3A_16, %add3A_30 : i32
    %run_scoped3A_32 = arith.constant 0 : i32
    "tpu.region"() ({
      %run_scoped3A_141 = tpu.sem_alloc : memref<!tpu.dma_semaphore, #tpu.memory_space<semaphore_mem>>
      %dma_start3A = arith.constant 0 : i32
      %dma_start3A_142 = arith.constant 0 : i32
      %dma_start3A_143 = tpu.memref_slice %arg17[%run_scoped3A_32, %dma_start3A, %dma_start3A_142] : memref<3x80x64xf32, #tpu.memory_space<vmem>> -> memref<1x80x64xf32, #tpu.memory_space<vmem>>
      %dma_start3A_144 = tpu.memref_squeeze %dma_start3A_143 : memref<1x80x64xf32, #tpu.memory_space<vmem>> -> memref<80x64xf32, #tpu.memory_space<vmem>>
      %dma_start3A_145 = arith.constant 0 : i32
      %dma_start3A_146 = tpu.memref_slice %arg20[%add3A_31, %dma_start3A_145] : memref<10240x64xf32, #tpu.memory_space<vmem_shared>> -> memref<80x64xf32, #tpu.memory_space<vmem_shared>>
      %dma_start3A_147 = arith.constant 0 : i32
      %dma_start3A_148 = tpu.memref_slice %arg20[%add3A_31, %dma_start3A_147] : memref<10240x64xf32, #tpu.memory_space<vmem_shared>> -> memref<80x64xf32, #tpu.memory_space<vmem_shared>>
      %dma_start3A_149 = arith.constant 0 : i32
      %dma_start3A_150 = arith.constant 0 : i32
      %dma_start3A_151 = tpu.memref_slice %arg17[%run_scoped3A_32, %dma_start3A_149, %dma_start3A_150] : memref<3x80x64xf32, #tpu.memory_space<vmem>> -> memref<1x80x64xf32, #tpu.memory_space<vmem>>
      %dma_start3A_152 = tpu.memref_squeeze %dma_start3A_151 : memref<1x80x64xf32, #tpu.memory_space<vmem>> -> memref<80x64xf32, #tpu.memory_space<vmem>>
      tpu.enqueue_dma source(%dma_start3A_152 : memref<80x64xf32, #tpu.memory_space<vmem>>) target(%dma_start3A_148 : memref<80x64xf32, #tpu.memory_space<vmem_shared>>) target_semaphore(%run_scoped3A_141 : memref<!tpu.dma_semaphore, #tpu.memory_space<semaphore_mem>>)
      %dma_wait3A = arith.constant 0 : i32
      %dma_wait3A_153 = arith.constant 0 : i32
      %dma_wait3A_154 = tpu.memref_slice %arg17[%run_scoped3A_32, %dma_wait3A, %dma_wait3A_153] : memref<3x80x64xf32, #tpu.memory_space<vmem>> -> memref<1x80x64xf32, #tpu.memory_space<vmem>>
      %dma_wait3A_155 = tpu.memref_squeeze %dma_wait3A_154 : memref<1x80x64xf32, #tpu.memory_space<vmem>> -> memref<80x64xf32, #tpu.memory_space<vmem>>
      %dma_wait3A_156 = arith.constant 0 : i32
      %dma_wait3A_157 = tpu.memref_slice %arg20[%add3A_31, %dma_wait3A_156] : memref<10240x64xf32, #tpu.memory_space<vmem_shared>> -> memref<80x64xf32, #tpu.memory_space<vmem_shared>>
      %dma_wait3A_158 = arith.constant 0 : i32
      %dma_wait3A_159 = tpu.memref_slice %arg20[%add3A_31, %dma_wait3A_158] : memref<10240x64xf32, #tpu.memory_space<vmem_shared>> -> memref<80x64xf32, #tpu.memory_space<vmem_shared>>
      %dma_wait3A_160 = arith.constant 0 : i32
      %dma_wait3A_161 = arith.constant 0 : i32
      %dma_wait3A_162 = tpu.memref_slice %arg17[%run_scoped3A_32, %dma_wait3A_160, %dma_wait3A_161] : memref<3x80x64xf32, #tpu.memory_space<vmem>> -> memref<1x80x64xf32, #tpu.memory_space<vmem>>
      %dma_wait3A_163 = tpu.memref_squeeze %dma_wait3A_162 : memref<1x80x64xf32, #tpu.memory_space<vmem>> -> memref<80x64xf32, #tpu.memory_space<vmem>>
      tpu.wait_dma2 semaphore(%run_scoped3A_141 : memref<!tpu.dma_semaphore, #tpu.memory_space<semaphore_mem>>) src(%dma_wait3A_163 : memref<80x64xf32, #tpu.memory_space<vmem>>) dst(%dma_wait3A_159 : memref<80x64xf32, #tpu.memory_space<vmem_shared>>)
      tpu.yield
    }) : () -> ()
    %add3A_33 = arith.constant 480 : i32
    %add3A_34 = arith.addi %mul3A_16, %add3A_33 : i32
    %run_scoped3A_35 = arith.constant 0 : i32
    "tpu.region"() ({
      %run_scoped3A_141 = tpu.sem_alloc : memref<!tpu.dma_semaphore, #tpu.memory_space<semaphore_mem>>
      %dma_start3A = arith.constant 0 : i32
      %dma_start3A_142 = arith.constant 0 : i32
      %dma_start3A_143 = tpu.memref_slice %arg17[%run_scoped3A_35, %dma_start3A, %dma_start3A_142] : memref<3x80x64xf32, #tpu.memory_space<vmem>> -> memref<1x80x64xf32, #tpu.memory_space<vmem>>
      %dma_start3A_144 = tpu.memref_squeeze %dma_start3A_143 : memref<1x80x64xf32, #tpu.memory_space<vmem>> -> memref<80x64xf32, #tpu.memory_space<vmem>>
      %dma_start3A_145 = arith.constant 0 : i32
      %dma_start3A_146 = tpu.memref_slice %arg20[%add3A_34, %dma_start3A_145] : memref<10240x64xf32, #tpu.memory_space<vmem_shared>> -> memref<80x64xf32, #tpu.memory_space<vmem_shared>>
      %dma_start3A_147 = arith.constant 0 : i32
      %dma_start3A_148 = tpu.memref_slice %arg20[%add3A_34, %dma_start3A_147] : memref<10240x64xf32, #tpu.memory_space<vmem_shared>> -> memref<80x64xf32, #tpu.memory_space<vmem_shared>>
      %dma_start3A_149 = arith.constant 0 : i32
      %dma_start3A_150 = arith.constant 0 : i32
      %dma_start3A_151 = tpu.memref_slice %arg17[%run_scoped3A_35, %dma_start3A_149, %dma_start3A_150] : memref<3x80x64xf32, #tpu.memory_space<vmem>> -> memref<1x80x64xf32, #tpu.memory_space<vmem>>
      %dma_start3A_152 = tpu.memref_squeeze %dma_start3A_151 : memref<1x80x64xf32, #tpu.memory_space<vmem>> -> memref<80x64xf32, #tpu.memory_space<vmem>>
      tpu.enqueue_dma source(%dma_start3A_152 : memref<80x64xf32, #tpu.memory_space<vmem>>) target(%dma_start3A_148 : memref<80x64xf32, #tpu.memory_space<vmem_shared>>) target_semaphore(%run_scoped3A_141 : memref<!tpu.dma_semaphore, #tpu.memory_space<semaphore_mem>>)
      %dma_wait3A = arith.constant 0 : i32
      %dma_wait3A_153 = arith.constant 0 : i32
      %dma_wait3A_154 = tpu.memref_slice %arg17[%run_scoped3A_35, %dma_wait3A, %dma_wait3A_153] : memref<3x80x64xf32, #tpu.memory_space<vmem>> -> memref<1x80x64xf32, #tpu.memory_space<vmem>>
      %dma_wait3A_155 = tpu.memref_squeeze %dma_wait3A_154 : memref<1x80x64xf32, #tpu.memory_space<vmem>> -> memref<80x64xf32, #tpu.memory_space<vmem>>
      %dma_wait3A_156 = arith.constant 0 : i32
      %dma_wait3A_157 = tpu.memref_slice %arg20[%add3A_34, %dma_wait3A_156] : memref<10240x64xf32, #tpu.memory_space<vmem_shared>> -> memref<80x64xf32, #tpu.memory_space<vmem_shared>>
      %dma_wait3A_158 = arith.constant 0 : i32
      %dma_wait3A_159 = tpu.memref_slice %arg20[%add3A_34, %dma_wait3A_158] : memref<10240x64xf32, #tpu.memory_space<vmem_shared>> -> memref<80x64xf32, #tpu.memory_space<vmem_shared>>
      %dma_wait3A_160 = arith.constant 0 : i32
      %dma_wait3A_161 = arith.constant 0 : i32
      %dma_wait3A_162 = tpu.memref_slice %arg17[%run_scoped3A_35, %dma_wait3A_160, %dma_wait3A_161] : memref<3x80x64xf32, #tpu.memory_space<vmem>> -> memref<1x80x64xf32, #tpu.memory_space<vmem>>
      %dma_wait3A_163 = tpu.memref_squeeze %dma_wait3A_162 : memref<1x80x64xf32, #tpu.memory_space<vmem>> -> memref<80x64xf32, #tpu.memory_space<vmem>>
      tpu.wait_dma2 semaphore(%run_scoped3A_141 : memref<!tpu.dma_semaphore, #tpu.memory_space<semaphore_mem>>) src(%dma_wait3A_163 : memref<80x64xf32, #tpu.memory_space<vmem>>) dst(%dma_wait3A_159 : memref<80x64xf32, #tpu.memory_space<vmem_shared>>)
      tpu.yield
    }) : () -> ()
    %add3A_36 = arith.constant 560 : i32
    %add3A_37 = arith.addi %mul3A_16, %add3A_36 : i32
    %run_scoped3A_38 = arith.constant 0 : i32
    "tpu.region"() ({
      %run_scoped3A_141 = tpu.sem_alloc : memref<!tpu.dma_semaphore, #tpu.memory_space<semaphore_mem>>
      %dma_start3A = arith.constant 0 : i32
      %dma_start3A_142 = arith.constant 0 : i32
      %dma_start3A_143 = tpu.memref_slice %arg17[%run_scoped3A_38, %dma_start3A, %dma_start3A_142] : memref<3x80x64xf32, #tpu.memory_space<vmem>> -> memref<1x80x64xf32, #tpu.memory_space<vmem>>
      %dma_start3A_144 = tpu.memref_squeeze %dma_start3A_143 : memref<1x80x64xf32, #tpu.memory_space<vmem>> -> memref<80x64xf32, #tpu.memory_space<vmem>>
      %dma_start3A_145 = arith.constant 0 : i32
      %dma_start3A_146 = tpu.memref_slice %arg20[%add3A_37, %dma_start3A_145] : memref<10240x64xf32, #tpu.memory_space<vmem_shared>> -> memref<80x64xf32, #tpu.memory_space<vmem_shared>>
      %dma_start3A_147 = arith.constant 0 : i32
      %dma_start3A_148 = tpu.memref_slice %arg20[%add3A_37, %dma_start3A_147] : memref<10240x64xf32, #tpu.memory_space<vmem_shared>> -> memref<80x64xf32, #tpu.memory_space<vmem_shared>>
      %dma_start3A_149 = arith.constant 0 : i32
      %dma_start3A_150 = arith.constant 0 : i32
      %dma_start3A_151 = tpu.memref_slice %arg17[%run_scoped3A_38, %dma_start3A_149, %dma_start3A_150] : memref<3x80x64xf32, #tpu.memory_space<vmem>> -> memref<1x80x64xf32, #tpu.memory_space<vmem>>
      %dma_start3A_152 = tpu.memref_squeeze %dma_start3A_151 : memref<1x80x64xf32, #tpu.memory_space<vmem>> -> memref<80x64xf32, #tpu.memory_space<vmem>>
      tpu.enqueue_dma source(%dma_start3A_152 : memref<80x64xf32, #tpu.memory_space<vmem>>) target(%dma_start3A_148 : memref<80x64xf32, #tpu.memory_space<vmem_shared>>) target_semaphore(%run_scoped3A_141 : memref<!tpu.dma_semaphore, #tpu.memory_space<semaphore_mem>>)
      %dma_wait3A = arith.constant 0 : i32
      %dma_wait3A_153 = arith.constant 0 : i32
      %dma_wait3A_154 = tpu.memref_slice %arg17[%run_scoped3A_38, %dma_wait3A, %dma_wait3A_153] : memref<3x80x64xf32, #tpu.memory_space<vmem>> -> memref<1x80x64xf32, #tpu.memory_space<vmem>>
      %dma_wait3A_155 = tpu.memref_squeeze %dma_wait3A_154 : memref<1x80x64xf32, #tpu.memory_space<vmem>> -> memref<80x64xf32, #tpu.memory_space<vmem>>
      %dma_wait3A_156 = arith.constant 0 : i32
      %dma_wait3A_157 = tpu.memref_slice %arg20[%add3A_37, %dma_wait3A_156] : memref<10240x64xf32, #tpu.memory_space<vmem_shared>> -> memref<80x64xf32, #tpu.memory_space<vmem_shared>>
      %dma_wait3A_158 = arith.constant 0 : i32
      %dma_wait3A_159 = tpu.memref_slice %arg20[%add3A_37, %dma_wait3A_158] : memref<10240x64xf32, #tpu.memory_space<vmem_shared>> -> memref<80x64xf32, #tpu.memory_space<vmem_shared>>
      %dma_wait3A_160 = arith.constant 0 : i32
      %dma_wait3A_161 = arith.constant 0 : i32
      %dma_wait3A_162 = tpu.memref_slice %arg17[%run_scoped3A_38, %dma_wait3A_160, %dma_wait3A_161] : memref<3x80x64xf32, #tpu.memory_space<vmem>> -> memref<1x80x64xf32, #tpu.memory_space<vmem>>
      %dma_wait3A_163 = tpu.memref_squeeze %dma_wait3A_162 : memref<1x80x64xf32, #tpu.memory_space<vmem>> -> memref<80x64xf32, #tpu.memory_space<vmem>>
      tpu.wait_dma2 semaphore(%run_scoped3A_141 : memref<!tpu.dma_semaphore, #tpu.memory_space<semaphore_mem>>) src(%dma_wait3A_163 : memref<80x64xf32, #tpu.memory_space<vmem>>) dst(%dma_wait3A_159 : memref<80x64xf32, #tpu.memory_space<vmem_shared>>)
      tpu.yield
    }) : () -> ()
    %mul3A_39 = arith.constant 640 : i32
    %mul3A_40 = arith.muli %arg1, %mul3A_39 : i32
    %add3A_41 = arith.constant 0 : i32
    %add3A_42 = arith.addi %mul3A_40, %add3A_41 : i32
    %run_scoped3A_43 = arith.constant 0 : i32
    "tpu.region"() ({
      %run_scoped3A_141 = tpu.sem_alloc : memref<!tpu.dma_semaphore, #tpu.memory_space<semaphore_mem>>
      %dma_start3A = arith.constant 0 : i32
      %dma_start3A_142 = arith.constant 0 : i32
      %dma_start3A_143 = tpu.memref_slice %arg19[%run_scoped3A_43, %dma_start3A, %dma_start3A_142] : memref<3x80x16xf32, #tpu.memory_space<vmem>> -> memref<1x80x16xf32, #tpu.memory_space<vmem>>
      %dma_start3A_144 = tpu.memref_squeeze %dma_start3A_143 : memref<1x80x16xf32, #tpu.memory_space<vmem>> -> memref<80x16xf32, #tpu.memory_space<vmem>>
      %dma_start3A_145 = arith.constant 0 : i32
      %dma_start3A_146 = tpu.memref_slice %arg21[%add3A_42, %dma_start3A_145] : memref<10240x16xf32, #tpu.memory_space<vmem_shared>> -> memref<80x16xf32, #tpu.memory_space<vmem_shared>>
      %dma_start3A_147 = arith.constant 0 : i32
      %dma_start3A_148 = tpu.memref_slice %arg21[%add3A_42, %dma_start3A_147] : memref<10240x16xf32, #tpu.memory_space<vmem_shared>> -> memref<80x16xf32, #tpu.memory_space<vmem_shared>>
      %dma_start3A_149 = arith.constant 0 : i32
      %dma_start3A_150 = arith.constant 0 : i32
      %dma_start3A_151 = tpu.memref_slice %arg19[%run_scoped3A_43, %dma_start3A_149, %dma_start3A_150] : memref<3x80x16xf32, #tpu.memory_space<vmem>> -> memref<1x80x16xf32, #tpu.memory_space<vmem>>
      %dma_start3A_152 = tpu.memref_squeeze %dma_start3A_151 : memref<1x80x16xf32, #tpu.memory_space<vmem>> -> memref<80x16xf32, #tpu.memory_space<vmem>>
      tpu.enqueue_dma source(%dma_start3A_152 : memref<80x16xf32, #tpu.memory_space<vmem>>) target(%dma_start3A_148 : memref<80x16xf32, #tpu.memory_space<vmem_shared>>) target_semaphore(%run_scoped3A_141 : memref<!tpu.dma_semaphore, #tpu.memory_space<semaphore_mem>>)
      %dma_wait3A = arith.constant 0 : i32
      %dma_wait3A_153 = arith.constant 0 : i32
      %dma_wait3A_154 = tpu.memref_slice %arg19[%run_scoped3A_43, %dma_wait3A, %dma_wait3A_153] : memref<3x80x16xf32, #tpu.memory_space<vmem>> -> memref<1x80x16xf32, #tpu.memory_space<vmem>>
      %dma_wait3A_155 = tpu.memref_squeeze %dma_wait3A_154 : memref<1x80x16xf32, #tpu.memory_space<vmem>> -> memref<80x16xf32, #tpu.memory_space<vmem>>
      %dma_wait3A_156 = arith.constant 0 : i32
      %dma_wait3A_157 = tpu.memref_slice %arg21[%add3A_42, %dma_wait3A_156] : memref<10240x16xf32, #tpu.memory_space<vmem_shared>> -> memref<80x16xf32, #tpu.memory_space<vmem_shared>>
      %dma_wait3A_158 = arith.constant 0 : i32
      %dma_wait3A_159 = tpu.memref_slice %arg21[%add3A_42, %dma_wait3A_158] : memref<10240x16xf32, #tpu.memory_space<vmem_shared>> -> memref<80x16xf32, #tpu.memory_space<vmem_shared>>
      %dma_wait3A_160 = arith.constant 0 : i32
      %dma_wait3A_161 = arith.constant 0 : i32
      %dma_wait3A_162 = tpu.memref_slice %arg19[%run_scoped3A_43, %dma_wait3A_160, %dma_wait3A_161] : memref<3x80x16xf32, #tpu.memory_space<vmem>> -> memref<1x80x16xf32, #tpu.memory_space<vmem>>
      %dma_wait3A_163 = tpu.memref_squeeze %dma_wait3A_162 : memref<1x80x16xf32, #tpu.memory_space<vmem>> -> memref<80x16xf32, #tpu.memory_space<vmem>>
      tpu.wait_dma2 semaphore(%run_scoped3A_141 : memref<!tpu.dma_semaphore, #tpu.memory_space<semaphore_mem>>) src(%dma_wait3A_163 : memref<80x16xf32, #tpu.memory_space<vmem>>) dst(%dma_wait3A_159 : memref<80x16xf32, #tpu.memory_space<vmem_shared>>)
      tpu.yield
    }) : () -> ()
    %add3A_44 = arith.constant 80 : i32
    %add3A_45 = arith.addi %mul3A_40, %add3A_44 : i32
    %run_scoped3A_46 = arith.constant 0 : i32
    "tpu.region"() ({
      %run_scoped3A_141 = tpu.sem_alloc : memref<!tpu.dma_semaphore, #tpu.memory_space<semaphore_mem>>
      %dma_start3A = arith.constant 0 : i32
      %dma_start3A_142 = arith.constant 0 : i32
      %dma_start3A_143 = tpu.memref_slice %arg19[%run_scoped3A_46, %dma_start3A, %dma_start3A_142] : memref<3x80x16xf32, #tpu.memory_space<vmem>> -> memref<1x80x16xf32, #tpu.memory_space<vmem>>
      %dma_start3A_144 = tpu.memref_squeeze %dma_start3A_143 : memref<1x80x16xf32, #tpu.memory_space<vmem>> -> memref<80x16xf32, #tpu.memory_space<vmem>>
      %dma_start3A_145 = arith.constant 0 : i32
      %dma_start3A_146 = tpu.memref_slice %arg21[%add3A_45, %dma_start3A_145] : memref<10240x16xf32, #tpu.memory_space<vmem_shared>> -> memref<80x16xf32, #tpu.memory_space<vmem_shared>>
      %dma_start3A_147 = arith.constant 0 : i32
      %dma_start3A_148 = tpu.memref_slice %arg21[%add3A_45, %dma_start3A_147] : memref<10240x16xf32, #tpu.memory_space<vmem_shared>> -> memref<80x16xf32, #tpu.memory_space<vmem_shared>>
      %dma_start3A_149 = arith.constant 0 : i32
      %dma_start3A_150 = arith.constant 0 : i32
      %dma_start3A_151 = tpu.memref_slice %arg19[%run_scoped3A_46, %dma_start3A_149, %dma_start3A_150] : memref<3x80x16xf32, #tpu.memory_space<vmem>> -> memref<1x80x16xf32, #tpu.memory_space<vmem>>
      %dma_start3A_152 = tpu.memref_squeeze %dma_start3A_151 : memref<1x80x16xf32, #tpu.memory_space<vmem>> -> memref<80x16xf32, #tpu.memory_space<vmem>>
      tpu.enqueue_dma source(%dma_start3A_152 : memref<80x16xf32, #tpu.memory_space<vmem>>) target(%dma_start3A_148 : memref<80x16xf32, #tpu.memory_space<vmem_shared>>) target_semaphore(%run_scoped3A_141 : memref<!tpu.dma_semaphore, #tpu.memory_space<semaphore_mem>>)
      %dma_wait3A = arith.constant 0 : i32
      %dma_wait3A_153 = arith.constant 0 : i32
      %dma_wait3A_154 = tpu.memref_slice %arg19[%run_scoped3A_46, %dma_wait3A, %dma_wait3A_153] : memref<3x80x16xf32, #tpu.memory_space<vmem>> -> memref<1x80x16xf32, #tpu.memory_space<vmem>>
      %dma_wait3A_155 = tpu.memref_squeeze %dma_wait3A_154 : memref<1x80x16xf32, #tpu.memory_space<vmem>> -> memref<80x16xf32, #tpu.memory_space<vmem>>
      %dma_wait3A_156 = arith.constant 0 : i32
      %dma_wait3A_157 = tpu.memref_slice %arg21[%add3A_45, %dma_wait3A_156] : memref<10240x16xf32, #tpu.memory_space<vmem_shared>> -> memref<80x16xf32, #tpu.memory_space<vmem_shared>>
      %dma_wait3A_158 = arith.constant 0 : i32
      %dma_wait3A_159 = tpu.memref_slice %arg21[%add3A_45, %dma_wait3A_158] : memref<10240x16xf32, #tpu.memory_space<vmem_shared>> -> memref<80x16xf32, #tpu.memory_space<vmem_shared>>
      %dma_wait3A_160 = arith.constant 0 : i32
      %dma_wait3A_161 = arith.constant 0 : i32
      %dma_wait3A_162 = tpu.memref_slice %arg19[%run_scoped3A_46, %dma_wait3A_160, %dma_wait3A_161] : memref<3x80x16xf32, #tpu.memory_space<vmem>> -> memref<1x80x16xf32, #tpu.memory_space<vmem>>
      %dma_wait3A_163 = tpu.memref_squeeze %dma_wait3A_162 : memref<1x80x16xf32, #tpu.memory_space<vmem>> -> memref<80x16xf32, #tpu.memory_space<vmem>>
      tpu.wait_dma2 semaphore(%run_scoped3A_141 : memref<!tpu.dma_semaphore, #tpu.memory_space<semaphore_mem>>) src(%dma_wait3A_163 : memref<80x16xf32, #tpu.memory_space<vmem>>) dst(%dma_wait3A_159 : memref<80x16xf32, #tpu.memory_space<vmem_shared>>)
      tpu.yield
    }) : () -> ()
    %add3A_47 = arith.constant 160 : i32
    %add3A_48 = arith.addi %mul3A_40, %add3A_47 : i32
    %run_scoped3A_49 = arith.constant 0 : i32
    "tpu.region"() ({
      %run_scoped3A_141 = tpu.sem_alloc : memref<!tpu.dma_semaphore, #tpu.memory_space<semaphore_mem>>
      %dma_start3A = arith.constant 0 : i32
      %dma_start3A_142 = arith.constant 0 : i32
      %dma_start3A_143 = tpu.memref_slice %arg19[%run_scoped3A_49, %dma_start3A, %dma_start3A_142] : memref<3x80x16xf32, #tpu.memory_space<vmem>> -> memref<1x80x16xf32, #tpu.memory_space<vmem>>
      %dma_start3A_144 = tpu.memref_squeeze %dma_start3A_143 : memref<1x80x16xf32, #tpu.memory_space<vmem>> -> memref<80x16xf32, #tpu.memory_space<vmem>>
      %dma_start3A_145 = arith.constant 0 : i32
      %dma_start3A_146 = tpu.memref_slice %arg21[%add3A_48, %dma_start3A_145] : memref<10240x16xf32, #tpu.memory_space<vmem_shared>> -> memref<80x16xf32, #tpu.memory_space<vmem_shared>>
      %dma_start3A_147 = arith.constant 0 : i32
      %dma_start3A_148 = tpu.memref_slice %arg21[%add3A_48, %dma_start3A_147] : memref<10240x16xf32, #tpu.memory_space<vmem_shared>> -> memref<80x16xf32, #tpu.memory_space<vmem_shared>>
      %dma_start3A_149 = arith.constant 0 : i32
      %dma_start3A_150 = arith.constant 0 : i32
      %dma_start3A_151 = tpu.memref_slice %arg19[%run_scoped3A_49, %dma_start3A_149, %dma_start3A_150] : memref<3x80x16xf32, #tpu.memory_space<vmem>> -> memref<1x80x16xf32, #tpu.memory_space<vmem>>
      %dma_start3A_152 = tpu.memref_squeeze %dma_start3A_151 : memref<1x80x16xf32, #tpu.memory_space<vmem>> -> memref<80x16xf32, #tpu.memory_space<vmem>>
      tpu.enqueue_dma source(%dma_start3A_152 : memref<80x16xf32, #tpu.memory_space<vmem>>) target(%dma_start3A_148 : memref<80x16xf32, #tpu.memory_space<vmem_shared>>) target_semaphore(%run_scoped3A_141 : memref<!tpu.dma_semaphore, #tpu.memory_space<semaphore_mem>>)
      %dma_wait3A = arith.constant 0 : i32
      %dma_wait3A_153 = arith.constant 0 : i32
      %dma_wait3A_154 = tpu.memref_slice %arg19[%run_scoped3A_49, %dma_wait3A, %dma_wait3A_153] : memref<3x80x16xf32, #tpu.memory_space<vmem>> -> memref<1x80x16xf32, #tpu.memory_space<vmem>>
      %dma_wait3A_155 = tpu.memref_squeeze %dma_wait3A_154 : memref<1x80x16xf32, #tpu.memory_space<vmem>> -> memref<80x16xf32, #tpu.memory_space<vmem>>
      %dma_wait3A_156 = arith.constant 0 : i32
      %dma_wait3A_157 = tpu.memref_slice %arg21[%add3A_48, %dma_wait3A_156] : memref<10240x16xf32, #tpu.memory_space<vmem_shared>> -> memref<80x16xf32, #tpu.memory_space<vmem_shared>>
      %dma_wait3A_158 = arith.constant 0 : i32
      %dma_wait3A_159 = tpu.memref_slice %arg21[%add3A_48, %dma_wait3A_158] : memref<10240x16xf32, #tpu.memory_space<vmem_shared>> -> memref<80x16xf32, #tpu.memory_space<vmem_shared>>
      %dma_wait3A_160 = arith.constant 0 : i32
      %dma_wait3A_161 = arith.constant 0 : i32
      %dma_wait3A_162 = tpu.memref_slice %arg19[%run_scoped3A_49, %dma_wait3A_160, %dma_wait3A_161] : memref<3x80x16xf32, #tpu.memory_space<vmem>> -> memref<1x80x16xf32, #tpu.memory_space<vmem>>
      %dma_wait3A_163 = tpu.memref_squeeze %dma_wait3A_162 : memref<1x80x16xf32, #tpu.memory_space<vmem>> -> memref<80x16xf32, #tpu.memory_space<vmem>>
      tpu.wait_dma2 semaphore(%run_scoped3A_141 : memref<!tpu.dma_semaphore, #tpu.memory_space<semaphore_mem>>) src(%dma_wait3A_163 : memref<80x16xf32, #tpu.memory_space<vmem>>) dst(%dma_wait3A_159 : memref<80x16xf32, #tpu.memory_space<vmem_shared>>)
      tpu.yield
    }) : () -> ()
    %add3A_50 = arith.constant 240 : i32
    %add3A_51 = arith.addi %mul3A_40, %add3A_50 : i32
    %run_scoped3A_52 = arith.constant 0 : i32
    "tpu.region"() ({
      %run_scoped3A_141 = tpu.sem_alloc : memref<!tpu.dma_semaphore, #tpu.memory_space<semaphore_mem>>
      %dma_start3A = arith.constant 0 : i32
      %dma_start3A_142 = arith.constant 0 : i32
      %dma_start3A_143 = tpu.memref_slice %arg19[%run_scoped3A_52, %dma_start3A, %dma_start3A_142] : memref<3x80x16xf32, #tpu.memory_space<vmem>> -> memref<1x80x16xf32, #tpu.memory_space<vmem>>
      %dma_start3A_144 = tpu.memref_squeeze %dma_start3A_143 : memref<1x80x16xf32, #tpu.memory_space<vmem>> -> memref<80x16xf32, #tpu.memory_space<vmem>>
      %dma_start3A_145 = arith.constant 0 : i32
      %dma_start3A_146 = tpu.memref_slice %arg21[%add3A_51, %dma_start3A_145] : memref<10240x16xf32, #tpu.memory_space<vmem_shared>> -> memref<80x16xf32, #tpu.memory_space<vmem_shared>>
      %dma_start3A_147 = arith.constant 0 : i32
      %dma_start3A_148 = tpu.memref_slice %arg21[%add3A_51, %dma_start3A_147] : memref<10240x16xf32, #tpu.memory_space<vmem_shared>> -> memref<80x16xf32, #tpu.memory_space<vmem_shared>>
      %dma_start3A_149 = arith.constant 0 : i32
      %dma_start3A_150 = arith.constant 0 : i32
      %dma_start3A_151 = tpu.memref_slice %arg19[%run_scoped3A_52, %dma_start3A_149, %dma_start3A_150] : memref<3x80x16xf32, #tpu.memory_space<vmem>> -> memref<1x80x16xf32, #tpu.memory_space<vmem>>
      %dma_start3A_152 = tpu.memref_squeeze %dma_start3A_151 : memref<1x80x16xf32, #tpu.memory_space<vmem>> -> memref<80x16xf32, #tpu.memory_space<vmem>>
      tpu.enqueue_dma source(%dma_start3A_152 : memref<80x16xf32, #tpu.memory_space<vmem>>) target(%dma_start3A_148 : memref<80x16xf32, #tpu.memory_space<vmem_shared>>) target_semaphore(%run_scoped3A_141 : memref<!tpu.dma_semaphore, #tpu.memory_space<semaphore_mem>>)
      %dma_wait3A = arith.constant 0 : i32
      %dma_wait3A_153 = arith.constant 0 : i32
      %dma_wait3A_154 = tpu.memref_slice %arg19[%run_scoped3A_52, %dma_wait3A, %dma_wait3A_153] : memref<3x80x16xf32, #tpu.memory_space<vmem>> -> memref<1x80x16xf32, #tpu.memory_space<vmem>>
      %dma_wait3A_155 = tpu.memref_squeeze %dma_wait3A_154 : memref<1x80x16xf32, #tpu.memory_space<vmem>> -> memref<80x16xf32, #tpu.memory_space<vmem>>
      %dma_wait3A_156 = arith.constant 0 : i32
      %dma_wait3A_157 = tpu.memref_slice %arg21[%add3A_51, %dma_wait3A_156] : memref<10240x16xf32, #tpu.memory_space<vmem_shared>> -> memref<80x16xf32, #tpu.memory_space<vmem_shared>>
      %dma_wait3A_158 = arith.constant 0 : i32
      %dma_wait3A_159 = tpu.memref_slice %arg21[%add3A_51, %dma_wait3A_158] : memref<10240x16xf32, #tpu.memory_space<vmem_shared>> -> memref<80x16xf32, #tpu.memory_space<vmem_shared>>
      %dma_wait3A_160 = arith.constant 0 : i32
      %dma_wait3A_161 = arith.constant 0 : i32
      %dma_wait3A_162 = tpu.memref_slice %arg19[%run_scoped3A_52, %dma_wait3A_160, %dma_wait3A_161] : memref<3x80x16xf32, #tpu.memory_space<vmem>> -> memref<1x80x16xf32, #tpu.memory_space<vmem>>
      %dma_wait3A_163 = tpu.memref_squeeze %dma_wait3A_162 : memref<1x80x16xf32, #tpu.memory_space<vmem>> -> memref<80x16xf32, #tpu.memory_space<vmem>>
      tpu.wait_dma2 semaphore(%run_scoped3A_141 : memref<!tpu.dma_semaphore, #tpu.memory_space<semaphore_mem>>) src(%dma_wait3A_163 : memref<80x16xf32, #tpu.memory_space<vmem>>) dst(%dma_wait3A_159 : memref<80x16xf32, #tpu.memory_space<vmem_shared>>)
      tpu.yield
    }) : () -> ()
    %add3A_53 = arith.constant 320 : i32
    %add3A_54 = arith.addi %mul3A_40, %add3A_53 : i32
    %run_scoped3A_55 = arith.constant 0 : i32
    "tpu.region"() ({
      %run_scoped3A_141 = tpu.sem_alloc : memref<!tpu.dma_semaphore, #tpu.memory_space<semaphore_mem>>
      %dma_start3A = arith.constant 0 : i32
      %dma_start3A_142 = arith.constant 0 : i32
      %dma_start3A_143 = tpu.memref_slice %arg19[%run_scoped3A_55, %dma_start3A, %dma_start3A_142] : memref<3x80x16xf32, #tpu.memory_space<vmem>> -> memref<1x80x16xf32, #tpu.memory_space<vmem>>
      %dma_start3A_144 = tpu.memref_squeeze %dma_start3A_143 : memref<1x80x16xf32, #tpu.memory_space<vmem>> -> memref<80x16xf32, #tpu.memory_space<vmem>>
      %dma_start3A_145 = arith.constant 0 : i32
      %dma_start3A_146 = tpu.memref_slice %arg21[%add3A_54, %dma_start3A_145] : memref<10240x16xf32, #tpu.memory_space<vmem_shared>> -> memref<80x16xf32, #tpu.memory_space<vmem_shared>>
      %dma_start3A_147 = arith.constant 0 : i32
      %dma_start3A_148 = tpu.memref_slice %arg21[%add3A_54, %dma_start3A_147] : memref<10240x16xf32, #tpu.memory_space<vmem_shared>> -> memref<80x16xf32, #tpu.memory_space<vmem_shared>>
      %dma_start3A_149 = arith.constant 0 : i32
      %dma_start3A_150 = arith.constant 0 : i32
      %dma_start3A_151 = tpu.memref_slice %arg19[%run_scoped3A_55, %dma_start3A_149, %dma_start3A_150] : memref<3x80x16xf32, #tpu.memory_space<vmem>> -> memref<1x80x16xf32, #tpu.memory_space<vmem>>
      %dma_start3A_152 = tpu.memref_squeeze %dma_start3A_151 : memref<1x80x16xf32, #tpu.memory_space<vmem>> -> memref<80x16xf32, #tpu.memory_space<vmem>>
      tpu.enqueue_dma source(%dma_start3A_152 : memref<80x16xf32, #tpu.memory_space<vmem>>) target(%dma_start3A_148 : memref<80x16xf32, #tpu.memory_space<vmem_shared>>) target_semaphore(%run_scoped3A_141 : memref<!tpu.dma_semaphore, #tpu.memory_space<semaphore_mem>>)
      %dma_wait3A = arith.constant 0 : i32
      %dma_wait3A_153 = arith.constant 0 : i32
      %dma_wait3A_154 = tpu.memref_slice %arg19[%run_scoped3A_55, %dma_wait3A, %dma_wait3A_153] : memref<3x80x16xf32, #tpu.memory_space<vmem>> -> memref<1x80x16xf32, #tpu.memory_space<vmem>>
      %dma_wait3A_155 = tpu.memref_squeeze %dma_wait3A_154 : memref<1x80x16xf32, #tpu.memory_space<vmem>> -> memref<80x16xf32, #tpu.memory_space<vmem>>
      %dma_wait3A_156 = arith.constant 0 : i32
      %dma_wait3A_157 = tpu.memref_slice %arg21[%add3A_54, %dma_wait3A_156] : memref<10240x16xf32, #tpu.memory_space<vmem_shared>> -> memref<80x16xf32, #tpu.memory_space<vmem_shared>>
      %dma_wait3A_158 = arith.constant 0 : i32
      %dma_wait3A_159 = tpu.memref_slice %arg21[%add3A_54, %dma_wait3A_158] : memref<10240x16xf32, #tpu.memory_space<vmem_shared>> -> memref<80x16xf32, #tpu.memory_space<vmem_shared>>
      %dma_wait3A_160 = arith.constant 0 : i32
      %dma_wait3A_161 = arith.constant 0 : i32
      %dma_wait3A_162 = tpu.memref_slice %arg19[%run_scoped3A_55, %dma_wait3A_160, %dma_wait3A_161] : memref<3x80x16xf32, #tpu.memory_space<vmem>> -> memref<1x80x16xf32, #tpu.memory_space<vmem>>
      %dma_wait3A_163 = tpu.memref_squeeze %dma_wait3A_162 : memref<1x80x16xf32, #tpu.memory_space<vmem>> -> memref<80x16xf32, #tpu.memory_space<vmem>>
      tpu.wait_dma2 semaphore(%run_scoped3A_141 : memref<!tpu.dma_semaphore, #tpu.memory_space<semaphore_mem>>) src(%dma_wait3A_163 : memref<80x16xf32, #tpu.memory_space<vmem>>) dst(%dma_wait3A_159 : memref<80x16xf32, #tpu.memory_space<vmem_shared>>)
      tpu.yield
    }) : () -> ()
    %add3A_56 = arith.constant 400 : i32
    %add3A_57 = arith.addi %mul3A_40, %add3A_56 : i32
    %run_scoped3A_58 = arith.constant 0 : i32
    "tpu.region"() ({
      %run_scoped3A_141 = tpu.sem_alloc : memref<!tpu.dma_semaphore, #tpu.memory_space<semaphore_mem>>
      %dma_start3A = arith.constant 0 : i32
      %dma_start3A_142 = arith.constant 0 : i32
      %dma_start3A_143 = tpu.memref_slice %arg19[%run_scoped3A_58, %dma_start3A, %dma_start3A_142] : memref<3x80x16xf32, #tpu.memory_space<vmem>> -> memref<1x80x16xf32, #tpu.memory_space<vmem>>
      %dma_start3A_144 = tpu.memref_squeeze %dma_start3A_143 : memref<1x80x16xf32, #tpu.memory_space<vmem>> -> memref<80x16xf32, #tpu.memory_space<vmem>>
      %dma_start3A_145 = arith.constant 0 : i32
      %dma_start3A_146 = tpu.memref_slice %arg21[%add3A_57, %dma_start3A_145] : memref<10240x16xf32, #tpu.memory_space<vmem_shared>> -> memref<80x16xf32, #tpu.memory_space<vmem_shared>>
      %dma_start3A_147 = arith.constant 0 : i32
      %dma_start3A_148 = tpu.memref_slice %arg21[%add3A_57, %dma_start3A_147] : memref<10240x16xf32, #tpu.memory_space<vmem_shared>> -> memref<80x16xf32, #tpu.memory_space<vmem_shared>>
      %dma_start3A_149 = arith.constant 0 : i32
      %dma_start3A_150 = arith.constant 0 : i32
      %dma_start3A_151 = tpu.memref_slice %arg19[%run_scoped3A_58, %dma_start3A_149, %dma_start3A_150] : memref<3x80x16xf32, #tpu.memory_space<vmem>> -> memref<1x80x16xf32, #tpu.memory_space<vmem>>
      %dma_start3A_152 = tpu.memref_squeeze %dma_start3A_151 : memref<1x80x16xf32, #tpu.memory_space<vmem>> -> memref<80x16xf32, #tpu.memory_space<vmem>>
      tpu.enqueue_dma source(%dma_start3A_152 : memref<80x16xf32, #tpu.memory_space<vmem>>) target(%dma_start3A_148 : memref<80x16xf32, #tpu.memory_space<vmem_shared>>) target_semaphore(%run_scoped3A_141 : memref<!tpu.dma_semaphore, #tpu.memory_space<semaphore_mem>>)
      %dma_wait3A = arith.constant 0 : i32
      %dma_wait3A_153 = arith.constant 0 : i32
      %dma_wait3A_154 = tpu.memref_slice %arg19[%run_scoped3A_58, %dma_wait3A, %dma_wait3A_153] : memref<3x80x16xf32, #tpu.memory_space<vmem>> -> memref<1x80x16xf32, #tpu.memory_space<vmem>>
      %dma_wait3A_155 = tpu.memref_squeeze %dma_wait3A_154 : memref<1x80x16xf32, #tpu.memory_space<vmem>> -> memref<80x16xf32, #tpu.memory_space<vmem>>
      %dma_wait3A_156 = arith.constant 0 : i32
      %dma_wait3A_157 = tpu.memref_slice %arg21[%add3A_57, %dma_wait3A_156] : memref<10240x16xf32, #tpu.memory_space<vmem_shared>> -> memref<80x16xf32, #tpu.memory_space<vmem_shared>>
      %dma_wait3A_158 = arith.constant 0 : i32
      %dma_wait3A_159 = tpu.memref_slice %arg21[%add3A_57, %dma_wait3A_158] : memref<10240x16xf32, #tpu.memory_space<vmem_shared>> -> memref<80x16xf32, #tpu.memory_space<vmem_shared>>
      %dma_wait3A_160 = arith.constant 0 : i32
      %dma_wait3A_161 = arith.constant 0 : i32
      %dma_wait3A_162 = tpu.memref_slice %arg19[%run_scoped3A_58, %dma_wait3A_160, %dma_wait3A_161] : memref<3x80x16xf32, #tpu.memory_space<vmem>> -> memref<1x80x16xf32, #tpu.memory_space<vmem>>
      %dma_wait3A_163 = tpu.memref_squeeze %dma_wait3A_162 : memref<1x80x16xf32, #tpu.memory_space<vmem>> -> memref<80x16xf32, #tpu.memory_space<vmem>>
      tpu.wait_dma2 semaphore(%run_scoped3A_141 : memref<!tpu.dma_semaphore, #tpu.memory_space<semaphore_mem>>) src(%dma_wait3A_163 : memref<80x16xf32, #tpu.memory_space<vmem>>) dst(%dma_wait3A_159 : memref<80x16xf32, #tpu.memory_space<vmem_shared>>)
      tpu.yield
    }) : () -> ()
    %add3A_59 = arith.constant 480 : i32
    %add3A_60 = arith.addi %mul3A_40, %add3A_59 : i32
    %run_scoped3A_61 = arith.constant 0 : i32
    "tpu.region"() ({
      %run_scoped3A_141 = tpu.sem_alloc : memref<!tpu.dma_semaphore, #tpu.memory_space<semaphore_mem>>
      %dma_start3A = arith.constant 0 : i32
      %dma_start3A_142 = arith.constant 0 : i32
      %dma_start3A_143 = tpu.memref_slice %arg19[%run_scoped3A_61, %dma_start3A, %dma_start3A_142] : memref<3x80x16xf32, #tpu.memory_space<vmem>> -> memref<1x80x16xf32, #tpu.memory_space<vmem>>
      %dma_start3A_144 = tpu.memref_squeeze %dma_start3A_143 : memref<1x80x16xf32, #tpu.memory_space<vmem>> -> memref<80x16xf32, #tpu.memory_space<vmem>>
      %dma_start3A_145 = arith.constant 0 : i32
      %dma_start3A_146 = tpu.memref_slice %arg21[%add3A_60, %dma_start3A_145] : memref<10240x16xf32, #tpu.memory_space<vmem_shared>> -> memref<80x16xf32, #tpu.memory_space<vmem_shared>>
      %dma_start3A_147 = arith.constant 0 : i32
      %dma_start3A_148 = tpu.memref_slice %arg21[%add3A_60, %dma_start3A_147] : memref<10240x16xf32, #tpu.memory_space<vmem_shared>> -> memref<80x16xf32, #tpu.memory_space<vmem_shared>>
      %dma_start3A_149 = arith.constant 0 : i32
      %dma_start3A_150 = arith.constant 0 : i32
      %dma_start3A_151 = tpu.memref_slice %arg19[%run_scoped3A_61, %dma_start3A_149, %dma_start3A_150] : memref<3x80x16xf32, #tpu.memory_space<vmem>> -> memref<1x80x16xf32, #tpu.memory_space<vmem>>
      %dma_start3A_152 = tpu.memref_squeeze %dma_start3A_151 : memref<1x80x16xf32, #tpu.memory_space<vmem>> -> memref<80x16xf32, #tpu.memory_space<vmem>>
      tpu.enqueue_dma source(%dma_start3A_152 : memref<80x16xf32, #tpu.memory_space<vmem>>) target(%dma_start3A_148 : memref<80x16xf32, #tpu.memory_space<vmem_shared>>) target_semaphore(%run_scoped3A_141 : memref<!tpu.dma_semaphore, #tpu.memory_space<semaphore_mem>>)
      %dma_wait3A = arith.constant 0 : i32
      %dma_wait3A_153 = arith.constant 0 : i32
      %dma_wait3A_154 = tpu.memref_slice %arg19[%run_scoped3A_61, %dma_wait3A, %dma_wait3A_153] : memref<3x80x16xf32, #tpu.memory_space<vmem>> -> memref<1x80x16xf32, #tpu.memory_space<vmem>>
      %dma_wait3A_155 = tpu.memref_squeeze %dma_wait3A_154 : memref<1x80x16xf32, #tpu.memory_space<vmem>> -> memref<80x16xf32, #tpu.memory_space<vmem>>
      %dma_wait3A_156 = arith.constant 0 : i32
      %dma_wait3A_157 = tpu.memref_slice %arg21[%add3A_60, %dma_wait3A_156] : memref<10240x16xf32, #tpu.memory_space<vmem_shared>> -> memref<80x16xf32, #tpu.memory_space<vmem_shared>>
      %dma_wait3A_158 = arith.constant 0 : i32
      %dma_wait3A_159 = tpu.memref_slice %arg21[%add3A_60, %dma_wait3A_158] : memref<10240x16xf32, #tpu.memory_space<vmem_shared>> -> memref<80x16xf32, #tpu.memory_space<vmem_shared>>
      %dma_wait3A_160 = arith.constant 0 : i32
      %dma_wait3A_161 = arith.constant 0 : i32
      %dma_wait3A_162 = tpu.memref_slice %arg19[%run_scoped3A_61, %dma_wait3A_160, %dma_wait3A_161] : memref<3x80x16xf32, #tpu.memory_space<vmem>> -> memref<1x80x16xf32, #tpu.memory_space<vmem>>
      %dma_wait3A_163 = tpu.memref_squeeze %dma_wait3A_162 : memref<1x80x16xf32, #tpu.memory_space<vmem>> -> memref<80x16xf32, #tpu.memory_space<vmem>>
      tpu.wait_dma2 semaphore(%run_scoped3A_141 : memref<!tpu.dma_semaphore, #tpu.memory_space<semaphore_mem>>) src(%dma_wait3A_163 : memref<80x16xf32, #tpu.memory_space<vmem>>) dst(%dma_wait3A_159 : memref<80x16xf32, #tpu.memory_space<vmem_shared>>)
      tpu.yield
    }) : () -> ()
    %add3A_62 = arith.constant 560 : i32
    %add3A_63 = arith.addi %mul3A_40, %add3A_62 : i32
    %run_scoped3A_64 = arith.constant 0 : i32
    "tpu.region"() ({
      %run_scoped3A_141 = tpu.sem_alloc : memref<!tpu.dma_semaphore, #tpu.memory_space<semaphore_mem>>
      %dma_start3A = arith.constant 0 : i32
      %dma_start3A_142 = arith.constant 0 : i32
      %dma_start3A_143 = tpu.memref_slice %arg19[%run_scoped3A_64, %dma_start3A, %dma_start3A_142] : memref<3x80x16xf32, #tpu.memory_space<vmem>> -> memref<1x80x16xf32, #tpu.memory_space<vmem>>
      %dma_start3A_144 = tpu.memref_squeeze %dma_start3A_143 : memref<1x80x16xf32, #tpu.memory_space<vmem>> -> memref<80x16xf32, #tpu.memory_space<vmem>>
      %dma_start3A_145 = arith.constant 0 : i32
      %dma_start3A_146 = tpu.memref_slice %arg21[%add3A_63, %dma_start3A_145] : memref<10240x16xf32, #tpu.memory_space<vmem_shared>> -> memref<80x16xf32, #tpu.memory_space<vmem_shared>>
      %dma_start3A_147 = arith.constant 0 : i32
      %dma_start3A_148 = tpu.memref_slice %arg21[%add3A_63, %dma_start3A_147] : memref<10240x16xf32, #tpu.memory_space<vmem_shared>> -> memref<80x16xf32, #tpu.memory_space<vmem_shared>>
      %dma_start3A_149 = arith.constant 0 : i32
      %dma_start3A_150 = arith.constant 0 : i32
      %dma_start3A_151 = tpu.memref_slice %arg19[%run_scoped3A_64, %dma_start3A_149, %dma_start3A_150] : memref<3x80x16xf32, #tpu.memory_space<vmem>> -> memref<1x80x16xf32, #tpu.memory_space<vmem>>
      %dma_start3A_152 = tpu.memref_squeeze %dma_start3A_151 : memref<1x80x16xf32, #tpu.memory_space<vmem>> -> memref<80x16xf32, #tpu.memory_space<vmem>>
      tpu.enqueue_dma source(%dma_start3A_152 : memref<80x16xf32, #tpu.memory_space<vmem>>) target(%dma_start3A_148 : memref<80x16xf32, #tpu.memory_space<vmem_shared>>) target_semaphore(%run_scoped3A_141 : memref<!tpu.dma_semaphore, #tpu.memory_space<semaphore_mem>>)
      %dma_wait3A = arith.constant 0 : i32
      %dma_wait3A_153 = arith.constant 0 : i32
      %dma_wait3A_154 = tpu.memref_slice %arg19[%run_scoped3A_64, %dma_wait3A, %dma_wait3A_153] : memref<3x80x16xf32, #tpu.memory_space<vmem>> -> memref<1x80x16xf32, #tpu.memory_space<vmem>>
      %dma_wait3A_155 = tpu.memref_squeeze %dma_wait3A_154 : memref<1x80x16xf32, #tpu.memory_space<vmem>> -> memref<80x16xf32, #tpu.memory_space<vmem>>
      %dma_wait3A_156 = arith.constant 0 : i32
      %dma_wait3A_157 = tpu.memref_slice %arg21[%add3A_63, %dma_wait3A_156] : memref<10240x16xf32, #tpu.memory_space<vmem_shared>> -> memref<80x16xf32, #tpu.memory_space<vmem_shared>>
      %dma_wait3A_158 = arith.constant 0 : i32
      %dma_wait3A_159 = tpu.memref_slice %arg21[%add3A_63, %dma_wait3A_158] : memref<10240x16xf32, #tpu.memory_space<vmem_shared>> -> memref<80x16xf32, #tpu.memory_space<vmem_shared>>
      %dma_wait3A_160 = arith.constant 0 : i32
      %dma_wait3A_161 = arith.constant 0 : i32
      %dma_wait3A_162 = tpu.memref_slice %arg19[%run_scoped3A_64, %dma_wait3A_160, %dma_wait3A_161] : memref<3x80x16xf32, #tpu.memory_space<vmem>> -> memref<1x80x16xf32, #tpu.memory_space<vmem>>
      %dma_wait3A_163 = tpu.memref_squeeze %dma_wait3A_162 : memref<1x80x16xf32, #tpu.memory_space<vmem>> -> memref<80x16xf32, #tpu.memory_space<vmem>>
      tpu.wait_dma2 semaphore(%run_scoped3A_141 : memref<!tpu.dma_semaphore, #tpu.memory_space<semaphore_mem>>) src(%dma_wait3A_163 : memref<80x16xf32, #tpu.memory_space<vmem>>) dst(%dma_wait3A_159 : memref<80x16xf32, #tpu.memory_space<vmem_shared>>)
      tpu.yield
    }) : () -> ()
    %barrier3A = arith.constant 0 : index
    tpu.barrier barrier_id(%barrier3A)
    %eq3A = arith.constant 0 : i32
    %eq3A_65 = arith.cmpi eq, %arg0, %eq3A : i32
    %convert_element_type3A = arith.extui %eq3A_65 : i1 to i32
    %cond3A = arith.constant 0 : i32
    %cond3A_66 = arith.cmpi ne, %convert_element_type3A, %cond3A : i32
    scf.if %cond3A_66 {
      %mul3A_141 = arith.constant 20000 : i32
      %mul3A_142 = arith.muli %arg1, %mul3A_141 : i32
      %dma_start3A = arith.constant 0 : i32
      %dma_start3A_143 = arith.constant 0 : i32
      %dma_start3A_144 = arith.constant 0 : i32
      %dma_start3A_145 = arith.constant 0 : i32
      %dma_start3A_146 = tpu.memref_slice %arg17[%dma_start3A_143, %dma_start3A_144, %dma_start3A_145] : memref<3x80x64xf32, #tpu.memory_space<vmem>> -> memref<1x80x64xf32, #tpu.memory_space<vmem>>
      %dma_start3A_147 = tpu.memref_squeeze %dma_start3A_146 : memref<1x80x64xf32, #tpu.memory_space<vmem>> -> memref<80x64xf32, #tpu.memory_space<vmem>>
      %dma_start3A_148 = arith.constant 0 : i32
      %dma_start3A_149 = tpu.memref_slice %arg15[%dma_start3A, %dma_start3A_148] : memref<250x80xi32, #tpu.memory_space<vmem>> -> memref<1x80xi32, #tpu.memory_space<vmem>>
      %dma_start3A_150 = tpu.memref_squeeze %dma_start3A_149 : memref<1x80xi32, #tpu.memory_space<vmem>> -> memref<80xi32, #tpu.memory_space<vmem>>
      %dma_start3A_151 = arith.constant 0 : i32
      %dma_start3A_152 = arith.constant 0 : i32
      %dma_start3A_153 = tpu.memref_slice %arg4[%dma_start3A_151, %dma_start3A_152] : memref<10000x64xf32, #tpu.memory_space<hbm>> -> memref<10000x64xf32, #tpu.memory_space<hbm>>
      tpu.enqueue_indirect_dma source(%dma_start3A_153 : memref<10000x64xf32, #tpu.memory_space<hbm>>) target(%dma_start3A_147 : memref<80x64xf32, #tpu.memory_space<vmem>>) offsets(%dma_start3A_150 : memref<80xi32, #tpu.memory_space<vmem>>) semaphore(%arg22 : memref<!tpu.dma_semaphore, #tpu.memory_space<semaphore_mem>>)
      %add3A_154 = arith.constant 0 : i32
      %add3A_155 = arith.addi %mul3A_142, %add3A_154 : i32
      %dma_start3A_156 = arith.constant 0 : i32
      %dma_start3A_157 = arith.constant 0 : i32
      %dma_start3A_158 = arith.constant 0 : i32
      %dma_start3A_159 = tpu.memref_slice %arg18[%dma_start3A_156, %dma_start3A_157, %dma_start3A_158] : memref<3x80x64xf32, #tpu.memory_space<vmem>> -> memref<1x80x64xf32, #tpu.memory_space<vmem>>
      %dma_start3A_160 = tpu.memref_squeeze %dma_start3A_159 : memref<1x80x64xf32, #tpu.memory_space<vmem>> -> memref<80x64xf32, #tpu.memory_space<vmem>>
      %dma_start3A_161 = arith.constant 0 : i32
      %dma_start3A_162 = tpu.memref_slice %arg8[%add3A_155, %dma_start3A_161] : memref<320000x128xf32, #tpu.memory_space<hbm>> -> memref<80x64xf32, #tpu.memory_space<hbm>>
      %dma_start3A_163 = arith.constant 0 : i32
      %dma_start3A_164 = arith.constant 0 : i32
      %dma_start3A_165 = tpu.memref_slice %arg18[%dma_start3A_156, %dma_start3A_163, %dma_start3A_164] : memref<3x80x64xf32, #tpu.memory_space<vmem>> -> memref<1x80x64xf32, #tpu.memory_space<vmem>>
      %dma_start3A_166 = tpu.memref_squeeze %dma_start3A_165 : memref<1x80x64xf32, #tpu.memory_space<vmem>> -> memref<80x64xf32, #tpu.memory_space<vmem>>
      %dma_start3A_167 = arith.constant 0 : i32
      %dma_start3A_168 = tpu.memref_slice %arg8[%add3A_155, %dma_start3A_167] : memref<320000x128xf32, #tpu.memory_space<hbm>> -> memref<80x64xf32, #tpu.memory_space<hbm>>
      tpu.enqueue_dma source(%dma_start3A_168 : memref<80x64xf32, #tpu.memory_space<hbm>>) target(%dma_start3A_166 : memref<80x64xf32, #tpu.memory_space<vmem>>) target_semaphore(%arg25 : memref<!tpu.dma_semaphore, #tpu.memory_space<semaphore_mem>>)
      %add3A_169 = arith.constant 0 : i32
      %add3A_170 = arith.addi %mul3A_142, %add3A_169 : i32
      %dma_start3A_171 = arith.constant 0 : i32
      %dma_start3A_172 = arith.constant 0 : i32
      %dma_start3A_173 = arith.constant 0 : i32
      %dma_start3A_174 = tpu.memref_slice %arg19[%dma_start3A_171, %dma_start3A_172, %dma_start3A_173] : memref<3x80x16xf32, #tpu.memory_space<vmem>> -> memref<1x80x16xf32, #tpu.memory_space<vmem>>
      %dma_start3A_175 = tpu.memref_squeeze %dma_start3A_174 : memref<1x80x16xf32, #tpu.memory_space<vmem>> -> memref<80x16xf32, #tpu.memory_space<vmem>>
      %dma_start3A_176 = arith.constant 0 : i32
      %dma_start3A_177 = tpu.memref_slice %arg9[%add3A_170, %dma_start3A_176] : memref<320000x16xf32, #tpu.memory_space<hbm>> -> memref<80x16xf32, #tpu.memory_space<hbm>>
      %dma_start3A_178 = arith.constant 0 : i32
      %dma_start3A_179 = arith.constant 0 : i32
      %dma_start3A_180 = tpu.memref_slice %arg19[%dma_start3A_171, %dma_start3A_178, %dma_start3A_179] : memref<3x80x16xf32, #tpu.memory_space<vmem>> -> memref<1x80x16xf32, #tpu.memory_space<vmem>>
      %dma_start3A_181 = tpu.memref_squeeze %dma_start3A_180 : memref<1x80x16xf32, #tpu.memory_space<vmem>> -> memref<80x16xf32, #tpu.memory_space<vmem>>
      %dma_start3A_182 = arith.constant 0 : i32
      %dma_start3A_183 = tpu.memref_slice %arg9[%add3A_170, %dma_start3A_182] : memref<320000x16xf32, #tpu.memory_space<hbm>> -> memref<80x16xf32, #tpu.memory_space<hbm>>
      tpu.enqueue_dma source(%dma_start3A_183 : memref<80x16xf32, #tpu.memory_space<hbm>>) target(%dma_start3A_181 : memref<80x16xf32, #tpu.memory_space<vmem>>) target_semaphore(%arg28 : memref<!tpu.dma_semaphore, #tpu.memory_space<semaphore_mem>>)
      %dma_start3A_184 = arith.constant 1 : i32
      %dma_start3A_185 = arith.constant 1 : i32
      %dma_start3A_186 = arith.constant 0 : i32
      %dma_start3A_187 = arith.constant 0 : i32
      %dma_start3A_188 = tpu.memref_slice %arg17[%dma_start3A_185, %dma_start3A_186, %dma_start3A_187] : memref<3x80x64xf32, #tpu.memory_space<vmem>> -> memref<1x80x64xf32, #tpu.memory_space<vmem>>
      %dma_start3A_189 = tpu.memref_squeeze %dma_start3A_188 : memref<1x80x64xf32, #tpu.memory_space<vmem>> -> memref<80x64xf32, #tpu.memory_space<vmem>>
      %dma_start3A_190 = arith.constant 0 : i32
      %dma_start3A_191 = tpu.memref_slice %arg15[%dma_start3A_184, %dma_start3A_190] : memref<250x80xi32, #tpu.memory_space<vmem>> -> memref<1x80xi32, #tpu.memory_space<vmem>>
      %dma_start3A_192 = tpu.memref_squeeze %dma_start3A_191 : memref<1x80xi32, #tpu.memory_space<vmem>> -> memref<80xi32, #tpu.memory_space<vmem>>
      %dma_start3A_193 = arith.constant 0 : i32
      %dma_start3A_194 = arith.constant 0 : i32
      %dma_start3A_195 = tpu.memref_slice %arg4[%dma_start3A_193, %dma_start3A_194] : memref<10000x64xf32, #tpu.memory_space<hbm>> -> memref<10000x64xf32, #tpu.memory_space<hbm>>
      tpu.enqueue_indirect_dma source(%dma_start3A_195 : memref<10000x64xf32, #tpu.memory_space<hbm>>) target(%dma_start3A_189 : memref<80x64xf32, #tpu.memory_space<vmem>>) offsets(%dma_start3A_192 : memref<80xi32, #tpu.memory_space<vmem>>) semaphore(%arg23 : memref<!tpu.dma_semaphore, #tpu.memory_space<semaphore_mem>>)
      %add3A_196 = arith.constant 80 : i32
      %add3A_197 = arith.addi %mul3A_142, %add3A_196 : i32
      %dma_start3A_198 = arith.constant 1 : i32
      %dma_start3A_199 = arith.constant 0 : i32
      %dma_start3A_200 = arith.constant 0 : i32
      %dma_start3A_201 = tpu.memref_slice %arg18[%dma_start3A_198, %dma_start3A_199, %dma_start3A_200] : memref<3x80x64xf32, #tpu.memory_space<vmem>> -> memref<1x80x64xf32, #tpu.memory_space<vmem>>
      %dma_start3A_202 = tpu.memref_squeeze %dma_start3A_201 : memref<1x80x64xf32, #tpu.memory_space<vmem>> -> memref<80x64xf32, #tpu.memory_space<vmem>>
      %dma_start3A_203 = arith.constant 0 : i32
      %dma_start3A_204 = tpu.memref_slice %arg8[%add3A_197, %dma_start3A_203] : memref<320000x128xf32, #tpu.memory_space<hbm>> -> memref<80x64xf32, #tpu.memory_space<hbm>>
      %dma_start3A_205 = arith.constant 0 : i32
      %dma_start3A_206 = arith.constant 0 : i32
      %dma_start3A_207 = tpu.memref_slice %arg18[%dma_start3A_198, %dma_start3A_205, %dma_start3A_206] : memref<3x80x64xf32, #tpu.memory_space<vmem>> -> memref<1x80x64xf32, #tpu.memory_space<vmem>>
      %dma_start3A_208 = tpu.memref_squeeze %dma_start3A_207 : memref<1x80x64xf32, #tpu.memory_space<vmem>> -> memref<80x64xf32, #tpu.memory_space<vmem>>
      %dma_start3A_209 = arith.constant 0 : i32
      %dma_start3A_210 = tpu.memref_slice %arg8[%add3A_197, %dma_start3A_209] : memref<320000x128xf32, #tpu.memory_space<hbm>> -> memref<80x64xf32, #tpu.memory_space<hbm>>
      tpu.enqueue_dma source(%dma_start3A_210 : memref<80x64xf32, #tpu.memory_space<hbm>>) target(%dma_start3A_208 : memref<80x64xf32, #tpu.memory_space<vmem>>) target_semaphore(%arg26 : memref<!tpu.dma_semaphore, #tpu.memory_space<semaphore_mem>>)
      %add3A_211 = arith.constant 80 : i32
      %add3A_212 = arith.addi %mul3A_142, %add3A_211 : i32
      %dma_start3A_213 = arith.constant 1 : i32
      %dma_start3A_214 = arith.constant 0 : i32
      %dma_start3A_215 = arith.constant 0 : i32
      %dma_start3A_216 = tpu.memref_slice %arg19[%dma_start3A_213, %dma_start3A_214, %dma_start3A_215] : memref<3x80x16xf32, #tpu.memory_space<vmem>> -> memref<1x80x16xf32, #tpu.memory_space<vmem>>
      %dma_start3A_217 = tpu.memref_squeeze %dma_start3A_216 : memref<1x80x16xf32, #tpu.memory_space<vmem>> -> memref<80x16xf32, #tpu.memory_space<vmem>>
      %dma_start3A_218 = arith.constant 0 : i32
      %dma_start3A_219 = tpu.memref_slice %arg9[%add3A_212, %dma_start3A_218] : memref<320000x16xf32, #tpu.memory_space<hbm>> -> memref<80x16xf32, #tpu.memory_space<hbm>>
      %dma_start3A_220 = arith.constant 0 : i32
      %dma_start3A_221 = arith.constant 0 : i32
      %dma_start3A_222 = tpu.memref_slice %arg19[%dma_start3A_213, %dma_start3A_220, %dma_start3A_221] : memref<3x80x16xf32, #tpu.memory_space<vmem>> -> memref<1x80x16xf32, #tpu.memory_space<vmem>>
      %dma_start3A_223 = tpu.memref_squeeze %dma_start3A_222 : memref<1x80x16xf32, #tpu.memory_space<vmem>> -> memref<80x16xf32, #tpu.memory_space<vmem>>
      %dma_start3A_224 = arith.constant 0 : i32
      %dma_start3A_225 = tpu.memref_slice %arg9[%add3A_212, %dma_start3A_224] : memref<320000x16xf32, #tpu.memory_space<hbm>> -> memref<80x16xf32, #tpu.memory_space<hbm>>
      tpu.enqueue_dma source(%dma_start3A_225 : memref<80x16xf32, #tpu.memory_space<hbm>>) target(%dma_start3A_223 : memref<80x16xf32, #tpu.memory_space<vmem>>) target_semaphore(%arg29 : memref<!tpu.dma_semaphore, #tpu.memory_space<semaphore_mem>>)
      %scan3A_226 = arith.constant 0 : i32
      %scan3A_227 = arith.constant 0 : i32
      %scan3A_228 = arith.constant 83 : i32
      %scan3A_229 = arith.addi %scan3A_227, %scan3A_228 : i32
      %scan3A_230 = arith.constant 1 : i32
      %scan3A_231 = scf.for %scan3A_353 = %scan3A_227 to %scan3A_229 step %scan3A_230 iter_args(%scan3A_354 = %scan3A_226) -> (i32)  : i32 {
        %mul3A_355 = arith.constant 3 : i32
        %mul3A_356 = arith.muli %scan3A_353, %mul3A_355 : i32
        %add3A_357 = arith.constant 0 : i32
        %add3A_358 = arith.addi %mul3A_356, %add3A_357 : i32
        %dma_wait3A_359 = arith.constant 0 : i32
        %dma_wait3A_360 = arith.constant 0 : i32
        %dma_wait3A_361 = arith.constant 0 : i32
        %dma_wait3A_362 = tpu.memref_slice %arg17[%dma_wait3A_359, %dma_wait3A_360, %dma_wait3A_361] : memref<3x80x64xf32, #tpu.memory_space<vmem>> -> memref<1x80x64xf32, #tpu.memory_space<vmem>>
        %dma_wait3A_363 = tpu.memref_squeeze %dma_wait3A_362 : memref<1x80x64xf32, #tpu.memory_space<vmem>> -> memref<80x64xf32, #tpu.memory_space<vmem>>
        %dma_wait3A_364 = arith.constant 0 : i32
        %dma_wait3A_365 = tpu.memref_slice %arg15[%add3A_358, %dma_wait3A_364] : memref<250x80xi32, #tpu.memory_space<vmem>> -> memref<1x80xi32, #tpu.memory_space<vmem>>
        %dma_wait3A_366 = tpu.memref_squeeze %dma_wait3A_365 : memref<1x80xi32, #tpu.memory_space<vmem>> -> memref<80xi32, #tpu.memory_space<vmem>>
        %dma_wait3A_367 = arith.constant 0 : i32
        %dma_wait3A_368 = arith.constant 0 : i32
        %dma_wait3A_369 = tpu.memref_slice %arg4[%dma_wait3A_367, %dma_wait3A_368] : memref<10000x64xf32, #tpu.memory_space<hbm>> -> memref<10000x64xf32, #tpu.memory_space<hbm>>
        tpu.wait_indirect_dma semaphore(%arg22 : memref<!tpu.dma_semaphore, #tpu.memory_space<semaphore_mem>>) src(%dma_wait3A_369 : memref<10000x64xf32, #tpu.memory_space<hbm>>) dst(%dma_wait3A_363 : memref<80x64xf32, #tpu.memory_space<vmem>>)
        %mul3A_370 = arith.constant 80 : i32
        %mul3A_371 = arith.muli %add3A_358, %mul3A_370 : i32
        %add3A_372 = arith.addi %mul3A_142, %mul3A_371 : i32
        %dma_wait3A_373 = arith.constant 0 : i32
        %dma_wait3A_374 = arith.constant 0 : i32
        %dma_wait3A_375 = arith.constant 0 : i32
        %dma_wait3A_376 = tpu.memref_slice %arg18[%dma_wait3A_373, %dma_wait3A_374, %dma_wait3A_375] : memref<3x80x64xf32, #tpu.memory_space<vmem>> -> memref<1x80x64xf32, #tpu.memory_space<vmem>>
        %dma_wait3A_377 = tpu.memref_squeeze %dma_wait3A_376 : memref<1x80x64xf32, #tpu.memory_space<vmem>> -> memref<80x64xf32, #tpu.memory_space<vmem>>
        %dma_wait3A_378 = arith.constant 0 : i32
        %dma_wait3A_379 = tpu.memref_slice %arg8[%add3A_372, %dma_wait3A_378] : memref<320000x128xf32, #tpu.memory_space<hbm>> -> memref<80x64xf32, #tpu.memory_space<hbm>>
        %dma_wait3A_380 = arith.constant 0 : i32
        %dma_wait3A_381 = arith.constant 0 : i32
        %dma_wait3A_382 = tpu.memref_slice %arg18[%dma_wait3A_373, %dma_wait3A_380, %dma_wait3A_381] : memref<3x80x64xf32, #tpu.memory_space<vmem>> -> memref<1x80x64xf32, #tpu.memory_space<vmem>>
        %dma_wait3A_383 = tpu.memref_squeeze %dma_wait3A_382 : memref<1x80x64xf32, #tpu.memory_space<vmem>> -> memref<80x64xf32, #tpu.memory_space<vmem>>
        %dma_wait3A_384 = arith.constant 0 : i32
        %dma_wait3A_385 = tpu.memref_slice %arg8[%add3A_372, %dma_wait3A_384] : memref<320000x128xf32, #tpu.memory_space<hbm>> -> memref<80x64xf32, #tpu.memory_space<hbm>>
        tpu.wait_dma2 semaphore(%arg25 : memref<!tpu.dma_semaphore, #tpu.memory_space<semaphore_mem>>) src(%dma_wait3A_385 : memref<80x64xf32, #tpu.memory_space<hbm>>) dst(%dma_wait3A_383 : memref<80x64xf32, #tpu.memory_space<vmem>>)
        %mul3A_386 = arith.constant 80 : i32
        %mul3A_387 = arith.muli %add3A_358, %mul3A_386 : i32
        %add3A_388 = arith.addi %mul3A_142, %mul3A_387 : i32
        %dma_wait3A_389 = arith.constant 0 : i32
        %dma_wait3A_390 = arith.constant 0 : i32
        %dma_wait3A_391 = arith.constant 0 : i32
        %dma_wait3A_392 = tpu.memref_slice %arg19[%dma_wait3A_389, %dma_wait3A_390, %dma_wait3A_391] : memref<3x80x16xf32, #tpu.memory_space<vmem>> -> memref<1x80x16xf32, #tpu.memory_space<vmem>>
        %dma_wait3A_393 = tpu.memref_squeeze %dma_wait3A_392 : memref<1x80x16xf32, #tpu.memory_space<vmem>> -> memref<80x16xf32, #tpu.memory_space<vmem>>
        %dma_wait3A_394 = arith.constant 0 : i32
        %dma_wait3A_395 = tpu.memref_slice %arg9[%add3A_388, %dma_wait3A_394] : memref<320000x16xf32, #tpu.memory_space<hbm>> -> memref<80x16xf32, #tpu.memory_space<hbm>>
        %dma_wait3A_396 = arith.constant 0 : i32
        %dma_wait3A_397 = arith.constant 0 : i32
        %dma_wait3A_398 = tpu.memref_slice %arg19[%dma_wait3A_389, %dma_wait3A_396, %dma_wait3A_397] : memref<3x80x16xf32, #tpu.memory_space<vmem>> -> memref<1x80x16xf32, #tpu.memory_space<vmem>>
        %dma_wait3A_399 = tpu.memref_squeeze %dma_wait3A_398 : memref<1x80x16xf32, #tpu.memory_space<vmem>> -> memref<80x16xf32, #tpu.memory_space<vmem>>
        %dma_wait3A_400 = arith.constant 0 : i32
        %dma_wait3A_401 = tpu.memref_slice %arg9[%add3A_388, %dma_wait3A_400] : memref<320000x16xf32, #tpu.memory_space<hbm>> -> memref<80x16xf32, #tpu.memory_space<hbm>>
        tpu.wait_dma2 semaphore(%arg28 : memref<!tpu.dma_semaphore, #tpu.memory_space<semaphore_mem>>) src(%dma_wait3A_401 : memref<80x16xf32, #tpu.memory_space<hbm>>) dst(%dma_wait3A_399 : memref<80x16xf32, #tpu.memory_space<vmem>>)
        %scan3A_402 = arith.constant 0 : i32
        %scan3A_403 = arith.constant 0 : i32
        %scan3A_404 = arith.constant 80 : i32
        %scan3A_405 = arith.addi %scan3A_403, %scan3A_404 : i32
        %scan3A_406 = arith.constant 1 : i32
        %scan3A_407 = scf.for %scan3A_612 = %scan3A_403 to %scan3A_405 step %scan3A_406 iter_args(%scan3A_613 = %scan3A_402) -> (i32)  : i32 {
          %get3A = arith.constant 0 : i32
          %get3A_614 = arith.index_cast %get3A : i32 to index
          %get3A_615 = arith.index_cast %scan3A_612 : i32 to index
          %get3A_616 = arith.constant 0 : index
          %get3A_617 = tpu.vector_load %arg17[%get3A_614, %get3A_615, %get3A_616] {strides = array<i32>} : memref<3x80x64xf32, #tpu.memory_space<vmem>>, vector<1x1x16xf32>,
          %get3A_618 = vector.shape_cast %get3A_617 : vector<1x1x16xf32> to vector<16xf32>
          %get3A_619 = arith.constant 0 : i32
          %get3A_620 = arith.index_cast %get3A_619 : i32 to index
          %get3A_621 = arith.index_cast %scan3A_612 : i32 to index
          %get3A_622 = arith.constant 0 : index
          %get3A_623 = tpu.vector_load %arg18[%get3A_620, %get3A_621, %get3A_622] {strides = array<i32>} : memref<3x80x64xf32, #tpu.memory_space<vmem>>, vector<1x1x16xf32>,
          %get3A_624 = vector.shape_cast %get3A_623 : vector<1x1x16xf32> to vector<16xf32>
          %mul3A_625 = arith.mulf %get3A_618, %get3A_624 : vector<16xf32>
          %swap3A = arith.constant 0 : i32
          %swap3A_626 = arith.index_cast %swap3A : i32 to index
          %swap3A_627 = arith.index_cast %scan3A_612 : i32 to index
          %swap3A_628 = arith.constant 0 : index
          %swap3A_629 = tpu.vector_load %arg17[%swap3A_626, %swap3A_627, %swap3A_628] {strides = array<i32>} : memref<3x80x64xf32, #tpu.memory_space<vmem>>, vector<1x1x16xf32>,
          %swap3A_630 = vector.shape_cast %swap3A_629 : vector<1x1x16xf32> to vector<16xf32>
          %swap3A_631 = vector.shape_cast %mul3A_625 : vector<16xf32> to vector<1x1x16xf32>
          tpu.vector_store %arg17[%swap3A_626, %swap3A_627, %swap3A_628], %swap3A_631 {strides = array<i32>} : memref<3x80x64xf32, #tpu.memory_space<vmem>>, vector<1x1x16xf32>,
          %get3A_632 = arith.constant 0 : i32
          %get3A_633 = arith.index_cast %get3A_632 : i32 to index
          %get3A_634 = arith.index_cast %scan3A_612 : i32 to index
          %get3A_635 = arith.constant 16 : index
          %get3A_636 = tpu.vector_load %arg17[%get3A_633, %get3A_634, %get3A_635] {strides = array<i32>} : memref<3x80x64xf32, #tpu.memory_space<vmem>>, vector<1x1x16xf32>,
          %get3A_637 = vector.shape_cast %get3A_636 : vector<1x1x16xf32> to vector<16xf32>
          %get3A_638 = arith.constant 0 : i32
          %get3A_639 = arith.index_cast %get3A_638 : i32 to index
          %get3A_640 = arith.index_cast %scan3A_612 : i32 to index
          %get3A_641 = arith.constant 16 : index
          %get3A_642 = tpu.vector_load %arg18[%get3A_639, %get3A_640, %get3A_641] {strides = array<i32>} : memref<3x80x64xf32, #tpu.memory_space<vmem>>, vector<1x1x16xf32>,
          %get3A_643 = vector.shape_cast %get3A_642 : vector<1x1x16xf32> to vector<16xf32>
          %mul3A_644 = arith.mulf %get3A_637, %get3A_643 : vector<16xf32>
          %swap3A_645 = arith.constant 0 : i32
          %swap3A_646 = arith.index_cast %swap3A_645 : i32 to index
          %swap3A_647 = arith.index_cast %scan3A_612 : i32 to index
          %swap3A_648 = arith.constant 16 : index
          %swap3A_649 = tpu.vector_load %arg17[%swap3A_646, %swap3A_647, %swap3A_648] {strides = array<i32>} : memref<3x80x64xf32, #tpu.memory_space<vmem>>, vector<1x1x16xf32>,
          %swap3A_650 = vector.shape_cast %swap3A_649 : vector<1x1x16xf32> to vector<16xf32>
          %swap3A_651 = vector.shape_cast %mul3A_644 : vector<16xf32> to vector<1x1x16xf32>
          tpu.vector_store %arg17[%swap3A_646, %swap3A_647, %swap3A_648], %swap3A_651 {strides = array<i32>} : memref<3x80x64xf32, #tpu.memory_space<vmem>>, vector<1x1x16xf32>,
          %get3A_652 = arith.constant 0 : i32
          %get3A_653 = arith.index_cast %get3A_652 : i32 to index
          %get3A_654 = arith.index_cast %scan3A_612 : i32 to index
          %get3A_655 = arith.constant 32 : index
          %get3A_656 = tpu.vector_load %arg17[%get3A_653, %get3A_654, %get3A_655] {strides = array<i32>} : memref<3x80x64xf32, #tpu.memory_space<vmem>>, vector<1x1x16xf32>,
          %get3A_657 = vector.shape_cast %get3A_656 : vector<1x1x16xf32> to vector<16xf32>
          %get3A_658 = arith.constant 0 : i32
          %get3A_659 = arith.index_cast %get3A_658 : i32 to index
          %get3A_660 = arith.index_cast %scan3A_612 : i32 to index
          %get3A_661 = arith.constant 32 : index
          %get3A_662 = tpu.vector_load %arg18[%get3A_659, %get3A_660, %get3A_661] {strides = array<i32>} : memref<3x80x64xf32, #tpu.memory_space<vmem>>, vector<1x1x16xf32>,
          %get3A_663 = vector.shape_cast %get3A_662 : vector<1x1x16xf32> to vector<16xf32>
          %mul3A_664 = arith.mulf %get3A_657, %get3A_663 : vector<16xf32>
          %swap3A_665 = arith.constant 0 : i32
          %swap3A_666 = arith.index_cast %swap3A_665 : i32 to index
          %swap3A_667 = arith.index_cast %scan3A_612 : i32 to index
          %swap3A_668 = arith.constant 32 : index
          %swap3A_669 = tpu.vector_load %arg17[%swap3A_666, %swap3A_667, %swap3A_668] {strides = array<i32>} : memref<3x80x64xf32, #tpu.memory_space<vmem>>, vector<1x1x16xf32>,
          %swap3A_670 = vector.shape_cast %swap3A_669 : vector<1x1x16xf32> to vector<16xf32>
          %swap3A_671 = vector.shape_cast %mul3A_664 : vector<16xf32> to vector<1x1x16xf32>
          tpu.vector_store %arg17[%swap3A_666, %swap3A_667, %swap3A_668], %swap3A_671 {strides = array<i32>} : memref<3x80x64xf32, #tpu.memory_space<vmem>>, vector<1x1x16xf32>,
          %get3A_672 = arith.constant 0 : i32
          %get3A_673 = arith.index_cast %get3A_672 : i32 to index
          %get3A_674 = arith.index_cast %scan3A_612 : i32 to index
          %get3A_675 = arith.constant 48 : index
          %get3A_676 = tpu.vector_load %arg17[%get3A_673, %get3A_674, %get3A_675] {strides = array<i32>} : memref<3x80x64xf32, #tpu.memory_space<vmem>>, vector<1x1x16xf32>,
          %get3A_677 = vector.shape_cast %get3A_676 : vector<1x1x16xf32> to vector<16xf32>
          %get3A_678 = arith.constant 0 : i32
          %get3A_679 = arith.index_cast %get3A_678 : i32 to index
          %get3A_680 = arith.index_cast %scan3A_612 : i32 to index
          %get3A_681 = arith.constant 48 : index
          %get3A_682 = tpu.vector_load %arg18[%get3A_679, %get3A_680, %get3A_681] {strides = array<i32>} : memref<3x80x64xf32, #tpu.memory_space<vmem>>, vector<1x1x16xf32>,
          %get3A_683 = vector.shape_cast %get3A_682 : vector<1x1x16xf32> to vector<16xf32>
          %mul3A_684 = arith.mulf %get3A_677, %get3A_683 : vector<16xf32>
          %swap3A_685 = arith.constant 0 : i32
          %swap3A_686 = arith.index_cast %swap3A_685 : i32 to index
          %swap3A_687 = arith.index_cast %scan3A_612 : i32 to index
          %swap3A_688 = arith.constant 48 : index
          %swap3A_689 = tpu.vector_load %arg17[%swap3A_686, %swap3A_687, %swap3A_688] {strides = array<i32>} : memref<3x80x64xf32, #tpu.memory_space<vmem>>, vector<1x1x16xf32>,
          %swap3A_690 = vector.shape_cast %swap3A_689 : vector<1x1x16xf32> to vector<16xf32>
          %swap3A_691 = vector.shape_cast %mul3A_684 : vector<16xf32> to vector<1x1x16xf32>
          tpu.vector_store %arg17[%swap3A_686, %swap3A_687, %swap3A_688], %swap3A_691 {strides = array<i32>} : memref<3x80x64xf32, #tpu.memory_space<vmem>>, vector<1x1x16xf32>,
          %scan3A_692 = arith.constant 0 : i32
          scf.yield %scan3A_692 : i32
        }
        %scan3A_408 = arith.constant 80 : i32
        %dma_start3A_409 = arith.constant 0 : i32
        %dma_start3A_410 = arith.constant 0 : i32
        %dma_start3A_411 = arith.constant 0 : i32
        %dma_start3A_412 = tpu.memref_slice %arg17[%dma_start3A_409, %dma_start3A_410, %dma_start3A_411] : memref<3x80x64xf32, #tpu.memory_space<vmem>> -> memref<1x80x64xf32, #tpu.memory_space<vmem>>
        %dma_start3A_413 = tpu.memref_squeeze %dma_start3A_412 : memref<1x80x64xf32, #tpu.memory_space<vmem>> -> memref<80x64xf32, #tpu.memory_space<vmem>>
        %dma_start3A_414 = arith.constant 0 : i32
        %dma_start3A_415 = tpu.memref_slice %arg16[%add3A_358, %dma_start3A_414] : memref<250x80xi32, #tpu.memory_space<vmem>> -> memref<1x80xi32, #tpu.memory_space<vmem>>
        %dma_start3A_416 = tpu.memref_squeeze %dma_start3A_415 : memref<1x80xi32, #tpu.memory_space<vmem>> -> memref<80xi32, #tpu.memory_space<vmem>>
        %dma_start3A_417 = arith.constant 0 : i32
        %dma_start3A_418 = arith.constant 0 : i32
        %dma_start3A_419 = tpu.memref_slice %arg20[%dma_start3A_417, %dma_start3A_418] : memref<10240x64xf32, #tpu.memory_space<vmem_shared>> -> memref<10240x64xf32, #tpu.memory_space<vmem_shared>>
        tpu.enqueue_indirect_dma source(%dma_start3A_413 : memref<80x64xf32, #tpu.memory_space<vmem>>) target(%dma_start3A_419 : memref<10240x64xf32, #tpu.memory_space<vmem_shared>>) offsets(%dma_start3A_416 : memref<80xi32, #tpu.memory_space<vmem>>) semaphore(%arg31 : memref<!tpu.dma_semaphore, #tpu.memory_space<semaphore_mem>>) {add = true}
        %dma_start3A_420 = arith.constant 0 : i32
        %dma_start3A_421 = arith.constant 0 : i32
        %dma_start3A_422 = arith.constant 0 : i32
        %dma_start3A_423 = tpu.memref_slice %arg19[%dma_start3A_420, %dma_start3A_421, %dma_start3A_422] : memref<3x80x16xf32, #tpu.memory_space<vmem>> -> memref<1x80x16xf32, #tpu.memory_space<vmem>>
        %dma_start3A_424 = tpu.memref_squeeze %dma_start3A_423 : memref<1x80x16xf32, #tpu.memory_space<vmem>> -> memref<80x16xf32, #tpu.memory_space<vmem>>
        %dma_start3A_425 = arith.constant 0 : i32
        %dma_start3A_426 = tpu.memref_slice %arg16[%add3A_358, %dma_start3A_425] : memref<250x80xi32, #tpu.memory_space<vmem>> -> memref<1x80xi32, #tpu.memory_space<vmem>>
        %dma_start3A_427 = tpu.memref_squeeze %dma_start3A_426 : memref<1x80xi32, #tpu.memory_space<vmem>> -> memref<80xi32, #tpu.memory_space<vmem>>
        %dma_start3A_428 = arith.constant 0 : i32
        %dma_start3A_429 = arith.constant 0 : i32
        %dma_start3A_430 = tpu.memref_slice %arg21[%dma_start3A_428, %dma_start3A_429] : memref<10240x16xf32, #tpu.memory_space<vmem_shared>> -> memref<10240x16xf32, #tpu.memory_space<vmem_shared>>
        tpu.enqueue_indirect_dma source(%dma_start3A_424 : memref<80x16xf32, #tpu.memory_space<vmem>>) target(%dma_start3A_430 : memref<10240x16xf32, #tpu.memory_space<vmem_shared>>) offsets(%dma_start3A_427 : memref<80xi32, #tpu.memory_space<vmem>>) semaphore(%arg34 : memref<!tpu.dma_semaphore, #tpu.memory_space<semaphore_mem>>) {add = true}
        %ge3A = arith.constant 1 : i32
        %ge3A_431 = arith.cmpi sge, %add3A_358, %ge3A : i32
        %convert_element_type3A_432 = arith.extui %ge3A_431 : i1 to i32
        %cond3A_433 = arith.constant 0 : i32
        %cond3A_434 = arith.cmpi ne, %convert_element_type3A_432, %cond3A_433 : i32
        scf.if %cond3A_434 {
          %sub3A = arith.constant 1 : i32
          %sub3A_612 = arith.subi %add3A_358, %sub3A : i32
          %dma_wait3A_613 = arith.constant 2 : i32
          %dma_wait3A_614 = arith.constant 0 : i32
          %dma_wait3A_615 = arith.constant 0 : i32
          %dma_wait3A_616 = tpu.memref_slice %arg17[%dma_wait3A_613, %dma_wait3A_614, %dma_wait3A_615] : memref<3x80x64xf32, #tpu.memory_space<vmem>> -> memref<1x80x64xf32, #tpu.memory_space<vmem>>
          %dma_wait3A_617 = tpu.memref_squeeze %dma_wait3A_616 : memref<1x80x64xf32, #tpu.memory_space<vmem>> -> memref<80x64xf32, #tpu.memory_space<vmem>>
          %dma_wait3A_618 = arith.constant 0 : i32
          %dma_wait3A_619 = tpu.memref_slice %arg16[%sub3A_612, %dma_wait3A_618] : memref<250x80xi32, #tpu.memory_space<vmem>> -> memref<1x80xi32, #tpu.memory_space<vmem>>
          %dma_wait3A_620 = tpu.memref_squeeze %dma_wait3A_619 : memref<1x80xi32, #tpu.memory_space<vmem>> -> memref<80xi32, #tpu.memory_space<vmem>>
          %dma_wait3A_621 = arith.constant 0 : i32
          %dma_wait3A_622 = arith.constant 0 : i32
          %dma_wait3A_623 = tpu.memref_slice %arg20[%dma_wait3A_621, %dma_wait3A_622] : memref<10240x64xf32, #tpu.memory_space<vmem_shared>> -> memref<10240x64xf32, #tpu.memory_space<vmem_shared>>
          tpu.wait_indirect_dma semaphore(%arg33 : memref<!tpu.dma_semaphore, #tpu.memory_space<semaphore_mem>>) src(%dma_wait3A_617 : memref<80x64xf32, #tpu.memory_space<vmem>>) dst(%dma_wait3A_623 : memref<10240x64xf32, #tpu.memory_space<vmem_shared>>)
          %dma_wait3A_624 = arith.constant 2 : i32
          %dma_wait3A_625 = arith.constant 0 : i32
          %dma_wait3A_626 = arith.constant 0 : i32
          %dma_wait3A_627 = tpu.memref_slice %arg19[%dma_wait3A_624, %dma_wait3A_625, %dma_wait3A_626] : memref<3x80x16xf32, #tpu.memory_space<vmem>> -> memref<1x80x16xf32, #tpu.memory_space<vmem>>
          %dma_wait3A_628 = tpu.memref_squeeze %dma_wait3A_627 : memref<1x80x16xf32, #tpu.memory_space<vmem>> -> memref<80x16xf32, #tpu.memory_space<vmem>>
          %dma_wait3A_629 = arith.constant 0 : i32
          %dma_wait3A_630 = tpu.memref_slice %arg16[%sub3A_612, %dma_wait3A_629] : memref<250x80xi32, #tpu.memory_space<vmem>> -> memref<1x80xi32, #tpu.memory_space<vmem>>
          %dma_wait3A_631 = tpu.memref_squeeze %dma_wait3A_630 : memref<1x80xi32, #tpu.memory_space<vmem>> -> memref<80xi32, #tpu.memory_space<vmem>>
          %dma_wait3A_632 = arith.constant 0 : i32
          %dma_wait3A_633 = arith.constant 0 : i32
          %dma_wait3A_634 = tpu.memref_slice %arg21[%dma_wait3A_632, %dma_wait3A_633] : memref<10240x16xf32, #tpu.memory_space<vmem_shared>> -> memref<10240x16xf32, #tpu.memory_space<vmem_shared>>
          tpu.wait_indirect_dma semaphore(%arg36 : memref<!tpu.dma_semaphore, #tpu.memory_space<semaphore_mem>>) src(%dma_wait3A_628 : memref<80x16xf32, #tpu.memory_space<vmem>>) dst(%dma_wait3A_634 : memref<10240x16xf32, #tpu.memory_space<vmem_shared>>)
        } else {
        }
        %lt3A = arith.constant 248 : i32
        %lt3A_435 = arith.cmpi slt, %add3A_358, %lt3A : i32
        %convert_element_type3A_436 = arith.extui %lt3A_435 : i1 to i32
        %cond3A_437 = arith.constant 0 : i32
        %cond3A_438 = arith.cmpi ne, %convert_element_type3A_436, %cond3A_437 : i32
        scf.if %cond3A_438 {
          %add3A_612 = arith.constant 2 : i32
          %add3A_613 = arith.addi %add3A_358, %add3A_612 : i32
          %dma_start3A_614 = arith.constant 2 : i32
          %dma_start3A_615 = arith.constant 0 : i32
          %dma_start3A_616 = arith.constant 0 : i32
          %dma_start3A_617 = tpu.memref_slice %arg17[%dma_start3A_614, %dma_start3A_615, %dma_start3A_616] : memref<3x80x64xf32, #tpu.memory_space<vmem>> -> memref<1x80x64xf32, #tpu.memory_space<vmem>>
          %dma_start3A_618 = tpu.memref_squeeze %dma_start3A_617 : memref<1x80x64xf32, #tpu.memory_space<vmem>> -> memref<80x64xf32, #tpu.memory_space<vmem>>
          %dma_start3A_619 = arith.constant 0 : i32
          %dma_start3A_620 = tpu.memref_slice %arg15[%add3A_613, %dma_start3A_619] : memref<250x80xi32, #tpu.memory_space<vmem>> -> memref<1x80xi32, #tpu.memory_space<vmem>>
          %dma_start3A_621 = tpu.memref_squeeze %dma_start3A_620 : memref<1x80xi32, #tpu.memory_space<vmem>> -> memref<80xi32, #tpu.memory_space<vmem>>
          %dma_start3A_622 = arith.constant 0 : i32
          %dma_start3A_623 = arith.constant 0 : i32
          %dma_start3A_624 = tpu.memref_slice %arg4[%dma_start3A_622, %dma_start3A_623] : memref<10000x64xf32, #tpu.memory_space<hbm>> -> memref<10000x64xf32, #tpu.memory_space<hbm>>
          tpu.enqueue_indirect_dma source(%dma_start3A_624 : memref<10000x64xf32, #tpu.memory_space<hbm>>) target(%dma_start3A_618 : memref<80x64xf32, #tpu.memory_space<vmem>>) offsets(%dma_start3A_621 : memref<80xi32, #tpu.memory_space<vmem>>) semaphore(%arg24 : memref<!tpu.dma_semaphore, #tpu.memory_space<semaphore_mem>>)
          %mul3A_625 = arith.constant 80 : i32
          %mul3A_626 = arith.muli %add3A_613, %mul3A_625 : i32
          %add3A_627 = arith.addi %mul3A_142, %mul3A_626 : i32
          %dma_start3A_628 = arith.constant 2 : i32
          %dma_start3A_629 = arith.constant 0 : i32
          %dma_start3A_630 = arith.constant 0 : i32
          %dma_start3A_631 = tpu.memref_slice %arg18[%dma_start3A_628, %dma_start3A_629, %dma_start3A_630] : memref<3x80x64xf32, #tpu.memory_space<vmem>> -> memref<1x80x64xf32, #tpu.memory_space<vmem>>
          %dma_start3A_632 = tpu.memref_squeeze %dma_start3A_631 : memref<1x80x64xf32, #tpu.memory_space<vmem>> -> memref<80x64xf32, #tpu.memory_space<vmem>>
          %dma_start3A_633 = arith.constant 0 : i32
          %dma_start3A_634 = tpu.memref_slice %arg8[%add3A_627, %dma_start3A_633] : memref<320000x128xf32, #tpu.memory_space<hbm>> -> memref<80x64xf32, #tpu.memory_space<hbm>>
          %dma_start3A_635 = arith.constant 0 : i32
          %dma_start3A_636 = arith.constant 0 : i32
          %dma_start3A_637 = tpu.memref_slice %arg18[%dma_start3A_628, %dma_start3A_635, %dma_start3A_636] : memref<3x80x64xf32, #tpu.memory_space<vmem>> -> memref<1x80x64xf32, #tpu.memory_space<vmem>>
          %dma_start3A_638 = tpu.memref_squeeze %dma_start3A_637 : memref<1x80x64xf32, #tpu.memory_space<vmem>> -> memref<80x64xf32, #tpu.memory_space<vmem>>
          %dma_start3A_639 = arith.constant 0 : i32
          %dma_start3A_640 = tpu.memref_slice %arg8[%add3A_627, %dma_start3A_639] : memref<320000x128xf32, #tpu.memory_space<hbm>> -> memref<80x64xf32, #tpu.memory_space<hbm>>
          tpu.enqueue_dma source(%dma_start3A_640 : memref<80x64xf32, #tpu.memory_space<hbm>>) target(%dma_start3A_638 : memref<80x64xf32, #tpu.memory_space<vmem>>) target_semaphore(%arg27 : memref<!tpu.dma_semaphore, #tpu.memory_space<semaphore_mem>>)
          %mul3A_641 = arith.constant 80 : i32
          %mul3A_642 = arith.muli %add3A_613, %mul3A_641 : i32
          %add3A_643 = arith.addi %mul3A_142, %mul3A_642 : i32
          %dma_start3A_644 = arith.constant 2 : i32
          %dma_start3A_645 = arith.constant 0 : i32
          %dma_start3A_646 = arith.constant 0 : i32
          %dma_start3A_647 = tpu.memref_slice %arg19[%dma_start3A_644, %dma_start3A_645, %dma_start3A_646] : memref<3x80x16xf32, #tpu.memory_space<vmem>> -> memref<1x80x16xf32, #tpu.memory_space<vmem>>
          %dma_start3A_648 = tpu.memref_squeeze %dma_start3A_647 : memref<1x80x16xf32, #tpu.memory_space<vmem>> -> memref<80x16xf32, #tpu.memory_space<vmem>>
          %dma_start3A_649 = arith.constant 0 : i32
          %dma_start3A_650 = tpu.memref_slice %arg9[%add3A_643, %dma_start3A_649] : memref<320000x16xf32, #tpu.memory_space<hbm>> -> memref<80x16xf32, #tpu.memory_space<hbm>>
          %dma_start3A_651 = arith.constant 0 : i32
          %dma_start3A_652 = arith.constant 0 : i32
          %dma_start3A_653 = tpu.memref_slice %arg19[%dma_start3A_644, %dma_start3A_651, %dma_start3A_652] : memref<3x80x16xf32, #tpu.memory_space<vmem>> -> memref<1x80x16xf32, #tpu.memory_space<vmem>>
          %dma_start3A_654 = tpu.memref_squeeze %dma_start3A_653 : memref<1x80x16xf32, #tpu.memory_space<vmem>> -> memref<80x16xf32, #tpu.memory_space<vmem>>
          %dma_start3A_655 = arith.constant 0 : i32
          %dma_start3A_656 = tpu.memref_slice %arg9[%add3A_643, %dma_start3A_655] : memref<320000x16xf32, #tpu.memory_space<hbm>> -> memref<80x16xf32, #tpu.memory_space<hbm>>
          tpu.enqueue_dma source(%dma_start3A_656 : memref<80x16xf32, #tpu.memory_space<hbm>>) target(%dma_start3A_654 : memref<80x16xf32, #tpu.memory_space<vmem>>) target_semaphore(%arg30 : memref<!tpu.dma_semaphore, #tpu.memory_space<semaphore_mem>>)
        } else {
        }
        %mul3A_439 = arith.constant 3 : i32
        %mul3A_440 = arith.muli %scan3A_353, %mul3A_439 : i32
        %add3A_441 = arith.constant 1 : i32
        %add3A_442 = arith.addi %mul3A_440, %add3A_441 : i32
        %dma_wait3A_443 = arith.constant 1 : i32
        %dma_wait3A_444 = arith.constant 0 : i32
        %dma_wait3A_445 = arith.constant 0 : i32
        %dma_wait3A_446 = tpu.memref_slice %arg17[%dma_wait3A_443, %dma_wait3A_444, %dma_wait3A_445] : memref<3x80x64xf32, #tpu.memory_space<vmem>> -> memref<1x80x64xf32, #tpu.memory_space<vmem>>
        %dma_wait3A_447 = tpu.memref_squeeze %dma_wait3A_446 : memref<1x80x64xf32, #tpu.memory_space<vmem>> -> memref<80x64xf32, #tpu.memory_space<vmem>>
        %dma_wait3A_448 = arith.constant 0 : i32
        %dma_wait3A_449 = tpu.memref_slice %arg15[%add3A_442, %dma_wait3A_448] : memref<250x80xi32, #tpu.memory_space<vmem>> -> memref<1x80xi32, #tpu.memory_space<vmem>>
        %dma_wait3A_450 = tpu.memref_squeeze %dma_wait3A_449 : memref<1x80xi32, #tpu.memory_space<vmem>> -> memref<80xi32, #tpu.memory_space<vmem>>
        %dma_wait3A_451 = arith.constant 0 : i32
        %dma_wait3A_452 = arith.constant 0 : i32
        %dma_wait3A_453 = tpu.memref_slice %arg4[%dma_wait3A_451, %dma_wait3A_452] : memref<10000x64xf32, #tpu.memory_space<hbm>> -> memref<10000x64xf32, #tpu.memory_space<hbm>>
        tpu.wait_indirect_dma semaphore(%arg23 : memref<!tpu.dma_semaphore, #tpu.memory_space<semaphore_mem>>) src(%dma_wait3A_453 : memref<10000x64xf32, #tpu.memory_space<hbm>>) dst(%dma_wait3A_447 : memref<80x64xf32, #tpu.memory_space<vmem>>)
        %mul3A_454 = arith.constant 80 : i32
        %mul3A_455 = arith.muli %add3A_442, %mul3A_454 : i32
        %add3A_456 = arith.addi %mul3A_142, %mul3A_455 : i32
        %dma_wait3A_457 = arith.constant 1 : i32
        %dma_wait3A_458 = arith.constant 0 : i32
        %dma_wait3A_459 = arith.constant 0 : i32
        %dma_wait3A_460 = tpu.memref_slice %arg18[%dma_wait3A_457, %dma_wait3A_458, %dma_wait3A_459] : memref<3x80x64xf32, #tpu.memory_space<vmem>> -> memref<1x80x64xf32, #tpu.memory_space<vmem>>
        %dma_wait3A_461 = tpu.memref_squeeze %dma_wait3A_460 : memref<1x80x64xf32, #tpu.memory_space<vmem>> -> memref<80x64xf32, #tpu.memory_space<vmem>>
        %dma_wait3A_462 = arith.constant 0 : i32
        %dma_wait3A_463 = tpu.memref_slice %arg8[%add3A_456, %dma_wait3A_462] : memref<320000x128xf32, #tpu.memory_space<hbm>> -> memref<80x64xf32, #tpu.memory_space<hbm>>
        %dma_wait3A_464 = arith.constant 0 : i32
        %dma_wait3A_465 = arith.constant 0 : i32
        %dma_wait3A_466 = tpu.memref_slice %arg18[%dma_wait3A_457, %dma_wait3A_464, %dma_wait3A_465] : memref<3x80x64xf32, #tpu.memory_space<vmem>> -> memref<1x80x64xf32, #tpu.memory_space<vmem>>
        %dma_wait3A_467 = tpu.memref_squeeze %dma_wait3A_466 : memref<1x80x64xf32, #tpu.memory_space<vmem>> -> memref<80x64xf32, #tpu.memory_space<vmem>>
        %dma_wait3A_468 = arith.constant 0 : i32
        %dma_wait3A_469 = tpu.memref_slice %arg8[%add3A_456, %dma_wait3A_468] : memref<320000x128xf32, #tpu.memory_space<hbm>> -> memref<80x64xf32, #tpu.memory_space<hbm>>
        tpu.wait_dma2 semaphore(%arg26 : memref<!tpu.dma_semaphore, #tpu.memory_space<semaphore_mem>>) src(%dma_wait3A_469 : memref<80x64xf32, #tpu.memory_space<hbm>>) dst(%dma_wait3A_467 : memref<80x64xf32, #tpu.memory_space<vmem>>)
        %mul3A_470 = arith.constant 80 : i32
        %mul3A_471 = arith.muli %add3A_442, %mul3A_470 : i32
        %add3A_472 = arith.addi %mul3A_142, %mul3A_471 : i32
        %dma_wait3A_473 = arith.constant 1 : i32
        %dma_wait3A_474 = arith.constant 0 : i32
        %dma_wait3A_475 = arith.constant 0 : i32
        %dma_wait3A_476 = tpu.memref_slice %arg19[%dma_wait3A_473, %dma_wait3A_474, %dma_wait3A_475] : memref<3x80x16xf32, #tpu.memory_space<vmem>> -> memref<1x80x16xf32, #tpu.memory_space<vmem>>
        %dma_wait3A_477 = tpu.memref_squeeze %dma_wait3A_476 : memref<1x80x16xf32, #tpu.memory_space<vmem>> -> memref<80x16xf32, #tpu.memory_space<vmem>>
        %dma_wait3A_478 = arith.constant 0 : i32
        %dma_wait3A_479 = tpu.memref_slice %arg9[%add3A_472, %dma_wait3A_478] : memref<320000x16xf32, #tpu.memory_space<hbm>> -> memref<80x16xf32, #tpu.memory_space<hbm>>
        %dma_wait3A_480 = arith.constant 0 : i32
        %dma_wait3A_481 = arith.constant 0 : i32
        %dma_wait3A_482 = tpu.memref_slice %arg19[%dma_wait3A_473, %dma_wait3A_480, %dma_wait3A_481] : memref<3x80x16xf32, #tpu.memory_space<vmem>> -> memref<1x80x16xf32, #tpu.memory_space<vmem>>
        %dma_wait3A_483 = tpu.memref_squeeze %dma_wait3A_482 : memref<1x80x16xf32, #tpu.memory_space<vmem>> -> memref<80x16xf32, #tpu.memory_space<vmem>>
        %dma_wait3A_484 = arith.constant 0 : i32
        %dma_wait3A_485 = tpu.memref_slice %arg9[%add3A_472, %dma_wait3A_484] : memref<320000x16xf32, #tpu.memory_space<hbm>> -> memref<80x16xf32, #tpu.memory_space<hbm>>
        tpu.wait_dma2 semaphore(%arg29 : memref<!tpu.dma_semaphore, #tpu.memory_space<semaphore_mem>>) src(%dma_wait3A_485 : memref<80x16xf32, #tpu.memory_space<hbm>>) dst(%dma_wait3A_483 : memref<80x16xf32, #tpu.memory_space<vmem>>)
        %scan3A_486 = arith.constant 0 : i32
        %scan3A_487 = arith.constant 0 : i32
        %scan3A_488 = arith.constant 80 : i32
        %scan3A_489 = arith.addi %scan3A_487, %scan3A_488 : i32
        %scan3A_490 = arith.constant 1 : i32
        %scan3A_491 = scf.for %scan3A_612 = %scan3A_487 to %scan3A_489 step %scan3A_490 iter_args(%scan3A_613 = %scan3A_486) -> (i32)  : i32 {
          %get3A = arith.constant 1 : i32
          %get3A_614 = arith.index_cast %get3A : i32 to index
          %get3A_615 = arith.index_cast %scan3A_612 : i32 to index
          %get3A_616 = arith.constant 0 : index
          %get3A_617 = tpu.vector_load %arg17[%get3A_614, %get3A_615, %get3A_616] {strides = array<i32>} : memref<3x80x64xf32, #tpu.memory_space<vmem>>, vector<1x1x16xf32>,
          %get3A_618 = vector.shape_cast %get3A_617 : vector<1x1x16xf32> to vector<16xf32>
          %get3A_619 = arith.constant 1 : i32
          %get3A_620 = arith.index_cast %get3A_619 : i32 to index
          %get3A_621 = arith.index_cast %scan3A_612 : i32 to index
          %get3A_622 = arith.constant 0 : index
          %get3A_623 = tpu.vector_load %arg18[%get3A_620, %get3A_621, %get3A_622] {strides = array<i32>} : memref<3x80x64xf32, #tpu.memory_space<vmem>>, vector<1x1x16xf32>,
          %get3A_624 = vector.shape_cast %get3A_623 : vector<1x1x16xf32> to vector<16xf32>
          %mul3A_625 = arith.mulf %get3A_618, %get3A_624 : vector<16xf32>
          %swap3A = arith.constant 1 : i32
          %swap3A_626 = arith.index_cast %swap3A : i32 to index
          %swap3A_627 = arith.index_cast %scan3A_612 : i32 to index
          %swap3A_628 = arith.constant 0 : index
          %swap3A_629 = tpu.vector_load %arg17[%swap3A_626, %swap3A_627, %swap3A_628] {strides = array<i32>} : memref<3x80x64xf32, #tpu.memory_space<vmem>>, vector<1x1x16xf32>,
          %swap3A_630 = vector.shape_cast %swap3A_629 : vector<1x1x16xf32> to vector<16xf32>
          %swap3A_631 = vector.shape_cast %mul3A_625 : vector<16xf32> to vector<1x1x16xf32>
          tpu.vector_store %arg17[%swap3A_626, %swap3A_627, %swap3A_628], %swap3A_631 {strides = array<i32>} : memref<3x80x64xf32, #tpu.memory_space<vmem>>, vector<1x1x16xf32>,
          %get3A_632 = arith.constant 1 : i32
          %get3A_633 = arith.index_cast %get3A_632 : i32 to index
          %get3A_634 = arith.index_cast %scan3A_612 : i32 to index
          %get3A_635 = arith.constant 16 : index
          %get3A_636 = tpu.vector_load %arg17[%get3A_633, %get3A_634, %get3A_635] {strides = array<i32>} : memref<3x80x64xf32, #tpu.memory_space<vmem>>, vector<1x1x16xf32>,
          %get3A_637 = vector.shape_cast %get3A_636 : vector<1x1x16xf32> to vector<16xf32>
          %get3A_638 = arith.constant 1 : i32
          %get3A_639 = arith.index_cast %get3A_638 : i32 to index
          %get3A_640 = arith.index_cast %scan3A_612 : i32 to index
          %get3A_641 = arith.constant 16 : index
          %get3A_642 = tpu.vector_load %arg18[%get3A_639, %get3A_640, %get3A_641] {strides = array<i32>} : memref<3x80x64xf32, #tpu.memory_space<vmem>>, vector<1x1x16xf32>,
          %get3A_643 = vector.shape_cast %get3A_642 : vector<1x1x16xf32> to vector<16xf32>
          %mul3A_644 = arith.mulf %get3A_637, %get3A_643 : vector<16xf32>
          %swap3A_645 = arith.constant 1 : i32
          %swap3A_646 = arith.index_cast %swap3A_645 : i32 to index
          %swap3A_647 = arith.index_cast %scan3A_612 : i32 to index
          %swap3A_648 = arith.constant 16 : index
          %swap3A_649 = tpu.vector_load %arg17[%swap3A_646, %swap3A_647, %swap3A_648] {strides = array<i32>} : memref<3x80x64xf32, #tpu.memory_space<vmem>>, vector<1x1x16xf32>,
          %swap3A_650 = vector.shape_cast %swap3A_649 : vector<1x1x16xf32> to vector<16xf32>
          %swap3A_651 = vector.shape_cast %mul3A_644 : vector<16xf32> to vector<1x1x16xf32>
          tpu.vector_store %arg17[%swap3A_646, %swap3A_647, %swap3A_648], %swap3A_651 {strides = array<i32>} : memref<3x80x64xf32, #tpu.memory_space<vmem>>, vector<1x1x16xf32>,
          %get3A_652 = arith.constant 1 : i32
          %get3A_653 = arith.index_cast %get3A_652 : i32 to index
          %get3A_654 = arith.index_cast %scan3A_612 : i32 to index
          %get3A_655 = arith.constant 32 : index
          %get3A_656 = tpu.vector_load %arg17[%get3A_653, %get3A_654, %get3A_655] {strides = array<i32>} : memref<3x80x64xf32, #tpu.memory_space<vmem>>, vector<1x1x16xf32>,
          %get3A_657 = vector.shape_cast %get3A_656 : vector<1x1x16xf32> to vector<16xf32>
          %get3A_658 = arith.constant 1 : i32
          %get3A_659 = arith.index_cast %get3A_658 : i32 to index
          %get3A_660 = arith.index_cast %scan3A_612 : i32 to index
          %get3A_661 = arith.constant 32 : index
          %get3A_662 = tpu.vector_load %arg18[%get3A_659, %get3A_660, %get3A_661] {strides = array<i32>} : memref<3x80x64xf32, #tpu.memory_space<vmem>>, vector<1x1x16xf32>,
          %get3A_663 = vector.shape_cast %get3A_662 : vector<1x1x16xf32> to vector<16xf32>
          %mul3A_664 = arith.mulf %get3A_657, %get3A_663 : vector<16xf32>
          %swap3A_665 = arith.constant 1 : i32
          %swap3A_666 = arith.index_cast %swap3A_665 : i32 to index
          %swap3A_667 = arith.index_cast %scan3A_612 : i32 to index
          %swap3A_668 = arith.constant 32 : index
          %swap3A_669 = tpu.vector_load %arg17[%swap3A_666, %swap3A_667, %swap3A_668] {strides = array<i32>} : memref<3x80x64xf32, #tpu.memory_space<vmem>>, vector<1x1x16xf32>,
          %swap3A_670 = vector.shape_cast %swap3A_669 : vector<1x1x16xf32> to vector<16xf32>
          %swap3A_671 = vector.shape_cast %mul3A_664 : vector<16xf32> to vector<1x1x16xf32>
          tpu.vector_store %arg17[%swap3A_666, %swap3A_667, %swap3A_668], %swap3A_671 {strides = array<i32>} : memref<3x80x64xf32, #tpu.memory_space<vmem>>, vector<1x1x16xf32>,
          %get3A_672 = arith.constant 1 : i32
          %get3A_673 = arith.index_cast %get3A_672 : i32 to index
          %get3A_674 = arith.index_cast %scan3A_612 : i32 to index
          %get3A_675 = arith.constant 48 : index
          %get3A_676 = tpu.vector_load %arg17[%get3A_673, %get3A_674, %get3A_675] {strides = array<i32>} : memref<3x80x64xf32, #tpu.memory_space<vmem>>, vector<1x1x16xf32>,
          %get3A_677 = vector.shape_cast %get3A_676 : vector<1x1x16xf32> to vector<16xf32>
          %get3A_678 = arith.constant 1 : i32
          %get3A_679 = arith.index_cast %get3A_678 : i32 to index
          %get3A_680 = arith.index_cast %scan3A_612 : i32 to index
          %get3A_681 = arith.constant 48 : index
          %get3A_682 = tpu.vector_load %arg18[%get3A_679, %get3A_680, %get3A_681] {strides = array<i32>} : memref<3x80x64xf32, #tpu.memory_space<vmem>>, vector<1x1x16xf32>,
          %get3A_683 = vector.shape_cast %get3A_682 : vector<1x1x16xf32> to vector<16xf32>
          %mul3A_684 = arith.mulf %get3A_677, %get3A_683 : vector<16xf32>
          %swap3A_685 = arith.constant 1 : i32
          %swap3A_686 = arith.index_cast %swap3A_685 : i32 to index
          %swap3A_687 = arith.index_cast %scan3A_612 : i32 to index
          %swap3A_688 = arith.constant 48 : index
          %swap3A_689 = tpu.vector_load %arg17[%swap3A_686, %swap3A_687, %swap3A_688] {strides = array<i32>} : memref<3x80x64xf32, #tpu.memory_space<vmem>>, vector<1x1x16xf32>,
          %swap3A_690 = vector.shape_cast %swap3A_689 : vector<1x1x16xf32> to vector<16xf32>
          %swap3A_691 = vector.shape_cast %mul3A_684 : vector<16xf32> to vector<1x1x16xf32>
          tpu.vector_store %arg17[%swap3A_686, %swap3A_687, %swap3A_688], %swap3A_691 {strides = array<i32>} : memref<3x80x64xf32, #tpu.memory_space<vmem>>, vector<1x1x16xf32>,
          %scan3A_692 = arith.constant 0 : i32
          scf.yield %scan3A_692 : i32
        }
        %scan3A_492 = arith.constant 80 : i32
        %dma_start3A_493 = arith.constant 1 : i32
        %dma_start3A_494 = arith.constant 0 : i32
        %dma_start3A_495 = arith.constant 0 : i32
        %dma_start3A_496 = tpu.memref_slice %arg17[%dma_start3A_493, %dma_start3A_494, %dma_start3A_495] : memref<3x80x64xf32, #tpu.memory_space<vmem>> -> memref<1x80x64xf32, #tpu.memory_space<vmem>>
        %dma_start3A_497 = tpu.memref_squeeze %dma_start3A_496 : memref<1x80x64xf32, #tpu.memory_space<vmem>> -> memref<80x64xf32, #tpu.memory_space<vmem>>
        %dma_start3A_498 = arith.constant 0 : i32
        %dma_start3A_499 = tpu.memref_slice %arg16[%add3A_442, %dma_start3A_498] : memref<250x80xi32, #tpu.memory_space<vmem>> -> memref<1x80xi32, #tpu.memory_space<vmem>>
        %dma_start3A_500 = tpu.memref_squeeze %dma_start3A_499 : memref<1x80xi32, #tpu.memory_space<vmem>> -> memref<80xi32, #tpu.memory_space<vmem>>
        %dma_start3A_501 = arith.constant 0 : i32
        %dma_start3A_502 = arith.constant 0 : i32
        %dma_start3A_503 = tpu.memref_slice %arg20[%dma_start3A_501, %dma_start3A_502] : memref<10240x64xf32, #tpu.memory_space<vmem_shared>> -> memref<10240x64xf32, #tpu.memory_space<vmem_shared>>
        tpu.enqueue_indirect_dma source(%dma_start3A_497 : memref<80x64xf32, #tpu.memory_space<vmem>>) target(%dma_start3A_503 : memref<10240x64xf32, #tpu.memory_space<vmem_shared>>) offsets(%dma_start3A_500 : memref<80xi32, #tpu.memory_space<vmem>>) semaphore(%arg32 : memref<!tpu.dma_semaphore, #tpu.memory_space<semaphore_mem>>) {add = true}
        %dma_start3A_504 = arith.constant 1 : i32
        %dma_start3A_505 = arith.constant 0 : i32
        %dma_start3A_506 = arith.constant 0 : i32
        %dma_start3A_507 = tpu.memref_slice %arg19[%dma_start3A_504, %dma_start3A_505, %dma_start3A_506] : memref<3x80x16xf32, #tpu.memory_space<vmem>> -> memref<1x80x16xf32, #tpu.memory_space<vmem>>
        %dma_start3A_508 = tpu.memref_squeeze %dma_start3A_507 : memref<1x80x16xf32, #tpu.memory_space<vmem>> -> memref<80x16xf32, #tpu.memory_space<vmem>>
        %dma_start3A_509 = arith.constant 0 : i32
        %dma_start3A_510 = tpu.memref_slice %arg16[%add3A_442, %dma_start3A_509] : memref<250x80xi32, #tpu.memory_space<vmem>> -> memref<1x80xi32, #tpu.memory_space<vmem>>
        %dma_start3A_511 = tpu.memref_squeeze %dma_start3A_510 : memref<1x80xi32, #tpu.memory_space<vmem>> -> memref<80xi32, #tpu.memory_space<vmem>>
        %dma_start3A_512 = arith.constant 0 : i32
        %dma_start3A_513 = arith.constant 0 : i32
        %dma_start3A_514 = tpu.memref_slice %arg21[%dma_start3A_512, %dma_start3A_513] : memref<10240x16xf32, #tpu.memory_space<vmem_shared>> -> memref<10240x16xf32, #tpu.memory_space<vmem_shared>>
        tpu.enqueue_indirect_dma source(%dma_start3A_508 : memref<80x16xf32, #tpu.memory_space<vmem>>) target(%dma_start3A_514 : memref<10240x16xf32, #tpu.memory_space<vmem_shared>>) offsets(%dma_start3A_511 : memref<80xi32, #tpu.memory_space<vmem>>) semaphore(%arg35 : memref<!tpu.dma_semaphore, #tpu.memory_space<semaphore_mem>>) {add = true}
        %ge3A_515 = arith.constant 1 : i32
        %ge3A_516 = arith.cmpi sge, %add3A_442, %ge3A_515 : i32
        %convert_element_type3A_517 = arith.extui %ge3A_516 : i1 to i32
        %cond3A_518 = arith.constant 0 : i32
        %cond3A_519 = arith.cmpi ne, %convert_element_type3A_517, %cond3A_518 : i32
        scf.if %cond3A_519 {
          %sub3A = arith.constant 1 : i32
          %sub3A_612 = arith.subi %add3A_442, %sub3A : i32
          %dma_wait3A_613 = arith.constant 0 : i32
          %dma_wait3A_614 = arith.constant 0 : i32
          %dma_wait3A_615 = arith.constant 0 : i32
          %dma_wait3A_616 = tpu.memref_slice %arg17[%dma_wait3A_613, %dma_wait3A_614, %dma_wait3A_615] : memref<3x80x64xf32, #tpu.memory_space<vmem>> -> memref<1x80x64xf32, #tpu.memory_space<vmem>>
          %dma_wait3A_617 = tpu.memref_squeeze %dma_wait3A_616 : memref<1x80x64xf32, #tpu.memory_space<vmem>> -> memref<80x64xf32, #tpu.memory_space<vmem>>
          %dma_wait3A_618 = arith.constant 0 : i32
          %dma_wait3A_619 = tpu.memref_slice %arg16[%sub3A_612, %dma_wait3A_618] : memref<250x80xi32, #tpu.memory_space<vmem>> -> memref<1x80xi32, #tpu.memory_space<vmem>>
          %dma_wait3A_620 = tpu.memref_squeeze %dma_wait3A_619 : memref<1x80xi32, #tpu.memory_space<vmem>> -> memref<80xi32, #tpu.memory_space<vmem>>
          %dma_wait3A_621 = arith.constant 0 : i32
          %dma_wait3A_622 = arith.constant 0 : i32
          %dma_wait3A_623 = tpu.memref_slice %arg20[%dma_wait3A_621, %dma_wait3A_622] : memref<10240x64xf32, #tpu.memory_space<vmem_shared>> -> memref<10240x64xf32, #tpu.memory_space<vmem_shared>>
          tpu.wait_indirect_dma semaphore(%arg31 : memref<!tpu.dma_semaphore, #tpu.memory_space<semaphore_mem>>) src(%dma_wait3A_617 : memref<80x64xf32, #tpu.memory_space<vmem>>) dst(%dma_wait3A_623 : memref<10240x64xf32, #tpu.memory_space<vmem_shared>>)
          %dma_wait3A_624 = arith.constant 0 : i32
          %dma_wait3A_625 = arith.constant 0 : i32
          %dma_wait3A_626 = arith.constant 0 : i32
          %dma_wait3A_627 = tpu.memref_slice %arg19[%dma_wait3A_624, %dma_wait3A_625, %dma_wait3A_626] : memref<3x80x16xf32, #tpu.memory_space<vmem>> -> memref<1x80x16xf32, #tpu.memory_space<vmem>>
          %dma_wait3A_628 = tpu.memref_squeeze %dma_wait3A_627 : memref<1x80x16xf32, #tpu.memory_space<vmem>> -> memref<80x16xf32, #tpu.memory_space<vmem>>
          %dma_wait3A_629 = arith.constant 0 : i32
          %dma_wait3A_630 = tpu.memref_slice %arg16[%sub3A_612, %dma_wait3A_629] : memref<250x80xi32, #tpu.memory_space<vmem>> -> memref<1x80xi32, #tpu.memory_space<vmem>>
          %dma_wait3A_631 = tpu.memref_squeeze %dma_wait3A_630 : memref<1x80xi32, #tpu.memory_space<vmem>> -> memref<80xi32, #tpu.memory_space<vmem>>
          %dma_wait3A_632 = arith.constant 0 : i32
          %dma_wait3A_633 = arith.constant 0 : i32
          %dma_wait3A_634 = tpu.memref_slice %arg21[%dma_wait3A_632, %dma_wait3A_633] : memref<10240x16xf32, #tpu.memory_space<vmem_shared>> -> memref<10240x16xf32, #tpu.memory_space<vmem_shared>>
          tpu.wait_indirect_dma semaphore(%arg34 : memref<!tpu.dma_semaphore, #tpu.memory_space<semaphore_mem>>) src(%dma_wait3A_628 : memref<80x16xf32, #tpu.memory_space<vmem>>) dst(%dma_wait3A_634 : memref<10240x16xf32, #tpu.memory_space<vmem_shared>>)
        } else {
        }
        %lt3A_520 = arith.constant 248 : i32
        %lt3A_521 = arith.cmpi slt, %add3A_442, %lt3A_520 : i32
        %convert_element_type3A_522 = arith.extui %lt3A_521 : i1 to i32
        %cond3A_523 = arith.constant 0 : i32
        %cond3A_524 = arith.cmpi ne, %convert_element_type3A_522, %cond3A_523 : i32
        scf.if %cond3A_524 {
          %add3A_612 = arith.constant 2 : i32
          %add3A_613 = arith.addi %add3A_442, %add3A_612 : i32
          %dma_start3A_614 = arith.constant 0 : i32
          %dma_start3A_615 = arith.constant 0 : i32
          %dma_start3A_616 = arith.constant 0 : i32
          %dma_start3A_617 = tpu.memref_slice %arg17[%dma_start3A_614, %dma_start3A_615, %dma_start3A_616] : memref<3x80x64xf32, #tpu.memory_space<vmem>> -> memref<1x80x64xf32, #tpu.memory_space<vmem>>
          %dma_start3A_618 = tpu.memref_squeeze %dma_start3A_617 : memref<1x80x64xf32, #tpu.memory_space<vmem>> -> memref<80x64xf32, #tpu.memory_space<vmem>>
          %dma_start3A_619 = arith.constant 0 : i32
          %dma_start3A_620 = tpu.memref_slice %arg15[%add3A_613, %dma_start3A_619] : memref<250x80xi32, #tpu.memory_space<vmem>> -> memref<1x80xi32, #tpu.memory_space<vmem>>
          %dma_start3A_621 = tpu.memref_squeeze %dma_start3A_620 : memref<1x80xi32, #tpu.memory_space<vmem>> -> memref<80xi32, #tpu.memory_space<vmem>>
          %dma_start3A_622 = arith.constant 0 : i32
          %dma_start3A_623 = arith.constant 0 : i32
          %dma_start3A_624 = tpu.memref_slice %arg4[%dma_start3A_622, %dma_start3A_623] : memref<10000x64xf32, #tpu.memory_space<hbm>> -> memref<10000x64xf32, #tpu.memory_space<hbm>>
          tpu.enqueue_indirect_dma source(%dma_start3A_624 : memref<10000x64xf32, #tpu.memory_space<hbm>>) target(%dma_start3A_618 : memref<80x64xf32, #tpu.memory_space<vmem>>) offsets(%dma_start3A_621 : memref<80xi32, #tpu.memory_space<vmem>>) semaphore(%arg22 : memref<!tpu.dma_semaphore, #tpu.memory_space<semaphore_mem>>)
          %mul3A_625 = arith.constant 80 : i32
          %mul3A_626 = arith.muli %add3A_613, %mul3A_625 : i32
          %add3A_627 = arith.addi %mul3A_142, %mul3A_626 : i32
          %dma_start3A_628 = arith.constant 0 : i32
          %dma_start3A_629 = arith.constant 0 : i32
          %dma_start3A_630 = arith.constant 0 : i32
          %dma_start3A_631 = tpu.memref_slice %arg18[%dma_start3A_628, %dma_start3A_629, %dma_start3A_630] : memref<3x80x64xf32, #tpu.memory_space<vmem>> -> memref<1x80x64xf32, #tpu.memory_space<vmem>>
          %dma_start3A_632 = tpu.memref_squeeze %dma_start3A_631 : memref<1x80x64xf32, #tpu.memory_space<vmem>> -> memref<80x64xf32, #tpu.memory_space<vmem>>
          %dma_start3A_633 = arith.constant 0 : i32
          %dma_start3A_634 = tpu.memref_slice %arg8[%add3A_627, %dma_start3A_633] : memref<320000x128xf32, #tpu.memory_space<hbm>> -> memref<80x64xf32, #tpu.memory_space<hbm>>
          %dma_start3A_635 = arith.constant 0 : i32
          %dma_start3A_636 = arith.constant 0 : i32
          %dma_start3A_637 = tpu.memref_slice %arg18[%dma_start3A_628, %dma_start3A_635, %dma_start3A_636] : memref<3x80x64xf32, #tpu.memory_space<vmem>> -> memref<1x80x64xf32, #tpu.memory_space<vmem>>
          %dma_start3A_638 = tpu.memref_squeeze %dma_start3A_637 : memref<1x80x64xf32, #tpu.memory_space<vmem>> -> memref<80x64xf32, #tpu.memory_space<vmem>>
          %dma_start3A_639 = arith.constant 0 : i32
          %dma_start3A_640 = tpu.memref_slice %arg8[%add3A_627, %dma_start3A_639] : memref<320000x128xf32, #tpu.memory_space<hbm>> -> memref<80x64xf32, #tpu.memory_space<hbm>>
          tpu.enqueue_dma source(%dma_start3A_640 : memref<80x64xf32, #tpu.memory_space<hbm>>) target(%dma_start3A_638 : memref<80x64xf32, #tpu.memory_space<vmem>>) target_semaphore(%arg25 : memref<!tpu.dma_semaphore, #tpu.memory_space<semaphore_mem>>)
          %mul3A_641 = arith.constant 80 : i32
          %mul3A_642 = arith.muli %add3A_613, %mul3A_641 : i32
          %add3A_643 = arith.addi %mul3A_142, %mul3A_642 : i32
          %dma_start3A_644 = arith.constant 0 : i32
          %dma_start3A_645 = arith.constant 0 : i32
          %dma_start3A_646 = arith.constant 0 : i32
          %dma_start3A_647 = tpu.memref_slice %arg19[%dma_start3A_644, %dma_start3A_645, %dma_start3A_646] : memref<3x80x16xf32, #tpu.memory_space<vmem>> -> memref<1x80x16xf32, #tpu.memory_space<vmem>>
          %dma_start3A_648 = tpu.memref_squeeze %dma_start3A_647 : memref<1x80x16xf32, #tpu.memory_space<vmem>> -> memref<80x16xf32, #tpu.memory_space<vmem>>
          %dma_start3A_649 = arith.constant 0 : i32
          %dma_start3A_650 = tpu.memref_slice %arg9[%add3A_643, %dma_start3A_649] : memref<320000x16xf32, #tpu.memory_space<hbm>> -> memref<80x16xf32, #tpu.memory_space<hbm>>
          %dma_start3A_651 = arith.constant 0 : i32
          %dma_start3A_652 = arith.constant 0 : i32
          %dma_start3A_653 = tpu.memref_slice %arg19[%dma_start3A_644, %dma_start3A_651, %dma_start3A_652] : memref<3x80x16xf32, #tpu.memory_space<vmem>> -> memref<1x80x16xf32, #tpu.memory_space<vmem>>
          %dma_start3A_654 = tpu.memref_squeeze %dma_start3A_653 : memref<1x80x16xf32, #tpu.memory_space<vmem>> -> memref<80x16xf32, #tpu.memory_space<vmem>>
          %dma_start3A_655 = arith.constant 0 : i32
          %dma_start3A_656 = tpu.memref_slice %arg9[%add3A_643, %dma_start3A_655] : memref<320000x16xf32, #tpu.memory_space<hbm>> -> memref<80x16xf32, #tpu.memory_space<hbm>>
          tpu.enqueue_dma source(%dma_start3A_656 : memref<80x16xf32, #tpu.memory_space<hbm>>) target(%dma_start3A_654 : memref<80x16xf32, #tpu.memory_space<vmem>>) target_semaphore(%arg28 : memref<!tpu.dma_semaphore, #tpu.memory_space<semaphore_mem>>)
        } else {
        }
        %mul3A_525 = arith.constant 3 : i32
        %mul3A_526 = arith.muli %scan3A_353, %mul3A_525 : i32
        %add3A_527 = arith.constant 2 : i32
        %add3A_528 = arith.addi %mul3A_526, %add3A_527 : i32
        %dma_wait3A_529 = arith.constant 2 : i32
        %dma_wait3A_530 = arith.constant 0 : i32
        %dma_wait3A_531 = arith.constant 0 : i32
        %dma_wait3A_532 = tpu.memref_slice %arg17[%dma_wait3A_529, %dma_wait3A_530, %dma_wait3A_531] : memref<3x80x64xf32, #tpu.memory_space<vmem>> -> memref<1x80x64xf32, #tpu.memory_space<vmem>>
        %dma_wait3A_533 = tpu.memref_squeeze %dma_wait3A_532 : memref<1x80x64xf32, #tpu.memory_space<vmem>> -> memref<80x64xf32, #tpu.memory_space<vmem>>
        %dma_wait3A_534 = arith.constant 0 : i32
        %dma_wait3A_535 = tpu.memref_slice %arg15[%add3A_528, %dma_wait3A_534] : memref<250x80xi32, #tpu.memory_space<vmem>> -> memref<1x80xi32, #tpu.memory_space<vmem>>
        %dma_wait3A_536 = tpu.memref_squeeze %dma_wait3A_535 : memref<1x80xi32, #tpu.memory_space<vmem>> -> memref<80xi32, #tpu.memory_space<vmem>>
        %dma_wait3A_537 = arith.constant 0 : i32
        %dma_wait3A_538 = arith.constant 0 : i32
        %dma_wait3A_539 = tpu.memref_slice %arg4[%dma_wait3A_537, %dma_wait3A_538] : memref<10000x64xf32, #tpu.memory_space<hbm>> -> memref<10000x64xf32, #tpu.memory_space<hbm>>
        tpu.wait_indirect_dma semaphore(%arg24 : memref<!tpu.dma_semaphore, #tpu.memory_space<semaphore_mem>>) src(%dma_wait3A_539 : memref<10000x64xf32, #tpu.memory_space<hbm>>) dst(%dma_wait3A_533 : memref<80x64xf32, #tpu.memory_space<vmem>>)
        %mul3A_540 = arith.constant 80 : i32
        %mul3A_541 = arith.muli %add3A_528, %mul3A_540 : i32
        %add3A_542 = arith.addi %mul3A_142, %mul3A_541 : i32
        %dma_wait3A_543 = arith.constant 2 : i32
        %dma_wait3A_544 = arith.constant 0 : i32
        %dma_wait3A_545 = arith.constant 0 : i32
        %dma_wait3A_546 = tpu.memref_slice %arg18[%dma_wait3A_543, %dma_wait3A_544, %dma_wait3A_545] : memref<3x80x64xf32, #tpu.memory_space<vmem>> -> memref<1x80x64xf32, #tpu.memory_space<vmem>>
        %dma_wait3A_547 = tpu.memref_squeeze %dma_wait3A_546 : memref<1x80x64xf32, #tpu.memory_space<vmem>> -> memref<80x64xf32, #tpu.memory_space<vmem>>
        %dma_wait3A_548 = arith.constant 0 : i32
        %dma_wait3A_549 = tpu.memref_slice %arg8[%add3A_542, %dma_wait3A_548] : memref<320000x128xf32, #tpu.memory_space<hbm>> -> memref<80x64xf32, #tpu.memory_space<hbm>>
        %dma_wait3A_550 = arith.constant 0 : i32
        %dma_wait3A_551 = arith.constant 0 : i32
        %dma_wait3A_552 = tpu.memref_slice %arg18[%dma_wait3A_543, %dma_wait3A_550, %dma_wait3A_551] : memref<3x80x64xf32, #tpu.memory_space<vmem>> -> memref<1x80x64xf32, #tpu.memory_space<vmem>>
        %dma_wait3A_553 = tpu.memref_squeeze %dma_wait3A_552 : memref<1x80x64xf32, #tpu.memory_space<vmem>> -> memref<80x64xf32, #tpu.memory_space<vmem>>
        %dma_wait3A_554 = arith.constant 0 : i32
        %dma_wait3A_555 = tpu.memref_slice %arg8[%add3A_542, %dma_wait3A_554] : memref<320000x128xf32, #tpu.memory_space<hbm>> -> memref<80x64xf32, #tpu.memory_space<hbm>>
        tpu.wait_dma2 semaphore(%arg27 : memref<!tpu.dma_semaphore, #tpu.memory_space<semaphore_mem>>) src(%dma_wait3A_555 : memref<80x64xf32, #tpu.memory_space<hbm>>) dst(%dma_wait3A_553 : memref<80x64xf32, #tpu.memory_space<vmem>>)
        %mul3A_556 = arith.constant 80 : i32
        %mul3A_557 = arith.muli %add3A_528, %mul3A_556 : i32
        %add3A_558 = arith.addi %mul3A_142, %mul3A_557 : i32
        %dma_wait3A_559 = arith.constant 2 : i32
        %dma_wait3A_560 = arith.constant 0 : i32
        %dma_wait3A_561 = arith.constant 0 : i32
        %dma_wait3A_562 = tpu.memref_slice %arg19[%dma_wait3A_559, %dma_wait3A_560, %dma_wait3A_561] : memref<3x80x16xf32, #tpu.memory_space<vmem>> -> memref<1x80x16xf32, #tpu.memory_space<vmem>>
        %dma_wait3A_563 = tpu.memref_squeeze %dma_wait3A_562 : memref<1x80x16xf32, #tpu.memory_space<vmem>> -> memref<80x16xf32, #tpu.memory_space<vmem>>
        %dma_wait3A_564 = arith.constant 0 : i32
        %dma_wait3A_565 = tpu.memref_slice %arg9[%add3A_558, %dma_wait3A_564] : memref<320000x16xf32, #tpu.memory_space<hbm>> -> memref<80x16xf32, #tpu.memory_space<hbm>>
        %dma_wait3A_566 = arith.constant 0 : i32
        %dma_wait3A_567 = arith.constant 0 : i32
        %dma_wait3A_568 = tpu.memref_slice %arg19[%dma_wait3A_559, %dma_wait3A_566, %dma_wait3A_567] : memref<3x80x16xf32, #tpu.memory_space<vmem>> -> memref<1x80x16xf32, #tpu.memory_space<vmem>>
        %dma_wait3A_569 = tpu.memref_squeeze %dma_wait3A_568 : memref<1x80x16xf32, #tpu.memory_space<vmem>> -> memref<80x16xf32, #tpu.memory_space<vmem>>
        %dma_wait3A_570 = arith.constant 0 : i32
        %dma_wait3A_571 = tpu.memref_slice %arg9[%add3A_558, %dma_wait3A_570] : memref<320000x16xf32, #tpu.memory_space<hbm>> -> memref<80x16xf32, #tpu.memory_space<hbm>>
        tpu.wait_dma2 semaphore(%arg30 : memref<!tpu.dma_semaphore, #tpu.memory_space<semaphore_mem>>) src(%dma_wait3A_571 : memref<80x16xf32, #tpu.memory_space<hbm>>) dst(%dma_wait3A_569 : memref<80x16xf32, #tpu.memory_space<vmem>>)
        %scan3A_572 = arith.constant 0 : i32
        %scan3A_573 = arith.constant 0 : i32
        %scan3A_574 = arith.constant 80 : i32
        %scan3A_575 = arith.addi %scan3A_573, %scan3A_574 : i32
        %scan3A_576 = arith.constant 1 : i32
        %scan3A_577 = scf.for %scan3A_612 = %scan3A_573 to %scan3A_575 step %scan3A_576 iter_args(%scan3A_613 = %scan3A_572) -> (i32)  : i32 {
          %get3A = arith.constant 2 : i32
          %get3A_614 = arith.index_cast %get3A : i32 to index
          %get3A_615 = arith.index_cast %scan3A_612 : i32 to index
          %get3A_616 = arith.constant 0 : index
          %get3A_617 = tpu.vector_load %arg17[%get3A_614, %get3A_615, %get3A_616] {strides = array<i32>} : memref<3x80x64xf32, #tpu.memory_space<vmem>>, vector<1x1x16xf32>,
          %get3A_618 = vector.shape_cast %get3A_617 : vector<1x1x16xf32> to vector<16xf32>
          %get3A_619 = arith.constant 2 : i32
          %get3A_620 = arith.index_cast %get3A_619 : i32 to index
          %get3A_621 = arith.index_cast %scan3A_612 : i32 to index
          %get3A_622 = arith.constant 0 : index
          %get3A_623 = tpu.vector_load %arg18[%get3A_620, %get3A_621, %get3A_622] {strides = array<i32>} : memref<3x80x64xf32, #tpu.memory_space<vmem>>, vector<1x1x16xf32>,
          %get3A_624 = vector.shape_cast %get3A_623 : vector<1x1x16xf32> to vector<16xf32>
          %mul3A_625 = arith.mulf %get3A_618, %get3A_624 : vector<16xf32>
          %swap3A = arith.constant 2 : i32
          %swap3A_626 = arith.index_cast %swap3A : i32 to index
          %swap3A_627 = arith.index_cast %scan3A_612 : i32 to index
          %swap3A_628 = arith.constant 0 : index
          %swap3A_629 = tpu.vector_load %arg17[%swap3A_626, %swap3A_627, %swap3A_628] {strides = array<i32>} : memref<3x80x64xf32, #tpu.memory_space<vmem>>, vector<1x1x16xf32>,
          %swap3A_630 = vector.shape_cast %swap3A_629 : vector<1x1x16xf32> to vector<16xf32>
          %swap3A_631 = vector.shape_cast %mul3A_625 : vector<16xf32> to vector<1x1x16xf32>
          tpu.vector_store %arg17[%swap3A_626, %swap3A_627, %swap3A_628], %swap3A_631 {strides = array<i32>} : memref<3x80x64xf32, #tpu.memory_space<vmem>>, vector<1x1x16xf32>,
          %get3A_632 = arith.constant 2 : i32
          %get3A_633 = arith.index_cast %get3A_632 : i32 to index
          %get3A_634 = arith.index_cast %scan3A_612 : i32 to index
          %get3A_635 = arith.constant 16 : index
          %get3A_636 = tpu.vector_load %arg17[%get3A_633, %get3A_634, %get3A_635] {strides = array<i32>} : memref<3x80x64xf32, #tpu.memory_space<vmem>>, vector<1x1x16xf32>,
          %get3A_637 = vector.shape_cast %get3A_636 : vector<1x1x16xf32> to vector<16xf32>
          %get3A_638 = arith.constant 2 : i32
          %get3A_639 = arith.index_cast %get3A_638 : i32 to index
          %get3A_640 = arith.index_cast %scan3A_612 : i32 to index
          %get3A_641 = arith.constant 16 : index
          %get3A_642 = tpu.vector_load %arg18[%get3A_639, %get3A_640, %get3A_641] {strides = array<i32>} : memref<3x80x64xf32, #tpu.memory_space<vmem>>, vector<1x1x16xf32>,
          %get3A_643 = vector.shape_cast %get3A_642 : vector<1x1x16xf32> to vector<16xf32>
          %mul3A_644 = arith.mulf %get3A_637, %get3A_643 : vector<16xf32>
          %swap3A_645 = arith.constant 2 : i32
          %swap3A_646 = arith.index_cast %swap3A_645 : i32 to index
          %swap3A_647 = arith.index_cast %scan3A_612 : i32 to index
          %swap3A_648 = arith.constant 16 : index
          %swap3A_649 = tpu.vector_load %arg17[%swap3A_646, %swap3A_647, %swap3A_648] {strides = array<i32>} : memref<3x80x64xf32, #tpu.memory_space<vmem>>, vector<1x1x16xf32>,
          %swap3A_650 = vector.shape_cast %swap3A_649 : vector<1x1x16xf32> to vector<16xf32>
          %swap3A_651 = vector.shape_cast %mul3A_644 : vector<16xf32> to vector<1x1x16xf32>
          tpu.vector_store %arg17[%swap3A_646, %swap3A_647, %swap3A_648], %swap3A_651 {strides = array<i32>} : memref<3x80x64xf32, #tpu.memory_space<vmem>>, vector<1x1x16xf32>,
          %get3A_652 = arith.constant 2 : i32
          %get3A_653 = arith.index_cast %get3A_652 : i32 to index
          %get3A_654 = arith.index_cast %scan3A_612 : i32 to index
          %get3A_655 = arith.constant 32 : index
          %get3A_656 = tpu.vector_load %arg17[%get3A_653, %get3A_654, %get3A_655] {strides = array<i32>} : memref<3x80x64xf32, #tpu.memory_space<vmem>>, vector<1x1x16xf32>,
          %get3A_657 = vector.shape_cast %get3A_656 : vector<1x1x16xf32> to vector<16xf32>
          %get3A_658 = arith.constant 2 : i32
          %get3A_659 = arith.index_cast %get3A_658 : i32 to index
          %get3A_660 = arith.index_cast %scan3A_612 : i32 to index
          %get3A_661 = arith.constant 32 : index
          %get3A_662 = tpu.vector_load %arg18[%get3A_659, %get3A_660, %get3A_661] {strides = array<i32>} : memref<3x80x64xf32, #tpu.memory_space<vmem>>, vector<1x1x16xf32>,
          %get3A_663 = vector.shape_cast %get3A_662 : vector<1x1x16xf32> to vector<16xf32>
          %mul3A_664 = arith.mulf %get3A_657, %get3A_663 : vector<16xf32>
          %swap3A_665 = arith.constant 2 : i32
          %swap3A_666 = arith.index_cast %swap3A_665 : i32 to index
          %swap3A_667 = arith.index_cast %scan3A_612 : i32 to index
          %swap3A_668 = arith.constant 32 : index
          %swap3A_669 = tpu.vector_load %arg17[%swap3A_666, %swap3A_667, %swap3A_668] {strides = array<i32>} : memref<3x80x64xf32, #tpu.memory_space<vmem>>, vector<1x1x16xf32>,
          %swap3A_670 = vector.shape_cast %swap3A_669 : vector<1x1x16xf32> to vector<16xf32>
          %swap3A_671 = vector.shape_cast %mul3A_664 : vector<16xf32> to vector<1x1x16xf32>
          tpu.vector_store %arg17[%swap3A_666, %swap3A_667, %swap3A_668], %swap3A_671 {strides = array<i32>} : memref<3x80x64xf32, #tpu.memory_space<vmem>>, vector<1x1x16xf32>,
          %get3A_672 = arith.constant 2 : i32
          %get3A_673 = arith.index_cast %get3A_672 : i32 to index
          %get3A_674 = arith.index_cast %scan3A_612 : i32 to index
          %get3A_675 = arith.constant 48 : index
          %get3A_676 = tpu.vector_load %arg17[%get3A_673, %get3A_674, %get3A_675] {strides = array<i32>} : memref<3x80x64xf32, #tpu.memory_space<vmem>>, vector<1x1x16xf32>,
          %get3A_677 = vector.shape_cast %get3A_676 : vector<1x1x16xf32> to vector<16xf32>
          %get3A_678 = arith.constant 2 : i32
          %get3A_679 = arith.index_cast %get3A_678 : i32 to index
          %get3A_680 = arith.index_cast %scan3A_612 : i32 to index
          %get3A_681 = arith.constant 48 : index
          %get3A_682 = tpu.vector_load %arg18[%get3A_679, %get3A_680, %get3A_681] {strides = array<i32>} : memref<3x80x64xf32, #tpu.memory_space<vmem>>, vector<1x1x16xf32>,
          %get3A_683 = vector.shape_cast %get3A_682 : vector<1x1x16xf32> to vector<16xf32>
          %mul3A_684 = arith.mulf %get3A_677, %get3A_683 : vector<16xf32>
          %swap3A_685 = arith.constant 2 : i32
          %swap3A_686 = arith.index_cast %swap3A_685 : i32 to index
          %swap3A_687 = arith.index_cast %scan3A_612 : i32 to index
          %swap3A_688 = arith.constant 48 : index
          %swap3A_689 = tpu.vector_load %arg17[%swap3A_686, %swap3A_687, %swap3A_688] {strides = array<i32>} : memref<3x80x64xf32, #tpu.memory_space<vmem>>, vector<1x1x16xf32>,
          %swap3A_690 = vector.shape_cast %swap3A_689 : vector<1x1x16xf32> to vector<16xf32>
          %swap3A_691 = vector.shape_cast %mul3A_684 : vector<16xf32> to vector<1x1x16xf32>
          tpu.vector_store %arg17[%swap3A_686, %swap3A_687, %swap3A_688], %swap3A_691 {strides = array<i32>} : memref<3x80x64xf32, #tpu.memory_space<vmem>>, vector<1x1x16xf32>,
          %scan3A_692 = arith.constant 0 : i32
          scf.yield %scan3A_692 : i32
        }
        %scan3A_578 = arith.constant 80 : i32
        %dma_start3A_579 = arith.constant 2 : i32
        %dma_start3A_580 = arith.constant 0 : i32
        %dma_start3A_581 = arith.constant 0 : i32
        %dma_start3A_582 = tpu.memref_slice %arg17[%dma_start3A_579, %dma_start3A_580, %dma_start3A_581] : memref<3x80x64xf32, #tpu.memory_space<vmem>> -> memref<1x80x64xf32, #tpu.memory_space<vmem>>
        %dma_start3A_583 = tpu.memref_squeeze %dma_start3A_582 : memref<1x80x64xf32, #tpu.memory_space<vmem>> -> memref<80x64xf32, #tpu.memory_space<vmem>>
        %dma_start3A_584 = arith.constant 0 : i32
        %dma_start3A_585 = tpu.memref_slice %arg16[%add3A_528, %dma_start3A_584] : memref<250x80xi32, #tpu.memory_space<vmem>> -> memref<1x80xi32, #tpu.memory_space<vmem>>
        %dma_start3A_586 = tpu.memref_squeeze %dma_start3A_585 : memref<1x80xi32, #tpu.memory_space<vmem>> -> memref<80xi32, #tpu.memory_space<vmem>>
        %dma_start3A_587 = arith.constant 0 : i32
        %dma_start3A_588 = arith.constant 0 : i32
        %dma_start3A_589 = tpu.memref_slice %arg20[%dma_start3A_587, %dma_start3A_588] : memref<10240x64xf32, #tpu.memory_space<vmem_shared>> -> memref<10240x64xf32, #tpu.memory_space<vmem_shared>>
        tpu.enqueue_indirect_dma source(%dma_start3A_583 : memref<80x64xf32, #tpu.memory_space<vmem>>) target(%dma_start3A_589 : memref<10240x64xf32, #tpu.memory_space<vmem_shared>>) offsets(%dma_start3A_586 : memref<80xi32, #tpu.memory_space<vmem>>) semaphore(%arg33 : memref<!tpu.dma_semaphore, #tpu.memory_space<semaphore_mem>>) {add = true}
        %dma_start3A_590 = arith.constant 2 : i32
        %dma_start3A_591 = arith.constant 0 : i32
        %dma_start3A_592 = arith.constant 0 : i32
        %dma_start3A_593 = tpu.memref_slice %arg19[%dma_start3A_590, %dma_start3A_591, %dma_start3A_592] : memref<3x80x16xf32, #tpu.memory_space<vmem>> -> memref<1x80x16xf32, #tpu.memory_space<vmem>>
        %dma_start3A_594 = tpu.memref_squeeze %dma_start3A_593 : memref<1x80x16xf32, #tpu.memory_space<vmem>> -> memref<80x16xf32, #tpu.memory_space<vmem>>
        %dma_start3A_595 = arith.constant 0 : i32
        %dma_start3A_596 = tpu.memref_slice %arg16[%add3A_528, %dma_start3A_595] : memref<250x80xi32, #tpu.memory_space<vmem>> -> memref<1x80xi32, #tpu.memory_space<vmem>>
        %dma_start3A_597 = tpu.memref_squeeze %dma_start3A_596 : memref<1x80xi32, #tpu.memory_space<vmem>> -> memref<80xi32, #tpu.memory_space<vmem>>
        %dma_start3A_598 = arith.constant 0 : i32
        %dma_start3A_599 = arith.constant 0 : i32
        %dma_start3A_600 = tpu.memref_slice %arg21[%dma_start3A_598, %dma_start3A_599] : memref<10240x16xf32, #tpu.memory_space<vmem_shared>> -> memref<10240x16xf32, #tpu.memory_space<vmem_shared>>
        tpu.enqueue_indirect_dma source(%dma_start3A_594 : memref<80x16xf32, #tpu.memory_space<vmem>>) target(%dma_start3A_600 : memref<10240x16xf32, #tpu.memory_space<vmem_shared>>) offsets(%dma_start3A_597 : memref<80xi32, #tpu.memory_space<vmem>>) semaphore(%arg36 : memref<!tpu.dma_semaphore, #tpu.memory_space<semaphore_mem>>) {add = true}
        %ge3A_601 = arith.constant 1 : i32
        %ge3A_602 = arith.cmpi sge, %add3A_528, %ge3A_601 : i32
        %convert_element_type3A_603 = arith.extui %ge3A_602 : i1 to i32
        %cond3A_604 = arith.constant 0 : i32
        %cond3A_605 = arith.cmpi ne, %convert_element_type3A_603, %cond3A_604 : i32
        scf.if %cond3A_605 {
          %sub3A = arith.constant 1 : i32
          %sub3A_612 = arith.subi %add3A_528, %sub3A : i32
          %dma_wait3A_613 = arith.constant 1 : i32
          %dma_wait3A_614 = arith.constant 0 : i32
          %dma_wait3A_615 = arith.constant 0 : i32
          %dma_wait3A_616 = tpu.memref_slice %arg17[%dma_wait3A_613, %dma_wait3A_614, %dma_wait3A_615] : memref<3x80x64xf32, #tpu.memory_space<vmem>> -> memref<1x80x64xf32, #tpu.memory_space<vmem>>
          %dma_wait3A_617 = tpu.memref_squeeze %dma_wait3A_616 : memref<1x80x64xf32, #tpu.memory_space<vmem>> -> memref<80x64xf32, #tpu.memory_space<vmem>>
          %dma_wait3A_618 = arith.constant 0 : i32
          %dma_wait3A_619 = tpu.memref_slice %arg16[%sub3A_612, %dma_wait3A_618] : memref<250x80xi32, #tpu.memory_space<vmem>> -> memref<1x80xi32, #tpu.memory_space<vmem>>
          %dma_wait3A_620 = tpu.memref_squeeze %dma_wait3A_619 : memref<1x80xi32, #tpu.memory_space<vmem>> -> memref<80xi32, #tpu.memory_space<vmem>>
          %dma_wait3A_621 = arith.constant 0 : i32
          %dma_wait3A_622 = arith.constant 0 : i32
          %dma_wait3A_623 = tpu.memref_slice %arg20[%dma_wait3A_621, %dma_wait3A_622] : memref<10240x64xf32, #tpu.memory_space<vmem_shared>> -> memref<10240x64xf32, #tpu.memory_space<vmem_shared>>
          tpu.wait_indirect_dma semaphore(%arg32 : memref<!tpu.dma_semaphore, #tpu.memory_space<semaphore_mem>>) src(%dma_wait3A_617 : memref<80x64xf32, #tpu.memory_space<vmem>>) dst(%dma_wait3A_623 : memref<10240x64xf32, #tpu.memory_space<vmem_shared>>)
          %dma_wait3A_624 = arith.constant 1 : i32
          %dma_wait3A_625 = arith.constant 0 : i32
          %dma_wait3A_626 = arith.constant 0 : i32
          %dma_wait3A_627 = tpu.memref_slice %arg19[%dma_wait3A_624, %dma_wait3A_625, %dma_wait3A_626] : memref<3x80x16xf32, #tpu.memory_space<vmem>> -> memref<1x80x16xf32, #tpu.memory_space<vmem>>
          %dma_wait3A_628 = tpu.memref_squeeze %dma_wait3A_627 : memref<1x80x16xf32, #tpu.memory_space<vmem>> -> memref<80x16xf32, #tpu.memory_space<vmem>>
          %dma_wait3A_629 = arith.constant 0 : i32
          %dma_wait3A_630 = tpu.memref_slice %arg16[%sub3A_612, %dma_wait3A_629] : memref<250x80xi32, #tpu.memory_space<vmem>> -> memref<1x80xi32, #tpu.memory_space<vmem>>
          %dma_wait3A_631 = tpu.memref_squeeze %dma_wait3A_630 : memref<1x80xi32, #tpu.memory_space<vmem>> -> memref<80xi32, #tpu.memory_space<vmem>>
          %dma_wait3A_632 = arith.constant 0 : i32
          %dma_wait3A_633 = arith.constant 0 : i32
          %dma_wait3A_634 = tpu.memref_slice %arg21[%dma_wait3A_632, %dma_wait3A_633] : memref<10240x16xf32, #tpu.memory_space<vmem_shared>> -> memref<10240x16xf32, #tpu.memory_space<vmem_shared>>
          tpu.wait_indirect_dma semaphore(%arg35 : memref<!tpu.dma_semaphore, #tpu.memory_space<semaphore_mem>>) src(%dma_wait3A_628 : memref<80x16xf32, #tpu.memory_space<vmem>>) dst(%dma_wait3A_634 : memref<10240x16xf32, #tpu.memory_space<vmem_shared>>)
        } else {
        }
        %lt3A_606 = arith.constant 248 : i32
        %lt3A_607 = arith.cmpi slt, %add3A_528, %lt3A_606 : i32
        %convert_element_type3A_608 = arith.extui %lt3A_607 : i1 to i32
        %cond3A_609 = arith.constant 0 : i32
        %cond3A_610 = arith.cmpi ne, %convert_element_type3A_608, %cond3A_609 : i32
        scf.if %cond3A_610 {
          %add3A_612 = arith.constant 2 : i32
          %add3A_613 = arith.addi %add3A_528, %add3A_612 : i32
          %dma_start3A_614 = arith.constant 1 : i32
          %dma_start3A_615 = arith.constant 0 : i32
          %dma_start3A_616 = arith.constant 0 : i32
          %dma_start3A_617 = tpu.memref_slice %arg17[%dma_start3A_614, %dma_start3A_615, %dma_start3A_616] : memref<3x80x64xf32, #tpu.memory_space<vmem>> -> memref<1x80x64xf32, #tpu.memory_space<vmem>>
          %dma_start3A_618 = tpu.memref_squeeze %dma_start3A_617 : memref<1x80x64xf32, #tpu.memory_space<vmem>> -> memref<80x64xf32, #tpu.memory_space<vmem>>
          %dma_start3A_619 = arith.constant 0 : i32
          %dma_start3A_620 = tpu.memref_slice %arg15[%add3A_613, %dma_start3A_619] : memref<250x80xi32, #tpu.memory_space<vmem>> -> memref<1x80xi32, #tpu.memory_space<vmem>>
          %dma_start3A_621 = tpu.memref_squeeze %dma_start3A_620 : memref<1x80xi32, #tpu.memory_space<vmem>> -> memref<80xi32, #tpu.memory_space<vmem>>
          %dma_start3A_622 = arith.constant 0 : i32
          %dma_start3A_623 = arith.constant 0 : i32
          %dma_start3A_624 = tpu.memref_slice %arg4[%dma_start3A_622, %dma_start3A_623] : memref<10000x64xf32, #tpu.memory_space<hbm>> -> memref<10000x64xf32, #tpu.memory_space<hbm>>
          tpu.enqueue_indirect_dma source(%dma_start3A_624 : memref<10000x64xf32, #tpu.memory_space<hbm>>) target(%dma_start3A_618 : memref<80x64xf32, #tpu.memory_space<vmem>>) offsets(%dma_start3A_621 : memref<80xi32, #tpu.memory_space<vmem>>) semaphore(%arg23 : memref<!tpu.dma_semaphore, #tpu.memory_space<semaphore_mem>>)
          %mul3A_625 = arith.constant 80 : i32
          %mul3A_626 = arith.muli %add3A_613, %mul3A_625 : i32
          %add3A_627 = arith.addi %mul3A_142, %mul3A_626 : i32
          %dma_start3A_628 = arith.constant 1 : i32
          %dma_start3A_629 = arith.constant 0 : i32
          %dma_start3A_630 = arith.constant 0 : i32
          %dma_start3A_631 = tpu.memref_slice %arg18[%dma_start3A_628, %dma_start3A_629, %dma_start3A_630] : memref<3x80x64xf32, #tpu.memory_space<vmem>> -> memref<1x80x64xf32, #tpu.memory_space<vmem>>
          %dma_start3A_632 = tpu.memref_squeeze %dma_start3A_631 : memref<1x80x64xf32, #tpu.memory_space<vmem>> -> memref<80x64xf32, #tpu.memory_space<vmem>>
          %dma_start3A_633 = arith.constant 0 : i32
          %dma_start3A_634 = tpu.memref_slice %arg8[%add3A_627, %dma_start3A_633] : memref<320000x128xf32, #tpu.memory_space<hbm>> -> memref<80x64xf32, #tpu.memory_space<hbm>>
          %dma_start3A_635 = arith.constant 0 : i32
          %dma_start3A_636 = arith.constant 0 : i32
          %dma_start3A_637 = tpu.memref_slice %arg18[%dma_start3A_628, %dma_start3A_635, %dma_start3A_636] : memref<3x80x64xf32, #tpu.memory_space<vmem>> -> memref<1x80x64xf32, #tpu.memory_space<vmem>>
          %dma_start3A_638 = tpu.memref_squeeze %dma_start3A_637 : memref<1x80x64xf32, #tpu.memory_space<vmem>> -> memref<80x64xf32, #tpu.memory_space<vmem>>
          %dma_start3A_639 = arith.constant 0 : i32
          %dma_start3A_640 = tpu.memref_slice %arg8[%add3A_627, %dma_start3A_639] : memref<320000x128xf32, #tpu.memory_space<hbm>> -> memref<80x64xf32, #tpu.memory_space<hbm>>
          tpu.enqueue_dma source(%dma_start3A_640 : memref<80x64xf32, #tpu.memory_space<hbm>>) target(%dma_start3A_638 : memref<80x64xf32, #tpu.memory_space<vmem>>) target_semaphore(%arg26 : memref<!tpu.dma_semaphore, #tpu.memory_space<semaphore_mem>>)
          %mul3A_641 = arith.constant 80 : i32
          %mul3A_642 = arith.muli %add3A_613, %mul3A_641 : i32
          %add3A_643 = arith.addi %mul3A_142, %mul3A_642 : i32
          %dma_start3A_644 = arith.constant 1 : i32
          %dma_start3A_645 = arith.constant 0 : i32
          %dma_start3A_646 = arith.constant 0 : i32
          %dma_start3A_647 = tpu.memref_slice %arg19[%dma_start3A_644, %dma_start3A_645, %dma_start3A_646] : memref<3x80x16xf32, #tpu.memory_space<vmem>> -> memref<1x80x16xf32, #tpu.memory_space<vmem>>
          %dma_start3A_648 = tpu.memref_squeeze %dma_start3A_647 : memref<1x80x16xf32, #tpu.memory_space<vmem>> -> memref<80x16xf32, #tpu.memory_space<vmem>>
          %dma_start3A_649 = arith.constant 0 : i32
          %dma_start3A_650 = tpu.memref_slice %arg9[%add3A_643, %dma_start3A_649] : memref<320000x16xf32, #tpu.memory_space<hbm>> -> memref<80x16xf32, #tpu.memory_space<hbm>>
          %dma_start3A_651 = arith.constant 0 : i32
          %dma_start3A_652 = arith.constant 0 : i32
          %dma_start3A_653 = tpu.memref_slice %arg19[%dma_start3A_644, %dma_start3A_651, %dma_start3A_652] : memref<3x80x16xf32, #tpu.memory_space<vmem>> -> memref<1x80x16xf32, #tpu.memory_space<vmem>>
          %dma_start3A_654 = tpu.memref_squeeze %dma_start3A_653 : memref<1x80x16xf32, #tpu.memory_space<vmem>> -> memref<80x16xf32, #tpu.memory_space<vmem>>
          %dma_start3A_655 = arith.constant 0 : i32
          %dma_start3A_656 = tpu.memref_slice %arg9[%add3A_643, %dma_start3A_655] : memref<320000x16xf32, #tpu.memory_space<hbm>> -> memref<80x16xf32, #tpu.memory_space<hbm>>
          tpu.enqueue_dma source(%dma_start3A_656 : memref<80x16xf32, #tpu.memory_space<hbm>>) target(%dma_start3A_654 : memref<80x16xf32, #tpu.memory_space<vmem>>) target_semaphore(%arg29 : memref<!tpu.dma_semaphore, #tpu.memory_space<semaphore_mem>>)
        } else {
        }
        %scan3A_611 = arith.constant 0 : i32
        scf.yield %scan3A_611 : i32
      }
      %scan3A_232 = arith.constant 83 : i32
      %dma_wait3A = arith.constant 249 : i32
      %dma_wait3A_233 = arith.constant 0 : i32
      %dma_wait3A_234 = arith.constant 0 : i32
      %dma_wait3A_235 = arith.constant 0 : i32
      %dma_wait3A_236 = tpu.memref_slice %arg17[%dma_wait3A_233, %dma_wait3A_234, %dma_wait3A_235] : memref<3x80x64xf32, #tpu.memory_space<vmem>> -> memref<1x80x64xf32, #tpu.memory_space<vmem>>
      %dma_wait3A_237 = tpu.memref_squeeze %dma_wait3A_236 : memref<1x80x64xf32, #tpu.memory_space<vmem>> -> memref<80x64xf32, #tpu.memory_space<vmem>>
      %dma_wait3A_238 = arith.constant 0 : i32
      %dma_wait3A_239 = tpu.memref_slice %arg15[%dma_wait3A, %dma_wait3A_238] : memref<250x80xi32, #tpu.memory_space<vmem>> -> memref<1x80xi32, #tpu.memory_space<vmem>>
      %dma_wait3A_240 = tpu.memref_squeeze %dma_wait3A_239 : memref<1x80xi32, #tpu.memory_space<vmem>> -> memref<80xi32, #tpu.memory_space<vmem>>
      %dma_wait3A_241 = arith.constant 0 : i32
      %dma_wait3A_242 = arith.constant 0 : i32
      %dma_wait3A_243 = tpu.memref_slice %arg4[%dma_wait3A_241, %dma_wait3A_242] : memref<10000x64xf32, #tpu.memory_space<hbm>> -> memref<10000x64xf32, #tpu.memory_space<hbm>>
      tpu.wait_indirect_dma semaphore(%arg22 : memref<!tpu.dma_semaphore, #tpu.memory_space<semaphore_mem>>) src(%dma_wait3A_243 : memref<10000x64xf32, #tpu.memory_space<hbm>>) dst(%dma_wait3A_237 : memref<80x64xf32, #tpu.memory_space<vmem>>)
      %add3A_244 = arith.constant 19920 : i32
      %add3A_245 = arith.addi %mul3A_142, %add3A_244 : i32
      %dma_wait3A_246 = arith.constant 0 : i32
      %dma_wait3A_247 = arith.constant 0 : i32
      %dma_wait3A_248 = arith.constant 0 : i32
      %dma_wait3A_249 = tpu.memref_slice %arg18[%dma_wait3A_246, %dma_wait3A_247, %dma_wait3A_248] : memref<3x80x64xf32, #tpu.memory_space<vmem>> -> memref<1x80x64xf32, #tpu.memory_space<vmem>>
      %dma_wait3A_250 = tpu.memref_squeeze %dma_wait3A_249 : memref<1x80x64xf32, #tpu.memory_space<vmem>> -> memref<80x64xf32, #tpu.memory_space<vmem>>
      %dma_wait3A_251 = arith.constant 0 : i32
      %dma_wait3A_252 = tpu.memref_slice %arg8[%add3A_245, %dma_wait3A_251] : memref<320000x128xf32, #tpu.memory_space<hbm>> -> memref<80x64xf32, #tpu.memory_space<hbm>>
      %dma_wait3A_253 = arith.constant 0 : i32
      %dma_wait3A_254 = arith.constant 0 : i32
      %dma_wait3A_255 = tpu.memref_slice %arg18[%dma_wait3A_246, %dma_wait3A_253, %dma_wait3A_254] : memref<3x80x64xf32, #tpu.memory_space<vmem>> -> memref<1x80x64xf32, #tpu.memory_space<vmem>>
      %dma_wait3A_256 = tpu.memref_squeeze %dma_wait3A_255 : memref<1x80x64xf32, #tpu.memory_space<vmem>> -> memref<80x64xf32, #tpu.memory_space<vmem>>
      %dma_wait3A_257 = arith.constant 0 : i32
      %dma_wait3A_258 = tpu.memref_slice %arg8[%add3A_245, %dma_wait3A_257] : memref<320000x128xf32, #tpu.memory_space<hbm>> -> memref<80x64xf32, #tpu.memory_space<hbm>>
      tpu.wait_dma2 semaphore(%arg25 : memref<!tpu.dma_semaphore, #tpu.memory_space<semaphore_mem>>) src(%dma_wait3A_258 : memref<80x64xf32, #tpu.memory_space<hbm>>) dst(%dma_wait3A_256 : memref<80x64xf32, #tpu.memory_space<vmem>>)
      %add3A_259 = arith.constant 19920 : i32
      %add3A_260 = arith.addi %mul3A_142, %add3A_259 : i32
      %dma_wait3A_261 = arith.constant 0 : i32
      %dma_wait3A_262 = arith.constant 0 : i32
      %dma_wait3A_263 = arith.constant 0 : i32
      %dma_wait3A_264 = tpu.memref_slice %arg19[%dma_wait3A_261, %dma_wait3A_262, %dma_wait3A_263] : memref<3x80x16xf32, #tpu.memory_space<vmem>> -> memref<1x80x16xf32, #tpu.memory_space<vmem>>
      %dma_wait3A_265 = tpu.memref_squeeze %dma_wait3A_264 : memref<1x80x16xf32, #tpu.memory_space<vmem>> -> memref<80x16xf32, #tpu.memory_space<vmem>>
      %dma_wait3A_266 = arith.constant 0 : i32
      %dma_wait3A_267 = tpu.memref_slice %arg9[%add3A_260, %dma_wait3A_266] : memref<320000x16xf32, #tpu.memory_space<hbm>> -> memref<80x16xf32, #tpu.memory_space<hbm>>
      %dma_wait3A_268 = arith.constant 0 : i32
      %dma_wait3A_269 = arith.constant 0 : i32
      %dma_wait3A_270 = tpu.memref_slice %arg19[%dma_wait3A_261, %dma_wait3A_268, %dma_wait3A_269] : memref<3x80x16xf32, #tpu.memory_space<vmem>> -> memref<1x80x16xf32, #tpu.memory_space<vmem>>
      %dma_wait3A_271 = tpu.memref_squeeze %dma_wait3A_270 : memref<1x80x16xf32, #tpu.memory_space<vmem>> -> memref<80x16xf32, #tpu.memory_space<vmem>>
      %dma_wait3A_272 = arith.constant 0 : i32
      %dma_wait3A_273 = tpu.memref_slice %arg9[%add3A_260, %dma_wait3A_272] : memref<320000x16xf32, #tpu.memory_space<hbm>> -> memref<80x16xf32, #tpu.memory_space<hbm>>
      tpu.wait_dma2 semaphore(%arg28 : memref<!tpu.dma_semaphore, #tpu.memory_space<semaphore_mem>>) src(%dma_wait3A_273 : memref<80x16xf32, #tpu.memory_space<hbm>>) dst(%dma_wait3A_271 : memref<80x16xf32, #tpu.memory_space<vmem>>)
      %scan3A_274 = arith.constant 0 : i32
      %scan3A_275 = arith.constant 0 : i32
      %scan3A_276 = arith.constant 80 : i32
      %scan3A_277 = arith.addi %scan3A_275, %scan3A_276 : i32
      %scan3A_278 = arith.constant 1 : i32
      %scan3A_279 = scf.for %scan3A_353 = %scan3A_275 to %scan3A_277 step %scan3A_278 iter_args(%scan3A_354 = %scan3A_274) -> (i32)  : i32 {
        %get3A = arith.constant 0 : i32
        %get3A_355 = arith.index_cast %get3A : i32 to index
        %get3A_356 = arith.index_cast %scan3A_353 : i32 to index
        %get3A_357 = arith.constant 0 : index
        %get3A_358 = tpu.vector_load %arg17[%get3A_355, %get3A_356, %get3A_357] {strides = array<i32>} : memref<3x80x64xf32, #tpu.memory_space<vmem>>, vector<1x1x16xf32>,
        %get3A_359 = vector.shape_cast %get3A_358 : vector<1x1x16xf32> to vector<16xf32>
        %get3A_360 = arith.constant 0 : i32
        %get3A_361 = arith.index_cast %get3A_360 : i32 to index
        %get3A_362 = arith.index_cast %scan3A_353 : i32 to index
        %get3A_363 = arith.constant 0 : index
        %get3A_364 = tpu.vector_load %arg18[%get3A_361, %get3A_362, %get3A_363] {strides = array<i32>} : memref<3x80x64xf32, #tpu.memory_space<vmem>>, vector<1x1x16xf32>,
        %get3A_365 = vector.shape_cast %get3A_364 : vector<1x1x16xf32> to vector<16xf32>
        %mul3A_366 = arith.mulf %get3A_359, %get3A_365 : vector<16xf32>
        %swap3A = arith.constant 0 : i32
        %swap3A_367 = arith.index_cast %swap3A : i32 to index
        %swap3A_368 = arith.index_cast %scan3A_353 : i32 to index
        %swap3A_369 = arith.constant 0 : index
        %swap3A_370 = tpu.vector_load %arg17[%swap3A_367, %swap3A_368, %swap3A_369] {strides = array<i32>} : memref<3x80x64xf32, #tpu.memory_space<vmem>>, vector<1x1x16xf32>,
        %swap3A_371 = vector.shape_cast %swap3A_370 : vector<1x1x16xf32> to vector<16xf32>
        %swap3A_372 = vector.shape_cast %mul3A_366 : vector<16xf32> to vector<1x1x16xf32>
        tpu.vector_store %arg17[%swap3A_367, %swap3A_368, %swap3A_369], %swap3A_372 {strides = array<i32>} : memref<3x80x64xf32, #tpu.memory_space<vmem>>, vector<1x1x16xf32>,
        %get3A_373 = arith.constant 0 : i32
        %get3A_374 = arith.index_cast %get3A_373 : i32 to index
        %get3A_375 = arith.index_cast %scan3A_353 : i32 to index
        %get3A_376 = arith.constant 16 : index
        %get3A_377 = tpu.vector_load %arg17[%get3A_374, %get3A_375, %get3A_376] {strides = array<i32>} : memref<3x80x64xf32, #tpu.memory_space<vmem>>, vector<1x1x16xf32>,
        %get3A_378 = vector.shape_cast %get3A_377 : vector<1x1x16xf32> to vector<16xf32>
        %get3A_379 = arith.constant 0 : i32
        %get3A_380 = arith.index_cast %get3A_379 : i32 to index
        %get3A_381 = arith.index_cast %scan3A_353 : i32 to index
        %get3A_382 = arith.constant 16 : index
        %get3A_383 = tpu.vector_load %arg18[%get3A_380, %get3A_381, %get3A_382] {strides = array<i32>} : memref<3x80x64xf32, #tpu.memory_space<vmem>>, vector<1x1x16xf32>,
        %get3A_384 = vector.shape_cast %get3A_383 : vector<1x1x16xf32> to vector<16xf32>
        %mul3A_385 = arith.mulf %get3A_378, %get3A_384 : vector<16xf32>
        %swap3A_386 = arith.constant 0 : i32
        %swap3A_387 = arith.index_cast %swap3A_386 : i32 to index
        %swap3A_388 = arith.index_cast %scan3A_353 : i32 to index
        %swap3A_389 = arith.constant 16 : index
        %swap3A_390 = tpu.vector_load %arg17[%swap3A_387, %swap3A_388, %swap3A_389] {strides = array<i32>} : memref<3x80x64xf32, #tpu.memory_space<vmem>>, vector<1x1x16xf32>,
        %swap3A_391 = vector.shape_cast %swap3A_390 : vector<1x1x16xf32> to vector<16xf32>
        %swap3A_392 = vector.shape_cast %mul3A_385 : vector<16xf32> to vector<1x1x16xf32>
        tpu.vector_store %arg17[%swap3A_387, %swap3A_388, %swap3A_389], %swap3A_392 {strides = array<i32>} : memref<3x80x64xf32, #tpu.memory_space<vmem>>, vector<1x1x16xf32>,
        %get3A_393 = arith.constant 0 : i32
        %get3A_394 = arith.index_cast %get3A_393 : i32 to index
        %get3A_395 = arith.index_cast %scan3A_353 : i32 to index
        %get3A_396 = arith.constant 32 : index
        %get3A_397 = tpu.vector_load %arg17[%get3A_394, %get3A_395, %get3A_396] {strides = array<i32>} : memref<3x80x64xf32, #tpu.memory_space<vmem>>, vector<1x1x16xf32>,
        %get3A_398 = vector.shape_cast %get3A_397 : vector<1x1x16xf32> to vector<16xf32>
        %get3A_399 = arith.constant 0 : i32
        %get3A_400 = arith.index_cast %get3A_399 : i32 to index
        %get3A_401 = arith.index_cast %scan3A_353 : i32 to index
        %get3A_402 = arith.constant 32 : index
        %get3A_403 = tpu.vector_load %arg18[%get3A_400, %get3A_401, %get3A_402] {strides = array<i32>} : memref<3x80x64xf32, #tpu.memory_space<vmem>>, vector<1x1x16xf32>,
        %get3A_404 = vector.shape_cast %get3A_403 : vector<1x1x16xf32> to vector<16xf32>
        %mul3A_405 = arith.mulf %get3A_398, %get3A_404 : vector<16xf32>
        %swap3A_406 = arith.constant 0 : i32
        %swap3A_407 = arith.index_cast %swap3A_406 : i32 to index
        %swap3A_408 = arith.index_cast %scan3A_353 : i32 to index
        %swap3A_409 = arith.constant 32 : index
        %swap3A_410 = tpu.vector_load %arg17[%swap3A_407, %swap3A_408, %swap3A_409] {strides = array<i32>} : memref<3x80x64xf32, #tpu.memory_space<vmem>>, vector<1x1x16xf32>,
        %swap3A_411 = vector.shape_cast %swap3A_410 : vector<1x1x16xf32> to vector<16xf32>
        %swap3A_412 = vector.shape_cast %mul3A_405 : vector<16xf32> to vector<1x1x16xf32>
        tpu.vector_store %arg17[%swap3A_407, %swap3A_408, %swap3A_409], %swap3A_412 {strides = array<i32>} : memref<3x80x64xf32, #tpu.memory_space<vmem>>, vector<1x1x16xf32>,
        %get3A_413 = arith.constant 0 : i32
        %get3A_414 = arith.index_cast %get3A_413 : i32 to index
        %get3A_415 = arith.index_cast %scan3A_353 : i32 to index
        %get3A_416 = arith.constant 48 : index
        %get3A_417 = tpu.vector_load %arg17[%get3A_414, %get3A_415, %get3A_416] {strides = array<i32>} : memref<3x80x64xf32, #tpu.memory_space<vmem>>, vector<1x1x16xf32>,
        %get3A_418 = vector.shape_cast %get3A_417 : vector<1x1x16xf32> to vector<16xf32>
        %get3A_419 = arith.constant 0 : i32
        %get3A_420 = arith.index_cast %get3A_419 : i32 to index
        %get3A_421 = arith.index_cast %scan3A_353 : i32 to index
        %get3A_422 = arith.constant 48 : index
        %get3A_423 = tpu.vector_load %arg18[%get3A_420, %get3A_421, %get3A_422] {strides = array<i32>} : memref<3x80x64xf32, #tpu.memory_space<vmem>>, vector<1x1x16xf32>,
        %get3A_424 = vector.shape_cast %get3A_423 : vector<1x1x16xf32> to vector<16xf32>
        %mul3A_425 = arith.mulf %get3A_418, %get3A_424 : vector<16xf32>
        %swap3A_426 = arith.constant 0 : i32
        %swap3A_427 = arith.index_cast %swap3A_426 : i32 to index
        %swap3A_428 = arith.index_cast %scan3A_353 : i32 to index
        %swap3A_429 = arith.constant 48 : index
        %swap3A_430 = tpu.vector_load %arg17[%swap3A_427, %swap3A_428, %swap3A_429] {strides = array<i32>} : memref<3x80x64xf32, #tpu.memory_space<vmem>>, vector<1x1x16xf32>,
        %swap3A_431 = vector.shape_cast %swap3A_430 : vector<1x1x16xf32> to vector<16xf32>
        %swap3A_432 = vector.shape_cast %mul3A_425 : vector<16xf32> to vector<1x1x16xf32>
        tpu.vector_store %arg17[%swap3A_427, %swap3A_428, %swap3A_429], %swap3A_432 {strides = array<i32>} : memref<3x80x64xf32, #tpu.memory_space<vmem>>, vector<1x1x16xf32>,
        %scan3A_433 = arith.constant 0 : i32
        scf.yield %scan3A_433 : i32
      }
      %scan3A_280 = arith.constant 80 : i32
      %dma_start3A_281 = arith.constant 0 : i32
      %dma_start3A_282 = arith.constant 249 : i32
      %dma_start3A_283 = arith.constant 0 : i32
      %dma_start3A_284 = arith.constant 0 : i32
      %dma_start3A_285 = tpu.memref_slice %arg17[%dma_start3A_281, %dma_start3A_283, %dma_start3A_284] : memref<3x80x64xf32, #tpu.memory_space<vmem>> -> memref<1x80x64xf32, #tpu.memory_space<vmem>>
      %dma_start3A_286 = tpu.memref_squeeze %dma_start3A_285 : memref<1x80x64xf32, #tpu.memory_space<vmem>> -> memref<80x64xf32, #tpu.memory_space<vmem>>
      %dma_start3A_287 = arith.constant 0 : i32
      %dma_start3A_288 = tpu.memref_slice %arg16[%dma_start3A_282, %dma_start3A_287] : memref<250x80xi32, #tpu.memory_space<vmem>> -> memref<1x80xi32, #tpu.memory_space<vmem>>
      %dma_start3A_289 = tpu.memref_squeeze %dma_start3A_288 : memref<1x80xi32, #tpu.memory_space<vmem>> -> memref<80xi32, #tpu.memory_space<vmem>>
      %dma_start3A_290 = arith.constant 0 : i32
      %dma_start3A_291 = arith.constant 0 : i32
      %dma_start3A_292 = tpu.memref_slice %arg20[%dma_start3A_290, %dma_start3A_291] : memref<10240x64xf32, #tpu.memory_space<vmem_shared>> -> memref<10240x64xf32, #tpu.memory_space<vmem_shared>>
      tpu.enqueue_indirect_dma source(%dma_start3A_286 : memref<80x64xf32, #tpu.memory_space<vmem>>) target(%dma_start3A_292 : memref<10240x64xf32, #tpu.memory_space<vmem_shared>>) offsets(%dma_start3A_289 : memref<80xi32, #tpu.memory_space<vmem>>) semaphore(%arg31 : memref<!tpu.dma_semaphore, #tpu.memory_space<semaphore_mem>>) {add = true}
      %dma_start3A_293 = arith.constant 0 : i32
      %dma_start3A_294 = arith.constant 249 : i32
      %dma_start3A_295 = arith.constant 0 : i32
      %dma_start3A_296 = arith.constant 0 : i32
      %dma_start3A_297 = tpu.memref_slice %arg19[%dma_start3A_293, %dma_start3A_295, %dma_start3A_296] : memref<3x80x16xf32, #tpu.memory_space<vmem>> -> memref<1x80x16xf32, #tpu.memory_space<vmem>>
      %dma_start3A_298 = tpu.memref_squeeze %dma_start3A_297 : memref<1x80x16xf32, #tpu.memory_space<vmem>> -> memref<80x16xf32, #tpu.memory_space<vmem>>
      %dma_start3A_299 = arith.constant 0 : i32
      %dma_start3A_300 = tpu.memref_slice %arg16[%dma_start3A_294, %dma_start3A_299] : memref<250x80xi32, #tpu.memory_space<vmem>> -> memref<1x80xi32, #tpu.memory_space<vmem>>
      %dma_start3A_301 = tpu.memref_squeeze %dma_start3A_300 : memref<1x80xi32, #tpu.memory_space<vmem>> -> memref<80xi32, #tpu.memory_space<vmem>>
      %dma_start3A_302 = arith.constant 0 : i32
      %dma_start3A_303 = arith.constant 0 : i32
      %dma_start3A_304 = tpu.memref_slice %arg21[%dma_start3A_302, %dma_start3A_303] : memref<10240x16xf32, #tpu.memory_space<vmem_shared>> -> memref<10240x16xf32, #tpu.memory_space<vmem_shared>>
      tpu.enqueue_indirect_dma source(%dma_start3A_298 : memref<80x16xf32, #tpu.memory_space<vmem>>) target(%dma_start3A_304 : memref<10240x16xf32, #tpu.memory_space<vmem_shared>>) offsets(%dma_start3A_301 : memref<80xi32, #tpu.memory_space<vmem>>) semaphore(%arg34 : memref<!tpu.dma_semaphore, #tpu.memory_space<semaphore_mem>>) {add = true}
      %dma_wait3A_305 = arith.constant 2 : i32
      %dma_wait3A_306 = arith.constant 248 : i32
      %dma_wait3A_307 = arith.constant 0 : i32
      %dma_wait3A_308 = arith.constant 0 : i32
      %dma_wait3A_309 = tpu.memref_slice %arg17[%dma_wait3A_305, %dma_wait3A_307, %dma_wait3A_308] : memref<3x80x64xf32, #tpu.memory_space<vmem>> -> memref<1x80x64xf32, #tpu.memory_space<vmem>>
      %dma_wait3A_310 = tpu.memref_squeeze %dma_wait3A_309 : memref<1x80x64xf32, #tpu.memory_space<vmem>> -> memref<80x64xf32, #tpu.memory_space<vmem>>
      %dma_wait3A_311 = arith.constant 0 : i32
      %dma_wait3A_312 = tpu.memref_slice %arg16[%dma_wait3A_306, %dma_wait3A_311] : memref<250x80xi32, #tpu.memory_space<vmem>> -> memref<1x80xi32, #tpu.memory_space<vmem>>
      %dma_wait3A_313 = tpu.memref_squeeze %dma_wait3A_312 : memref<1x80xi32, #tpu.memory_space<vmem>> -> memref<80xi32, #tpu.memory_space<vmem>>
      %dma_wait3A_314 = arith.constant 0 : i32
      %dma_wait3A_315 = arith.constant 0 : i32
      %dma_wait3A_316 = tpu.memref_slice %arg20[%dma_wait3A_314, %dma_wait3A_315] : memref<10240x64xf32, #tpu.memory_space<vmem_shared>> -> memref<10240x64xf32, #tpu.memory_space<vmem_shared>>
      tpu.wait_indirect_dma semaphore(%arg33 : memref<!tpu.dma_semaphore, #tpu.memory_space<semaphore_mem>>) src(%dma_wait3A_310 : memref<80x64xf32, #tpu.memory_space<vmem>>) dst(%dma_wait3A_316 : memref<10240x64xf32, #tpu.memory_space<vmem_shared>>)
      %dma_wait3A_317 = arith.constant 2 : i32
      %dma_wait3A_318 = arith.constant 248 : i32
      %dma_wait3A_319 = arith.constant 0 : i32
      %dma_wait3A_320 = arith.constant 0 : i32
      %dma_wait3A_321 = tpu.memref_slice %arg19[%dma_wait3A_317, %dma_wait3A_319, %dma_wait3A_320] : memref<3x80x16xf32, #tpu.memory_space<vmem>> -> memref<1x80x16xf32, #tpu.memory_space<vmem>>
      %dma_wait3A_322 = tpu.memref_squeeze %dma_wait3A_321 : memref<1x80x16xf32, #tpu.memory_space<vmem>> -> memref<80x16xf32, #tpu.memory_space<vmem>>
      %dma_wait3A_323 = arith.constant 0 : i32
      %dma_wait3A_324 = tpu.memref_slice %arg16[%dma_wait3A_318, %dma_wait3A_323] : memref<250x80xi32, #tpu.memory_space<vmem>> -> memref<1x80xi32, #tpu.memory_space<vmem>>
      %dma_wait3A_325 = tpu.memref_squeeze %dma_wait3A_324 : memref<1x80xi32, #tpu.memory_space<vmem>> -> memref<80xi32, #tpu.memory_space<vmem>>
      %dma_wait3A_326 = arith.constant 0 : i32
      %dma_wait3A_327 = arith.constant 0 : i32
      %dma_wait3A_328 = tpu.memref_slice %arg21[%dma_wait3A_326, %dma_wait3A_327] : memref<10240x16xf32, #tpu.memory_space<vmem_shared>> -> memref<10240x16xf32, #tpu.memory_space<vmem_shared>>
      tpu.wait_indirect_dma semaphore(%arg36 : memref<!tpu.dma_semaphore, #tpu.memory_space<semaphore_mem>>) src(%dma_wait3A_322 : memref<80x16xf32, #tpu.memory_space<vmem>>) dst(%dma_wait3A_328 : memref<10240x16xf32, #tpu.memory_space<vmem_shared>>)
      %dma_wait3A_329 = arith.constant 0 : i32
      %dma_wait3A_330 = arith.constant 249 : i32
      %dma_wait3A_331 = arith.constant 0 : i32
      %dma_wait3A_332 = arith.constant 0 : i32
      %dma_wait3A_333 = tpu.memref_slice %arg17[%dma_wait3A_329, %dma_wait3A_331, %dma_wait3A_332] : memref<3x80x64xf32, #tpu.memory_space<vmem>> -> memref<1x80x64xf32, #tpu.memory_space<vmem>>
      %dma_wait3A_334 = tpu.memref_squeeze %dma_wait3A_333 : memref<1x80x64xf32, #tpu.memory_space<vmem>> -> memref<80x64xf32, #tpu.memory_space<vmem>>
      %dma_wait3A_335 = arith.constant 0 : i32
      %dma_wait3A_336 = tpu.memref_slice %arg16[%dma_wait3A_330, %dma_wait3A_335] : memref<250x80xi32, #tpu.memory_space<vmem>> -> memref<1x80xi32, #tpu.memory_space<vmem>>
      %dma_wait3A_337 = tpu.memref_squeeze %dma_wait3A_336 : memref<1x80xi32, #tpu.memory_space<vmem>> -> memref<80xi32, #tpu.memory_space<vmem>>
      %dma_wait3A_338 = arith.constant 0 : i32
      %dma_wait3A_339 = arith.constant 0 : i32
      %dma_wait3A_340 = tpu.memref_slice %arg20[%dma_wait3A_338, %dma_wait3A_339] : memref<10240x64xf32, #tpu.memory_space<vmem_shared>> -> memref<10240x64xf32, #tpu.memory_space<vmem_shared>>
      tpu.wait_indirect_dma semaphore(%arg31 : memref<!tpu.dma_semaphore, #tpu.memory_space<semaphore_mem>>) src(%dma_wait3A_334 : memref<80x64xf32, #tpu.memory_space<vmem>>) dst(%dma_wait3A_340 : memref<10240x64xf32, #tpu.memory_space<vmem_shared>>)
      %dma_wait3A_341 = arith.constant 0 : i32
      %dma_wait3A_342 = arith.constant 249 : i32
      %dma_wait3A_343 = arith.constant 0 : i32
      %dma_wait3A_344 = arith.constant 0 : i32
      %dma_wait3A_345 = tpu.memref_slice %arg19[%dma_wait3A_341, %dma_wait3A_343, %dma_wait3A_344] : memref<3x80x16xf32, #tpu.memory_space<vmem>> -> memref<1x80x16xf32, #tpu.memory_space<vmem>>
      %dma_wait3A_346 = tpu.memref_squeeze %dma_wait3A_345 : memref<1x80x16xf32, #tpu.memory_space<vmem>> -> memref<80x16xf32, #tpu.memory_space<vmem>>
      %dma_wait3A_347 = arith.constant 0 : i32
      %dma_wait3A_348 = tpu.memref_slice %arg16[%dma_wait3A_342, %dma_wait3A_347] : memref<250x80xi32, #tpu.memory_space<vmem>> -> memref<1x80xi32, #tpu.memory_space<vmem>>
      %dma_wait3A_349 = tpu.memref_squeeze %dma_wait3A_348 : memref<1x80xi32, #tpu.memory_space<vmem>> -> memref<80xi32, #tpu.memory_space<vmem>>
      %dma_wait3A_350 = arith.constant 0 : i32
      %dma_wait3A_351 = arith.constant 0 : i32
      %dma_wait3A_352 = tpu.memref_slice %arg21[%dma_wait3A_350, %dma_wait3A_351] : memref<10240x16xf32, #tpu.memory_space<vmem_shared>> -> memref<10240x16xf32, #tpu.memory_space<vmem_shared>>
      tpu.wait_indirect_dma semaphore(%arg34 : memref<!tpu.dma_semaphore, #tpu.memory_space<semaphore_mem>>) src(%dma_wait3A_346 : memref<80x16xf32, #tpu.memory_space<vmem>>) dst(%dma_wait3A_352 : memref<10240x16xf32, #tpu.memory_space<vmem_shared>>)
    } else {
    }
    %eq3A_67 = arith.constant 1 : i32
    %eq3A_68 = arith.cmpi eq, %arg0, %eq3A_67 : i32
    %convert_element_type3A_69 = arith.extui %eq3A_68 : i1 to i32
    %cond3A_70 = arith.constant 0 : i32
    %cond3A_71 = arith.cmpi ne, %convert_element_type3A_69, %cond3A_70 : i32
    scf.if %cond3A_71 {
      %mul3A_141 = arith.constant 20000 : i32
      %mul3A_142 = arith.muli %arg1, %mul3A_141 : i32
      %dma_start3A = arith.constant 0 : i32
      %dma_start3A_143 = arith.constant 0 : i32
      %dma_start3A_144 = arith.constant 0 : i32
      %dma_start3A_145 = arith.constant 0 : i32
      %dma_start3A_146 = tpu.memref_slice %arg17[%dma_start3A_143, %dma_start3A_144, %dma_start3A_145] : memref<3x80x64xf32, #tpu.memory_space<vmem>> -> memref<1x80x64xf32, #tpu.memory_space<vmem>>
      %dma_start3A_147 = tpu.memref_squeeze %dma_start3A_146 : memref<1x80x64xf32, #tpu.memory_space<vmem>> -> memref<80x64xf32, #tpu.memory_space<vmem>>
      %dma_start3A_148 = arith.constant 0 : i32
      %dma_start3A_149 = tpu.memref_slice %arg15[%dma_start3A, %dma_start3A_148] : memref<250x80xi32, #tpu.memory_space<vmem>> -> memref<1x80xi32, #tpu.memory_space<vmem>>
      %dma_start3A_150 = tpu.memref_squeeze %dma_start3A_149 : memref<1x80xi32, #tpu.memory_space<vmem>> -> memref<80xi32, #tpu.memory_space<vmem>>
      %dma_start3A_151 = arith.constant 0 : i32
      %dma_start3A_152 = arith.constant 0 : i32
      %dma_start3A_153 = tpu.memref_slice %arg5[%dma_start3A_151, %dma_start3A_152] : memref<10000x64xf32, #tpu.memory_space<hbm>> -> memref<10000x64xf32, #tpu.memory_space<hbm>>
      tpu.enqueue_indirect_dma source(%dma_start3A_153 : memref<10000x64xf32, #tpu.memory_space<hbm>>) target(%dma_start3A_147 : memref<80x64xf32, #tpu.memory_space<vmem>>) offsets(%dma_start3A_150 : memref<80xi32, #tpu.memory_space<vmem>>) semaphore(%arg22 : memref<!tpu.dma_semaphore, #tpu.memory_space<semaphore_mem>>)
      %add3A_154 = arith.constant 0 : i32
      %add3A_155 = arith.addi %mul3A_142, %add3A_154 : i32
      %dma_start3A_156 = arith.constant 0 : i32
      %dma_start3A_157 = arith.constant 0 : i32
      %dma_start3A_158 = arith.constant 0 : i32
      %dma_start3A_159 = tpu.memref_slice %arg18[%dma_start3A_156, %dma_start3A_157, %dma_start3A_158] : memref<3x80x64xf32, #tpu.memory_space<vmem>> -> memref<1x80x64xf32, #tpu.memory_space<vmem>>
      %dma_start3A_160 = tpu.memref_squeeze %dma_start3A_159 : memref<1x80x64xf32, #tpu.memory_space<vmem>> -> memref<80x64xf32, #tpu.memory_space<vmem>>
      %dma_start3A_161 = arith.constant 64 : i32
      %dma_start3A_162 = tpu.memref_slice %arg8[%add3A_155, %dma_start3A_161] : memref<320000x128xf32, #tpu.memory_space<hbm>> -> memref<80x64xf32, #tpu.memory_space<hbm>>
      %dma_start3A_163 = arith.constant 0 : i32
      %dma_start3A_164 = arith.constant 0 : i32
      %dma_start3A_165 = tpu.memref_slice %arg18[%dma_start3A_156, %dma_start3A_163, %dma_start3A_164] : memref<3x80x64xf32, #tpu.memory_space<vmem>> -> memref<1x80x64xf32, #tpu.memory_space<vmem>>
      %dma_start3A_166 = tpu.memref_squeeze %dma_start3A_165 : memref<1x80x64xf32, #tpu.memory_space<vmem>> -> memref<80x64xf32, #tpu.memory_space<vmem>>
      %dma_start3A_167 = arith.constant 64 : i32
      %dma_start3A_168 = tpu.memref_slice %arg8[%add3A_155, %dma_start3A_167] : memref<320000x128xf32, #tpu.memory_space<hbm>> -> memref<80x64xf32, #tpu.memory_space<hbm>>
      tpu.enqueue_dma source(%dma_start3A_168 : memref<80x64xf32, #tpu.memory_space<hbm>>) target(%dma_start3A_166 : memref<80x64xf32, #tpu.memory_space<vmem>>) target_semaphore(%arg25 : memref<!tpu.dma_semaphore, #tpu.memory_space<semaphore_mem>>)
      %dma_start3A_169 = arith.constant 1 : i32
      %dma_start3A_170 = arith.constant 1 : i32
      %dma_start3A_171 = arith.constant 0 : i32
      %dma_start3A_172 = arith.constant 0 : i32
      %dma_start3A_173 = tpu.memref_slice %arg17[%dma_start3A_170, %dma_start3A_171, %dma_start3A_172] : memref<3x80x64xf32, #tpu.memory_space<vmem>> -> memref<1x80x64xf32, #tpu.memory_space<vmem>>
      %dma_start3A_174 = tpu.memref_squeeze %dma_start3A_173 : memref<1x80x64xf32, #tpu.memory_space<vmem>> -> memref<80x64xf32, #tpu.memory_space<vmem>>
      %dma_start3A_175 = arith.constant 0 : i32
      %dma_start3A_176 = tpu.memref_slice %arg15[%dma_start3A_169, %dma_start3A_175] : memref<250x80xi32, #tpu.memory_space<vmem>> -> memref<1x80xi32, #tpu.memory_space<vmem>>
      %dma_start3A_177 = tpu.memref_squeeze %dma_start3A_176 : memref<1x80xi32, #tpu.memory_space<vmem>> -> memref<80xi32, #tpu.memory_space<vmem>>
      %dma_start3A_178 = arith.constant 0 : i32
      %dma_start3A_179 = arith.constant 0 : i32
      %dma_start3A_180 = tpu.memref_slice %arg5[%dma_start3A_178, %dma_start3A_179] : memref<10000x64xf32, #tpu.memory_space<hbm>> -> memref<10000x64xf32, #tpu.memory_space<hbm>>
      tpu.enqueue_indirect_dma source(%dma_start3A_180 : memref<10000x64xf32, #tpu.memory_space<hbm>>) target(%dma_start3A_174 : memref<80x64xf32, #tpu.memory_space<vmem>>) offsets(%dma_start3A_177 : memref<80xi32, #tpu.memory_space<vmem>>) semaphore(%arg23 : memref<!tpu.dma_semaphore, #tpu.memory_space<semaphore_mem>>)
      %add3A_181 = arith.constant 80 : i32
      %add3A_182 = arith.addi %mul3A_142, %add3A_181 : i32
      %dma_start3A_183 = arith.constant 1 : i32
      %dma_start3A_184 = arith.constant 0 : i32
      %dma_start3A_185 = arith.constant 0 : i32
      %dma_start3A_186 = tpu.memref_slice %arg18[%dma_start3A_183, %dma_start3A_184, %dma_start3A_185] : memref<3x80x64xf32, #tpu.memory_space<vmem>> -> memref<1x80x64xf32, #tpu.memory_space<vmem>>
      %dma_start3A_187 = tpu.memref_squeeze %dma_start3A_186 : memref<1x80x64xf32, #tpu.memory_space<vmem>> -> memref<80x64xf32, #tpu.memory_space<vmem>>
      %dma_start3A_188 = arith.constant 64 : i32
      %dma_start3A_189 = tpu.memref_slice %arg8[%add3A_182, %dma_start3A_188] : memref<320000x128xf32, #tpu.memory_space<hbm>> -> memref<80x64xf32, #tpu.memory_space<hbm>>
      %dma_start3A_190 = arith.constant 0 : i32
      %dma_start3A_191 = arith.constant 0 : i32
      %dma_start3A_192 = tpu.memref_slice %arg18[%dma_start3A_183, %dma_start3A_190, %dma_start3A_191] : memref<3x80x64xf32, #tpu.memory_space<vmem>> -> memref<1x80x64xf32, #tpu.memory_space<vmem>>
      %dma_start3A_193 = tpu.memref_squeeze %dma_start3A_192 : memref<1x80x64xf32, #tpu.memory_space<vmem>> -> memref<80x64xf32, #tpu.memory_space<vmem>>
      %dma_start3A_194 = arith.constant 64 : i32
      %dma_start3A_195 = tpu.memref_slice %arg8[%add3A_182, %dma_start3A_194] : memref<320000x128xf32, #tpu.memory_space<hbm>> -> memref<80x64xf32, #tpu.memory_space<hbm>>
      tpu.enqueue_dma source(%dma_start3A_195 : memref<80x64xf32, #tpu.memory_space<hbm>>) target(%dma_start3A_193 : memref<80x64xf32, #tpu.memory_space<vmem>>) target_semaphore(%arg26 : memref<!tpu.dma_semaphore, #tpu.memory_space<semaphore_mem>>)
      %scan3A_196 = arith.constant 0 : i32
      %scan3A_197 = arith.constant 0 : i32
      %scan3A_198 = arith.constant 83 : i32
      %scan3A_199 = arith.addi %scan3A_197, %scan3A_198 : i32
      %scan3A_200 = arith.constant 1 : i32
      %scan3A_201 = scf.for %scan3A_272 = %scan3A_197 to %scan3A_199 step %scan3A_200 iter_args(%scan3A_273 = %scan3A_196) -> (i32)  : i32 {
        %mul3A_274 = arith.constant 3 : i32
        %mul3A_275 = arith.muli %scan3A_272, %mul3A_274 : i32
        %add3A_276 = arith.constant 0 : i32
        %add3A_277 = arith.addi %mul3A_275, %add3A_276 : i32
        %dma_wait3A_278 = arith.constant 0 : i32
        %dma_wait3A_279 = arith.constant 0 : i32
        %dma_wait3A_280 = arith.constant 0 : i32
        %dma_wait3A_281 = tpu.memref_slice %arg17[%dma_wait3A_278, %dma_wait3A_279, %dma_wait3A_280] : memref<3x80x64xf32, #tpu.memory_space<vmem>> -> memref<1x80x64xf32, #tpu.memory_space<vmem>>
        %dma_wait3A_282 = tpu.memref_squeeze %dma_wait3A_281 : memref<1x80x64xf32, #tpu.memory_space<vmem>> -> memref<80x64xf32, #tpu.memory_space<vmem>>
        %dma_wait3A_283 = arith.constant 0 : i32
        %dma_wait3A_284 = tpu.memref_slice %arg15[%add3A_277, %dma_wait3A_283] : memref<250x80xi32, #tpu.memory_space<vmem>> -> memref<1x80xi32, #tpu.memory_space<vmem>>
        %dma_wait3A_285 = tpu.memref_squeeze %dma_wait3A_284 : memref<1x80xi32, #tpu.memory_space<vmem>> -> memref<80xi32, #tpu.memory_space<vmem>>
        %dma_wait3A_286 = arith.constant 0 : i32
        %dma_wait3A_287 = arith.constant 0 : i32
        %dma_wait3A_288 = tpu.memref_slice %arg5[%dma_wait3A_286, %dma_wait3A_287] : memref<10000x64xf32, #tpu.memory_space<hbm>> -> memref<10000x64xf32, #tpu.memory_space<hbm>>
        tpu.wait_indirect_dma semaphore(%arg22 : memref<!tpu.dma_semaphore, #tpu.memory_space<semaphore_mem>>) src(%dma_wait3A_288 : memref<10000x64xf32, #tpu.memory_space<hbm>>) dst(%dma_wait3A_282 : memref<80x64xf32, #tpu.memory_space<vmem>>)
        %mul3A_289 = arith.constant 80 : i32
        %mul3A_290 = arith.muli %add3A_277, %mul3A_289 : i32
        %add3A_291 = arith.addi %mul3A_142, %mul3A_290 : i32
        %dma_wait3A_292 = arith.constant 0 : i32
        %dma_wait3A_293 = arith.constant 0 : i32
        %dma_wait3A_294 = arith.constant 0 : i32
        %dma_wait3A_295 = tpu.memref_slice %arg18[%dma_wait3A_292, %dma_wait3A_293, %dma_wait3A_294] : memref<3x80x64xf32, #tpu.memory_space<vmem>> -> memref<1x80x64xf32, #tpu.memory_space<vmem>>
        %dma_wait3A_296 = tpu.memref_squeeze %dma_wait3A_295 : memref<1x80x64xf32, #tpu.memory_space<vmem>> -> memref<80x64xf32, #tpu.memory_space<vmem>>
        %dma_wait3A_297 = arith.constant 64 : i32
        %dma_wait3A_298 = tpu.memref_slice %arg8[%add3A_291, %dma_wait3A_297] : memref<320000x128xf32, #tpu.memory_space<hbm>> -> memref<80x64xf32, #tpu.memory_space<hbm>>
        %dma_wait3A_299 = arith.constant 0 : i32
        %dma_wait3A_300 = arith.constant 0 : i32
        %dma_wait3A_301 = tpu.memref_slice %arg18[%dma_wait3A_292, %dma_wait3A_299, %dma_wait3A_300] : memref<3x80x64xf32, #tpu.memory_space<vmem>> -> memref<1x80x64xf32, #tpu.memory_space<vmem>>
        %dma_wait3A_302 = tpu.memref_squeeze %dma_wait3A_301 : memref<1x80x64xf32, #tpu.memory_space<vmem>> -> memref<80x64xf32, #tpu.memory_space<vmem>>
        %dma_wait3A_303 = arith.constant 64 : i32
        %dma_wait3A_304 = tpu.memref_slice %arg8[%add3A_291, %dma_wait3A_303] : memref<320000x128xf32, #tpu.memory_space<hbm>> -> memref<80x64xf32, #tpu.memory_space<hbm>>
        tpu.wait_dma2 semaphore(%arg25 : memref<!tpu.dma_semaphore, #tpu.memory_space<semaphore_mem>>) src(%dma_wait3A_304 : memref<80x64xf32, #tpu.memory_space<hbm>>) dst(%dma_wait3A_302 : memref<80x64xf32, #tpu.memory_space<vmem>>)
        %scan3A_305 = arith.constant 0 : i32
        %scan3A_306 = arith.constant 0 : i32
        %scan3A_307 = arith.constant 80 : i32
        %scan3A_308 = arith.addi %scan3A_306, %scan3A_307 : i32
        %scan3A_309 = arith.constant 1 : i32
        %scan3A_310 = scf.for %scan3A_450 = %scan3A_306 to %scan3A_308 step %scan3A_309 iter_args(%scan3A_451 = %scan3A_305) -> (i32)  : i32 {
          %get3A = arith.constant 0 : i32
          %get3A_452 = arith.index_cast %get3A : i32 to index
          %get3A_453 = arith.index_cast %scan3A_450 : i32 to index
          %get3A_454 = arith.constant 0 : index
          %get3A_455 = tpu.vector_load %arg17[%get3A_452, %get3A_453, %get3A_454] {strides = array<i32>} : memref<3x80x64xf32, #tpu.memory_space<vmem>>, vector<1x1x16xf32>,
          %get3A_456 = vector.shape_cast %get3A_455 : vector<1x1x16xf32> to vector<16xf32>
          %get3A_457 = arith.constant 0 : i32
          %get3A_458 = arith.index_cast %get3A_457 : i32 to index
          %get3A_459 = arith.index_cast %scan3A_450 : i32 to index
          %get3A_460 = arith.constant 0 : index
          %get3A_461 = tpu.vector_load %arg18[%get3A_458, %get3A_459, %get3A_460] {strides = array<i32>} : memref<3x80x64xf32, #tpu.memory_space<vmem>>, vector<1x1x16xf32>,
          %get3A_462 = vector.shape_cast %get3A_461 : vector<1x1x16xf32> to vector<16xf32>
          %mul3A_463 = arith.mulf %get3A_456, %get3A_462 : vector<16xf32>
          %swap3A = arith.constant 0 : i32
          %swap3A_464 = arith.index_cast %swap3A : i32 to index
          %swap3A_465 = arith.index_cast %scan3A_450 : i32 to index
          %swap3A_466 = arith.constant 0 : index
          %swap3A_467 = tpu.vector_load %arg17[%swap3A_464, %swap3A_465, %swap3A_466] {strides = array<i32>} : memref<3x80x64xf32, #tpu.memory_space<vmem>>, vector<1x1x16xf32>,
          %swap3A_468 = vector.shape_cast %swap3A_467 : vector<1x1x16xf32> to vector<16xf32>
          %swap3A_469 = vector.shape_cast %mul3A_463 : vector<16xf32> to vector<1x1x16xf32>
          tpu.vector_store %arg17[%swap3A_464, %swap3A_465, %swap3A_466], %swap3A_469 {strides = array<i32>} : memref<3x80x64xf32, #tpu.memory_space<vmem>>, vector<1x1x16xf32>,
          %get3A_470 = arith.constant 0 : i32
          %get3A_471 = arith.index_cast %get3A_470 : i32 to index
          %get3A_472 = arith.index_cast %scan3A_450 : i32 to index
          %get3A_473 = arith.constant 16 : index
          %get3A_474 = tpu.vector_load %arg17[%get3A_471, %get3A_472, %get3A_473] {strides = array<i32>} : memref<3x80x64xf32, #tpu.memory_space<vmem>>, vector<1x1x16xf32>,
          %get3A_475 = vector.shape_cast %get3A_474 : vector<1x1x16xf32> to vector<16xf32>
          %get3A_476 = arith.constant 0 : i32
          %get3A_477 = arith.index_cast %get3A_476 : i32 to index
          %get3A_478 = arith.index_cast %scan3A_450 : i32 to index
          %get3A_479 = arith.constant 16 : index
          %get3A_480 = tpu.vector_load %arg18[%get3A_477, %get3A_478, %get3A_479] {strides = array<i32>} : memref<3x80x64xf32, #tpu.memory_space<vmem>>, vector<1x1x16xf32>,
          %get3A_481 = vector.shape_cast %get3A_480 : vector<1x1x16xf32> to vector<16xf32>
          %mul3A_482 = arith.mulf %get3A_475, %get3A_481 : vector<16xf32>
          %swap3A_483 = arith.constant 0 : i32
          %swap3A_484 = arith.index_cast %swap3A_483 : i32 to index
          %swap3A_485 = arith.index_cast %scan3A_450 : i32 to index
          %swap3A_486 = arith.constant 16 : index
          %swap3A_487 = tpu.vector_load %arg17[%swap3A_484, %swap3A_485, %swap3A_486] {strides = array<i32>} : memref<3x80x64xf32, #tpu.memory_space<vmem>>, vector<1x1x16xf32>,
          %swap3A_488 = vector.shape_cast %swap3A_487 : vector<1x1x16xf32> to vector<16xf32>
          %swap3A_489 = vector.shape_cast %mul3A_482 : vector<16xf32> to vector<1x1x16xf32>
          tpu.vector_store %arg17[%swap3A_484, %swap3A_485, %swap3A_486], %swap3A_489 {strides = array<i32>} : memref<3x80x64xf32, #tpu.memory_space<vmem>>, vector<1x1x16xf32>,
          %get3A_490 = arith.constant 0 : i32
          %get3A_491 = arith.index_cast %get3A_490 : i32 to index
          %get3A_492 = arith.index_cast %scan3A_450 : i32 to index
          %get3A_493 = arith.constant 32 : index
          %get3A_494 = tpu.vector_load %arg17[%get3A_491, %get3A_492, %get3A_493] {strides = array<i32>} : memref<3x80x64xf32, #tpu.memory_space<vmem>>, vector<1x1x16xf32>,
          %get3A_495 = vector.shape_cast %get3A_494 : vector<1x1x16xf32> to vector<16xf32>
          %get3A_496 = arith.constant 0 : i32
          %get3A_497 = arith.index_cast %get3A_496 : i32 to index
          %get3A_498 = arith.index_cast %scan3A_450 : i32 to index
          %get3A_499 = arith.constant 32 : index
          %get3A_500 = tpu.vector_load %arg18[%get3A_497, %get3A_498, %get3A_499] {strides = array<i32>} : memref<3x80x64xf32, #tpu.memory_space<vmem>>, vector<1x1x16xf32>,
          %get3A_501 = vector.shape_cast %get3A_500 : vector<1x1x16xf32> to vector<16xf32>
          %mul3A_502 = arith.mulf %get3A_495, %get3A_501 : vector<16xf32>
          %swap3A_503 = arith.constant 0 : i32
          %swap3A_504 = arith.index_cast %swap3A_503 : i32 to index
          %swap3A_505 = arith.index_cast %scan3A_450 : i32 to index
          %swap3A_506 = arith.constant 32 : index
          %swap3A_507 = tpu.vector_load %arg17[%swap3A_504, %swap3A_505, %swap3A_506] {strides = array<i32>} : memref<3x80x64xf32, #tpu.memory_space<vmem>>, vector<1x1x16xf32>,
          %swap3A_508 = vector.shape_cast %swap3A_507 : vector<1x1x16xf32> to vector<16xf32>
          %swap3A_509 = vector.shape_cast %mul3A_502 : vector<16xf32> to vector<1x1x16xf32>
          tpu.vector_store %arg17[%swap3A_504, %swap3A_505, %swap3A_506], %swap3A_509 {strides = array<i32>} : memref<3x80x64xf32, #tpu.memory_space<vmem>>, vector<1x1x16xf32>,
          %get3A_510 = arith.constant 0 : i32
          %get3A_511 = arith.index_cast %get3A_510 : i32 to index
          %get3A_512 = arith.index_cast %scan3A_450 : i32 to index
          %get3A_513 = arith.constant 48 : index
          %get3A_514 = tpu.vector_load %arg17[%get3A_511, %get3A_512, %get3A_513] {strides = array<i32>} : memref<3x80x64xf32, #tpu.memory_space<vmem>>, vector<1x1x16xf32>,
          %get3A_515 = vector.shape_cast %get3A_514 : vector<1x1x16xf32> to vector<16xf32>
          %get3A_516 = arith.constant 0 : i32
          %get3A_517 = arith.index_cast %get3A_516 : i32 to index
          %get3A_518 = arith.index_cast %scan3A_450 : i32 to index
          %get3A_519 = arith.constant 48 : index
          %get3A_520 = tpu.vector_load %arg18[%get3A_517, %get3A_518, %get3A_519] {strides = array<i32>} : memref<3x80x64xf32, #tpu.memory_space<vmem>>, vector<1x1x16xf32>,
          %get3A_521 = vector.shape_cast %get3A_520 : vector<1x1x16xf32> to vector<16xf32>
          %mul3A_522 = arith.mulf %get3A_515, %get3A_521 : vector<16xf32>
          %swap3A_523 = arith.constant 0 : i32
          %swap3A_524 = arith.index_cast %swap3A_523 : i32 to index
          %swap3A_525 = arith.index_cast %scan3A_450 : i32 to index
          %swap3A_526 = arith.constant 48 : index
          %swap3A_527 = tpu.vector_load %arg17[%swap3A_524, %swap3A_525, %swap3A_526] {strides = array<i32>} : memref<3x80x64xf32, #tpu.memory_space<vmem>>, vector<1x1x16xf32>,
          %swap3A_528 = vector.shape_cast %swap3A_527 : vector<1x1x16xf32> to vector<16xf32>
          %swap3A_529 = vector.shape_cast %mul3A_522 : vector<16xf32> to vector<1x1x16xf32>
          tpu.vector_store %arg17[%swap3A_524, %swap3A_525, %swap3A_526], %swap3A_529 {strides = array<i32>} : memref<3x80x64xf32, #tpu.memory_space<vmem>>, vector<1x1x16xf32>,
          %scan3A_530 = arith.constant 0 : i32
          scf.yield %scan3A_530 : i32
        }
        %scan3A_311 = arith.constant 80 : i32
        %dma_start3A_312 = arith.constant 0 : i32
        %dma_start3A_313 = arith.constant 0 : i32
        %dma_start3A_314 = arith.constant 0 : i32
        %dma_start3A_315 = tpu.memref_slice %arg17[%dma_start3A_312, %dma_start3A_313, %dma_start3A_314] : memref<3x80x64xf32, #tpu.memory_space<vmem>> -> memref<1x80x64xf32, #tpu.memory_space<vmem>>
        %dma_start3A_316 = tpu.memref_squeeze %dma_start3A_315 : memref<1x80x64xf32, #tpu.memory_space<vmem>> -> memref<80x64xf32, #tpu.memory_space<vmem>>
        %dma_start3A_317 = arith.constant 0 : i32
        %dma_start3A_318 = tpu.memref_slice %arg16[%add3A_277, %dma_start3A_317] : memref<250x80xi32, #tpu.memory_space<vmem>> -> memref<1x80xi32, #tpu.memory_space<vmem>>
        %dma_start3A_319 = tpu.memref_squeeze %dma_start3A_318 : memref<1x80xi32, #tpu.memory_space<vmem>> -> memref<80xi32, #tpu.memory_space<vmem>>
        %dma_start3A_320 = arith.constant 0 : i32
        %dma_start3A_321 = arith.constant 0 : i32
        %dma_start3A_322 = tpu.memref_slice %arg20[%dma_start3A_320, %dma_start3A_321] : memref<10240x64xf32, #tpu.memory_space<vmem_shared>> -> memref<10240x64xf32, #tpu.memory_space<vmem_shared>>
        tpu.enqueue_indirect_dma source(%dma_start3A_316 : memref<80x64xf32, #tpu.memory_space<vmem>>) target(%dma_start3A_322 : memref<10240x64xf32, #tpu.memory_space<vmem_shared>>) offsets(%dma_start3A_319 : memref<80xi32, #tpu.memory_space<vmem>>) semaphore(%arg31 : memref<!tpu.dma_semaphore, #tpu.memory_space<semaphore_mem>>) {add = true}
        %ge3A = arith.constant 1 : i32
        %ge3A_323 = arith.cmpi sge, %add3A_277, %ge3A : i32
        %convert_element_type3A_324 = arith.extui %ge3A_323 : i1 to i32
        %cond3A_325 = arith.constant 0 : i32
        %cond3A_326 = arith.cmpi ne, %convert_element_type3A_324, %cond3A_325 : i32
        scf.if %cond3A_326 {
          %sub3A = arith.constant 1 : i32
          %sub3A_450 = arith.subi %add3A_277, %sub3A : i32
          %dma_wait3A_451 = arith.constant 2 : i32
          %dma_wait3A_452 = arith.constant 0 : i32
          %dma_wait3A_453 = arith.constant 0 : i32
          %dma_wait3A_454 = tpu.memref_slice %arg17[%dma_wait3A_451, %dma_wait3A_452, %dma_wait3A_453] : memref<3x80x64xf32, #tpu.memory_space<vmem>> -> memref<1x80x64xf32, #tpu.memory_space<vmem>>
          %dma_wait3A_455 = tpu.memref_squeeze %dma_wait3A_454 : memref<1x80x64xf32, #tpu.memory_space<vmem>> -> memref<80x64xf32, #tpu.memory_space<vmem>>
          %dma_wait3A_456 = arith.constant 0 : i32
          %dma_wait3A_457 = tpu.memref_slice %arg16[%sub3A_450, %dma_wait3A_456] : memref<250x80xi32, #tpu.memory_space<vmem>> -> memref<1x80xi32, #tpu.memory_space<vmem>>
          %dma_wait3A_458 = tpu.memref_squeeze %dma_wait3A_457 : memref<1x80xi32, #tpu.memory_space<vmem>> -> memref<80xi32, #tpu.memory_space<vmem>>
          %dma_wait3A_459 = arith.constant 0 : i32
          %dma_wait3A_460 = arith.constant 0 : i32
          %dma_wait3A_461 = tpu.memref_slice %arg20[%dma_wait3A_459, %dma_wait3A_460] : memref<10240x64xf32, #tpu.memory_space<vmem_shared>> -> memref<10240x64xf32, #tpu.memory_space<vmem_shared>>
          tpu.wait_indirect_dma semaphore(%arg33 : memref<!tpu.dma_semaphore, #tpu.memory_space<semaphore_mem>>) src(%dma_wait3A_455 : memref<80x64xf32, #tpu.memory_space<vmem>>) dst(%dma_wait3A_461 : memref<10240x64xf32, #tpu.memory_space<vmem_shared>>)
        } else {
        }
        %lt3A = arith.constant 248 : i32
        %lt3A_327 = arith.cmpi slt, %add3A_277, %lt3A : i32
        %convert_element_type3A_328 = arith.extui %lt3A_327 : i1 to i32
        %cond3A_329 = arith.constant 0 : i32
        %cond3A_330 = arith.cmpi ne, %convert_element_type3A_328, %cond3A_329 : i32
        scf.if %cond3A_330 {
          %add3A_450 = arith.constant 2 : i32
          %add3A_451 = arith.addi %add3A_277, %add3A_450 : i32
          %dma_start3A_452 = arith.constant 2 : i32
          %dma_start3A_453 = arith.constant 0 : i32
          %dma_start3A_454 = arith.constant 0 : i32
          %dma_start3A_455 = tpu.memref_slice %arg17[%dma_start3A_452, %dma_start3A_453, %dma_start3A_454] : memref<3x80x64xf32, #tpu.memory_space<vmem>> -> memref<1x80x64xf32, #tpu.memory_space<vmem>>
          %dma_start3A_456 = tpu.memref_squeeze %dma_start3A_455 : memref<1x80x64xf32, #tpu.memory_space<vmem>> -> memref<80x64xf32, #tpu.memory_space<vmem>>
          %dma_start3A_457 = arith.constant 0 : i32
          %dma_start3A_458 = tpu.memref_slice %arg15[%add3A_451, %dma_start3A_457] : memref<250x80xi32, #tpu.memory_space<vmem>> -> memref<1x80xi32, #tpu.memory_space<vmem>>
          %dma_start3A_459 = tpu.memref_squeeze %dma_start3A_458 : memref<1x80xi32, #tpu.memory_space<vmem>> -> memref<80xi32, #tpu.memory_space<vmem>>
          %dma_start3A_460 = arith.constant 0 : i32
          %dma_start3A_461 = arith.constant 0 : i32
          %dma_start3A_462 = tpu.memref_slice %arg5[%dma_start3A_460, %dma_start3A_461] : memref<10000x64xf32, #tpu.memory_space<hbm>> -> memref<10000x64xf32, #tpu.memory_space<hbm>>
          tpu.enqueue_indirect_dma source(%dma_start3A_462 : memref<10000x64xf32, #tpu.memory_space<hbm>>) target(%dma_start3A_456 : memref<80x64xf32, #tpu.memory_space<vmem>>) offsets(%dma_start3A_459 : memref<80xi32, #tpu.memory_space<vmem>>) semaphore(%arg24 : memref<!tpu.dma_semaphore, #tpu.memory_space<semaphore_mem>>)
          %mul3A_463 = arith.constant 80 : i32
          %mul3A_464 = arith.muli %add3A_451, %mul3A_463 : i32
          %add3A_465 = arith.addi %mul3A_142, %mul3A_464 : i32
          %dma_start3A_466 = arith.constant 2 : i32
          %dma_start3A_467 = arith.constant 0 : i32
          %dma_start3A_468 = arith.constant 0 : i32
          %dma_start3A_469 = tpu.memref_slice %arg18[%dma_start3A_466, %dma_start3A_467, %dma_start3A_468] : memref<3x80x64xf32, #tpu.memory_space<vmem>> -> memref<1x80x64xf32, #tpu.memory_space<vmem>>
          %dma_start3A_470 = tpu.memref_squeeze %dma_start3A_469 : memref<1x80x64xf32, #tpu.memory_space<vmem>> -> memref<80x64xf32, #tpu.memory_space<vmem>>
          %dma_start3A_471 = arith.constant 64 : i32
          %dma_start3A_472 = tpu.memref_slice %arg8[%add3A_465, %dma_start3A_471] : memref<320000x128xf32, #tpu.memory_space<hbm>> -> memref<80x64xf32, #tpu.memory_space<hbm>>
          %dma_start3A_473 = arith.constant 0 : i32
          %dma_start3A_474 = arith.constant 0 : i32
          %dma_start3A_475 = tpu.memref_slice %arg18[%dma_start3A_466, %dma_start3A_473, %dma_start3A_474] : memref<3x80x64xf32, #tpu.memory_space<vmem>> -> memref<1x80x64xf32, #tpu.memory_space<vmem>>
          %dma_start3A_476 = tpu.memref_squeeze %dma_start3A_475 : memref<1x80x64xf32, #tpu.memory_space<vmem>> -> memref<80x64xf32, #tpu.memory_space<vmem>>
          %dma_start3A_477 = arith.constant 64 : i32
          %dma_start3A_478 = tpu.memref_slice %arg8[%add3A_465, %dma_start3A_477] : memref<320000x128xf32, #tpu.memory_space<hbm>> -> memref<80x64xf32, #tpu.memory_space<hbm>>
          tpu.enqueue_dma source(%dma_start3A_478 : memref<80x64xf32, #tpu.memory_space<hbm>>) target(%dma_start3A_476 : memref<80x64xf32, #tpu.memory_space<vmem>>) target_semaphore(%arg27 : memref<!tpu.dma_semaphore, #tpu.memory_space<semaphore_mem>>)
        } else {
        }
        %mul3A_331 = arith.constant 3 : i32
        %mul3A_332 = arith.muli %scan3A_272, %mul3A_331 : i32
        %add3A_333 = arith.constant 1 : i32
        %add3A_334 = arith.addi %mul3A_332, %add3A_333 : i32
        %dma_wait3A_335 = arith.constant 1 : i32
        %dma_wait3A_336 = arith.constant 0 : i32
        %dma_wait3A_337 = arith.constant 0 : i32
        %dma_wait3A_338 = tpu.memref_slice %arg17[%dma_wait3A_335, %dma_wait3A_336, %dma_wait3A_337] : memref<3x80x64xf32, #tpu.memory_space<vmem>> -> memref<1x80x64xf32, #tpu.memory_space<vmem>>
        %dma_wait3A_339 = tpu.memref_squeeze %dma_wait3A_338 : memref<1x80x64xf32, #tpu.memory_space<vmem>> -> memref<80x64xf32, #tpu.memory_space<vmem>>
        %dma_wait3A_340 = arith.constant 0 : i32
        %dma_wait3A_341 = tpu.memref_slice %arg15[%add3A_334, %dma_wait3A_340] : memref<250x80xi32, #tpu.memory_space<vmem>> -> memref<1x80xi32, #tpu.memory_space<vmem>>
        %dma_wait3A_342 = tpu.memref_squeeze %dma_wait3A_341 : memref<1x80xi32, #tpu.memory_space<vmem>> -> memref<80xi32, #tpu.memory_space<vmem>>
        %dma_wait3A_343 = arith.constant 0 : i32
        %dma_wait3A_344 = arith.constant 0 : i32
        %dma_wait3A_345 = tpu.memref_slice %arg5[%dma_wait3A_343, %dma_wait3A_344] : memref<10000x64xf32, #tpu.memory_space<hbm>> -> memref<10000x64xf32, #tpu.memory_space<hbm>>
        tpu.wait_indirect_dma semaphore(%arg23 : memref<!tpu.dma_semaphore, #tpu.memory_space<semaphore_mem>>) src(%dma_wait3A_345 : memref<10000x64xf32, #tpu.memory_space<hbm>>) dst(%dma_wait3A_339 : memref<80x64xf32, #tpu.memory_space<vmem>>)
        %mul3A_346 = arith.constant 80 : i32
        %mul3A_347 = arith.muli %add3A_334, %mul3A_346 : i32
        %add3A_348 = arith.addi %mul3A_142, %mul3A_347 : i32
        %dma_wait3A_349 = arith.constant 1 : i32
        %dma_wait3A_350 = arith.constant 0 : i32
        %dma_wait3A_351 = arith.constant 0 : i32
        %dma_wait3A_352 = tpu.memref_slice %arg18[%dma_wait3A_349, %dma_wait3A_350, %dma_wait3A_351] : memref<3x80x64xf32, #tpu.memory_space<vmem>> -> memref<1x80x64xf32, #tpu.memory_space<vmem>>
        %dma_wait3A_353 = tpu.memref_squeeze %dma_wait3A_352 : memref<1x80x64xf32, #tpu.memory_space<vmem>> -> memref<80x64xf32, #tpu.memory_space<vmem>>
        %dma_wait3A_354 = arith.constant 64 : i32
        %dma_wait3A_355 = tpu.memref_slice %arg8[%add3A_348, %dma_wait3A_354] : memref<320000x128xf32, #tpu.memory_space<hbm>> -> memref<80x64xf32, #tpu.memory_space<hbm>>
        %dma_wait3A_356 = arith.constant 0 : i32
        %dma_wait3A_357 = arith.constant 0 : i32
        %dma_wait3A_358 = tpu.memref_slice %arg18[%dma_wait3A_349, %dma_wait3A_356, %dma_wait3A_357] : memref<3x80x64xf32, #tpu.memory_space<vmem>> -> memref<1x80x64xf32, #tpu.memory_space<vmem>>
        %dma_wait3A_359 = tpu.memref_squeeze %dma_wait3A_358 : memref<1x80x64xf32, #tpu.memory_space<vmem>> -> memref<80x64xf32, #tpu.memory_space<vmem>>
        %dma_wait3A_360 = arith.constant 64 : i32
        %dma_wait3A_361 = tpu.memref_slice %arg8[%add3A_348, %dma_wait3A_360] : memref<320000x128xf32, #tpu.memory_space<hbm>> -> memref<80x64xf32, #tpu.memory_space<hbm>>
        tpu.wait_dma2 semaphore(%arg26 : memref<!tpu.dma_semaphore, #tpu.memory_space<semaphore_mem>>) src(%dma_wait3A_361 : memref<80x64xf32, #tpu.memory_space<hbm>>) dst(%dma_wait3A_359 : memref<80x64xf32, #tpu.memory_space<vmem>>)
        %scan3A_362 = arith.constant 0 : i32
        %scan3A_363 = arith.constant 0 : i32
        %scan3A_364 = arith.constant 80 : i32
        %scan3A_365 = arith.addi %scan3A_363, %scan3A_364 : i32
        %scan3A_366 = arith.constant 1 : i32
        %scan3A_367 = scf.for %scan3A_450 = %scan3A_363 to %scan3A_365 step %scan3A_366 iter_args(%scan3A_451 = %scan3A_362) -> (i32)  : i32 {
          %get3A = arith.constant 1 : i32
          %get3A_452 = arith.index_cast %get3A : i32 to index
          %get3A_453 = arith.index_cast %scan3A_450 : i32 to index
          %get3A_454 = arith.constant 0 : index
          %get3A_455 = tpu.vector_load %arg17[%get3A_452, %get3A_453, %get3A_454] {strides = array<i32>} : memref<3x80x64xf32, #tpu.memory_space<vmem>>, vector<1x1x16xf32>,
          %get3A_456 = vector.shape_cast %get3A_455 : vector<1x1x16xf32> to vector<16xf32>
          %get3A_457 = arith.constant 1 : i32
          %get3A_458 = arith.index_cast %get3A_457 : i32 to index
          %get3A_459 = arith.index_cast %scan3A_450 : i32 to index
          %get3A_460 = arith.constant 0 : index
          %get3A_461 = tpu.vector_load %arg18[%get3A_458, %get3A_459, %get3A_460] {strides = array<i32>} : memref<3x80x64xf32, #tpu.memory_space<vmem>>, vector<1x1x16xf32>,
          %get3A_462 = vector.shape_cast %get3A_461 : vector<1x1x16xf32> to vector<16xf32>
          %mul3A_463 = arith.mulf %get3A_456, %get3A_462 : vector<16xf32>
          %swap3A = arith.constant 1 : i32
          %swap3A_464 = arith.index_cast %swap3A : i32 to index
          %swap3A_465 = arith.index_cast %scan3A_450 : i32 to index
          %swap3A_466 = arith.constant 0 : index
          %swap3A_467 = tpu.vector_load %arg17[%swap3A_464, %swap3A_465, %swap3A_466] {strides = array<i32>} : memref<3x80x64xf32, #tpu.memory_space<vmem>>, vector<1x1x16xf32>,
          %swap3A_468 = vector.shape_cast %swap3A_467 : vector<1x1x16xf32> to vector<16xf32>
          %swap3A_469 = vector.shape_cast %mul3A_463 : vector<16xf32> to vector<1x1x16xf32>
          tpu.vector_store %arg17[%swap3A_464, %swap3A_465, %swap3A_466], %swap3A_469 {strides = array<i32>} : memref<3x80x64xf32, #tpu.memory_space<vmem>>, vector<1x1x16xf32>,
          %get3A_470 = arith.constant 1 : i32
          %get3A_471 = arith.index_cast %get3A_470 : i32 to index
          %get3A_472 = arith.index_cast %scan3A_450 : i32 to index
          %get3A_473 = arith.constant 16 : index
          %get3A_474 = tpu.vector_load %arg17[%get3A_471, %get3A_472, %get3A_473] {strides = array<i32>} : memref<3x80x64xf32, #tpu.memory_space<vmem>>, vector<1x1x16xf32>,
          %get3A_475 = vector.shape_cast %get3A_474 : vector<1x1x16xf32> to vector<16xf32>
          %get3A_476 = arith.constant 1 : i32
          %get3A_477 = arith.index_cast %get3A_476 : i32 to index
          %get3A_478 = arith.index_cast %scan3A_450 : i32 to index
          %get3A_479 = arith.constant 16 : index
          %get3A_480 = tpu.vector_load %arg18[%get3A_477, %get3A_478, %get3A_479] {strides = array<i32>} : memref<3x80x64xf32, #tpu.memory_space<vmem>>, vector<1x1x16xf32>,
          %get3A_481 = vector.shape_cast %get3A_480 : vector<1x1x16xf32> to vector<16xf32>
          %mul3A_482 = arith.mulf %get3A_475, %get3A_481 : vector<16xf32>
          %swap3A_483 = arith.constant 1 : i32
          %swap3A_484 = arith.index_cast %swap3A_483 : i32 to index
          %swap3A_485 = arith.index_cast %scan3A_450 : i32 to index
          %swap3A_486 = arith.constant 16 : index
          %swap3A_487 = tpu.vector_load %arg17[%swap3A_484, %swap3A_485, %swap3A_486] {strides = array<i32>} : memref<3x80x64xf32, #tpu.memory_space<vmem>>, vector<1x1x16xf32>,
          %swap3A_488 = vector.shape_cast %swap3A_487 : vector<1x1x16xf32> to vector<16xf32>
          %swap3A_489 = vector.shape_cast %mul3A_482 : vector<16xf32> to vector<1x1x16xf32>
          tpu.vector_store %arg17[%swap3A_484, %swap3A_485, %swap3A_486], %swap3A_489 {strides = array<i32>} : memref<3x80x64xf32, #tpu.memory_space<vmem>>, vector<1x1x16xf32>,
          %get3A_490 = arith.constant 1 : i32
          %get3A_491 = arith.index_cast %get3A_490 : i32 to index
          %get3A_492 = arith.index_cast %scan3A_450 : i32 to index
          %get3A_493 = arith.constant 32 : index
          %get3A_494 = tpu.vector_load %arg17[%get3A_491, %get3A_492, %get3A_493] {strides = array<i32>} : memref<3x80x64xf32, #tpu.memory_space<vmem>>, vector<1x1x16xf32>,
          %get3A_495 = vector.shape_cast %get3A_494 : vector<1x1x16xf32> to vector<16xf32>
          %get3A_496 = arith.constant 1 : i32
          %get3A_497 = arith.index_cast %get3A_496 : i32 to index
          %get3A_498 = arith.index_cast %scan3A_450 : i32 to index
          %get3A_499 = arith.constant 32 : index
          %get3A_500 = tpu.vector_load %arg18[%get3A_497, %get3A_498, %get3A_499] {strides = array<i32>} : memref<3x80x64xf32, #tpu.memory_space<vmem>>, vector<1x1x16xf32>,
          %get3A_501 = vector.shape_cast %get3A_500 : vector<1x1x16xf32> to vector<16xf32>
          %mul3A_502 = arith.mulf %get3A_495, %get3A_501 : vector<16xf32>
          %swap3A_503 = arith.constant 1 : i32
          %swap3A_504 = arith.index_cast %swap3A_503 : i32 to index
          %swap3A_505 = arith.index_cast %scan3A_450 : i32 to index
          %swap3A_506 = arith.constant 32 : index
          %swap3A_507 = tpu.vector_load %arg17[%swap3A_504, %swap3A_505, %swap3A_506] {strides = array<i32>} : memref<3x80x64xf32, #tpu.memory_space<vmem>>, vector<1x1x16xf32>,
          %swap3A_508 = vector.shape_cast %swap3A_507 : vector<1x1x16xf32> to vector<16xf32>
          %swap3A_509 = vector.shape_cast %mul3A_502 : vector<16xf32> to vector<1x1x16xf32>
          tpu.vector_store %arg17[%swap3A_504, %swap3A_505, %swap3A_506], %swap3A_509 {strides = array<i32>} : memref<3x80x64xf32, #tpu.memory_space<vmem>>, vector<1x1x16xf32>,
          %get3A_510 = arith.constant 1 : i32
          %get3A_511 = arith.index_cast %get3A_510 : i32 to index
          %get3A_512 = arith.index_cast %scan3A_450 : i32 to index
          %get3A_513 = arith.constant 48 : index
          %get3A_514 = tpu.vector_load %arg17[%get3A_511, %get3A_512, %get3A_513] {strides = array<i32>} : memref<3x80x64xf32, #tpu.memory_space<vmem>>, vector<1x1x16xf32>,
          %get3A_515 = vector.shape_cast %get3A_514 : vector<1x1x16xf32> to vector<16xf32>
          %get3A_516 = arith.constant 1 : i32
          %get3A_517 = arith.index_cast %get3A_516 : i32 to index
          %get3A_518 = arith.index_cast %scan3A_450 : i32 to index
          %get3A_519 = arith.constant 48 : index
          %get3A_520 = tpu.vector_load %arg18[%get3A_517, %get3A_518, %get3A_519] {strides = array<i32>} : memref<3x80x64xf32, #tpu.memory_space<vmem>>, vector<1x1x16xf32>,
          %get3A_521 = vector.shape_cast %get3A_520 : vector<1x1x16xf32> to vector<16xf32>
          %mul3A_522 = arith.mulf %get3A_515, %get3A_521 : vector<16xf32>
          %swap3A_523 = arith.constant 1 : i32
          %swap3A_524 = arith.index_cast %swap3A_523 : i32 to index
          %swap3A_525 = arith.index_cast %scan3A_450 : i32 to index
          %swap3A_526 = arith.constant 48 : index
          %swap3A_527 = tpu.vector_load %arg17[%swap3A_524, %swap3A_525, %swap3A_526] {strides = array<i32>} : memref<3x80x64xf32, #tpu.memory_space<vmem>>, vector<1x1x16xf32>,
          %swap3A_528 = vector.shape_cast %swap3A_527 : vector<1x1x16xf32> to vector<16xf32>
          %swap3A_529 = vector.shape_cast %mul3A_522 : vector<16xf32> to vector<1x1x16xf32>
          tpu.vector_store %arg17[%swap3A_524, %swap3A_525, %swap3A_526], %swap3A_529 {strides = array<i32>} : memref<3x80x64xf32, #tpu.memory_space<vmem>>, vector<1x1x16xf32>,
          %scan3A_530 = arith.constant 0 : i32
          scf.yield %scan3A_530 : i32
        }
        %scan3A_368 = arith.constant 80 : i32
        %dma_start3A_369 = arith.constant 1 : i32
        %dma_start3A_370 = arith.constant 0 : i32
        %dma_start3A_371 = arith.constant 0 : i32
        %dma_start3A_372 = tpu.memref_slice %arg17[%dma_start3A_369, %dma_start3A_370, %dma_start3A_371] : memref<3x80x64xf32, #tpu.memory_space<vmem>> -> memref<1x80x64xf32, #tpu.memory_space<vmem>>
        %dma_start3A_373 = tpu.memref_squeeze %dma_start3A_372 : memref<1x80x64xf32, #tpu.memory_space<vmem>> -> memref<80x64xf32, #tpu.memory_space<vmem>>
        %dma_start3A_374 = arith.constant 0 : i32
        %dma_start3A_375 = tpu.memref_slice %arg16[%add3A_334, %dma_start3A_374] : memref<250x80xi32, #tpu.memory_space<vmem>> -> memref<1x80xi32, #tpu.memory_space<vmem>>
        %dma_start3A_376 = tpu.memref_squeeze %dma_start3A_375 : memref<1x80xi32, #tpu.memory_space<vmem>> -> memref<80xi32, #tpu.memory_space<vmem>>
        %dma_start3A_377 = arith.constant 0 : i32
        %dma_start3A_378 = arith.constant 0 : i32
        %dma_start3A_379 = tpu.memref_slice %arg20[%dma_start3A_377, %dma_start3A_378] : memref<10240x64xf32, #tpu.memory_space<vmem_shared>> -> memref<10240x64xf32, #tpu.memory_space<vmem_shared>>
        tpu.enqueue_indirect_dma source(%dma_start3A_373 : memref<80x64xf32, #tpu.memory_space<vmem>>) target(%dma_start3A_379 : memref<10240x64xf32, #tpu.memory_space<vmem_shared>>) offsets(%dma_start3A_376 : memref<80xi32, #tpu.memory_space<vmem>>) semaphore(%arg32 : memref<!tpu.dma_semaphore, #tpu.memory_space<semaphore_mem>>) {add = true}
        %ge3A_380 = arith.constant 1 : i32
        %ge3A_381 = arith.cmpi sge, %add3A_334, %ge3A_380 : i32
        %convert_element_type3A_382 = arith.extui %ge3A_381 : i1 to i32
        %cond3A_383 = arith.constant 0 : i32
        %cond3A_384 = arith.cmpi ne, %convert_element_type3A_382, %cond3A_383 : i32
        scf.if %cond3A_384 {
          %sub3A = arith.constant 1 : i32
          %sub3A_450 = arith.subi %add3A_334, %sub3A : i32
          %dma_wait3A_451 = arith.constant 0 : i32
          %dma_wait3A_452 = arith.constant 0 : i32
          %dma_wait3A_453 = arith.constant 0 : i32
          %dma_wait3A_454 = tpu.memref_slice %arg17[%dma_wait3A_451, %dma_wait3A_452, %dma_wait3A_453] : memref<3x80x64xf32, #tpu.memory_space<vmem>> -> memref<1x80x64xf32, #tpu.memory_space<vmem>>
          %dma_wait3A_455 = tpu.memref_squeeze %dma_wait3A_454 : memref<1x80x64xf32, #tpu.memory_space<vmem>> -> memref<80x64xf32, #tpu.memory_space<vmem>>
          %dma_wait3A_456 = arith.constant 0 : i32
          %dma_wait3A_457 = tpu.memref_slice %arg16[%sub3A_450, %dma_wait3A_456] : memref<250x80xi32, #tpu.memory_space<vmem>> -> memref<1x80xi32, #tpu.memory_space<vmem>>
          %dma_wait3A_458 = tpu.memref_squeeze %dma_wait3A_457 : memref<1x80xi32, #tpu.memory_space<vmem>> -> memref<80xi32, #tpu.memory_space<vmem>>
          %dma_wait3A_459 = arith.constant 0 : i32
          %dma_wait3A_460 = arith.constant 0 : i32
          %dma_wait3A_461 = tpu.memref_slice %arg20[%dma_wait3A_459, %dma_wait3A_460] : memref<10240x64xf32, #tpu.memory_space<vmem_shared>> -> memref<10240x64xf32, #tpu.memory_space<vmem_shared>>
          tpu.wait_indirect_dma semaphore(%arg31 : memref<!tpu.dma_semaphore, #tpu.memory_space<semaphore_mem>>) src(%dma_wait3A_455 : memref<80x64xf32, #tpu.memory_space<vmem>>) dst(%dma_wait3A_461 : memref<10240x64xf32, #tpu.memory_space<vmem_shared>>)
        } else {
        }
        %lt3A_385 = arith.constant 248 : i32
        %lt3A_386 = arith.cmpi slt, %add3A_334, %lt3A_385 : i32
        %convert_element_type3A_387 = arith.extui %lt3A_386 : i1 to i32
        %cond3A_388 = arith.constant 0 : i32
        %cond3A_389 = arith.cmpi ne, %convert_element_type3A_387, %cond3A_388 : i32
        scf.if %cond3A_389 {
          %add3A_450 = arith.constant 2 : i32
          %add3A_451 = arith.addi %add3A_334, %add3A_450 : i32
          %dma_start3A_452 = arith.constant 0 : i32
          %dma_start3A_453 = arith.constant 0 : i32
          %dma_start3A_454 = arith.constant 0 : i32
          %dma_start3A_455 = tpu.memref_slice %arg17[%dma_start3A_452, %dma_start3A_453, %dma_start3A_454] : memref<3x80x64xf32, #tpu.memory_space<vmem>> -> memref<1x80x64xf32, #tpu.memory_space<vmem>>
          %dma_start3A_456 = tpu.memref_squeeze %dma_start3A_455 : memref<1x80x64xf32, #tpu.memory_space<vmem>> -> memref<80x64xf32, #tpu.memory_space<vmem>>
          %dma_start3A_457 = arith.constant 0 : i32
          %dma_start3A_458 = tpu.memref_slice %arg15[%add3A_451, %dma_start3A_457] : memref<250x80xi32, #tpu.memory_space<vmem>> -> memref<1x80xi32, #tpu.memory_space<vmem>>
          %dma_start3A_459 = tpu.memref_squeeze %dma_start3A_458 : memref<1x80xi32, #tpu.memory_space<vmem>> -> memref<80xi32, #tpu.memory_space<vmem>>
          %dma_start3A_460 = arith.constant 0 : i32
          %dma_start3A_461 = arith.constant 0 : i32
          %dma_start3A_462 = tpu.memref_slice %arg5[%dma_start3A_460, %dma_start3A_461] : memref<10000x64xf32, #tpu.memory_space<hbm>> -> memref<10000x64xf32, #tpu.memory_space<hbm>>
          tpu.enqueue_indirect_dma source(%dma_start3A_462 : memref<10000x64xf32, #tpu.memory_space<hbm>>) target(%dma_start3A_456 : memref<80x64xf32, #tpu.memory_space<vmem>>) offsets(%dma_start3A_459 : memref<80xi32, #tpu.memory_space<vmem>>) semaphore(%arg22 : memref<!tpu.dma_semaphore, #tpu.memory_space<semaphore_mem>>)
          %mul3A_463 = arith.constant 80 : i32
          %mul3A_464 = arith.muli %add3A_451, %mul3A_463 : i32
          %add3A_465 = arith.addi %mul3A_142, %mul3A_464 : i32
          %dma_start3A_466 = arith.constant 0 : i32
          %dma_start3A_467 = arith.constant 0 : i32
          %dma_start3A_468 = arith.constant 0 : i32
          %dma_start3A_469 = tpu.memref_slice %arg18[%dma_start3A_466, %dma_start3A_467, %dma_start3A_468] : memref<3x80x64xf32, #tpu.memory_space<vmem>> -> memref<1x80x64xf32, #tpu.memory_space<vmem>>
          %dma_start3A_470 = tpu.memref_squeeze %dma_start3A_469 : memref<1x80x64xf32, #tpu.memory_space<vmem>> -> memref<80x64xf32, #tpu.memory_space<vmem>>
          %dma_start3A_471 = arith.constant 64 : i32
          %dma_start3A_472 = tpu.memref_slice %arg8[%add3A_465, %dma_start3A_471] : memref<320000x128xf32, #tpu.memory_space<hbm>> -> memref<80x64xf32, #tpu.memory_space<hbm>>
          %dma_start3A_473 = arith.constant 0 : i32
          %dma_start3A_474 = arith.constant 0 : i32
          %dma_start3A_475 = tpu.memref_slice %arg18[%dma_start3A_466, %dma_start3A_473, %dma_start3A_474] : memref<3x80x64xf32, #tpu.memory_space<vmem>> -> memref<1x80x64xf32, #tpu.memory_space<vmem>>
          %dma_start3A_476 = tpu.memref_squeeze %dma_start3A_475 : memref<1x80x64xf32, #tpu.memory_space<vmem>> -> memref<80x64xf32, #tpu.memory_space<vmem>>
          %dma_start3A_477 = arith.constant 64 : i32
          %dma_start3A_478 = tpu.memref_slice %arg8[%add3A_465, %dma_start3A_477] : memref<320000x128xf32, #tpu.memory_space<hbm>> -> memref<80x64xf32, #tpu.memory_space<hbm>>
          tpu.enqueue_dma source(%dma_start3A_478 : memref<80x64xf32, #tpu.memory_space<hbm>>) target(%dma_start3A_476 : memref<80x64xf32, #tpu.memory_space<vmem>>) target_semaphore(%arg25 : memref<!tpu.dma_semaphore, #tpu.memory_space<semaphore_mem>>)
        } else {
        }
        %mul3A_390 = arith.constant 3 : i32
        %mul3A_391 = arith.muli %scan3A_272, %mul3A_390 : i32
        %add3A_392 = arith.constant 2 : i32
        %add3A_393 = arith.addi %mul3A_391, %add3A_392 : i32
        %dma_wait3A_394 = arith.constant 2 : i32
        %dma_wait3A_395 = arith.constant 0 : i32
        %dma_wait3A_396 = arith.constant 0 : i32
        %dma_wait3A_397 = tpu.memref_slice %arg17[%dma_wait3A_394, %dma_wait3A_395, %dma_wait3A_396] : memref<3x80x64xf32, #tpu.memory_space<vmem>> -> memref<1x80x64xf32, #tpu.memory_space<vmem>>
        %dma_wait3A_398 = tpu.memref_squeeze %dma_wait3A_397 : memref<1x80x64xf32, #tpu.memory_space<vmem>> -> memref<80x64xf32, #tpu.memory_space<vmem>>
        %dma_wait3A_399 = arith.constant 0 : i32
        %dma_wait3A_400 = tpu.memref_slice %arg15[%add3A_393, %dma_wait3A_399] : memref<250x80xi32, #tpu.memory_space<vmem>> -> memref<1x80xi32, #tpu.memory_space<vmem>>
        %dma_wait3A_401 = tpu.memref_squeeze %dma_wait3A_400 : memref<1x80xi32, #tpu.memory_space<vmem>> -> memref<80xi32, #tpu.memory_space<vmem>>
        %dma_wait3A_402 = arith.constant 0 : i32
        %dma_wait3A_403 = arith.constant 0 : i32
        %dma_wait3A_404 = tpu.memref_slice %arg5[%dma_wait3A_402, %dma_wait3A_403] : memref<10000x64xf32, #tpu.memory_space<hbm>> -> memref<10000x64xf32, #tpu.memory_space<hbm>>
        tpu.wait_indirect_dma semaphore(%arg24 : memref<!tpu.dma_semaphore, #tpu.memory_space<semaphore_mem>>) src(%dma_wait3A_404 : memref<10000x64xf32, #tpu.memory_space<hbm>>) dst(%dma_wait3A_398 : memref<80x64xf32, #tpu.memory_space<vmem>>)
        %mul3A_405 = arith.constant 80 : i32
        %mul3A_406 = arith.muli %add3A_393, %mul3A_405 : i32
        %add3A_407 = arith.addi %mul3A_142, %mul3A_406 : i32
        %dma_wait3A_408 = arith.constant 2 : i32
        %dma_wait3A_409 = arith.constant 0 : i32
        %dma_wait3A_410 = arith.constant 0 : i32
        %dma_wait3A_411 = tpu.memref_slice %arg18[%dma_wait3A_408, %dma_wait3A_409, %dma_wait3A_410] : memref<3x80x64xf32, #tpu.memory_space<vmem>> -> memref<1x80x64xf32, #tpu.memory_space<vmem>>
        %dma_wait3A_412 = tpu.memref_squeeze %dma_wait3A_411 : memref<1x80x64xf32, #tpu.memory_space<vmem>> -> memref<80x64xf32, #tpu.memory_space<vmem>>
        %dma_wait3A_413 = arith.constant 64 : i32
        %dma_wait3A_414 = tpu.memref_slice %arg8[%add3A_407, %dma_wait3A_413] : memref<320000x128xf32, #tpu.memory_space<hbm>> -> memref<80x64xf32, #tpu.memory_space<hbm>>
        %dma_wait3A_415 = arith.constant 0 : i32
        %dma_wait3A_416 = arith.constant 0 : i32
        %dma_wait3A_417 = tpu.memref_slice %arg18[%dma_wait3A_408, %dma_wait3A_415, %dma_wait3A_416] : memref<3x80x64xf32, #tpu.memory_space<vmem>> -> memref<1x80x64xf32, #tpu.memory_space<vmem>>
        %dma_wait3A_418 = tpu.memref_squeeze %dma_wait3A_417 : memref<1x80x64xf32, #tpu.memory_space<vmem>> -> memref<80x64xf32, #tpu.memory_space<vmem>>
        %dma_wait3A_419 = arith.constant 64 : i32
        %dma_wait3A_420 = tpu.memref_slice %arg8[%add3A_407, %dma_wait3A_419] : memref<320000x128xf32, #tpu.memory_space<hbm>> -> memref<80x64xf32, #tpu.memory_space<hbm>>
        tpu.wait_dma2 semaphore(%arg27 : memref<!tpu.dma_semaphore, #tpu.memory_space<semaphore_mem>>) src(%dma_wait3A_420 : memref<80x64xf32, #tpu.memory_space<hbm>>) dst(%dma_wait3A_418 : memref<80x64xf32, #tpu.memory_space<vmem>>)
        %scan3A_421 = arith.constant 0 : i32
        %scan3A_422 = arith.constant 0 : i32
        %scan3A_423 = arith.constant 80 : i32
        %scan3A_424 = arith.addi %scan3A_422, %scan3A_423 : i32
        %scan3A_425 = arith.constant 1 : i32
        %scan3A_426 = scf.for %scan3A_450 = %scan3A_422 to %scan3A_424 step %scan3A_425 iter_args(%scan3A_451 = %scan3A_421) -> (i32)  : i32 {
          %get3A = arith.constant 2 : i32
          %get3A_452 = arith.index_cast %get3A : i32 to index
          %get3A_453 = arith.index_cast %scan3A_450 : i32 to index
          %get3A_454 = arith.constant 0 : index
          %get3A_455 = tpu.vector_load %arg17[%get3A_452, %get3A_453, %get3A_454] {strides = array<i32>} : memref<3x80x64xf32, #tpu.memory_space<vmem>>, vector<1x1x16xf32>,
          %get3A_456 = vector.shape_cast %get3A_455 : vector<1x1x16xf32> to vector<16xf32>
          %get3A_457 = arith.constant 2 : i32
          %get3A_458 = arith.index_cast %get3A_457 : i32 to index
          %get3A_459 = arith.index_cast %scan3A_450 : i32 to index
          %get3A_460 = arith.constant 0 : index
          %get3A_461 = tpu.vector_load %arg18[%get3A_458, %get3A_459, %get3A_460] {strides = array<i32>} : memref<3x80x64xf32, #tpu.memory_space<vmem>>, vector<1x1x16xf32>,
          %get3A_462 = vector.shape_cast %get3A_461 : vector<1x1x16xf32> to vector<16xf32>
          %mul3A_463 = arith.mulf %get3A_456, %get3A_462 : vector<16xf32>
          %swap3A = arith.constant 2 : i32
          %swap3A_464 = arith.index_cast %swap3A : i32 to index
          %swap3A_465 = arith.index_cast %scan3A_450 : i32 to index
          %swap3A_466 = arith.constant 0 : index
          %swap3A_467 = tpu.vector_load %arg17[%swap3A_464, %swap3A_465, %swap3A_466] {strides = array<i32>} : memref<3x80x64xf32, #tpu.memory_space<vmem>>, vector<1x1x16xf32>,
          %swap3A_468 = vector.shape_cast %swap3A_467 : vector<1x1x16xf32> to vector<16xf32>
          %swap3A_469 = vector.shape_cast %mul3A_463 : vector<16xf32> to vector<1x1x16xf32>
          tpu.vector_store %arg17[%swap3A_464, %swap3A_465, %swap3A_466], %swap3A_469 {strides = array<i32>} : memref<3x80x64xf32, #tpu.memory_space<vmem>>, vector<1x1x16xf32>,
          %get3A_470 = arith.constant 2 : i32
          %get3A_471 = arith.index_cast %get3A_470 : i32 to index
          %get3A_472 = arith.index_cast %scan3A_450 : i32 to index
          %get3A_473 = arith.constant 16 : index
          %get3A_474 = tpu.vector_load %arg17[%get3A_471, %get3A_472, %get3A_473] {strides = array<i32>} : memref<3x80x64xf32, #tpu.memory_space<vmem>>, vector<1x1x16xf32>,
          %get3A_475 = vector.shape_cast %get3A_474 : vector<1x1x16xf32> to vector<16xf32>
          %get3A_476 = arith.constant 2 : i32
          %get3A_477 = arith.index_cast %get3A_476 : i32 to index
          %get3A_478 = arith.index_cast %scan3A_450 : i32 to index
          %get3A_479 = arith.constant 16 : index
          %get3A_480 = tpu.vector_load %arg18[%get3A_477, %get3A_478, %get3A_479] {strides = array<i32>} : memref<3x80x64xf32, #tpu.memory_space<vmem>>, vector<1x1x16xf32>,
          %get3A_481 = vector.shape_cast %get3A_480 : vector<1x1x16xf32> to vector<16xf32>
          %mul3A_482 = arith.mulf %get3A_475, %get3A_481 : vector<16xf32>
          %swap3A_483 = arith.constant 2 : i32
          %swap3A_484 = arith.index_cast %swap3A_483 : i32 to index
          %swap3A_485 = arith.index_cast %scan3A_450 : i32 to index
          %swap3A_486 = arith.constant 16 : index
          %swap3A_487 = tpu.vector_load %arg17[%swap3A_484, %swap3A_485, %swap3A_486] {strides = array<i32>} : memref<3x80x64xf32, #tpu.memory_space<vmem>>, vector<1x1x16xf32>,
          %swap3A_488 = vector.shape_cast %swap3A_487 : vector<1x1x16xf32> to vector<16xf32>
          %swap3A_489 = vector.shape_cast %mul3A_482 : vector<16xf32> to vector<1x1x16xf32>
          tpu.vector_store %arg17[%swap3A_484, %swap3A_485, %swap3A_486], %swap3A_489 {strides = array<i32>} : memref<3x80x64xf32, #tpu.memory_space<vmem>>, vector<1x1x16xf32>,
          %get3A_490 = arith.constant 2 : i32
          %get3A_491 = arith.index_cast %get3A_490 : i32 to index
          %get3A_492 = arith.index_cast %scan3A_450 : i32 to index
          %get3A_493 = arith.constant 32 : index
          %get3A_494 = tpu.vector_load %arg17[%get3A_491, %get3A_492, %get3A_493] {strides = array<i32>} : memref<3x80x64xf32, #tpu.memory_space<vmem>>, vector<1x1x16xf32>,
          %get3A_495 = vector.shape_cast %get3A_494 : vector<1x1x16xf32> to vector<16xf32>
          %get3A_496 = arith.constant 2 : i32
          %get3A_497 = arith.index_cast %get3A_496 : i32 to index
          %get3A_498 = arith.index_cast %scan3A_450 : i32 to index
          %get3A_499 = arith.constant 32 : index
          %get3A_500 = tpu.vector_load %arg18[%get3A_497, %get3A_498, %get3A_499] {strides = array<i32>} : memref<3x80x64xf32, #tpu.memory_space<vmem>>, vector<1x1x16xf32>,
          %get3A_501 = vector.shape_cast %get3A_500 : vector<1x1x16xf32> to vector<16xf32>
          %mul3A_502 = arith.mulf %get3A_495, %get3A_501 : vector<16xf32>
          %swap3A_503 = arith.constant 2 : i32
          %swap3A_504 = arith.index_cast %swap3A_503 : i32 to index
          %swap3A_505 = arith.index_cast %scan3A_450 : i32 to index
          %swap3A_506 = arith.constant 32 : index
          %swap3A_507 = tpu.vector_load %arg17[%swap3A_504, %swap3A_505, %swap3A_506] {strides = array<i32>} : memref<3x80x64xf32, #tpu.memory_space<vmem>>, vector<1x1x16xf32>,
          %swap3A_508 = vector.shape_cast %swap3A_507 : vector<1x1x16xf32> to vector<16xf32>
          %swap3A_509 = vector.shape_cast %mul3A_502 : vector<16xf32> to vector<1x1x16xf32>
          tpu.vector_store %arg17[%swap3A_504, %swap3A_505, %swap3A_506], %swap3A_509 {strides = array<i32>} : memref<3x80x64xf32, #tpu.memory_space<vmem>>, vector<1x1x16xf32>,
          %get3A_510 = arith.constant 2 : i32
          %get3A_511 = arith.index_cast %get3A_510 : i32 to index
          %get3A_512 = arith.index_cast %scan3A_450 : i32 to index
          %get3A_513 = arith.constant 48 : index
          %get3A_514 = tpu.vector_load %arg17[%get3A_511, %get3A_512, %get3A_513] {strides = array<i32>} : memref<3x80x64xf32, #tpu.memory_space<vmem>>, vector<1x1x16xf32>,
          %get3A_515 = vector.shape_cast %get3A_514 : vector<1x1x16xf32> to vector<16xf32>
          %get3A_516 = arith.constant 2 : i32
          %get3A_517 = arith.index_cast %get3A_516 : i32 to index
          %get3A_518 = arith.index_cast %scan3A_450 : i32 to index
          %get3A_519 = arith.constant 48 : index
          %get3A_520 = tpu.vector_load %arg18[%get3A_517, %get3A_518, %get3A_519] {strides = array<i32>} : memref<3x80x64xf32, #tpu.memory_space<vmem>>, vector<1x1x16xf32>,
          %get3A_521 = vector.shape_cast %get3A_520 : vector<1x1x16xf32> to vector<16xf32>
          %mul3A_522 = arith.mulf %get3A_515, %get3A_521 : vector<16xf32>
          %swap3A_523 = arith.constant 2 : i32
          %swap3A_524 = arith.index_cast %swap3A_523 : i32 to index
          %swap3A_525 = arith.index_cast %scan3A_450 : i32 to index
          %swap3A_526 = arith.constant 48 : index
          %swap3A_527 = tpu.vector_load %arg17[%swap3A_524, %swap3A_525, %swap3A_526] {strides = array<i32>} : memref<3x80x64xf32, #tpu.memory_space<vmem>>, vector<1x1x16xf32>,
          %swap3A_528 = vector.shape_cast %swap3A_527 : vector<1x1x16xf32> to vector<16xf32>
          %swap3A_529 = vector.shape_cast %mul3A_522 : vector<16xf32> to vector<1x1x16xf32>
          tpu.vector_store %arg17[%swap3A_524, %swap3A_525, %swap3A_526], %swap3A_529 {strides = array<i32>} : memref<3x80x64xf32, #tpu.memory_space<vmem>>, vector<1x1x16xf32>,
          %scan3A_530 = arith.constant 0 : i32
          scf.yield %scan3A_530 : i32
        }
        %scan3A_427 = arith.constant 80 : i32
        %dma_start3A_428 = arith.constant 2 : i32
        %dma_start3A_429 = arith.constant 0 : i32
        %dma_start3A_430 = arith.constant 0 : i32
        %dma_start3A_431 = tpu.memref_slice %arg17[%dma_start3A_428, %dma_start3A_429, %dma_start3A_430] : memref<3x80x64xf32, #tpu.memory_space<vmem>> -> memref<1x80x64xf32, #tpu.memory_space<vmem>>
        %dma_start3A_432 = tpu.memref_squeeze %dma_start3A_431 : memref<1x80x64xf32, #tpu.memory_space<vmem>> -> memref<80x64xf32, #tpu.memory_space<vmem>>
        %dma_start3A_433 = arith.constant 0 : i32
        %dma_start3A_434 = tpu.memref_slice %arg16[%add3A_393, %dma_start3A_433] : memref<250x80xi32, #tpu.memory_space<vmem>> -> memref<1x80xi32, #tpu.memory_space<vmem>>
        %dma_start3A_435 = tpu.memref_squeeze %dma_start3A_434 : memref<1x80xi32, #tpu.memory_space<vmem>> -> memref<80xi32, #tpu.memory_space<vmem>>
        %dma_start3A_436 = arith.constant 0 : i32
        %dma_start3A_437 = arith.constant 0 : i32
        %dma_start3A_438 = tpu.memref_slice %arg20[%dma_start3A_436, %dma_start3A_437] : memref<10240x64xf32, #tpu.memory_space<vmem_shared>> -> memref<10240x64xf32, #tpu.memory_space<vmem_shared>>
        tpu.enqueue_indirect_dma source(%dma_start3A_432 : memref<80x64xf32, #tpu.memory_space<vmem>>) target(%dma_start3A_438 : memref<10240x64xf32, #tpu.memory_space<vmem_shared>>) offsets(%dma_start3A_435 : memref<80xi32, #tpu.memory_space<vmem>>) semaphore(%arg33 : memref<!tpu.dma_semaphore, #tpu.memory_space<semaphore_mem>>) {add = true}
        %ge3A_439 = arith.constant 1 : i32
        %ge3A_440 = arith.cmpi sge, %add3A_393, %ge3A_439 : i32
        %convert_element_type3A_441 = arith.extui %ge3A_440 : i1 to i32
        %cond3A_442 = arith.constant 0 : i32
        %cond3A_443 = arith.cmpi ne, %convert_element_type3A_441, %cond3A_442 : i32
        scf.if %cond3A_443 {
          %sub3A = arith.constant 1 : i32
          %sub3A_450 = arith.subi %add3A_393, %sub3A : i32
          %dma_wait3A_451 = arith.constant 1 : i32
          %dma_wait3A_452 = arith.constant 0 : i32
          %dma_wait3A_453 = arith.constant 0 : i32
          %dma_wait3A_454 = tpu.memref_slice %arg17[%dma_wait3A_451, %dma_wait3A_452, %dma_wait3A_453] : memref<3x80x64xf32, #tpu.memory_space<vmem>> -> memref<1x80x64xf32, #tpu.memory_space<vmem>>
          %dma_wait3A_455 = tpu.memref_squeeze %dma_wait3A_454 : memref<1x80x64xf32, #tpu.memory_space<vmem>> -> memref<80x64xf32, #tpu.memory_space<vmem>>
          %dma_wait3A_456 = arith.constant 0 : i32
          %dma_wait3A_457 = tpu.memref_slice %arg16[%sub3A_450, %dma_wait3A_456] : memref<250x80xi32, #tpu.memory_space<vmem>> -> memref<1x80xi32, #tpu.memory_space<vmem>>
          %dma_wait3A_458 = tpu.memref_squeeze %dma_wait3A_457 : memref<1x80xi32, #tpu.memory_space<vmem>> -> memref<80xi32, #tpu.memory_space<vmem>>
          %dma_wait3A_459 = arith.constant 0 : i32
          %dma_wait3A_460 = arith.constant 0 : i32
          %dma_wait3A_461 = tpu.memref_slice %arg20[%dma_wait3A_459, %dma_wait3A_460] : memref<10240x64xf32, #tpu.memory_space<vmem_shared>> -> memref<10240x64xf32, #tpu.memory_space<vmem_shared>>
          tpu.wait_indirect_dma semaphore(%arg32 : memref<!tpu.dma_semaphore, #tpu.memory_space<semaphore_mem>>) src(%dma_wait3A_455 : memref<80x64xf32, #tpu.memory_space<vmem>>) dst(%dma_wait3A_461 : memref<10240x64xf32, #tpu.memory_space<vmem_shared>>)
        } else {
        }
        %lt3A_444 = arith.constant 248 : i32
        %lt3A_445 = arith.cmpi slt, %add3A_393, %lt3A_444 : i32
        %convert_element_type3A_446 = arith.extui %lt3A_445 : i1 to i32
        %cond3A_447 = arith.constant 0 : i32
        %cond3A_448 = arith.cmpi ne, %convert_element_type3A_446, %cond3A_447 : i32
        scf.if %cond3A_448 {
          %add3A_450 = arith.constant 2 : i32
          %add3A_451 = arith.addi %add3A_393, %add3A_450 : i32
          %dma_start3A_452 = arith.constant 1 : i32
          %dma_start3A_453 = arith.constant 0 : i32
          %dma_start3A_454 = arith.constant 0 : i32
          %dma_start3A_455 = tpu.memref_slice %arg17[%dma_start3A_452, %dma_start3A_453, %dma_start3A_454] : memref<3x80x64xf32, #tpu.memory_space<vmem>> -> memref<1x80x64xf32, #tpu.memory_space<vmem>>
          %dma_start3A_456 = tpu.memref_squeeze %dma_start3A_455 : memref<1x80x64xf32, #tpu.memory_space<vmem>> -> memref<80x64xf32, #tpu.memory_space<vmem>>
          %dma_start3A_457 = arith.constant 0 : i32
          %dma_start3A_458 = tpu.memref_slice %arg15[%add3A_451, %dma_start3A_457] : memref<250x80xi32, #tpu.memory_space<vmem>> -> memref<1x80xi32, #tpu.memory_space<vmem>>
          %dma_start3A_459 = tpu.memref_squeeze %dma_start3A_458 : memref<1x80xi32, #tpu.memory_space<vmem>> -> memref<80xi32, #tpu.memory_space<vmem>>
          %dma_start3A_460 = arith.constant 0 : i32
          %dma_start3A_461 = arith.constant 0 : i32
          %dma_start3A_462 = tpu.memref_slice %arg5[%dma_start3A_460, %dma_start3A_461] : memref<10000x64xf32, #tpu.memory_space<hbm>> -> memref<10000x64xf32, #tpu.memory_space<hbm>>
          tpu.enqueue_indirect_dma source(%dma_start3A_462 : memref<10000x64xf32, #tpu.memory_space<hbm>>) target(%dma_start3A_456 : memref<80x64xf32, #tpu.memory_space<vmem>>) offsets(%dma_start3A_459 : memref<80xi32, #tpu.memory_space<vmem>>) semaphore(%arg23 : memref<!tpu.dma_semaphore, #tpu.memory_space<semaphore_mem>>)
          %mul3A_463 = arith.constant 80 : i32
          %mul3A_464 = arith.muli %add3A_451, %mul3A_463 : i32
          %add3A_465 = arith.addi %mul3A_142, %mul3A_464 : i32
          %dma_start3A_466 = arith.constant 1 : i32
          %dma_start3A_467 = arith.constant 0 : i32
          %dma_start3A_468 = arith.constant 0 : i32
          %dma_start3A_469 = tpu.memref_slice %arg18[%dma_start3A_466, %dma_start3A_467, %dma_start3A_468] : memref<3x80x64xf32, #tpu.memory_space<vmem>> -> memref<1x80x64xf32, #tpu.memory_space<vmem>>
          %dma_start3A_470 = tpu.memref_squeeze %dma_start3A_469 : memref<1x80x64xf32, #tpu.memory_space<vmem>> -> memref<80x64xf32, #tpu.memory_space<vmem>>
          %dma_start3A_471 = arith.constant 64 : i32
          %dma_start3A_472 = tpu.memref_slice %arg8[%add3A_465, %dma_start3A_471] : memref<320000x128xf32, #tpu.memory_space<hbm>> -> memref<80x64xf32, #tpu.memory_space<hbm>>
          %dma_start3A_473 = arith.constant 0 : i32
          %dma_start3A_474 = arith.constant 0 : i32
          %dma_start3A_475 = tpu.memref_slice %arg18[%dma_start3A_466, %dma_start3A_473, %dma_start3A_474] : memref<3x80x64xf32, #tpu.memory_space<vmem>> -> memref<1x80x64xf32, #tpu.memory_space<vmem>>
          %dma_start3A_476 = tpu.memref_squeeze %dma_start3A_475 : memref<1x80x64xf32, #tpu.memory_space<vmem>> -> memref<80x64xf32, #tpu.memory_space<vmem>>
          %dma_start3A_477 = arith.constant 64 : i32
          %dma_start3A_478 = tpu.memref_slice %arg8[%add3A_465, %dma_start3A_477] : memref<320000x128xf32, #tpu.memory_space<hbm>> -> memref<80x64xf32, #tpu.memory_space<hbm>>
          tpu.enqueue_dma source(%dma_start3A_478 : memref<80x64xf32, #tpu.memory_space<hbm>>) target(%dma_start3A_476 : memref<80x64xf32, #tpu.memory_space<vmem>>) target_semaphore(%arg26 : memref<!tpu.dma_semaphore, #tpu.memory_space<semaphore_mem>>)
        } else {
        }
        %scan3A_449 = arith.constant 0 : i32
        scf.yield %scan3A_449 : i32
      }
      %scan3A_202 = arith.constant 83 : i32
      %dma_wait3A = arith.constant 249 : i32
      %dma_wait3A_203 = arith.constant 0 : i32
      %dma_wait3A_204 = arith.constant 0 : i32
      %dma_wait3A_205 = arith.constant 0 : i32
      %dma_wait3A_206 = tpu.memref_slice %arg17[%dma_wait3A_203, %dma_wait3A_204, %dma_wait3A_205] : memref<3x80x64xf32, #tpu.memory_space<vmem>> -> memref<1x80x64xf32, #tpu.memory_space<vmem>>
      %dma_wait3A_207 = tpu.memref_squeeze %dma_wait3A_206 : memref<1x80x64xf32, #tpu.memory_space<vmem>> -> memref<80x64xf32, #tpu.memory_space<vmem>>
      %dma_wait3A_208 = arith.constant 0 : i32
      %dma_wait3A_209 = tpu.memref_slice %arg15[%dma_wait3A, %dma_wait3A_208] : memref<250x80xi32, #tpu.memory_space<vmem>> -> memref<1x80xi32, #tpu.memory_space<vmem>>
      %dma_wait3A_210 = tpu.memref_squeeze %dma_wait3A_209 : memref<1x80xi32, #tpu.memory_space<vmem>> -> memref<80xi32, #tpu.memory_space<vmem>>
      %dma_wait3A_211 = arith.constant 0 : i32
      %dma_wait3A_212 = arith.constant 0 : i32
      %dma_wait3A_213 = tpu.memref_slice %arg5[%dma_wait3A_211, %dma_wait3A_212] : memref<10000x64xf32, #tpu.memory_space<hbm>> -> memref<10000x64xf32, #tpu.memory_space<hbm>>
      tpu.wait_indirect_dma semaphore(%arg22 : memref<!tpu.dma_semaphore, #tpu.memory_space<semaphore_mem>>) src(%dma_wait3A_213 : memref<10000x64xf32, #tpu.memory_space<hbm>>) dst(%dma_wait3A_207 : memref<80x64xf32, #tpu.memory_space<vmem>>)
      %add3A_214 = arith.constant 19920 : i32
      %add3A_215 = arith.addi %mul3A_142, %add3A_214 : i32
      %dma_wait3A_216 = arith.constant 0 : i32
      %dma_wait3A_217 = arith.constant 0 : i32
      %dma_wait3A_218 = arith.constant 0 : i32
      %dma_wait3A_219 = tpu.memref_slice %arg18[%dma_wait3A_216, %dma_wait3A_217, %dma_wait3A_218] : memref<3x80x64xf32, #tpu.memory_space<vmem>> -> memref<1x80x64xf32, #tpu.memory_space<vmem>>
      %dma_wait3A_220 = tpu.memref_squeeze %dma_wait3A_219 : memref<1x80x64xf32, #tpu.memory_space<vmem>> -> memref<80x64xf32, #tpu.memory_space<vmem>>
      %dma_wait3A_221 = arith.constant 64 : i32
      %dma_wait3A_222 = tpu.memref_slice %arg8[%add3A_215, %dma_wait3A_221] : memref<320000x128xf32, #tpu.memory_space<hbm>> -> memref<80x64xf32, #tpu.memory_space<hbm>>
      %dma_wait3A_223 = arith.constant 0 : i32
      %dma_wait3A_224 = arith.constant 0 : i32
      %dma_wait3A_225 = tpu.memref_slice %arg18[%dma_wait3A_216, %dma_wait3A_223, %dma_wait3A_224] : memref<3x80x64xf32, #tpu.memory_space<vmem>> -> memref<1x80x64xf32, #tpu.memory_space<vmem>>
      %dma_wait3A_226 = tpu.memref_squeeze %dma_wait3A_225 : memref<1x80x64xf32, #tpu.memory_space<vmem>> -> memref<80x64xf32, #tpu.memory_space<vmem>>
      %dma_wait3A_227 = arith.constant 64 : i32
      %dma_wait3A_228 = tpu.memref_slice %arg8[%add3A_215, %dma_wait3A_227] : memref<320000x128xf32, #tpu.memory_space<hbm>> -> memref<80x64xf32, #tpu.memory_space<hbm>>
      tpu.wait_dma2 semaphore(%arg25 : memref<!tpu.dma_semaphore, #tpu.memory_space<semaphore_mem>>) src(%dma_wait3A_228 : memref<80x64xf32, #tpu.memory_space<hbm>>) dst(%dma_wait3A_226 : memref<80x64xf32, #tpu.memory_space<vmem>>)
      %scan3A_229 = arith.constant 0 : i32
      %scan3A_230 = arith.constant 0 : i32
      %scan3A_231 = arith.constant 80 : i32
      %scan3A_232 = arith.addi %scan3A_230, %scan3A_231 : i32
      %scan3A_233 = arith.constant 1 : i32
      %scan3A_234 = scf.for %scan3A_272 = %scan3A_230 to %scan3A_232 step %scan3A_233 iter_args(%scan3A_273 = %scan3A_229) -> (i32)  : i32 {
        %get3A = arith.constant 0 : i32
        %get3A_274 = arith.index_cast %get3A : i32 to index
        %get3A_275 = arith.index_cast %scan3A_272 : i32 to index
        %get3A_276 = arith.constant 0 : index
        %get3A_277 = tpu.vector_load %arg17[%get3A_274, %get3A_275, %get3A_276] {strides = array<i32>} : memref<3x80x64xf32, #tpu.memory_space<vmem>>, vector<1x1x16xf32>,
        %get3A_278 = vector.shape_cast %get3A_277 : vector<1x1x16xf32> to vector<16xf32>
        %get3A_279 = arith.constant 0 : i32
        %get3A_280 = arith.index_cast %get3A_279 : i32 to index
        %get3A_281 = arith.index_cast %scan3A_272 : i32 to index
        %get3A_282 = arith.constant 0 : index
        %get3A_283 = tpu.vector_load %arg18[%get3A_280, %get3A_281, %get3A_282] {strides = array<i32>} : memref<3x80x64xf32, #tpu.memory_space<vmem>>, vector<1x1x16xf32>,
        %get3A_284 = vector.shape_cast %get3A_283 : vector<1x1x16xf32> to vector<16xf32>
        %mul3A_285 = arith.mulf %get3A_278, %get3A_284 : vector<16xf32>
        %swap3A = arith.constant 0 : i32
        %swap3A_286 = arith.index_cast %swap3A : i32 to index
        %swap3A_287 = arith.index_cast %scan3A_272 : i32 to index
        %swap3A_288 = arith.constant 0 : index
        %swap3A_289 = tpu.vector_load %arg17[%swap3A_286, %swap3A_287, %swap3A_288] {strides = array<i32>} : memref<3x80x64xf32, #tpu.memory_space<vmem>>, vector<1x1x16xf32>,
        %swap3A_290 = vector.shape_cast %swap3A_289 : vector<1x1x16xf32> to vector<16xf32>
        %swap3A_291 = vector.shape_cast %mul3A_285 : vector<16xf32> to vector<1x1x16xf32>
        tpu.vector_store %arg17[%swap3A_286, %swap3A_287, %swap3A_288], %swap3A_291 {strides = array<i32>} : memref<3x80x64xf32, #tpu.memory_space<vmem>>, vector<1x1x16xf32>,
        %get3A_292 = arith.constant 0 : i32
        %get3A_293 = arith.index_cast %get3A_292 : i32 to index
        %get3A_294 = arith.index_cast %scan3A_272 : i32 to index
        %get3A_295 = arith.constant 16 : index
        %get3A_296 = tpu.vector_load %arg17[%get3A_293, %get3A_294, %get3A_295] {strides = array<i32>} : memref<3x80x64xf32, #tpu.memory_space<vmem>>, vector<1x1x16xf32>,
        %get3A_297 = vector.shape_cast %get3A_296 : vector<1x1x16xf32> to vector<16xf32>
        %get3A_298 = arith.constant 0 : i32
        %get3A_299 = arith.index_cast %get3A_298 : i32 to index
        %get3A_300 = arith.index_cast %scan3A_272 : i32 to index
        %get3A_301 = arith.constant 16 : index
        %get3A_302 = tpu.vector_load %arg18[%get3A_299, %get3A_300, %get3A_301] {strides = array<i32>} : memref<3x80x64xf32, #tpu.memory_space<vmem>>, vector<1x1x16xf32>,
        %get3A_303 = vector.shape_cast %get3A_302 : vector<1x1x16xf32> to vector<16xf32>
        %mul3A_304 = arith.mulf %get3A_297, %get3A_303 : vector<16xf32>
        %swap3A_305 = arith.constant 0 : i32
        %swap3A_306 = arith.index_cast %swap3A_305 : i32 to index
        %swap3A_307 = arith.index_cast %scan3A_272 : i32 to index
        %swap3A_308 = arith.constant 16 : index
        %swap3A_309 = tpu.vector_load %arg17[%swap3A_306, %swap3A_307, %swap3A_308] {strides = array<i32>} : memref<3x80x64xf32, #tpu.memory_space<vmem>>, vector<1x1x16xf32>,
        %swap3A_310 = vector.shape_cast %swap3A_309 : vector<1x1x16xf32> to vector<16xf32>
        %swap3A_311 = vector.shape_cast %mul3A_304 : vector<16xf32> to vector<1x1x16xf32>
        tpu.vector_store %arg17[%swap3A_306, %swap3A_307, %swap3A_308], %swap3A_311 {strides = array<i32>} : memref<3x80x64xf32, #tpu.memory_space<vmem>>, vector<1x1x16xf32>,
        %get3A_312 = arith.constant 0 : i32
        %get3A_313 = arith.index_cast %get3A_312 : i32 to index
        %get3A_314 = arith.index_cast %scan3A_272 : i32 to index
        %get3A_315 = arith.constant 32 : index
        %get3A_316 = tpu.vector_load %arg17[%get3A_313, %get3A_314, %get3A_315] {strides = array<i32>} : memref<3x80x64xf32, #tpu.memory_space<vmem>>, vector<1x1x16xf32>,
        %get3A_317 = vector.shape_cast %get3A_316 : vector<1x1x16xf32> to vector<16xf32>
        %get3A_318 = arith.constant 0 : i32
        %get3A_319 = arith.index_cast %get3A_318 : i32 to index
        %get3A_320 = arith.index_cast %scan3A_272 : i32 to index
        %get3A_321 = arith.constant 32 : index
        %get3A_322 = tpu.vector_load %arg18[%get3A_319, %get3A_320, %get3A_321] {strides = array<i32>} : memref<3x80x64xf32, #tpu.memory_space<vmem>>, vector<1x1x16xf32>,
        %get3A_323 = vector.shape_cast %get3A_322 : vector<1x1x16xf32> to vector<16xf32>
        %mul3A_324 = arith.mulf %get3A_317, %get3A_323 : vector<16xf32>
        %swap3A_325 = arith.constant 0 : i32
        %swap3A_326 = arith.index_cast %swap3A_325 : i32 to index
        %swap3A_327 = arith.index_cast %scan3A_272 : i32 to index
        %swap3A_328 = arith.constant 32 : index
        %swap3A_329 = tpu.vector_load %arg17[%swap3A_326, %swap3A_327, %swap3A_328] {strides = array<i32>} : memref<3x80x64xf32, #tpu.memory_space<vmem>>, vector<1x1x16xf32>,
        %swap3A_330 = vector.shape_cast %swap3A_329 : vector<1x1x16xf32> to vector<16xf32>
        %swap3A_331 = vector.shape_cast %mul3A_324 : vector<16xf32> to vector<1x1x16xf32>
        tpu.vector_store %arg17[%swap3A_326, %swap3A_327, %swap3A_328], %swap3A_331 {strides = array<i32>} : memref<3x80x64xf32, #tpu.memory_space<vmem>>, vector<1x1x16xf32>,
        %get3A_332 = arith.constant 0 : i32
        %get3A_333 = arith.index_cast %get3A_332 : i32 to index
        %get3A_334 = arith.index_cast %scan3A_272 : i32 to index
        %get3A_335 = arith.constant 48 : index
        %get3A_336 = tpu.vector_load %arg17[%get3A_333, %get3A_334, %get3A_335] {strides = array<i32>} : memref<3x80x64xf32, #tpu.memory_space<vmem>>, vector<1x1x16xf32>,
        %get3A_337 = vector.shape_cast %get3A_336 : vector<1x1x16xf32> to vector<16xf32>
        %get3A_338 = arith.constant 0 : i32
        %get3A_339 = arith.index_cast %get3A_338 : i32 to index
        %get3A_340 = arith.index_cast %scan3A_272 : i32 to index
        %get3A_341 = arith.constant 48 : index
        %get3A_342 = tpu.vector_load %arg18[%get3A_339, %get3A_340, %get3A_341] {strides = array<i32>} : memref<3x80x64xf32, #tpu.memory_space<vmem>>, vector<1x1x16xf32>,
        %get3A_343 = vector.shape_cast %get3A_342 : vector<1x1x16xf32> to vector<16xf32>
        %mul3A_344 = arith.mulf %get3A_337, %get3A_343 : vector<16xf32>
        %swap3A_345 = arith.constant 0 : i32
        %swap3A_346 = arith.index_cast %swap3A_345 : i32 to index
        %swap3A_347 = arith.index_cast %scan3A_272 : i32 to index
        %swap3A_348 = arith.constant 48 : index
        %swap3A_349 = tpu.vector_load %arg17[%swap3A_346, %swap3A_347, %swap3A_348] {strides = array<i32>} : memref<3x80x64xf32, #tpu.memory_space<vmem>>, vector<1x1x16xf32>,
        %swap3A_350 = vector.shape_cast %swap3A_349 : vector<1x1x16xf32> to vector<16xf32>
        %swap3A_351 = vector.shape_cast %mul3A_344 : vector<16xf32> to vector<1x1x16xf32>
        tpu.vector_store %arg17[%swap3A_346, %swap3A_347, %swap3A_348], %swap3A_351 {strides = array<i32>} : memref<3x80x64xf32, #tpu.memory_space<vmem>>, vector<1x1x16xf32>,
        %scan3A_352 = arith.constant 0 : i32
        scf.yield %scan3A_352 : i32
      }
      %scan3A_235 = arith.constant 80 : i32
      %dma_start3A_236 = arith.constant 0 : i32
      %dma_start3A_237 = arith.constant 249 : i32
      %dma_start3A_238 = arith.constant 0 : i32
      %dma_start3A_239 = arith.constant 0 : i32
      %dma_start3A_240 = tpu.memref_slice %arg17[%dma_start3A_236, %dma_start3A_238, %dma_start3A_239] : memref<3x80x64xf32, #tpu.memory_space<vmem>> -> memref<1x80x64xf32, #tpu.memory_space<vmem>>
      %dma_start3A_241 = tpu.memref_squeeze %dma_start3A_240 : memref<1x80x64xf32, #tpu.memory_space<vmem>> -> memref<80x64xf32, #tpu.memory_space<vmem>>
      %dma_start3A_242 = arith.constant 0 : i32
      %dma_start3A_243 = tpu.memref_slice %arg16[%dma_start3A_237, %dma_start3A_242] : memref<250x80xi32, #tpu.memory_space<vmem>> -> memref<1x80xi32, #tpu.memory_space<vmem>>
      %dma_start3A_244 = tpu.memref_squeeze %dma_start3A_243 : memref<1x80xi32, #tpu.memory_space<vmem>> -> memref<80xi32, #tpu.memory_space<vmem>>
      %dma_start3A_245 = arith.constant 0 : i32
      %dma_start3A_246 = arith.constant 0 : i32
      %dma_start3A_247 = tpu.memref_slice %arg20[%dma_start3A_245, %dma_start3A_246] : memref<10240x64xf32, #tpu.memory_space<vmem_shared>> -> memref<10240x64xf32, #tpu.memory_space<vmem_shared>>
      tpu.enqueue_indirect_dma source(%dma_start3A_241 : memref<80x64xf32, #tpu.memory_space<vmem>>) target(%dma_start3A_247 : memref<10240x64xf32, #tpu.memory_space<vmem_shared>>) offsets(%dma_start3A_244 : memref<80xi32, #tpu.memory_space<vmem>>) semaphore(%arg31 : memref<!tpu.dma_semaphore, #tpu.memory_space<semaphore_mem>>) {add = true}
      %dma_wait3A_248 = arith.constant 2 : i32
      %dma_wait3A_249 = arith.constant 248 : i32
      %dma_wait3A_250 = arith.constant 0 : i32
      %dma_wait3A_251 = arith.constant 0 : i32
      %dma_wait3A_252 = tpu.memref_slice %arg17[%dma_wait3A_248, %dma_wait3A_250, %dma_wait3A_251] : memref<3x80x64xf32, #tpu.memory_space<vmem>> -> memref<1x80x64xf32, #tpu.memory_space<vmem>>
      %dma_wait3A_253 = tpu.memref_squeeze %dma_wait3A_252 : memref<1x80x64xf32, #tpu.memory_space<vmem>> -> memref<80x64xf32, #tpu.memory_space<vmem>>
      %dma_wait3A_254 = arith.constant 0 : i32
      %dma_wait3A_255 = tpu.memref_slice %arg16[%dma_wait3A_249, %dma_wait3A_254] : memref<250x80xi32, #tpu.memory_space<vmem>> -> memref<1x80xi32, #tpu.memory_space<vmem>>
      %dma_wait3A_256 = tpu.memref_squeeze %dma_wait3A_255 : memref<1x80xi32, #tpu.memory_space<vmem>> -> memref<80xi32, #tpu.memory_space<vmem>>
      %dma_wait3A_257 = arith.constant 0 : i32
      %dma_wait3A_258 = arith.constant 0 : i32
      %dma_wait3A_259 = tpu.memref_slice %arg20[%dma_wait3A_257, %dma_wait3A_258] : memref<10240x64xf32, #tpu.memory_space<vmem_shared>> -> memref<10240x64xf32, #tpu.memory_space<vmem_shared>>
      tpu.wait_indirect_dma semaphore(%arg33 : memref<!tpu.dma_semaphore, #tpu.memory_space<semaphore_mem>>) src(%dma_wait3A_253 : memref<80x64xf32, #tpu.memory_space<vmem>>) dst(%dma_wait3A_259 : memref<10240x64xf32, #tpu.memory_space<vmem_shared>>)
      %dma_wait3A_260 = arith.constant 0 : i32
      %dma_wait3A_261 = arith.constant 249 : i32
      %dma_wait3A_262 = arith.constant 0 : i32
      %dma_wait3A_263 = arith.constant 0 : i32
      %dma_wait3A_264 = tpu.memref_slice %arg17[%dma_wait3A_260, %dma_wait3A_262, %dma_wait3A_263] : memref<3x80x64xf32, #tpu.memory_space<vmem>> -> memref<1x80x64xf32, #tpu.memory_space<vmem>>
      %dma_wait3A_265 = tpu.memref_squeeze %dma_wait3A_264 : memref<1x80x64xf32, #tpu.memory_space<vmem>> -> memref<80x64xf32, #tpu.memory_space<vmem>>
      %dma_wait3A_266 = arith.constant 0 : i32
      %dma_wait3A_267 = tpu.memref_slice %arg16[%dma_wait3A_261, %dma_wait3A_266] : memref<250x80xi32, #tpu.memory_space<vmem>> -> memref<1x80xi32, #tpu.memory_space<vmem>>
      %dma_wait3A_268 = tpu.memref_squeeze %dma_wait3A_267 : memref<1x80xi32, #tpu.memory_space<vmem>> -> memref<80xi32, #tpu.memory_space<vmem>>
      %dma_wait3A_269 = arith.constant 0 : i32
      %dma_wait3A_270 = arith.constant 0 : i32
      %dma_wait3A_271 = tpu.memref_slice %arg20[%dma_wait3A_269, %dma_wait3A_270] : memref<10240x64xf32, #tpu.memory_space<vmem_shared>> -> memref<10240x64xf32, #tpu.memory_space<vmem_shared>>
      tpu.wait_indirect_dma semaphore(%arg31 : memref<!tpu.dma_semaphore, #tpu.memory_space<semaphore_mem>>) src(%dma_wait3A_265 : memref<80x64xf32, #tpu.memory_space<vmem>>) dst(%dma_wait3A_271 : memref<10240x64xf32, #tpu.memory_space<vmem_shared>>)
    } else {
    }
    %barrier3A_72 = arith.constant 0 : index
    tpu.barrier barrier_id(%barrier3A_72)
    %eq3A_73 = arith.constant 0 : i32
    %eq3A_74 = arith.cmpi eq, %arg0, %eq3A_73 : i32
    %convert_element_type3A_75 = arith.extui %eq3A_74 : i1 to i32
    %cond3A_76 = arith.constant 0 : i32
    %cond3A_77 = arith.cmpi ne, %convert_element_type3A_75, %cond3A_76 : i32
    scf.if %cond3A_77 {
      %lt3A = arith.constant 15 : i32
      %lt3A_141 = arith.cmpi slt, %arg1, %lt3A : i32
      %convert_element_type3A_142 = arith.extui %lt3A_141 : i1 to i32
      %cond3A_143 = arith.constant 0 : i32
      %cond3A_144 = arith.cmpi ne, %convert_element_type3A_142, %cond3A_143 : i32
      scf.if %cond3A_144 {
        %mul3A_152 = arith.constant 640 : i32
        %mul3A_153 = arith.muli %arg1, %mul3A_152 : i32
        "tpu.region"() ({
          %run_scoped3A_154 = tpu.sem_alloc : memref<!tpu.dma_semaphore, #tpu.memory_space<semaphore_mem>>
          %dma_start3A = arith.constant 0 : i32
          %dma_start3A_155 = tpu.memref_slice %arg10[%mul3A_153, %dma_start3A] : memref<10000x64xf32, #tpu.memory_space<hbm>> -> memref<640x64xf32, #tpu.memory_space<hbm>>
          %dma_start3A_156 = arith.constant 0 : i32
          %dma_start3A_157 = tpu.memref_slice %arg20[%mul3A_153, %dma_start3A_156] : memref<10240x64xf32, #tpu.memory_space<vmem_shared>> -> memref<640x64xf32, #tpu.memory_space<vmem_shared>>
          tpu.enqueue_dma source(%dma_start3A_157 : memref<640x64xf32, #tpu.memory_space<vmem_shared>>) target(%dma_start3A_155 : memref<640x64xf32, #tpu.memory_space<hbm>>) target_semaphore(%run_scoped3A_154 : memref<!tpu.dma_semaphore, #tpu.memory_space<semaphore_mem>>)
          %dma_wait3A = arith.constant 0 : i32
          %dma_wait3A_158 = tpu.memref_slice %arg10[%mul3A_153, %dma_wait3A] : memref<10000x64xf32, #tpu.memory_space<hbm>> -> memref<640x64xf32, #tpu.memory_space<hbm>>
          %dma_wait3A_159 = arith.constant 0 : i32
          %dma_wait3A_160 = tpu.memref_slice %arg20[%mul3A_153, %dma_wait3A_159] : memref<10240x64xf32, #tpu.memory_space<vmem_shared>> -> memref<640x64xf32, #tpu.memory_space<vmem_shared>>
          tpu.wait_dma2 semaphore(%run_scoped3A_154 : memref<!tpu.dma_semaphore, #tpu.memory_space<semaphore_mem>>) src(%dma_wait3A_160 : memref<640x64xf32, #tpu.memory_space<vmem_shared>>) dst(%dma_wait3A_158 : memref<640x64xf32, #tpu.memory_space<hbm>>)
          tpu.yield
        }) : () -> ()
      } else {
      }
      %eq3A_145 = arith.constant 15 : i32
      %eq3A_146 = arith.cmpi eq, %arg1, %eq3A_145 : i32
      %convert_element_type3A_147 = arith.extui %eq3A_146 : i1 to i32
      %cond3A_148 = arith.constant 0 : i32
      %cond3A_149 = arith.cmpi ne, %convert_element_type3A_147, %cond3A_148 : i32
      scf.if %cond3A_149 {
        "tpu.region"() ({
          %run_scoped3A_152 = tpu.sem_alloc : memref<!tpu.dma_semaphore, #tpu.memory_space<semaphore_mem>>
          %dma_start3A = arith.constant 9600 : i32
          %dma_start3A_153 = arith.constant 0 : i32
          %dma_start3A_154 = tpu.memref_slice %arg10[%dma_start3A, %dma_start3A_153] : memref<10000x64xf32, #tpu.memory_space<hbm>> -> memref<400x64xf32, #tpu.memory_space<hbm>>
          %dma_start3A_155 = arith.constant 9600 : i32
          %dma_start3A_156 = arith.constant 0 : i32
          %dma_start3A_157 = tpu.memref_slice %arg20[%dma_start3A_155, %dma_start3A_156] : memref<10240x64xf32, #tpu.memory_space<vmem_shared>> -> memref<400x64xf32, #tpu.memory_space<vmem_shared>>
          tpu.enqueue_dma source(%dma_start3A_157 : memref<400x64xf32, #tpu.memory_space<vmem_shared>>) target(%dma_start3A_154 : memref<400x64xf32, #tpu.memory_space<hbm>>) target_semaphore(%run_scoped3A_152 : memref<!tpu.dma_semaphore, #tpu.memory_space<semaphore_mem>>)
          %dma_wait3A = arith.constant 9600 : i32
          %dma_wait3A_158 = arith.constant 0 : i32
          %dma_wait3A_159 = tpu.memref_slice %arg10[%dma_wait3A, %dma_wait3A_158] : memref<10000x64xf32, #tpu.memory_space<hbm>> -> memref<400x64xf32, #tpu.memory_space<hbm>>
          %dma_wait3A_160 = arith.constant 9600 : i32
          %dma_wait3A_161 = arith.constant 0 : i32
          %dma_wait3A_162 = tpu.memref_slice %arg20[%dma_wait3A_160, %dma_wait3A_161] : memref<10240x64xf32, #tpu.memory_space<vmem_shared>> -> memref<400x64xf32, #tpu.memory_space<vmem_shared>>
          tpu.wait_dma2 semaphore(%run_scoped3A_152 : memref<!tpu.dma_semaphore, #tpu.memory_space<semaphore_mem>>) src(%dma_wait3A_162 : memref<400x64xf32, #tpu.memory_space<vmem_shared>>) dst(%dma_wait3A_159 : memref<400x64xf32, #tpu.memory_space<hbm>>)
          tpu.yield
        }) : () -> ()
      } else {
      }
      %mul3A_150 = arith.constant 640 : i32
      %mul3A_151 = arith.muli %arg1, %mul3A_150 : i32
      "tpu.region"() ({
        %run_scoped3A_152 = tpu.sem_alloc : memref<!tpu.dma_semaphore, #tpu.memory_space<semaphore_mem>>
        %dma_start3A = arith.constant 0 : i32
        %dma_start3A_153 = tpu.memref_slice %arg14[%mul3A_151, %dma_start3A] : memref<10240x16xf32, #tpu.memory_space<hbm>> -> memref<640x16xf32, #tpu.memory_space<hbm>>
        %dma_start3A_154 = arith.constant 0 : i32
        %dma_start3A_155 = tpu.memref_slice %arg21[%mul3A_151, %dma_start3A_154] : memref<10240x16xf32, #tpu.memory_space<vmem_shared>> -> memref<640x16xf32, #tpu.memory_space<vmem_shared>>
        tpu.enqueue_dma source(%dma_start3A_155 : memref<640x16xf32, #tpu.memory_space<vmem_shared>>) target(%dma_start3A_153 : memref<640x16xf32, #tpu.memory_space<hbm>>) target_semaphore(%run_scoped3A_152 : memref<!tpu.dma_semaphore, #tpu.memory_space<semaphore_mem>>)
        %dma_wait3A = arith.constant 0 : i32
        %dma_wait3A_156 = tpu.memref_slice %arg14[%mul3A_151, %dma_wait3A] : memref<10240x16xf32, #tpu.memory_space<hbm>> -> memref<640x16xf32, #tpu.memory_space<hbm>>
        %dma_wait3A_157 = arith.constant 0 : i32
        %dma_wait3A_158 = tpu.memref_slice %arg21[%mul3A_151, %dma_wait3A_157] : memref<10240x16xf32, #tpu.memory_space<vmem_shared>> -> memref<640x16xf32, #tpu.memory_space<vmem_shared>>
        tpu.wait_dma2 semaphore(%run_scoped3A_152 : memref<!tpu.dma_semaphore, #tpu.memory_space<semaphore_mem>>) src(%dma_wait3A_158 : memref<640x16xf32, #tpu.memory_space<vmem_shared>>) dst(%dma_wait3A_156 : memref<640x16xf32, #tpu.memory_space<hbm>>)
        tpu.yield
      }) : () -> ()
    } else {
    }
    %eq3A_78 = arith.constant 1 : i32
    %eq3A_79 = arith.cmpi eq, %arg0, %eq3A_78 : i32
    %convert_element_type3A_80 = arith.extui %eq3A_79 : i1 to i32
    %cond3A_81 = arith.constant 0 : i32
    %cond3A_82 = arith.cmpi ne, %convert_element_type3A_80, %cond3A_81 : i32
    scf.if %cond3A_82 {
      %lt3A = arith.constant 15 : i32
      %lt3A_141 = arith.cmpi slt, %arg1, %lt3A : i32
      %convert_element_type3A_142 = arith.extui %lt3A_141 : i1 to i32
      %cond3A_143 = arith.constant 0 : i32
      %cond3A_144 = arith.cmpi ne, %convert_element_type3A_142, %cond3A_143 : i32
      scf.if %cond3A_144 {
        %mul3A_150 = arith.constant 640 : i32
        %mul3A_151 = arith.muli %arg1, %mul3A_150 : i32
        "tpu.region"() ({
          %run_scoped3A_152 = tpu.sem_alloc : memref<!tpu.dma_semaphore, #tpu.memory_space<semaphore_mem>>
          %dma_start3A = arith.constant 0 : i32
          %dma_start3A_153 = tpu.memref_slice %arg11[%mul3A_151, %dma_start3A] : memref<10000x64xf32, #tpu.memory_space<hbm>> -> memref<640x64xf32, #tpu.memory_space<hbm>>
          %dma_start3A_154 = arith.constant 0 : i32
          %dma_start3A_155 = tpu.memref_slice %arg20[%mul3A_151, %dma_start3A_154] : memref<10240x64xf32, #tpu.memory_space<vmem_shared>> -> memref<640x64xf32, #tpu.memory_space<vmem_shared>>
          tpu.enqueue_dma source(%dma_start3A_155 : memref<640x64xf32, #tpu.memory_space<vmem_shared>>) target(%dma_start3A_153 : memref<640x64xf32, #tpu.memory_space<hbm>>) target_semaphore(%run_scoped3A_152 : memref<!tpu.dma_semaphore, #tpu.memory_space<semaphore_mem>>)
          %dma_wait3A = arith.constant 0 : i32
          %dma_wait3A_156 = tpu.memref_slice %arg11[%mul3A_151, %dma_wait3A] : memref<10000x64xf32, #tpu.memory_space<hbm>> -> memref<640x64xf32, #tpu.memory_space<hbm>>
          %dma_wait3A_157 = arith.constant 0 : i32
          %dma_wait3A_158 = tpu.memref_slice %arg20[%mul3A_151, %dma_wait3A_157] : memref<10240x64xf32, #tpu.memory_space<vmem_shared>> -> memref<640x64xf32, #tpu.memory_space<vmem_shared>>
          tpu.wait_dma2 semaphore(%run_scoped3A_152 : memref<!tpu.dma_semaphore, #tpu.memory_space<semaphore_mem>>) src(%dma_wait3A_158 : memref<640x64xf32, #tpu.memory_space<vmem_shared>>) dst(%dma_wait3A_156 : memref<640x64xf32, #tpu.memory_space<hbm>>)
          tpu.yield
        }) : () -> ()
      } else {
      }
      %eq3A_145 = arith.constant 15 : i32
      %eq3A_146 = arith.cmpi eq, %arg1, %eq3A_145 : i32
      %convert_element_type3A_147 = arith.extui %eq3A_146 : i1 to i32
      %cond3A_148 = arith.constant 0 : i32
      %cond3A_149 = arith.cmpi ne, %convert_element_type3A_147, %cond3A_148 : i32
      scf.if %cond3A_149 {
        "tpu.region"() ({
          %run_scoped3A_150 = tpu.sem_alloc : memref<!tpu.dma_semaphore, #tpu.memory_space<semaphore_mem>>
          %dma_start3A = arith.constant 9600 : i32
          %dma_start3A_151 = arith.constant 0 : i32
          %dma_start3A_152 = tpu.memref_slice %arg11[%dma_start3A, %dma_start3A_151] : memref<10000x64xf32, #tpu.memory_space<hbm>> -> memref<400x64xf32, #tpu.memory_space<hbm>>
          %dma_start3A_153 = arith.constant 9600 : i32
          %dma_start3A_154 = arith.constant 0 : i32
          %dma_start3A_155 = tpu.memref_slice %arg20[%dma_start3A_153, %dma_start3A_154] : memref<10240x64xf32, #tpu.memory_space<vmem_shared>> -> memref<400x64xf32, #tpu.memory_space<vmem_shared>>
          tpu.enqueue_dma source(%dma_start3A_155 : memref<400x64xf32, #tpu.memory_space<vmem_shared>>) target(%dma_start3A_152 : memref<400x64xf32, #tpu.memory_space<hbm>>) target_semaphore(%run_scoped3A_150 : memref<!tpu.dma_semaphore, #tpu.memory_space<semaphore_mem>>)
          %dma_wait3A = arith.constant 9600 : i32
          %dma_wait3A_156 = arith.constant 0 : i32
          %dma_wait3A_157 = tpu.memref_slice %arg11[%dma_wait3A, %dma_wait3A_156] : memref<10000x64xf32, #tpu.memory_space<hbm>> -> memref<400x64xf32, #tpu.memory_space<hbm>>
          %dma_wait3A_158 = arith.constant 9600 : i32
          %dma_wait3A_159 = arith.constant 0 : i32
          %dma_wait3A_160 = tpu.memref_slice %arg20[%dma_wait3A_158, %dma_wait3A_159] : memref<10240x64xf32, #tpu.memory_space<vmem_shared>> -> memref<400x64xf32, #tpu.memory_space<vmem_shared>>
          tpu.wait_dma2 semaphore(%run_scoped3A_150 : memref<!tpu.dma_semaphore, #tpu.memory_space<semaphore_mem>>) src(%dma_wait3A_160 : memref<400x64xf32, #tpu.memory_space<vmem_shared>>) dst(%dma_wait3A_157 : memref<400x64xf32, #tpu.memory_space<hbm>>)
          tpu.yield
        }) : () -> ()
      } else {
      }
    } else {
    }
    %barrier3A_83 = arith.constant 0 : index
    tpu.barrier barrier_id(%barrier3A_83)
    %broadcast_in_dim3A_84 = arith.constant 0.000000e+00 : f32
    %broadcast_in_dim3A_85 = vector.broadcast %broadcast_in_dim3A_84 : f32 to vector<16xf32>
    %scan3A_86 = arith.constant 0 : i32
    %scan3A_87 = arith.constant 0 : i32
    %scan3A_88 = arith.constant 80 : i32
    %scan3A_89 = arith.addi %scan3A_87, %scan3A_88 : i32
    %scan3A_90 = arith.constant 1 : i32
    %scan3A_91 = scf.for %scan3A_141 = %scan3A_87 to %scan3A_89 step %scan3A_90 iter_args(%scan3A_142 = %scan3A_86) -> (i32)  : i32 {
      %swap3A = arith.constant 0 : i32
      %swap3A_143 = arith.index_cast %swap3A : i32 to index
      %swap3A_144 = arith.index_cast %scan3A_141 : i32 to index
      %swap3A_145 = arith.constant 0 : index
      %swap3A_146 = tpu.vector_load %arg17[%swap3A_143, %swap3A_144, %swap3A_145] {strides = array<i32>} : memref<3x80x64xf32, #tpu.memory_space<vmem>>, vector<1x1x16xf32>,
      %swap3A_147 = vector.shape_cast %swap3A_146 : vector<1x1x16xf32> to vector<16xf32>
      %swap3A_148 = vector.shape_cast %broadcast_in_dim3A_85 : vector<16xf32> to vector<1x1x16xf32>
      tpu.vector_store %arg17[%swap3A_143, %swap3A_144, %swap3A_145], %swap3A_148 {strides = array<i32>} : memref<3x80x64xf32, #tpu.memory_space<vmem>>, vector<1x1x16xf32>,
      %swap3A_149 = arith.constant 0 : i32
      %swap3A_150 = arith.index_cast %swap3A_149 : i32 to index
      %swap3A_151 = arith.index_cast %scan3A_141 : i32 to index
      %swap3A_152 = arith.constant 16 : index
      %swap3A_153 = tpu.vector_load %arg17[%swap3A_150, %swap3A_151, %swap3A_152] {strides = array<i32>} : memref<3x80x64xf32, #tpu.memory_space<vmem>>, vector<1x1x16xf32>,
      %swap3A_154 = vector.shape_cast %swap3A_153 : vector<1x1x16xf32> to vector<16xf32>
      %swap3A_155 = vector.shape_cast %broadcast_in_dim3A_85 : vector<16xf32> to vector<1x1x16xf32>
      tpu.vector_store %arg17[%swap3A_150, %swap3A_151, %swap3A_152], %swap3A_155 {strides = array<i32>} : memref<3x80x64xf32, #tpu.memory_space<vmem>>, vector<1x1x16xf32>,
      %swap3A_156 = arith.constant 0 : i32
      %swap3A_157 = arith.index_cast %swap3A_156 : i32 to index
      %swap3A_158 = arith.index_cast %scan3A_141 : i32 to index
      %swap3A_159 = arith.constant 32 : index
      %swap3A_160 = tpu.vector_load %arg17[%swap3A_157, %swap3A_158, %swap3A_159] {strides = array<i32>} : memref<3x80x64xf32, #tpu.memory_space<vmem>>, vector<1x1x16xf32>,
      %swap3A_161 = vector.shape_cast %swap3A_160 : vector<1x1x16xf32> to vector<16xf32>
      %swap3A_162 = vector.shape_cast %broadcast_in_dim3A_85 : vector<16xf32> to vector<1x1x16xf32>
      tpu.vector_store %arg17[%swap3A_157, %swap3A_158, %swap3A_159], %swap3A_162 {strides = array<i32>} : memref<3x80x64xf32, #tpu.memory_space<vmem>>, vector<1x1x16xf32>,
      %swap3A_163 = arith.constant 0 : i32
      %swap3A_164 = arith.index_cast %swap3A_163 : i32 to index
      %swap3A_165 = arith.index_cast %scan3A_141 : i32 to index
      %swap3A_166 = arith.constant 48 : index
      %swap3A_167 = tpu.vector_load %arg17[%swap3A_164, %swap3A_165, %swap3A_166] {strides = array<i32>} : memref<3x80x64xf32, #tpu.memory_space<vmem>>, vector<1x1x16xf32>,
      %swap3A_168 = vector.shape_cast %swap3A_167 : vector<1x1x16xf32> to vector<16xf32>
      %swap3A_169 = vector.shape_cast %broadcast_in_dim3A_85 : vector<16xf32> to vector<1x1x16xf32>
      tpu.vector_store %arg17[%swap3A_164, %swap3A_165, %swap3A_166], %swap3A_169 {strides = array<i32>} : memref<3x80x64xf32, #tpu.memory_space<vmem>>, vector<1x1x16xf32>,
      %scan3A_170 = arith.constant 0 : i32
      scf.yield %scan3A_170 : i32
    }
    %scan3A_92 = arith.constant 80 : i32
    %mul3A_93 = arith.constant 640 : i32
    %mul3A_94 = arith.muli %arg1, %mul3A_93 : i32
    %add3A_95 = arith.constant 0 : i32
    %add3A_96 = arith.addi %mul3A_94, %add3A_95 : i32
    %run_scoped3A_97 = arith.constant 0 : i32
    "tpu.region"() ({
      %run_scoped3A_141 = tpu.sem_alloc : memref<!tpu.dma_semaphore, #tpu.memory_space<semaphore_mem>>
      %dma_start3A = arith.constant 0 : i32
      %dma_start3A_142 = arith.constant 0 : i32
      %dma_start3A_143 = tpu.memref_slice %arg17[%run_scoped3A_97, %dma_start3A, %dma_start3A_142] : memref<3x80x64xf32, #tpu.memory_space<vmem>> -> memref<1x80x64xf32, #tpu.memory_space<vmem>>
      %dma_start3A_144 = tpu.memref_squeeze %dma_start3A_143 : memref<1x80x64xf32, #tpu.memory_space<vmem>> -> memref<80x64xf32, #tpu.memory_space<vmem>>
      %dma_start3A_145 = arith.constant 0 : i32
      %dma_start3A_146 = tpu.memref_slice %arg20[%add3A_96, %dma_start3A_145] : memref<10240x64xf32, #tpu.memory_space<vmem_shared>> -> memref<80x64xf32, #tpu.memory_space<vmem_shared>>
      %dma_start3A_147 = arith.constant 0 : i32
      %dma_start3A_148 = tpu.memref_slice %arg20[%add3A_96, %dma_start3A_147] : memref<10240x64xf32, #tpu.memory_space<vmem_shared>> -> memref<80x64xf32, #tpu.memory_space<vmem_shared>>
      %dma_start3A_149 = arith.constant 0 : i32
      %dma_start3A_150 = arith.constant 0 : i32
      %dma_start3A_151 = tpu.memref_slice %arg17[%run_scoped3A_97, %dma_start3A_149, %dma_start3A_150] : memref<3x80x64xf32, #tpu.memory_space<vmem>> -> memref<1x80x64xf32, #tpu.memory_space<vmem>>
      %dma_start3A_152 = tpu.memref_squeeze %dma_start3A_151 : memref<1x80x64xf32, #tpu.memory_space<vmem>> -> memref<80x64xf32, #tpu.memory_space<vmem>>
      tpu.enqueue_dma source(%dma_start3A_152 : memref<80x64xf32, #tpu.memory_space<vmem>>) target(%dma_start3A_148 : memref<80x64xf32, #tpu.memory_space<vmem_shared>>) target_semaphore(%run_scoped3A_141 : memref<!tpu.dma_semaphore, #tpu.memory_space<semaphore_mem>>)
      %dma_wait3A = arith.constant 0 : i32
      %dma_wait3A_153 = arith.constant 0 : i32
      %dma_wait3A_154 = tpu.memref_slice %arg17[%run_scoped3A_97, %dma_wait3A, %dma_wait3A_153] : memref<3x80x64xf32, #tpu.memory_space<vmem>> -> memref<1x80x64xf32, #tpu.memory_space<vmem>>
      %dma_wait3A_155 = tpu.memref_squeeze %dma_wait3A_154 : memref<1x80x64xf32, #tpu.memory_space<vmem>> -> memref<80x64xf32, #tpu.memory_space<vmem>>
      %dma_wait3A_156 = arith.constant 0 : i32
      %dma_wait3A_157 = tpu.memref_slice %arg20[%add3A_96, %dma_wait3A_156] : memref<10240x64xf32, #tpu.memory_space<vmem_shared>> -> memref<80x64xf32, #tpu.memory_space<vmem_shared>>
      %dma_wait3A_158 = arith.constant 0 : i32
      %dma_wait3A_159 = tpu.memref_slice %arg20[%add3A_96, %dma_wait3A_158] : memref<10240x64xf32, #tpu.memory_space<vmem_shared>> -> memref<80x64xf32, #tpu.memory_space<vmem_shared>>
      %dma_wait3A_160 = arith.constant 0 : i32
      %dma_wait3A_161 = arith.constant 0 : i32
      %dma_wait3A_162 = tpu.memref_slice %arg17[%run_scoped3A_97, %dma_wait3A_160, %dma_wait3A_161] : memref<3x80x64xf32, #tpu.memory_space<vmem>> -> memref<1x80x64xf32, #tpu.memory_space<vmem>>
      %dma_wait3A_163 = tpu.memref_squeeze %dma_wait3A_162 : memref<1x80x64xf32, #tpu.memory_space<vmem>> -> memref<80x64xf32, #tpu.memory_space<vmem>>
      tpu.wait_dma2 semaphore(%run_scoped3A_141 : memref<!tpu.dma_semaphore, #tpu.memory_space<semaphore_mem>>) src(%dma_wait3A_163 : memref<80x64xf32, #tpu.memory_space<vmem>>) dst(%dma_wait3A_159 : memref<80x64xf32, #tpu.memory_space<vmem_shared>>)
      tpu.yield
    }) : () -> ()
    %add3A_98 = arith.constant 80 : i32
    %add3A_99 = arith.addi %mul3A_94, %add3A_98 : i32
    %run_scoped3A_100 = arith.constant 0 : i32
    "tpu.region"() ({
      %run_scoped3A_141 = tpu.sem_alloc : memref<!tpu.dma_semaphore, #tpu.memory_space<semaphore_mem>>
      %dma_start3A = arith.constant 0 : i32
      %dma_start3A_142 = arith.constant 0 : i32
      %dma_start3A_143 = tpu.memref_slice %arg17[%run_scoped3A_100, %dma_start3A, %dma_start3A_142] : memref<3x80x64xf32, #tpu.memory_space<vmem>> -> memref<1x80x64xf32, #tpu.memory_space<vmem>>
      %dma_start3A_144 = tpu.memref_squeeze %dma_start3A_143 : memref<1x80x64xf32, #tpu.memory_space<vmem>> -> memref<80x64xf32, #tpu.memory_space<vmem>>
      %dma_start3A_145 = arith.constant 0 : i32
      %dma_start3A_146 = tpu.memref_slice %arg20[%add3A_99, %dma_start3A_145] : memref<10240x64xf32, #tpu.memory_space<vmem_shared>> -> memref<80x64xf32, #tpu.memory_space<vmem_shared>>
      %dma_start3A_147 = arith.constant 0 : i32
      %dma_start3A_148 = tpu.memref_slice %arg20[%add3A_99, %dma_start3A_147] : memref<10240x64xf32, #tpu.memory_space<vmem_shared>> -> memref<80x64xf32, #tpu.memory_space<vmem_shared>>
      %dma_start3A_149 = arith.constant 0 : i32
      %dma_start3A_150 = arith.constant 0 : i32
      %dma_start3A_151 = tpu.memref_slice %arg17[%run_scoped3A_100, %dma_start3A_149, %dma_start3A_150] : memref<3x80x64xf32, #tpu.memory_space<vmem>> -> memref<1x80x64xf32, #tpu.memory_space<vmem>>
      %dma_start3A_152 = tpu.memref_squeeze %dma_start3A_151 : memref<1x80x64xf32, #tpu.memory_space<vmem>> -> memref<80x64xf32, #tpu.memory_space<vmem>>
      tpu.enqueue_dma source(%dma_start3A_152 : memref<80x64xf32, #tpu.memory_space<vmem>>) target(%dma_start3A_148 : memref<80x64xf32, #tpu.memory_space<vmem_shared>>) target_semaphore(%run_scoped3A_141 : memref<!tpu.dma_semaphore, #tpu.memory_space<semaphore_mem>>)
      %dma_wait3A = arith.constant 0 : i32
      %dma_wait3A_153 = arith.constant 0 : i32
      %dma_wait3A_154 = tpu.memref_slice %arg17[%run_scoped3A_100, %dma_wait3A, %dma_wait3A_153] : memref<3x80x64xf32, #tpu.memory_space<vmem>> -> memref<1x80x64xf32, #tpu.memory_space<vmem>>
      %dma_wait3A_155 = tpu.memref_squeeze %dma_wait3A_154 : memref<1x80x64xf32, #tpu.memory_space<vmem>> -> memref<80x64xf32, #tpu.memory_space<vmem>>
      %dma_wait3A_156 = arith.constant 0 : i32
      %dma_wait3A_157 = tpu.memref_slice %arg20[%add3A_99, %dma_wait3A_156] : memref<10240x64xf32, #tpu.memory_space<vmem_shared>> -> memref<80x64xf32, #tpu.memory_space<vmem_shared>>
      %dma_wait3A_158 = arith.constant 0 : i32
      %dma_wait3A_159 = tpu.memref_slice %arg20[%add3A_99, %dma_wait3A_158] : memref<10240x64xf32, #tpu.memory_space<vmem_shared>> -> memref<80x64xf32, #tpu.memory_space<vmem_shared>>
      %dma_wait3A_160 = arith.constant 0 : i32
      %dma_wait3A_161 = arith.constant 0 : i32
      %dma_wait3A_162 = tpu.memref_slice %arg17[%run_scoped3A_100, %dma_wait3A_160, %dma_wait3A_161] : memref<3x80x64xf32, #tpu.memory_space<vmem>> -> memref<1x80x64xf32, #tpu.memory_space<vmem>>
      %dma_wait3A_163 = tpu.memref_squeeze %dma_wait3A_162 : memref<1x80x64xf32, #tpu.memory_space<vmem>> -> memref<80x64xf32, #tpu.memory_space<vmem>>
      tpu.wait_dma2 semaphore(%run_scoped3A_141 : memref<!tpu.dma_semaphore, #tpu.memory_space<semaphore_mem>>) src(%dma_wait3A_163 : memref<80x64xf32, #tpu.memory_space<vmem>>) dst(%dma_wait3A_159 : memref<80x64xf32, #tpu.memory_space<vmem_shared>>)
      tpu.yield
    }) : () -> ()
    %add3A_101 = arith.constant 160 : i32
    %add3A_102 = arith.addi %mul3A_94, %add3A_101 : i32
    %run_scoped3A_103 = arith.constant 0 : i32
    "tpu.region"() ({
      %run_scoped3A_141 = tpu.sem_alloc : memref<!tpu.dma_semaphore, #tpu.memory_space<semaphore_mem>>
      %dma_start3A = arith.constant 0 : i32
      %dma_start3A_142 = arith.constant 0 : i32
      %dma_start3A_143 = tpu.memref_slice %arg17[%run_scoped3A_103, %dma_start3A, %dma_start3A_142] : memref<3x80x64xf32, #tpu.memory_space<vmem>> -> memref<1x80x64xf32, #tpu.memory_space<vmem>>
      %dma_start3A_144 = tpu.memref_squeeze %dma_start3A_143 : memref<1x80x64xf32, #tpu.memory_space<vmem>> -> memref<80x64xf32, #tpu.memory_space<vmem>>
      %dma_start3A_145 = arith.constant 0 : i32
      %dma_start3A_146 = tpu.memref_slice %arg20[%add3A_102, %dma_start3A_145] : memref<10240x64xf32, #tpu.memory_space<vmem_shared>> -> memref<80x64xf32, #tpu.memory_space<vmem_shared>>
      %dma_start3A_147 = arith.constant 0 : i32
      %dma_start3A_148 = tpu.memref_slice %arg20[%add3A_102, %dma_start3A_147] : memref<10240x64xf32, #tpu.memory_space<vmem_shared>> -> memref<80x64xf32, #tpu.memory_space<vmem_shared>>
      %dma_start3A_149 = arith.constant 0 : i32
      %dma_start3A_150 = arith.constant 0 : i32
      %dma_start3A_151 = tpu.memref_slice %arg17[%run_scoped3A_103, %dma_start3A_149, %dma_start3A_150] : memref<3x80x64xf32, #tpu.memory_space<vmem>> -> memref<1x80x64xf32, #tpu.memory_space<vmem>>
      %dma_start3A_152 = tpu.memref_squeeze %dma_start3A_151 : memref<1x80x64xf32, #tpu.memory_space<vmem>> -> memref<80x64xf32, #tpu.memory_space<vmem>>
      tpu.enqueue_dma source(%dma_start3A_152 : memref<80x64xf32, #tpu.memory_space<vmem>>) target(%dma_start3A_148 : memref<80x64xf32, #tpu.memory_space<vmem_shared>>) target_semaphore(%run_scoped3A_141 : memref<!tpu.dma_semaphore, #tpu.memory_space<semaphore_mem>>)
      %dma_wait3A = arith.constant 0 : i32
      %dma_wait3A_153 = arith.constant 0 : i32
      %dma_wait3A_154 = tpu.memref_slice %arg17[%run_scoped3A_103, %dma_wait3A, %dma_wait3A_153] : memref<3x80x64xf32, #tpu.memory_space<vmem>> -> memref<1x80x64xf32, #tpu.memory_space<vmem>>
      %dma_wait3A_155 = tpu.memref_squeeze %dma_wait3A_154 : memref<1x80x64xf32, #tpu.memory_space<vmem>> -> memref<80x64xf32, #tpu.memory_space<vmem>>
      %dma_wait3A_156 = arith.constant 0 : i32
      %dma_wait3A_157 = tpu.memref_slice %arg20[%add3A_102, %dma_wait3A_156] : memref<10240x64xf32, #tpu.memory_space<vmem_shared>> -> memref<80x64xf32, #tpu.memory_space<vmem_shared>>
      %dma_wait3A_158 = arith.constant 0 : i32
      %dma_wait3A_159 = tpu.memref_slice %arg20[%add3A_102, %dma_wait3A_158] : memref<10240x64xf32, #tpu.memory_space<vmem_shared>> -> memref<80x64xf32, #tpu.memory_space<vmem_shared>>
      %dma_wait3A_160 = arith.constant 0 : i32
      %dma_wait3A_161 = arith.constant 0 : i32
      %dma_wait3A_162 = tpu.memref_slice %arg17[%run_scoped3A_103, %dma_wait3A_160, %dma_wait3A_161] : memref<3x80x64xf32, #tpu.memory_space<vmem>> -> memref<1x80x64xf32, #tpu.memory_space<vmem>>
      %dma_wait3A_163 = tpu.memref_squeeze %dma_wait3A_162 : memref<1x80x64xf32, #tpu.memory_space<vmem>> -> memref<80x64xf32, #tpu.memory_space<vmem>>
      tpu.wait_dma2 semaphore(%run_scoped3A_141 : memref<!tpu.dma_semaphore, #tpu.memory_space<semaphore_mem>>) src(%dma_wait3A_163 : memref<80x64xf32, #tpu.memory_space<vmem>>) dst(%dma_wait3A_159 : memref<80x64xf32, #tpu.memory_space<vmem_shared>>)
      tpu.yield
    }) : () -> ()
    %add3A_104 = arith.constant 240 : i32
    %add3A_105 = arith.addi %mul3A_94, %add3A_104 : i32
    %run_scoped3A_106 = arith.constant 0 : i32
    "tpu.region"() ({
      %run_scoped3A_141 = tpu.sem_alloc : memref<!tpu.dma_semaphore, #tpu.memory_space<semaphore_mem>>
      %dma_start3A = arith.constant 0 : i32
      %dma_start3A_142 = arith.constant 0 : i32
      %dma_start3A_143 = tpu.memref_slice %arg17[%run_scoped3A_106, %dma_start3A, %dma_start3A_142] : memref<3x80x64xf32, #tpu.memory_space<vmem>> -> memref<1x80x64xf32, #tpu.memory_space<vmem>>
      %dma_start3A_144 = tpu.memref_squeeze %dma_start3A_143 : memref<1x80x64xf32, #tpu.memory_space<vmem>> -> memref<80x64xf32, #tpu.memory_space<vmem>>
      %dma_start3A_145 = arith.constant 0 : i32
      %dma_start3A_146 = tpu.memref_slice %arg20[%add3A_105, %dma_start3A_145] : memref<10240x64xf32, #tpu.memory_space<vmem_shared>> -> memref<80x64xf32, #tpu.memory_space<vmem_shared>>
      %dma_start3A_147 = arith.constant 0 : i32
      %dma_start3A_148 = tpu.memref_slice %arg20[%add3A_105, %dma_start3A_147] : memref<10240x64xf32, #tpu.memory_space<vmem_shared>> -> memref<80x64xf32, #tpu.memory_space<vmem_shared>>
      %dma_start3A_149 = arith.constant 0 : i32
      %dma_start3A_150 = arith.constant 0 : i32
      %dma_start3A_151 = tpu.memref_slice %arg17[%run_scoped3A_106, %dma_start3A_149, %dma_start3A_150] : memref<3x80x64xf32, #tpu.memory_space<vmem>> -> memref<1x80x64xf32, #tpu.memory_space<vmem>>
      %dma_start3A_152 = tpu.memref_squeeze %dma_start3A_151 : memref<1x80x64xf32, #tpu.memory_space<vmem>> -> memref<80x64xf32, #tpu.memory_space<vmem>>
      tpu.enqueue_dma source(%dma_start3A_152 : memref<80x64xf32, #tpu.memory_space<vmem>>) target(%dma_start3A_148 : memref<80x64xf32, #tpu.memory_space<vmem_shared>>) target_semaphore(%run_scoped3A_141 : memref<!tpu.dma_semaphore, #tpu.memory_space<semaphore_mem>>)
      %dma_wait3A = arith.constant 0 : i32
      %dma_wait3A_153 = arith.constant 0 : i32
      %dma_wait3A_154 = tpu.memref_slice %arg17[%run_scoped3A_106, %dma_wait3A, %dma_wait3A_153] : memref<3x80x64xf32, #tpu.memory_space<vmem>> -> memref<1x80x64xf32, #tpu.memory_space<vmem>>
      %dma_wait3A_155 = tpu.memref_squeeze %dma_wait3A_154 : memref<1x80x64xf32, #tpu.memory_space<vmem>> -> memref<80x64xf32, #tpu.memory_space<vmem>>
      %dma_wait3A_156 = arith.constant 0 : i32
      %dma_wait3A_157 = tpu.memref_slice %arg20[%add3A_105, %dma_wait3A_156] : memref<10240x64xf32, #tpu.memory_space<vmem_shared>> -> memref<80x64xf32, #tpu.memory_space<vmem_shared>>
      %dma_wait3A_158 = arith.constant 0 : i32
      %dma_wait3A_159 = tpu.memref_slice %arg20[%add3A_105, %dma_wait3A_158] : memref<10240x64xf32, #tpu.memory_space<vmem_shared>> -> memref<80x64xf32, #tpu.memory_space<vmem_shared>>
      %dma_wait3A_160 = arith.constant 0 : i32
      %dma_wait3A_161 = arith.constant 0 : i32
      %dma_wait3A_162 = tpu.memref_slice %arg17[%run_scoped3A_106, %dma_wait3A_160, %dma_wait3A_161] : memref<3x80x64xf32, #tpu.memory_space<vmem>> -> memref<1x80x64xf32, #tpu.memory_space<vmem>>
      %dma_wait3A_163 = tpu.memref_squeeze %dma_wait3A_162 : memref<1x80x64xf32, #tpu.memory_space<vmem>> -> memref<80x64xf32, #tpu.memory_space<vmem>>
      tpu.wait_dma2 semaphore(%run_scoped3A_141 : memref<!tpu.dma_semaphore, #tpu.memory_space<semaphore_mem>>) src(%dma_wait3A_163 : memref<80x64xf32, #tpu.memory_space<vmem>>) dst(%dma_wait3A_159 : memref<80x64xf32, #tpu.memory_space<vmem_shared>>)
      tpu.yield
    }) : () -> ()
    %add3A_107 = arith.constant 320 : i32
    %add3A_108 = arith.addi %mul3A_94, %add3A_107 : i32
    %run_scoped3A_109 = arith.constant 0 : i32
    "tpu.region"() ({
      %run_scoped3A_141 = tpu.sem_alloc : memref<!tpu.dma_semaphore, #tpu.memory_space<semaphore_mem>>
      %dma_start3A = arith.constant 0 : i32
      %dma_start3A_142 = arith.constant 0 : i32
      %dma_start3A_143 = tpu.memref_slice %arg17[%run_scoped3A_109, %dma_start3A, %dma_start3A_142] : memref<3x80x64xf32, #tpu.memory_space<vmem>> -> memref<1x80x64xf32, #tpu.memory_space<vmem>>
      %dma_start3A_144 = tpu.memref_squeeze %dma_start3A_143 : memref<1x80x64xf32, #tpu.memory_space<vmem>> -> memref<80x64xf32, #tpu.memory_space<vmem>>
      %dma_start3A_145 = arith.constant 0 : i32
      %dma_start3A_146 = tpu.memref_slice %arg20[%add3A_108, %dma_start3A_145] : memref<10240x64xf32, #tpu.memory_space<vmem_shared>> -> memref<80x64xf32, #tpu.memory_space<vmem_shared>>
      %dma_start3A_147 = arith.constant 0 : i32
      %dma_start3A_148 = tpu.memref_slice %arg20[%add3A_108, %dma_start3A_147] : memref<10240x64xf32, #tpu.memory_space<vmem_shared>> -> memref<80x64xf32, #tpu.memory_space<vmem_shared>>
      %dma_start3A_149 = arith.constant 0 : i32
      %dma_start3A_150 = arith.constant 0 : i32
      %dma_start3A_151 = tpu.memref_slice %arg17[%run_scoped3A_109, %dma_start3A_149, %dma_start3A_150] : memref<3x80x64xf32, #tpu.memory_space<vmem>> -> memref<1x80x64xf32, #tpu.memory_space<vmem>>
      %dma_start3A_152 = tpu.memref_squeeze %dma_start3A_151 : memref<1x80x64xf32, #tpu.memory_space<vmem>> -> memref<80x64xf32, #tpu.memory_space<vmem>>
      tpu.enqueue_dma source(%dma_start3A_152 : memref<80x64xf32, #tpu.memory_space<vmem>>) target(%dma_start3A_148 : memref<80x64xf32, #tpu.memory_space<vmem_shared>>) target_semaphore(%run_scoped3A_141 : memref<!tpu.dma_semaphore, #tpu.memory_space<semaphore_mem>>)
      %dma_wait3A = arith.constant 0 : i32
      %dma_wait3A_153 = arith.constant 0 : i32
      %dma_wait3A_154 = tpu.memref_slice %arg17[%run_scoped3A_109, %dma_wait3A, %dma_wait3A_153] : memref<3x80x64xf32, #tpu.memory_space<vmem>> -> memref<1x80x64xf32, #tpu.memory_space<vmem>>
      %dma_wait3A_155 = tpu.memref_squeeze %dma_wait3A_154 : memref<1x80x64xf32, #tpu.memory_space<vmem>> -> memref<80x64xf32, #tpu.memory_space<vmem>>
      %dma_wait3A_156 = arith.constant 0 : i32
      %dma_wait3A_157 = tpu.memref_slice %arg20[%add3A_108, %dma_wait3A_156] : memref<10240x64xf32, #tpu.memory_space<vmem_shared>> -> memref<80x64xf32, #tpu.memory_space<vmem_shared>>
      %dma_wait3A_158 = arith.constant 0 : i32
      %dma_wait3A_159 = tpu.memref_slice %arg20[%add3A_108, %dma_wait3A_158] : memref<10240x64xf32, #tpu.memory_space<vmem_shared>> -> memref<80x64xf32, #tpu.memory_space<vmem_shared>>
      %dma_wait3A_160 = arith.constant 0 : i32
      %dma_wait3A_161 = arith.constant 0 : i32
      %dma_wait3A_162 = tpu.memref_slice %arg17[%run_scoped3A_109, %dma_wait3A_160, %dma_wait3A_161] : memref<3x80x64xf32, #tpu.memory_space<vmem>> -> memref<1x80x64xf32, #tpu.memory_space<vmem>>
      %dma_wait3A_163 = tpu.memref_squeeze %dma_wait3A_162 : memref<1x80x64xf32, #tpu.memory_space<vmem>> -> memref<80x64xf32, #tpu.memory_space<vmem>>
      tpu.wait_dma2 semaphore(%run_scoped3A_141 : memref<!tpu.dma_semaphore, #tpu.memory_space<semaphore_mem>>) src(%dma_wait3A_163 : memref<80x64xf32, #tpu.memory_space<vmem>>) dst(%dma_wait3A_159 : memref<80x64xf32, #tpu.memory_space<vmem_shared>>)
      tpu.yield
    }) : () -> ()
    %add3A_110 = arith.constant 400 : i32
    %add3A_111 = arith.addi %mul3A_94, %add3A_110 : i32
    %run_scoped3A_112 = arith.constant 0 : i32
    "tpu.region"() ({
      %run_scoped3A_141 = tpu.sem_alloc : memref<!tpu.dma_semaphore, #tpu.memory_space<semaphore_mem>>
      %dma_start3A = arith.constant 0 : i32
      %dma_start3A_142 = arith.constant 0 : i32
      %dma_start3A_143 = tpu.memref_slice %arg17[%run_scoped3A_112, %dma_start3A, %dma_start3A_142] : memref<3x80x64xf32, #tpu.memory_space<vmem>> -> memref<1x80x64xf32, #tpu.memory_space<vmem>>
      %dma_start3A_144 = tpu.memref_squeeze %dma_start3A_143 : memref<1x80x64xf32, #tpu.memory_space<vmem>> -> memref<80x64xf32, #tpu.memory_space<vmem>>
      %dma_start3A_145 = arith.constant 0 : i32
      %dma_start3A_146 = tpu.memref_slice %arg20[%add3A_111, %dma_start3A_145] : memref<10240x64xf32, #tpu.memory_space<vmem_shared>> -> memref<80x64xf32, #tpu.memory_space<vmem_shared>>
      %dma_start3A_147 = arith.constant 0 : i32
      %dma_start3A_148 = tpu.memref_slice %arg20[%add3A_111, %dma_start3A_147] : memref<10240x64xf32, #tpu.memory_space<vmem_shared>> -> memref<80x64xf32, #tpu.memory_space<vmem_shared>>
      %dma_start3A_149 = arith.constant 0 : i32
      %dma_start3A_150 = arith.constant 0 : i32
      %dma_start3A_151 = tpu.memref_slice %arg17[%run_scoped3A_112, %dma_start3A_149, %dma_start3A_150] : memref<3x80x64xf32, #tpu.memory_space<vmem>> -> memref<1x80x64xf32, #tpu.memory_space<vmem>>
      %dma_start3A_152 = tpu.memref_squeeze %dma_start3A_151 : memref<1x80x64xf32, #tpu.memory_space<vmem>> -> memref<80x64xf32, #tpu.memory_space<vmem>>
      tpu.enqueue_dma source(%dma_start3A_152 : memref<80x64xf32, #tpu.memory_space<vmem>>) target(%dma_start3A_148 : memref<80x64xf32, #tpu.memory_space<vmem_shared>>) target_semaphore(%run_scoped3A_141 : memref<!tpu.dma_semaphore, #tpu.memory_space<semaphore_mem>>)
      %dma_wait3A = arith.constant 0 : i32
      %dma_wait3A_153 = arith.constant 0 : i32
      %dma_wait3A_154 = tpu.memref_slice %arg17[%run_scoped3A_112, %dma_wait3A, %dma_wait3A_153] : memref<3x80x64xf32, #tpu.memory_space<vmem>> -> memref<1x80x64xf32, #tpu.memory_space<vmem>>
      %dma_wait3A_155 = tpu.memref_squeeze %dma_wait3A_154 : memref<1x80x64xf32, #tpu.memory_space<vmem>> -> memref<80x64xf32, #tpu.memory_space<vmem>>
      %dma_wait3A_156 = arith.constant 0 : i32
      %dma_wait3A_157 = tpu.memref_slice %arg20[%add3A_111, %dma_wait3A_156] : memref<10240x64xf32, #tpu.memory_space<vmem_shared>> -> memref<80x64xf32, #tpu.memory_space<vmem_shared>>
      %dma_wait3A_158 = arith.constant 0 : i32
      %dma_wait3A_159 = tpu.memref_slice %arg20[%add3A_111, %dma_wait3A_158] : memref<10240x64xf32, #tpu.memory_space<vmem_shared>> -> memref<80x64xf32, #tpu.memory_space<vmem_shared>>
      %dma_wait3A_160 = arith.constant 0 : i32
      %dma_wait3A_161 = arith.constant 0 : i32
      %dma_wait3A_162 = tpu.memref_slice %arg17[%run_scoped3A_112, %dma_wait3A_160, %dma_wait3A_161] : memref<3x80x64xf32, #tpu.memory_space<vmem>> -> memref<1x80x64xf32, #tpu.memory_space<vmem>>
      %dma_wait3A_163 = tpu.memref_squeeze %dma_wait3A_162 : memref<1x80x64xf32, #tpu.memory_space<vmem>> -> memref<80x64xf32, #tpu.memory_space<vmem>>
      tpu.wait_dma2 semaphore(%run_scoped3A_141 : memref<!tpu.dma_semaphore, #tpu.memory_space<semaphore_mem>>) src(%dma_wait3A_163 : memref<80x64xf32, #tpu.memory_space<vmem>>) dst(%dma_wait3A_159 : memref<80x64xf32, #tpu.memory_space<vmem_shared>>)
      tpu.yield
    }) : () -> ()
    %add3A_113 = arith.constant 480 : i32
    %add3A_114 = arith.addi %mul3A_94, %add3A_113 : i32
    %run_scoped3A_115 = arith.constant 0 : i32
    "tpu.region"() ({
      %run_scoped3A_141 = tpu.sem_alloc : memref<!tpu.dma_semaphore, #tpu.memory_space<semaphore_mem>>
      %dma_start3A = arith.constant 0 : i32
      %dma_start3A_142 = arith.constant 0 : i32
      %dma_start3A_143 = tpu.memref_slice %arg17[%run_scoped3A_115, %dma_start3A, %dma_start3A_142] : memref<3x80x64xf32, #tpu.memory_space<vmem>> -> memref<1x80x64xf32, #tpu.memory_space<vmem>>
      %dma_start3A_144 = tpu.memref_squeeze %dma_start3A_143 : memref<1x80x64xf32, #tpu.memory_space<vmem>> -> memref<80x64xf32, #tpu.memory_space<vmem>>
      %dma_start3A_145 = arith.constant 0 : i32
      %dma_start3A_146 = tpu.memref_slice %arg20[%add3A_114, %dma_start3A_145] : memref<10240x64xf32, #tpu.memory_space<vmem_shared>> -> memref<80x64xf32, #tpu.memory_space<vmem_shared>>
      %dma_start3A_147 = arith.constant 0 : i32
      %dma_start3A_148 = tpu.memref_slice %arg20[%add3A_114, %dma_start3A_147] : memref<10240x64xf32, #tpu.memory_space<vmem_shared>> -> memref<80x64xf32, #tpu.memory_space<vmem_shared>>
      %dma_start3A_149 = arith.constant 0 : i32
      %dma_start3A_150 = arith.constant 0 : i32
      %dma_start3A_151 = tpu.memref_slice %arg17[%run_scoped3A_115, %dma_start3A_149, %dma_start3A_150] : memref<3x80x64xf32, #tpu.memory_space<vmem>> -> memref<1x80x64xf32, #tpu.memory_space<vmem>>
      %dma_start3A_152 = tpu.memref_squeeze %dma_start3A_151 : memref<1x80x64xf32, #tpu.memory_space<vmem>> -> memref<80x64xf32, #tpu.memory_space<vmem>>
      tpu.enqueue_dma source(%dma_start3A_152 : memref<80x64xf32, #tpu.memory_space<vmem>>) target(%dma_start3A_148 : memref<80x64xf32, #tpu.memory_space<vmem_shared>>) target_semaphore(%run_scoped3A_141 : memref<!tpu.dma_semaphore, #tpu.memory_space<semaphore_mem>>)
      %dma_wait3A = arith.constant 0 : i32
      %dma_wait3A_153 = arith.constant 0 : i32
      %dma_wait3A_154 = tpu.memref_slice %arg17[%run_scoped3A_115, %dma_wait3A, %dma_wait3A_153] : memref<3x80x64xf32, #tpu.memory_space<vmem>> -> memref<1x80x64xf32, #tpu.memory_space<vmem>>
      %dma_wait3A_155 = tpu.memref_squeeze %dma_wait3A_154 : memref<1x80x64xf32, #tpu.memory_space<vmem>> -> memref<80x64xf32, #tpu.memory_space<vmem>>
      %dma_wait3A_156 = arith.constant 0 : i32
      %dma_wait3A_157 = tpu.memref_slice %arg20[%add3A_114, %dma_wait3A_156] : memref<10240x64xf32, #tpu.memory_space<vmem_shared>> -> memref<80x64xf32, #tpu.memory_space<vmem_shared>>
      %dma_wait3A_158 = arith.constant 0 : i32
      %dma_wait3A_159 = tpu.memref_slice %arg20[%add3A_114, %dma_wait3A_158] : memref<10240x64xf32, #tpu.memory_space<vmem_shared>> -> memref<80x64xf32, #tpu.memory_space<vmem_shared>>
      %dma_wait3A_160 = arith.constant 0 : i32
      %dma_wait3A_161 = arith.constant 0 : i32
      %dma_wait3A_162 = tpu.memref_slice %arg17[%run_scoped3A_115, %dma_wait3A_160, %dma_wait3A_161] : memref<3x80x64xf32, #tpu.memory_space<vmem>> -> memref<1x80x64xf32, #tpu.memory_space<vmem>>
      %dma_wait3A_163 = tpu.memref_squeeze %dma_wait3A_162 : memref<1x80x64xf32, #tpu.memory_space<vmem>> -> memref<80x64xf32, #tpu.memory_space<vmem>>
      tpu.wait_dma2 semaphore(%run_scoped3A_141 : memref<!tpu.dma_semaphore, #tpu.memory_space<semaphore_mem>>) src(%dma_wait3A_163 : memref<80x64xf32, #tpu.memory_space<vmem>>) dst(%dma_wait3A_159 : memref<80x64xf32, #tpu.memory_space<vmem_shared>>)
      tpu.yield
    }) : () -> ()
    %add3A_116 = arith.constant 560 : i32
    %add3A_117 = arith.addi %mul3A_94, %add3A_116 : i32
    %run_scoped3A_118 = arith.constant 0 : i32
    "tpu.region"() ({
      %run_scoped3A_141 = tpu.sem_alloc : memref<!tpu.dma_semaphore, #tpu.memory_space<semaphore_mem>>
      %dma_start3A = arith.constant 0 : i32
      %dma_start3A_142 = arith.constant 0 : i32
      %dma_start3A_143 = tpu.memref_slice %arg17[%run_scoped3A_118, %dma_start3A, %dma_start3A_142] : memref<3x80x64xf32, #tpu.memory_space<vmem>> -> memref<1x80x64xf32, #tpu.memory_space<vmem>>
      %dma_start3A_144 = tpu.memref_squeeze %dma_start3A_143 : memref<1x80x64xf32, #tpu.memory_space<vmem>> -> memref<80x64xf32, #tpu.memory_space<vmem>>
      %dma_start3A_145 = arith.constant 0 : i32
      %dma_start3A_146 = tpu.memref_slice %arg20[%add3A_117, %dma_start3A_145] : memref<10240x64xf32, #tpu.memory_space<vmem_shared>> -> memref<80x64xf32, #tpu.memory_space<vmem_shared>>
      %dma_start3A_147 = arith.constant 0 : i32
      %dma_start3A_148 = tpu.memref_slice %arg20[%add3A_117, %dma_start3A_147] : memref<10240x64xf32, #tpu.memory_space<vmem_shared>> -> memref<80x64xf32, #tpu.memory_space<vmem_shared>>
      %dma_start3A_149 = arith.constant 0 : i32
      %dma_start3A_150 = arith.constant 0 : i32
      %dma_start3A_151 = tpu.memref_slice %arg17[%run_scoped3A_118, %dma_start3A_149, %dma_start3A_150] : memref<3x80x64xf32, #tpu.memory_space<vmem>> -> memref<1x80x64xf32, #tpu.memory_space<vmem>>
      %dma_start3A_152 = tpu.memref_squeeze %dma_start3A_151 : memref<1x80x64xf32, #tpu.memory_space<vmem>> -> memref<80x64xf32, #tpu.memory_space<vmem>>
      tpu.enqueue_dma source(%dma_start3A_152 : memref<80x64xf32, #tpu.memory_space<vmem>>) target(%dma_start3A_148 : memref<80x64xf32, #tpu.memory_space<vmem_shared>>) target_semaphore(%run_scoped3A_141 : memref<!tpu.dma_semaphore, #tpu.memory_space<semaphore_mem>>)
      %dma_wait3A = arith.constant 0 : i32
      %dma_wait3A_153 = arith.constant 0 : i32
      %dma_wait3A_154 = tpu.memref_slice %arg17[%run_scoped3A_118, %dma_wait3A, %dma_wait3A_153] : memref<3x80x64xf32, #tpu.memory_space<vmem>> -> memref<1x80x64xf32, #tpu.memory_space<vmem>>
      %dma_wait3A_155 = tpu.memref_squeeze %dma_wait3A_154 : memref<1x80x64xf32, #tpu.memory_space<vmem>> -> memref<80x64xf32, #tpu.memory_space<vmem>>
      %dma_wait3A_156 = arith.constant 0 : i32
      %dma_wait3A_157 = tpu.memref_slice %arg20[%add3A_117, %dma_wait3A_156] : memref<10240x64xf32, #tpu.memory_space<vmem_shared>> -> memref<80x64xf32, #tpu.memory_space<vmem_shared>>
      %dma_wait3A_158 = arith.constant 0 : i32
      %dma_wait3A_159 = tpu.memref_slice %arg20[%add3A_117, %dma_wait3A_158] : memref<10240x64xf32, #tpu.memory_space<vmem_shared>> -> memref<80x64xf32, #tpu.memory_space<vmem_shared>>
      %dma_wait3A_160 = arith.constant 0 : i32
      %dma_wait3A_161 = arith.constant 0 : i32
      %dma_wait3A_162 = tpu.memref_slice %arg17[%run_scoped3A_118, %dma_wait3A_160, %dma_wait3A_161] : memref<3x80x64xf32, #tpu.memory_space<vmem>> -> memref<1x80x64xf32, #tpu.memory_space<vmem>>
      %dma_wait3A_163 = tpu.memref_squeeze %dma_wait3A_162 : memref<1x80x64xf32, #tpu.memory_space<vmem>> -> memref<80x64xf32, #tpu.memory_space<vmem>>
      tpu.wait_dma2 semaphore(%run_scoped3A_141 : memref<!tpu.dma_semaphore, #tpu.memory_space<semaphore_mem>>) src(%dma_wait3A_163 : memref<80x64xf32, #tpu.memory_space<vmem>>) dst(%dma_wait3A_159 : memref<80x64xf32, #tpu.memory_space<vmem_shared>>)
      tpu.yield
    }) : () -> ()
    %barrier3A_119 = arith.constant 0 : index
    tpu.barrier barrier_id(%barrier3A_119)
    %eq3A_120 = arith.constant 0 : i32
    %eq3A_121 = arith.cmpi eq, %arg0, %eq3A_120 : i32
    %convert_element_type3A_122 = arith.extui %eq3A_121 : i1 to i32
    %cond3A_123 = arith.constant 0 : i32
    %cond3A_124 = arith.cmpi ne, %convert_element_type3A_122, %cond3A_123 : i32
    scf.if %cond3A_124 {
      %mul3A_141 = arith.constant 20000 : i32
      %mul3A_142 = arith.muli %arg1, %mul3A_141 : i32
      %dma_start3A = arith.constant 0 : i32
      %dma_start3A_143 = arith.constant 0 : i32
      %dma_start3A_144 = arith.constant 0 : i32
      %dma_start3A_145 = arith.constant 0 : i32
      %dma_start3A_146 = tpu.memref_slice %arg17[%dma_start3A_143, %dma_start3A_144, %dma_start3A_145] : memref<3x80x64xf32, #tpu.memory_space<vmem>> -> memref<1x80x64xf32, #tpu.memory_space<vmem>>
      %dma_start3A_147 = tpu.memref_squeeze %dma_start3A_146 : memref<1x80x64xf32, #tpu.memory_space<vmem>> -> memref<80x64xf32, #tpu.memory_space<vmem>>
      %dma_start3A_148 = arith.constant 0 : i32
      %dma_start3A_149 = tpu.memref_slice %arg15[%dma_start3A, %dma_start3A_148] : memref<250x80xi32, #tpu.memory_space<vmem>> -> memref<1x80xi32, #tpu.memory_space<vmem>>
      %dma_start3A_150 = tpu.memref_squeeze %dma_start3A_149 : memref<1x80xi32, #tpu.memory_space<vmem>> -> memref<80xi32, #tpu.memory_space<vmem>>
      %dma_start3A_151 = arith.constant 0 : i32
      %dma_start3A_152 = arith.constant 0 : i32
      %dma_start3A_153 = tpu.memref_slice %arg6[%dma_start3A_151, %dma_start3A_152] : memref<10000x64xf32, #tpu.memory_space<hbm>> -> memref<10000x64xf32, #tpu.memory_space<hbm>>
      tpu.enqueue_indirect_dma source(%dma_start3A_153 : memref<10000x64xf32, #tpu.memory_space<hbm>>) target(%dma_start3A_147 : memref<80x64xf32, #tpu.memory_space<vmem>>) offsets(%dma_start3A_150 : memref<80xi32, #tpu.memory_space<vmem>>) semaphore(%arg22 : memref<!tpu.dma_semaphore, #tpu.memory_space<semaphore_mem>>)
      %dma_start3A_154 = arith.constant 1 : i32
      %dma_start3A_155 = arith.constant 1 : i32
      %dma_start3A_156 = arith.constant 0 : i32
      %dma_start3A_157 = arith.constant 0 : i32
      %dma_start3A_158 = tpu.memref_slice %arg17[%dma_start3A_155, %dma_start3A_156, %dma_start3A_157] : memref<3x80x64xf32, #tpu.memory_space<vmem>> -> memref<1x80x64xf32, #tpu.memory_space<vmem>>
      %dma_start3A_159 = tpu.memref_squeeze %dma_start3A_158 : memref<1x80x64xf32, #tpu.memory_space<vmem>> -> memref<80x64xf32, #tpu.memory_space<vmem>>
      %dma_start3A_160 = arith.constant 0 : i32
      %dma_start3A_161 = tpu.memref_slice %arg15[%dma_start3A_154, %dma_start3A_160] : memref<250x80xi32, #tpu.memory_space<vmem>> -> memref<1x80xi32, #tpu.memory_space<vmem>>
      %dma_start3A_162 = tpu.memref_squeeze %dma_start3A_161 : memref<1x80xi32, #tpu.memory_space<vmem>> -> memref<80xi32, #tpu.memory_space<vmem>>
      %dma_start3A_163 = arith.constant 0 : i32
      %dma_start3A_164 = arith.constant 0 : i32
      %dma_start3A_165 = tpu.memref_slice %arg6[%dma_start3A_163, %dma_start3A_164] : memref<10000x64xf32, #tpu.memory_space<hbm>> -> memref<10000x64xf32, #tpu.memory_space<hbm>>
      tpu.enqueue_indirect_dma source(%dma_start3A_165 : memref<10000x64xf32, #tpu.memory_space<hbm>>) target(%dma_start3A_159 : memref<80x64xf32, #tpu.memory_space<vmem>>) offsets(%dma_start3A_162 : memref<80xi32, #tpu.memory_space<vmem>>) semaphore(%arg23 : memref<!tpu.dma_semaphore, #tpu.memory_space<semaphore_mem>>)
      %scan3A_166 = arith.constant 0 : i32
      %scan3A_167 = arith.constant 0 : i32
      %scan3A_168 = arith.constant 83 : i32
      %scan3A_169 = arith.addi %scan3A_167, %scan3A_168 : i32
      %scan3A_170 = arith.constant 1 : i32
      %scan3A_171 = scf.for %scan3A_220 = %scan3A_167 to %scan3A_169 step %scan3A_170 iter_args(%scan3A_221 = %scan3A_166) -> (i32)  : i32 {
        %mul3A_222 = arith.constant 3 : i32
        %mul3A_223 = arith.muli %scan3A_220, %mul3A_222 : i32
        %add3A_224 = arith.constant 0 : i32
        %add3A_225 = arith.addi %mul3A_223, %add3A_224 : i32
        %dma_wait3A_226 = arith.constant 0 : i32
        %dma_wait3A_227 = arith.constant 0 : i32
        %dma_wait3A_228 = arith.constant 0 : i32
        %dma_wait3A_229 = tpu.memref_slice %arg17[%dma_wait3A_226, %dma_wait3A_227, %dma_wait3A_228] : memref<3x80x64xf32, #tpu.memory_space<vmem>> -> memref<1x80x64xf32, #tpu.memory_space<vmem>>
        %dma_wait3A_230 = tpu.memref_squeeze %dma_wait3A_229 : memref<1x80x64xf32, #tpu.memory_space<vmem>> -> memref<80x64xf32, #tpu.memory_space<vmem>>
        %dma_wait3A_231 = arith.constant 0 : i32
        %dma_wait3A_232 = tpu.memref_slice %arg15[%add3A_225, %dma_wait3A_231] : memref<250x80xi32, #tpu.memory_space<vmem>> -> memref<1x80xi32, #tpu.memory_space<vmem>>
        %dma_wait3A_233 = tpu.memref_squeeze %dma_wait3A_232 : memref<1x80xi32, #tpu.memory_space<vmem>> -> memref<80xi32, #tpu.memory_space<vmem>>
        %dma_wait3A_234 = arith.constant 0 : i32
        %dma_wait3A_235 = arith.constant 0 : i32
        %dma_wait3A_236 = tpu.memref_slice %arg6[%dma_wait3A_234, %dma_wait3A_235] : memref<10000x64xf32, #tpu.memory_space<hbm>> -> memref<10000x64xf32, #tpu.memory_space<hbm>>
        tpu.wait_indirect_dma semaphore(%arg22 : memref<!tpu.dma_semaphore, #tpu.memory_space<semaphore_mem>>) src(%dma_wait3A_236 : memref<10000x64xf32, #tpu.memory_space<hbm>>) dst(%dma_wait3A_230 : memref<80x64xf32, #tpu.memory_space<vmem>>)
        %dma_start3A_237 = arith.constant 0 : i32
        %dma_start3A_238 = arith.constant 0 : i32
        %dma_start3A_239 = arith.constant 0 : i32
        %dma_start3A_240 = tpu.memref_slice %arg17[%dma_start3A_237, %dma_start3A_238, %dma_start3A_239] : memref<3x80x64xf32, #tpu.memory_space<vmem>> -> memref<1x80x64xf32, #tpu.memory_space<vmem>>
        %dma_start3A_241 = tpu.memref_squeeze %dma_start3A_240 : memref<1x80x64xf32, #tpu.memory_space<vmem>> -> memref<80x64xf32, #tpu.memory_space<vmem>>
        %dma_start3A_242 = arith.constant 0 : i32
        %dma_start3A_243 = tpu.memref_slice %arg16[%add3A_225, %dma_start3A_242] : memref<250x80xi32, #tpu.memory_space<vmem>> -> memref<1x80xi32, #tpu.memory_space<vmem>>
        %dma_start3A_244 = tpu.memref_squeeze %dma_start3A_243 : memref<1x80xi32, #tpu.memory_space<vmem>> -> memref<80xi32, #tpu.memory_space<vmem>>
        %dma_start3A_245 = arith.constant 0 : i32
        %dma_start3A_246 = arith.constant 0 : i32
        %dma_start3A_247 = tpu.memref_slice %arg20[%dma_start3A_245, %dma_start3A_246] : memref<10240x64xf32, #tpu.memory_space<vmem_shared>> -> memref<10240x64xf32, #tpu.memory_space<vmem_shared>>
        tpu.enqueue_indirect_dma source(%dma_start3A_241 : memref<80x64xf32, #tpu.memory_space<vmem>>) target(%dma_start3A_247 : memref<10240x64xf32, #tpu.memory_space<vmem_shared>>) offsets(%dma_start3A_244 : memref<80xi32, #tpu.memory_space<vmem>>) semaphore(%arg31 : memref<!tpu.dma_semaphore, #tpu.memory_space<semaphore_mem>>) {add = true}
        %ge3A = arith.constant 1 : i32
        %ge3A_248 = arith.cmpi sge, %add3A_225, %ge3A : i32
        %convert_element_type3A_249 = arith.extui %ge3A_248 : i1 to i32
        %cond3A_250 = arith.constant 0 : i32
        %cond3A_251 = arith.cmpi ne, %convert_element_type3A_249, %cond3A_250 : i32
        scf.if %cond3A_251 {
          %sub3A = arith.constant 1 : i32
          %sub3A_329 = arith.subi %add3A_225, %sub3A : i32
          %dma_wait3A_330 = arith.constant 2 : i32
          %dma_wait3A_331 = arith.constant 0 : i32
          %dma_wait3A_332 = arith.constant 0 : i32
          %dma_wait3A_333 = tpu.memref_slice %arg17[%dma_wait3A_330, %dma_wait3A_331, %dma_wait3A_332] : memref<3x80x64xf32, #tpu.memory_space<vmem>> -> memref<1x80x64xf32, #tpu.memory_space<vmem>>
          %dma_wait3A_334 = tpu.memref_squeeze %dma_wait3A_333 : memref<1x80x64xf32, #tpu.memory_space<vmem>> -> memref<80x64xf32, #tpu.memory_space<vmem>>
          %dma_wait3A_335 = arith.constant 0 : i32
          %dma_wait3A_336 = tpu.memref_slice %arg16[%sub3A_329, %dma_wait3A_335] : memref<250x80xi32, #tpu.memory_space<vmem>> -> memref<1x80xi32, #tpu.memory_space<vmem>>
          %dma_wait3A_337 = tpu.memref_squeeze %dma_wait3A_336 : memref<1x80xi32, #tpu.memory_space<vmem>> -> memref<80xi32, #tpu.memory_space<vmem>>
          %dma_wait3A_338 = arith.constant 0 : i32
          %dma_wait3A_339 = arith.constant 0 : i32
          %dma_wait3A_340 = tpu.memref_slice %arg20[%dma_wait3A_338, %dma_wait3A_339] : memref<10240x64xf32, #tpu.memory_space<vmem_shared>> -> memref<10240x64xf32, #tpu.memory_space<vmem_shared>>
          tpu.wait_indirect_dma semaphore(%arg33 : memref<!tpu.dma_semaphore, #tpu.memory_space<semaphore_mem>>) src(%dma_wait3A_334 : memref<80x64xf32, #tpu.memory_space<vmem>>) dst(%dma_wait3A_340 : memref<10240x64xf32, #tpu.memory_space<vmem_shared>>)
        } else {
        }
        %lt3A = arith.constant 248 : i32
        %lt3A_252 = arith.cmpi slt, %add3A_225, %lt3A : i32
        %convert_element_type3A_253 = arith.extui %lt3A_252 : i1 to i32
        %cond3A_254 = arith.constant 0 : i32
        %cond3A_255 = arith.cmpi ne, %convert_element_type3A_253, %cond3A_254 : i32
        scf.if %cond3A_255 {
          %add3A_329 = arith.constant 2 : i32
          %add3A_330 = arith.addi %add3A_225, %add3A_329 : i32
          %dma_start3A_331 = arith.constant 2 : i32
          %dma_start3A_332 = arith.constant 0 : i32
          %dma_start3A_333 = arith.constant 0 : i32
          %dma_start3A_334 = tpu.memref_slice %arg17[%dma_start3A_331, %dma_start3A_332, %dma_start3A_333] : memref<3x80x64xf32, #tpu.memory_space<vmem>> -> memref<1x80x64xf32, #tpu.memory_space<vmem>>
          %dma_start3A_335 = tpu.memref_squeeze %dma_start3A_334 : memref<1x80x64xf32, #tpu.memory_space<vmem>> -> memref<80x64xf32, #tpu.memory_space<vmem>>
          %dma_start3A_336 = arith.constant 0 : i32
          %dma_start3A_337 = tpu.memref_slice %arg15[%add3A_330, %dma_start3A_336] : memref<250x80xi32, #tpu.memory_space<vmem>> -> memref<1x80xi32, #tpu.memory_space<vmem>>
          %dma_start3A_338 = tpu.memref_squeeze %dma_start3A_337 : memref<1x80xi32, #tpu.memory_space<vmem>> -> memref<80xi32, #tpu.memory_space<vmem>>
          %dma_start3A_339 = arith.constant 0 : i32
          %dma_start3A_340 = arith.constant 0 : i32
          %dma_start3A_341 = tpu.memref_slice %arg6[%dma_start3A_339, %dma_start3A_340] : memref<10000x64xf32, #tpu.memory_space<hbm>> -> memref<10000x64xf32, #tpu.memory_space<hbm>>
          tpu.enqueue_indirect_dma source(%dma_start3A_341 : memref<10000x64xf32, #tpu.memory_space<hbm>>) target(%dma_start3A_335 : memref<80x64xf32, #tpu.memory_space<vmem>>) offsets(%dma_start3A_338 : memref<80xi32, #tpu.memory_space<vmem>>) semaphore(%arg24 : memref<!tpu.dma_semaphore, #tpu.memory_space<semaphore_mem>>)
        } else {
        }
        %mul3A_256 = arith.constant 3 : i32
        %mul3A_257 = arith.muli %scan3A_220, %mul3A_256 : i32
        %add3A_258 = arith.constant 1 : i32
        %add3A_259 = arith.addi %mul3A_257, %add3A_258 : i32
        %dma_wait3A_260 = arith.constant 1 : i32
        %dma_wait3A_261 = arith.constant 0 : i32
        %dma_wait3A_262 = arith.constant 0 : i32
        %dma_wait3A_263 = tpu.memref_slice %arg17[%dma_wait3A_260, %dma_wait3A_261, %dma_wait3A_262] : memref<3x80x64xf32, #tpu.memory_space<vmem>> -> memref<1x80x64xf32, #tpu.memory_space<vmem>>
        %dma_wait3A_264 = tpu.memref_squeeze %dma_wait3A_263 : memref<1x80x64xf32, #tpu.memory_space<vmem>> -> memref<80x64xf32, #tpu.memory_space<vmem>>
        %dma_wait3A_265 = arith.constant 0 : i32
        %dma_wait3A_266 = tpu.memref_slice %arg15[%add3A_259, %dma_wait3A_265] : memref<250x80xi32, #tpu.memory_space<vmem>> -> memref<1x80xi32, #tpu.memory_space<vmem>>
        %dma_wait3A_267 = tpu.memref_squeeze %dma_wait3A_266 : memref<1x80xi32, #tpu.memory_space<vmem>> -> memref<80xi32, #tpu.memory_space<vmem>>
        %dma_wait3A_268 = arith.constant 0 : i32
        %dma_wait3A_269 = arith.constant 0 : i32
        %dma_wait3A_270 = tpu.memref_slice %arg6[%dma_wait3A_268, %dma_wait3A_269] : memref<10000x64xf32, #tpu.memory_space<hbm>> -> memref<10000x64xf32, #tpu.memory_space<hbm>>
        tpu.wait_indirect_dma semaphore(%arg23 : memref<!tpu.dma_semaphore, #tpu.memory_space<semaphore_mem>>) src(%dma_wait3A_270 : memref<10000x64xf32, #tpu.memory_space<hbm>>) dst(%dma_wait3A_264 : memref<80x64xf32, #tpu.memory_space<vmem>>)
        %dma_start3A_271 = arith.constant 1 : i32
        %dma_start3A_272 = arith.constant 0 : i32
        %dma_start3A_273 = arith.constant 0 : i32
        %dma_start3A_274 = tpu.memref_slice %arg17[%dma_start3A_271, %dma_start3A_272, %dma_start3A_273] : memref<3x80x64xf32, #tpu.memory_space<vmem>> -> memref<1x80x64xf32, #tpu.memory_space<vmem>>
        %dma_start3A_275 = tpu.memref_squeeze %dma_start3A_274 : memref<1x80x64xf32, #tpu.memory_space<vmem>> -> memref<80x64xf32, #tpu.memory_space<vmem>>
        %dma_start3A_276 = arith.constant 0 : i32
        %dma_start3A_277 = tpu.memref_slice %arg16[%add3A_259, %dma_start3A_276] : memref<250x80xi32, #tpu.memory_space<vmem>> -> memref<1x80xi32, #tpu.memory_space<vmem>>
        %dma_start3A_278 = tpu.memref_squeeze %dma_start3A_277 : memref<1x80xi32, #tpu.memory_space<vmem>> -> memref<80xi32, #tpu.memory_space<vmem>>
        %dma_start3A_279 = arith.constant 0 : i32
        %dma_start3A_280 = arith.constant 0 : i32
        %dma_start3A_281 = tpu.memref_slice %arg20[%dma_start3A_279, %dma_start3A_280] : memref<10240x64xf32, #tpu.memory_space<vmem_shared>> -> memref<10240x64xf32, #tpu.memory_space<vmem_shared>>
        tpu.enqueue_indirect_dma source(%dma_start3A_275 : memref<80x64xf32, #tpu.memory_space<vmem>>) target(%dma_start3A_281 : memref<10240x64xf32, #tpu.memory_space<vmem_shared>>) offsets(%dma_start3A_278 : memref<80xi32, #tpu.memory_space<vmem>>) semaphore(%arg32 : memref<!tpu.dma_semaphore, #tpu.memory_space<semaphore_mem>>) {add = true}
        %ge3A_282 = arith.constant 1 : i32
        %ge3A_283 = arith.cmpi sge, %add3A_259, %ge3A_282 : i32
        %convert_element_type3A_284 = arith.extui %ge3A_283 : i1 to i32
        %cond3A_285 = arith.constant 0 : i32
        %cond3A_286 = arith.cmpi ne, %convert_element_type3A_284, %cond3A_285 : i32
        scf.if %cond3A_286 {
          %sub3A = arith.constant 1 : i32
          %sub3A_329 = arith.subi %add3A_259, %sub3A : i32
          %dma_wait3A_330 = arith.constant 0 : i32
          %dma_wait3A_331 = arith.constant 0 : i32
          %dma_wait3A_332 = arith.constant 0 : i32
          %dma_wait3A_333 = tpu.memref_slice %arg17[%dma_wait3A_330, %dma_wait3A_331, %dma_wait3A_332] : memref<3x80x64xf32, #tpu.memory_space<vmem>> -> memref<1x80x64xf32, #tpu.memory_space<vmem>>
          %dma_wait3A_334 = tpu.memref_squeeze %dma_wait3A_333 : memref<1x80x64xf32, #tpu.memory_space<vmem>> -> memref<80x64xf32, #tpu.memory_space<vmem>>
          %dma_wait3A_335 = arith.constant 0 : i32
          %dma_wait3A_336 = tpu.memref_slice %arg16[%sub3A_329, %dma_wait3A_335] : memref<250x80xi32, #tpu.memory_space<vmem>> -> memref<1x80xi32, #tpu.memory_space<vmem>>
          %dma_wait3A_337 = tpu.memref_squeeze %dma_wait3A_336 : memref<1x80xi32, #tpu.memory_space<vmem>> -> memref<80xi32, #tpu.memory_space<vmem>>
          %dma_wait3A_338 = arith.constant 0 : i32
          %dma_wait3A_339 = arith.constant 0 : i32
          %dma_wait3A_340 = tpu.memref_slice %arg20[%dma_wait3A_338, %dma_wait3A_339] : memref<10240x64xf32, #tpu.memory_space<vmem_shared>> -> memref<10240x64xf32, #tpu.memory_space<vmem_shared>>
          tpu.wait_indirect_dma semaphore(%arg31 : memref<!tpu.dma_semaphore, #tpu.memory_space<semaphore_mem>>) src(%dma_wait3A_334 : memref<80x64xf32, #tpu.memory_space<vmem>>) dst(%dma_wait3A_340 : memref<10240x64xf32, #tpu.memory_space<vmem_shared>>)
        } else {
        }
        %lt3A_287 = arith.constant 248 : i32
        %lt3A_288 = arith.cmpi slt, %add3A_259, %lt3A_287 : i32
        %convert_element_type3A_289 = arith.extui %lt3A_288 : i1 to i32
        %cond3A_290 = arith.constant 0 : i32
        %cond3A_291 = arith.cmpi ne, %convert_element_type3A_289, %cond3A_290 : i32
        scf.if %cond3A_291 {
          %add3A_329 = arith.constant 2 : i32
          %add3A_330 = arith.addi %add3A_259, %add3A_329 : i32
          %dma_start3A_331 = arith.constant 0 : i32
          %dma_start3A_332 = arith.constant 0 : i32
          %dma_start3A_333 = arith.constant 0 : i32
          %dma_start3A_334 = tpu.memref_slice %arg17[%dma_start3A_331, %dma_start3A_332, %dma_start3A_333] : memref<3x80x64xf32, #tpu.memory_space<vmem>> -> memref<1x80x64xf32, #tpu.memory_space<vmem>>
          %dma_start3A_335 = tpu.memref_squeeze %dma_start3A_334 : memref<1x80x64xf32, #tpu.memory_space<vmem>> -> memref<80x64xf32, #tpu.memory_space<vmem>>
          %dma_start3A_336 = arith.constant 0 : i32
          %dma_start3A_337 = tpu.memref_slice %arg15[%add3A_330, %dma_start3A_336] : memref<250x80xi32, #tpu.memory_space<vmem>> -> memref<1x80xi32, #tpu.memory_space<vmem>>
          %dma_start3A_338 = tpu.memref_squeeze %dma_start3A_337 : memref<1x80xi32, #tpu.memory_space<vmem>> -> memref<80xi32, #tpu.memory_space<vmem>>
          %dma_start3A_339 = arith.constant 0 : i32
          %dma_start3A_340 = arith.constant 0 : i32
          %dma_start3A_341 = tpu.memref_slice %arg6[%dma_start3A_339, %dma_start3A_340] : memref<10000x64xf32, #tpu.memory_space<hbm>> -> memref<10000x64xf32, #tpu.memory_space<hbm>>
          tpu.enqueue_indirect_dma source(%dma_start3A_341 : memref<10000x64xf32, #tpu.memory_space<hbm>>) target(%dma_start3A_335 : memref<80x64xf32, #tpu.memory_space<vmem>>) offsets(%dma_start3A_338 : memref<80xi32, #tpu.memory_space<vmem>>) semaphore(%arg22 : memref<!tpu.dma_semaphore, #tpu.memory_space<semaphore_mem>>)
        } else {
        }
        %mul3A_292 = arith.constant 3 : i32
        %mul3A_293 = arith.muli %scan3A_220, %mul3A_292 : i32
        %add3A_294 = arith.constant 2 : i32
        %add3A_295 = arith.addi %mul3A_293, %add3A_294 : i32
        %dma_wait3A_296 = arith.constant 2 : i32
        %dma_wait3A_297 = arith.constant 0 : i32
        %dma_wait3A_298 = arith.constant 0 : i32
        %dma_wait3A_299 = tpu.memref_slice %arg17[%dma_wait3A_296, %dma_wait3A_297, %dma_wait3A_298] : memref<3x80x64xf32, #tpu.memory_space<vmem>> -> memref<1x80x64xf32, #tpu.memory_space<vmem>>
        %dma_wait3A_300 = tpu.memref_squeeze %dma_wait3A_299 : memref<1x80x64xf32, #tpu.memory_space<vmem>> -> memref<80x64xf32, #tpu.memory_space<vmem>>
        %dma_wait3A_301 = arith.constant 0 : i32
        %dma_wait3A_302 = tpu.memref_slice %arg15[%add3A_295, %dma_wait3A_301] : memref<250x80xi32, #tpu.memory_space<vmem>> -> memref<1x80xi32, #tpu.memory_space<vmem>>
        %dma_wait3A_303 = tpu.memref_squeeze %dma_wait3A_302 : memref<1x80xi32, #tpu.memory_space<vmem>> -> memref<80xi32, #tpu.memory_space<vmem>>
        %dma_wait3A_304 = arith.constant 0 : i32
        %dma_wait3A_305 = arith.constant 0 : i32
        %dma_wait3A_306 = tpu.memref_slice %arg6[%dma_wait3A_304, %dma_wait3A_305] : memref<10000x64xf32, #tpu.memory_space<hbm>> -> memref<10000x64xf32, #tpu.memory_space<hbm>>
        tpu.wait_indirect_dma semaphore(%arg24 : memref<!tpu.dma_semaphore, #tpu.memory_space<semaphore_mem>>) src(%dma_wait3A_306 : memref<10000x64xf32, #tpu.memory_space<hbm>>) dst(%dma_wait3A_300 : memref<80x64xf32, #tpu.memory_space<vmem>>)
        %dma_start3A_307 = arith.constant 2 : i32
        %dma_start3A_308 = arith.constant 0 : i32
        %dma_start3A_309 = arith.constant 0 : i32
        %dma_start3A_310 = tpu.memref_slice %arg17[%dma_start3A_307, %dma_start3A_308, %dma_start3A_309] : memref<3x80x64xf32, #tpu.memory_space<vmem>> -> memref<1x80x64xf32, #tpu.memory_space<vmem>>
        %dma_start3A_311 = tpu.memref_squeeze %dma_start3A_310 : memref<1x80x64xf32, #tpu.memory_space<vmem>> -> memref<80x64xf32, #tpu.memory_space<vmem>>
        %dma_start3A_312 = arith.constant 0 : i32
        %dma_start3A_313 = tpu.memref_slice %arg16[%add3A_295, %dma_start3A_312] : memref<250x80xi32, #tpu.memory_space<vmem>> -> memref<1x80xi32, #tpu.memory_space<vmem>>
        %dma_start3A_314 = tpu.memref_squeeze %dma_start3A_313 : memref<1x80xi32, #tpu.memory_space<vmem>> -> memref<80xi32, #tpu.memory_space<vmem>>
        %dma_start3A_315 = arith.constant 0 : i32
        %dma_start3A_316 = arith.constant 0 : i32
        %dma_start3A_317 = tpu.memref_slice %arg20[%dma_start3A_315, %dma_start3A_316] : memref<10240x64xf32, #tpu.memory_space<vmem_shared>> -> memref<10240x64xf32, #tpu.memory_space<vmem_shared>>
        tpu.enqueue_indirect_dma source(%dma_start3A_311 : memref<80x64xf32, #tpu.memory_space<vmem>>) target(%dma_start3A_317 : memref<10240x64xf32, #tpu.memory_space<vmem_shared>>) offsets(%dma_start3A_314 : memref<80xi32, #tpu.memory_space<vmem>>) semaphore(%arg33 : memref<!tpu.dma_semaphore, #tpu.memory_space<semaphore_mem>>) {add = true}
        %ge3A_318 = arith.constant 1 : i32
        %ge3A_319 = arith.cmpi sge, %add3A_295, %ge3A_318 : i32
        %convert_element_type3A_320 = arith.extui %ge3A_319 : i1 to i32
        %cond3A_321 = arith.constant 0 : i32
        %cond3A_322 = arith.cmpi ne, %convert_element_type3A_320, %cond3A_321 : i32
        scf.if %cond3A_322 {
          %sub3A = arith.constant 1 : i32
          %sub3A_329 = arith.subi %add3A_295, %sub3A : i32
          %dma_wait3A_330 = arith.constant 1 : i32
          %dma_wait3A_331 = arith.constant 0 : i32
          %dma_wait3A_332 = arith.constant 0 : i32
          %dma_wait3A_333 = tpu.memref_slice %arg17[%dma_wait3A_330, %dma_wait3A_331, %dma_wait3A_332] : memref<3x80x64xf32, #tpu.memory_space<vmem>> -> memref<1x80x64xf32, #tpu.memory_space<vmem>>
          %dma_wait3A_334 = tpu.memref_squeeze %dma_wait3A_333 : memref<1x80x64xf32, #tpu.memory_space<vmem>> -> memref<80x64xf32, #tpu.memory_space<vmem>>
          %dma_wait3A_335 = arith.constant 0 : i32
          %dma_wait3A_336 = tpu.memref_slice %arg16[%sub3A_329, %dma_wait3A_335] : memref<250x80xi32, #tpu.memory_space<vmem>> -> memref<1x80xi32, #tpu.memory_space<vmem>>
          %dma_wait3A_337 = tpu.memref_squeeze %dma_wait3A_336 : memref<1x80xi32, #tpu.memory_space<vmem>> -> memref<80xi32, #tpu.memory_space<vmem>>
          %dma_wait3A_338 = arith.constant 0 : i32
          %dma_wait3A_339 = arith.constant 0 : i32
          %dma_wait3A_340 = tpu.memref_slice %arg20[%dma_wait3A_338, %dma_wait3A_339] : memref<10240x64xf32, #tpu.memory_space<vmem_shared>> -> memref<10240x64xf32, #tpu.memory_space<vmem_shared>>
          tpu.wait_indirect_dma semaphore(%arg32 : memref<!tpu.dma_semaphore, #tpu.memory_space<semaphore_mem>>) src(%dma_wait3A_334 : memref<80x64xf32, #tpu.memory_space<vmem>>) dst(%dma_wait3A_340 : memref<10240x64xf32, #tpu.memory_space<vmem_shared>>)
        } else {
        }
        %lt3A_323 = arith.constant 248 : i32
        %lt3A_324 = arith.cmpi slt, %add3A_295, %lt3A_323 : i32
        %convert_element_type3A_325 = arith.extui %lt3A_324 : i1 to i32
        %cond3A_326 = arith.constant 0 : i32
        %cond3A_327 = arith.cmpi ne, %convert_element_type3A_325, %cond3A_326 : i32
        scf.if %cond3A_327 {
          %add3A_329 = arith.constant 2 : i32
          %add3A_330 = arith.addi %add3A_295, %add3A_329 : i32
          %dma_start3A_331 = arith.constant 1 : i32
          %dma_start3A_332 = arith.constant 0 : i32
          %dma_start3A_333 = arith.constant 0 : i32
          %dma_start3A_334 = tpu.memref_slice %arg17[%dma_start3A_331, %dma_start3A_332, %dma_start3A_333] : memref<3x80x64xf32, #tpu.memory_space<vmem>> -> memref<1x80x64xf32, #tpu.memory_space<vmem>>
          %dma_start3A_335 = tpu.memref_squeeze %dma_start3A_334 : memref<1x80x64xf32, #tpu.memory_space<vmem>> -> memref<80x64xf32, #tpu.memory_space<vmem>>
          %dma_start3A_336 = arith.constant 0 : i32
          %dma_start3A_337 = tpu.memref_slice %arg15[%add3A_330, %dma_start3A_336] : memref<250x80xi32, #tpu.memory_space<vmem>> -> memref<1x80xi32, #tpu.memory_space<vmem>>
          %dma_start3A_338 = tpu.memref_squeeze %dma_start3A_337 : memref<1x80xi32, #tpu.memory_space<vmem>> -> memref<80xi32, #tpu.memory_space<vmem>>
          %dma_start3A_339 = arith.constant 0 : i32
          %dma_start3A_340 = arith.constant 0 : i32
          %dma_start3A_341 = tpu.memref_slice %arg6[%dma_start3A_339, %dma_start3A_340] : memref<10000x64xf32, #tpu.memory_space<hbm>> -> memref<10000x64xf32, #tpu.memory_space<hbm>>
          tpu.enqueue_indirect_dma source(%dma_start3A_341 : memref<10000x64xf32, #tpu.memory_space<hbm>>) target(%dma_start3A_335 : memref<80x64xf32, #tpu.memory_space<vmem>>) offsets(%dma_start3A_338 : memref<80xi32, #tpu.memory_space<vmem>>) semaphore(%arg23 : memref<!tpu.dma_semaphore, #tpu.memory_space<semaphore_mem>>)
        } else {
        }
        %scan3A_328 = arith.constant 0 : i32
        scf.yield %scan3A_328 : i32
      }
      %scan3A_172 = arith.constant 83 : i32
      %dma_wait3A = arith.constant 249 : i32
      %dma_wait3A_173 = arith.constant 0 : i32
      %dma_wait3A_174 = arith.constant 0 : i32
      %dma_wait3A_175 = arith.constant 0 : i32
      %dma_wait3A_176 = tpu.memref_slice %arg17[%dma_wait3A_173, %dma_wait3A_174, %dma_wait3A_175] : memref<3x80x64xf32, #tpu.memory_space<vmem>> -> memref<1x80x64xf32, #tpu.memory_space<vmem>>
      %dma_wait3A_177 = tpu.memref_squeeze %dma_wait3A_176 : memref<1x80x64xf32, #tpu.memory_space<vmem>> -> memref<80x64xf32, #tpu.memory_space<vmem>>
      %dma_wait3A_178 = arith.constant 0 : i32
      %dma_wait3A_179 = tpu.memref_slice %arg15[%dma_wait3A, %dma_wait3A_178] : memref<250x80xi32, #tpu.memory_space<vmem>> -> memref<1x80xi32, #tpu.memory_space<vmem>>
      %dma_wait3A_180 = tpu.memref_squeeze %dma_wait3A_179 : memref<1x80xi32, #tpu.memory_space<vmem>> -> memref<80xi32, #tpu.memory_space<vmem>>
      %dma_wait3A_181 = arith.constant 0 : i32
      %dma_wait3A_182 = arith.constant 0 : i32
      %dma_wait3A_183 = tpu.memref_slice %arg6[%dma_wait3A_181, %dma_wait3A_182] : memref<10000x64xf32, #tpu.memory_space<hbm>> -> memref<10000x64xf32, #tpu.memory_space<hbm>>
      tpu.wait_indirect_dma semaphore(%arg22 : memref<!tpu.dma_semaphore, #tpu.memory_space<semaphore_mem>>) src(%dma_wait3A_183 : memref<10000x64xf32, #tpu.memory_space<hbm>>) dst(%dma_wait3A_177 : memref<80x64xf32, #tpu.memory_space<vmem>>)
      %dma_start3A_184 = arith.constant 0 : i32
      %dma_start3A_185 = arith.constant 249 : i32
      %dma_start3A_186 = arith.constant 0 : i32
      %dma_start3A_187 = arith.constant 0 : i32
      %dma_start3A_188 = tpu.memref_slice %arg17[%dma_start3A_184, %dma_start3A_186, %dma_start3A_187] : memref<3x80x64xf32, #tpu.memory_space<vmem>> -> memref<1x80x64xf32, #tpu.memory_space<vmem>>
      %dma_start3A_189 = tpu.memref_squeeze %dma_start3A_188 : memref<1x80x64xf32, #tpu.memory_space<vmem>> -> memref<80x64xf32, #tpu.memory_space<vmem>>
      %dma_start3A_190 = arith.constant 0 : i32
      %dma_start3A_191 = tpu.memref_slice %arg16[%dma_start3A_185, %dma_start3A_190] : memref<250x80xi32, #tpu.memory_space<vmem>> -> memref<1x80xi32, #tpu.memory_space<vmem>>
      %dma_start3A_192 = tpu.memref_squeeze %dma_start3A_191 : memref<1x80xi32, #tpu.memory_space<vmem>> -> memref<80xi32, #tpu.memory_space<vmem>>
      %dma_start3A_193 = arith.constant 0 : i32
      %dma_start3A_194 = arith.constant 0 : i32
      %dma_start3A_195 = tpu.memref_slice %arg20[%dma_start3A_193, %dma_start3A_194] : memref<10240x64xf32, #tpu.memory_space<vmem_shared>> -> memref<10240x64xf32, #tpu.memory_space<vmem_shared>>
      tpu.enqueue_indirect_dma source(%dma_start3A_189 : memref<80x64xf32, #tpu.memory_space<vmem>>) target(%dma_start3A_195 : memref<10240x64xf32, #tpu.memory_space<vmem_shared>>) offsets(%dma_start3A_192 : memref<80xi32, #tpu.memory_space<vmem>>) semaphore(%arg31 : memref<!tpu.dma_semaphore, #tpu.memory_space<semaphore_mem>>) {add = true}
      %dma_wait3A_196 = arith.constant 2 : i32
      %dma_wait3A_197 = arith.constant 248 : i32
      %dma_wait3A_198 = arith.constant 0 : i32
      %dma_wait3A_199 = arith.constant 0 : i32
      %dma_wait3A_200 = tpu.memref_slice %arg17[%dma_wait3A_196, %dma_wait3A_198, %dma_wait3A_199] : memref<3x80x64xf32, #tpu.memory_space<vmem>> -> memref<1x80x64xf32, #tpu.memory_space<vmem>>
      %dma_wait3A_201 = tpu.memref_squeeze %dma_wait3A_200 : memref<1x80x64xf32, #tpu.memory_space<vmem>> -> memref<80x64xf32, #tpu.memory_space<vmem>>
      %dma_wait3A_202 = arith.constant 0 : i32
      %dma_wait3A_203 = tpu.memref_slice %arg16[%dma_wait3A_197, %dma_wait3A_202] : memref<250x80xi32, #tpu.memory_space<vmem>> -> memref<1x80xi32, #tpu.memory_space<vmem>>
      %dma_wait3A_204 = tpu.memref_squeeze %dma_wait3A_203 : memref<1x80xi32, #tpu.memory_space<vmem>> -> memref<80xi32, #tpu.memory_space<vmem>>
      %dma_wait3A_205 = arith.constant 0 : i32
      %dma_wait3A_206 = arith.constant 0 : i32
      %dma_wait3A_207 = tpu.memref_slice %arg20[%dma_wait3A_205, %dma_wait3A_206] : memref<10240x64xf32, #tpu.memory_space<vmem_shared>> -> memref<10240x64xf32, #tpu.memory_space<vmem_shared>>
      tpu.wait_indirect_dma semaphore(%arg33 : memref<!tpu.dma_semaphore, #tpu.memory_space<semaphore_mem>>) src(%dma_wait3A_201 : memref<80x64xf32, #tpu.memory_space<vmem>>) dst(%dma_wait3A_207 : memref<10240x64xf32, #tpu.memory_space<vmem_shared>>)
      %dma_wait3A_208 = arith.constant 0 : i32
      %dma_wait3A_209 = arith.constant 249 : i32
      %dma_wait3A_210 = arith.constant 0 : i32
      %dma_wait3A_211 = arith.constant 0 : i32
      %dma_wait3A_212 = tpu.memref_slice %arg17[%dma_wait3A_208, %dma_wait3A_210, %dma_wait3A_211] : memref<3x80x64xf32, #tpu.memory_space<vmem>> -> memref<1x80x64xf32, #tpu.memory_space<vmem>>
      %dma_wait3A_213 = tpu.memref_squeeze %dma_wait3A_212 : memref<1x80x64xf32, #tpu.memory_space<vmem>> -> memref<80x64xf32, #tpu.memory_space<vmem>>
      %dma_wait3A_214 = arith.constant 0 : i32
      %dma_wait3A_215 = tpu.memref_slice %arg16[%dma_wait3A_209, %dma_wait3A_214] : memref<250x80xi32, #tpu.memory_space<vmem>> -> memref<1x80xi32, #tpu.memory_space<vmem>>
      %dma_wait3A_216 = tpu.memref_squeeze %dma_wait3A_215 : memref<1x80xi32, #tpu.memory_space<vmem>> -> memref<80xi32, #tpu.memory_space<vmem>>
      %dma_wait3A_217 = arith.constant 0 : i32
      %dma_wait3A_218 = arith.constant 0 : i32
      %dma_wait3A_219 = tpu.memref_slice %arg20[%dma_wait3A_217, %dma_wait3A_218] : memref<10240x64xf32, #tpu.memory_space<vmem_shared>> -> memref<10240x64xf32, #tpu.memory_space<vmem_shared>>
      tpu.wait_indirect_dma semaphore(%arg31 : memref<!tpu.dma_semaphore, #tpu.memory_space<semaphore_mem>>) src(%dma_wait3A_213 : memref<80x64xf32, #tpu.memory_space<vmem>>) dst(%dma_wait3A_219 : memref<10240x64xf32, #tpu.memory_space<vmem_shared>>)
    } else {
    }
    %eq3A_125 = arith.constant 1 : i32
    %eq3A_126 = arith.cmpi eq, %arg0, %eq3A_125 : i32
    %convert_element_type3A_127 = arith.extui %eq3A_126 : i1 to i32
    %cond3A_128 = arith.constant 0 : i32
    %cond3A_129 = arith.cmpi ne, %convert_element_type3A_127, %cond3A_128 : i32
    scf.if %cond3A_129 {
      %mul3A_141 = arith.constant 20000 : i32
      %mul3A_142 = arith.muli %arg1, %mul3A_141 : i32
      %dma_start3A = arith.constant 0 : i32
      %dma_start3A_143 = arith.constant 0 : i32
      %dma_start3A_144 = arith.constant 0 : i32
      %dma_start3A_145 = arith.constant 0 : i32
      %dma_start3A_146 = tpu.memref_slice %arg17[%dma_start3A_143, %dma_start3A_144, %dma_start3A_145] : memref<3x80x64xf32, #tpu.memory_space<vmem>> -> memref<1x80x64xf32, #tpu.memory_space<vmem>>
      %dma_start3A_147 = tpu.memref_squeeze %dma_start3A_146 : memref<1x80x64xf32, #tpu.memory_space<vmem>> -> memref<80x64xf32, #tpu.memory_space<vmem>>
      %dma_start3A_148 = arith.constant 0 : i32
      %dma_start3A_149 = tpu.memref_slice %arg15[%dma_start3A, %dma_start3A_148] : memref<250x80xi32, #tpu.memory_space<vmem>> -> memref<1x80xi32, #tpu.memory_space<vmem>>
      %dma_start3A_150 = tpu.memref_squeeze %dma_start3A_149 : memref<1x80xi32, #tpu.memory_space<vmem>> -> memref<80xi32, #tpu.memory_space<vmem>>
      %dma_start3A_151 = arith.constant 0 : i32
      %dma_start3A_152 = arith.constant 0 : i32
      %dma_start3A_153 = tpu.memref_slice %arg7[%dma_start3A_151, %dma_start3A_152] : memref<10000x64xf32, #tpu.memory_space<hbm>> -> memref<10000x64xf32, #tpu.memory_space<hbm>>
      tpu.enqueue_indirect_dma source(%dma_start3A_153 : memref<10000x64xf32, #tpu.memory_space<hbm>>) target(%dma_start3A_147 : memref<80x64xf32, #tpu.memory_space<vmem>>) offsets(%dma_start3A_150 : memref<80xi32, #tpu.memory_space<vmem>>) semaphore(%arg22 : memref<!tpu.dma_semaphore, #tpu.memory_space<semaphore_mem>>)
      %dma_start3A_154 = arith.constant 1 : i32
      %dma_start3A_155 = arith.constant 1 : i32
      %dma_start3A_156 = arith.constant 0 : i32
      %dma_start3A_157 = arith.constant 0 : i32
      %dma_start3A_158 = tpu.memref_slice %arg17[%dma_start3A_155, %dma_start3A_156, %dma_start3A_157] : memref<3x80x64xf32, #tpu.memory_space<vmem>> -> memref<1x80x64xf32, #tpu.memory_space<vmem>>
      %dma_start3A_159 = tpu.memref_squeeze %dma_start3A_158 : memref<1x80x64xf32, #tpu.memory_space<vmem>> -> memref<80x64xf32, #tpu.memory_space<vmem>>
      %dma_start3A_160 = arith.constant 0 : i32
      %dma_start3A_161 = tpu.memref_slice %arg15[%dma_start3A_154, %dma_start3A_160] : memref<250x80xi32, #tpu.memory_space<vmem>> -> memref<1x80xi32, #tpu.memory_space<vmem>>
      %dma_start3A_162 = tpu.memref_squeeze %dma_start3A_161 : memref<1x80xi32, #tpu.memory_space<vmem>> -> memref<80xi32, #tpu.memory_space<vmem>>
      %dma_start3A_163 = arith.constant 0 : i32
      %dma_start3A_164 = arith.constant 0 : i32
      %dma_start3A_165 = tpu.memref_slice %arg7[%dma_start3A_163, %dma_start3A_164] : memref<10000x64xf32, #tpu.memory_space<hbm>> -> memref<10000x64xf32, #tpu.memory_space<hbm>>
      tpu.enqueue_indirect_dma source(%dma_start3A_165 : memref<10000x64xf32, #tpu.memory_space<hbm>>) target(%dma_start3A_159 : memref<80x64xf32, #tpu.memory_space<vmem>>) offsets(%dma_start3A_162 : memref<80xi32, #tpu.memory_space<vmem>>) semaphore(%arg23 : memref<!tpu.dma_semaphore, #tpu.memory_space<semaphore_mem>>)
      %scan3A_166 = arith.constant 0 : i32
      %scan3A_167 = arith.constant 0 : i32
      %scan3A_168 = arith.constant 83 : i32
      %scan3A_169 = arith.addi %scan3A_167, %scan3A_168 : i32
      %scan3A_170 = arith.constant 1 : i32
      %scan3A_171 = scf.for %scan3A_220 = %scan3A_167 to %scan3A_169 step %scan3A_170 iter_args(%scan3A_221 = %scan3A_166) -> (i32)  : i32 {
        %mul3A_222 = arith.constant 3 : i32
        %mul3A_223 = arith.muli %scan3A_220, %mul3A_222 : i32
        %add3A_224 = arith.constant 0 : i32
        %add3A_225 = arith.addi %mul3A_223, %add3A_224 : i32
        %dma_wait3A_226 = arith.constant 0 : i32
        %dma_wait3A_227 = arith.constant 0 : i32
        %dma_wait3A_228 = arith.constant 0 : i32
        %dma_wait3A_229 = tpu.memref_slice %arg17[%dma_wait3A_226, %dma_wait3A_227, %dma_wait3A_228] : memref<3x80x64xf32, #tpu.memory_space<vmem>> -> memref<1x80x64xf32, #tpu.memory_space<vmem>>
        %dma_wait3A_230 = tpu.memref_squeeze %dma_wait3A_229 : memref<1x80x64xf32, #tpu.memory_space<vmem>> -> memref<80x64xf32, #tpu.memory_space<vmem>>
        %dma_wait3A_231 = arith.constant 0 : i32
        %dma_wait3A_232 = tpu.memref_slice %arg15[%add3A_225, %dma_wait3A_231] : memref<250x80xi32, #tpu.memory_space<vmem>> -> memref<1x80xi32, #tpu.memory_space<vmem>>
        %dma_wait3A_233 = tpu.memref_squeeze %dma_wait3A_232 : memref<1x80xi32, #tpu.memory_space<vmem>> -> memref<80xi32, #tpu.memory_space<vmem>>
        %dma_wait3A_234 = arith.constant 0 : i32
        %dma_wait3A_235 = arith.constant 0 : i32
        %dma_wait3A_236 = tpu.memref_slice %arg7[%dma_wait3A_234, %dma_wait3A_235] : memref<10000x64xf32, #tpu.memory_space<hbm>> -> memref<10000x64xf32, #tpu.memory_space<hbm>>
        tpu.wait_indirect_dma semaphore(%arg22 : memref<!tpu.dma_semaphore, #tpu.memory_space<semaphore_mem>>) src(%dma_wait3A_236 : memref<10000x64xf32, #tpu.memory_space<hbm>>) dst(%dma_wait3A_230 : memref<80x64xf32, #tpu.memory_space<vmem>>)
        %dma_start3A_237 = arith.constant 0 : i32
        %dma_start3A_238 = arith.constant 0 : i32
        %dma_start3A_239 = arith.constant 0 : i32
        %dma_start3A_240 = tpu.memref_slice %arg17[%dma_start3A_237, %dma_start3A_238, %dma_start3A_239] : memref<3x80x64xf32, #tpu.memory_space<vmem>> -> memref<1x80x64xf32, #tpu.memory_space<vmem>>
        %dma_start3A_241 = tpu.memref_squeeze %dma_start3A_240 : memref<1x80x64xf32, #tpu.memory_space<vmem>> -> memref<80x64xf32, #tpu.memory_space<vmem>>
        %dma_start3A_242 = arith.constant 0 : i32
        %dma_start3A_243 = tpu.memref_slice %arg16[%add3A_225, %dma_start3A_242] : memref<250x80xi32, #tpu.memory_space<vmem>> -> memref<1x80xi32, #tpu.memory_space<vmem>>
        %dma_start3A_244 = tpu.memref_squeeze %dma_start3A_243 : memref<1x80xi32, #tpu.memory_space<vmem>> -> memref<80xi32, #tpu.memory_space<vmem>>
        %dma_start3A_245 = arith.constant 0 : i32
        %dma_start3A_246 = arith.constant 0 : i32
        %dma_start3A_247 = tpu.memref_slice %arg20[%dma_start3A_245, %dma_start3A_246] : memref<10240x64xf32, #tpu.memory_space<vmem_shared>> -> memref<10240x64xf32, #tpu.memory_space<vmem_shared>>
        tpu.enqueue_indirect_dma source(%dma_start3A_241 : memref<80x64xf32, #tpu.memory_space<vmem>>) target(%dma_start3A_247 : memref<10240x64xf32, #tpu.memory_space<vmem_shared>>) offsets(%dma_start3A_244 : memref<80xi32, #tpu.memory_space<vmem>>) semaphore(%arg31 : memref<!tpu.dma_semaphore, #tpu.memory_space<semaphore_mem>>) {add = true}
        %ge3A = arith.constant 1 : i32
        %ge3A_248 = arith.cmpi sge, %add3A_225, %ge3A : i32
        %convert_element_type3A_249 = arith.extui %ge3A_248 : i1 to i32
        %cond3A_250 = arith.constant 0 : i32
        %cond3A_251 = arith.cmpi ne, %convert_element_type3A_249, %cond3A_250 : i32
        scf.if %cond3A_251 {
          %sub3A = arith.constant 1 : i32
          %sub3A_329 = arith.subi %add3A_225, %sub3A : i32
          %dma_wait3A_330 = arith.constant 2 : i32
          %dma_wait3A_331 = arith.constant 0 : i32
          %dma_wait3A_332 = arith.constant 0 : i32
          %dma_wait3A_333 = tpu.memref_slice %arg17[%dma_wait3A_330, %dma_wait3A_331, %dma_wait3A_332] : memref<3x80x64xf32, #tpu.memory_space<vmem>> -> memref<1x80x64xf32, #tpu.memory_space<vmem>>
          %dma_wait3A_334 = tpu.memref_squeeze %dma_wait3A_333 : memref<1x80x64xf32, #tpu.memory_space<vmem>> -> memref<80x64xf32, #tpu.memory_space<vmem>>
          %dma_wait3A_335 = arith.constant 0 : i32
          %dma_wait3A_336 = tpu.memref_slice %arg16[%sub3A_329, %dma_wait3A_335] : memref<250x80xi32, #tpu.memory_space<vmem>> -> memref<1x80xi32, #tpu.memory_space<vmem>>
          %dma_wait3A_337 = tpu.memref_squeeze %dma_wait3A_336 : memref<1x80xi32, #tpu.memory_space<vmem>> -> memref<80xi32, #tpu.memory_space<vmem>>
          %dma_wait3A_338 = arith.constant 0 : i32
          %dma_wait3A_339 = arith.constant 0 : i32
          %dma_wait3A_340 = tpu.memref_slice %arg20[%dma_wait3A_338, %dma_wait3A_339] : memref<10240x64xf32, #tpu.memory_space<vmem_shared>> -> memref<10240x64xf32, #tpu.memory_space<vmem_shared>>
          tpu.wait_indirect_dma semaphore(%arg33 : memref<!tpu.dma_semaphore, #tpu.memory_space<semaphore_mem>>) src(%dma_wait3A_334 : memref<80x64xf32, #tpu.memory_space<vmem>>) dst(%dma_wait3A_340 : memref<10240x64xf32, #tpu.memory_space<vmem_shared>>)
        } else {
        }
        %lt3A = arith.constant 248 : i32
        %lt3A_252 = arith.cmpi slt, %add3A_225, %lt3A : i32
        %convert_element_type3A_253 = arith.extui %lt3A_252 : i1 to i32
        %cond3A_254 = arith.constant 0 : i32
        %cond3A_255 = arith.cmpi ne, %convert_element_type3A_253, %cond3A_254 : i32
        scf.if %cond3A_255 {
          %add3A_329 = arith.constant 2 : i32
          %add3A_330 = arith.addi %add3A_225, %add3A_329 : i32
          %dma_start3A_331 = arith.constant 2 : i32
          %dma_start3A_332 = arith.constant 0 : i32
          %dma_start3A_333 = arith.constant 0 : i32
          %dma_start3A_334 = tpu.memref_slice %arg17[%dma_start3A_331, %dma_start3A_332, %dma_start3A_333] : memref<3x80x64xf32, #tpu.memory_space<vmem>> -> memref<1x80x64xf32, #tpu.memory_space<vmem>>
          %dma_start3A_335 = tpu.memref_squeeze %dma_start3A_334 : memref<1x80x64xf32, #tpu.memory_space<vmem>> -> memref<80x64xf32, #tpu.memory_space<vmem>>
          %dma_start3A_336 = arith.constant 0 : i32
          %dma_start3A_337 = tpu.memref_slice %arg15[%add3A_330, %dma_start3A_336] : memref<250x80xi32, #tpu.memory_space<vmem>> -> memref<1x80xi32, #tpu.memory_space<vmem>>
          %dma_start3A_338 = tpu.memref_squeeze %dma_start3A_337 : memref<1x80xi32, #tpu.memory_space<vmem>> -> memref<80xi32, #tpu.memory_space<vmem>>
          %dma_start3A_339 = arith.constant 0 : i32
          %dma_start3A_340 = arith.constant 0 : i32
          %dma_start3A_341 = tpu.memref_slice %arg7[%dma_start3A_339, %dma_start3A_340] : memref<10000x64xf32, #tpu.memory_space<hbm>> -> memref<10000x64xf32, #tpu.memory_space<hbm>>
          tpu.enqueue_indirect_dma source(%dma_start3A_341 : memref<10000x64xf32, #tpu.memory_space<hbm>>) target(%dma_start3A_335 : memref<80x64xf32, #tpu.memory_space<vmem>>) offsets(%dma_start3A_338 : memref<80xi32, #tpu.memory_space<vmem>>) semaphore(%arg24 : memref<!tpu.dma_semaphore, #tpu.memory_space<semaphore_mem>>)
        } else {
        }
        %mul3A_256 = arith.constant 3 : i32
        %mul3A_257 = arith.muli %scan3A_220, %mul3A_256 : i32
        %add3A_258 = arith.constant 1 : i32
        %add3A_259 = arith.addi %mul3A_257, %add3A_258 : i32
        %dma_wait3A_260 = arith.constant 1 : i32
        %dma_wait3A_261 = arith.constant 0 : i32
        %dma_wait3A_262 = arith.constant 0 : i32
        %dma_wait3A_263 = tpu.memref_slice %arg17[%dma_wait3A_260, %dma_wait3A_261, %dma_wait3A_262] : memref<3x80x64xf32, #tpu.memory_space<vmem>> -> memref<1x80x64xf32, #tpu.memory_space<vmem>>
        %dma_wait3A_264 = tpu.memref_squeeze %dma_wait3A_263 : memref<1x80x64xf32, #tpu.memory_space<vmem>> -> memref<80x64xf32, #tpu.memory_space<vmem>>
        %dma_wait3A_265 = arith.constant 0 : i32
        %dma_wait3A_266 = tpu.memref_slice %arg15[%add3A_259, %dma_wait3A_265] : memref<250x80xi32, #tpu.memory_space<vmem>> -> memref<1x80xi32, #tpu.memory_space<vmem>>
        %dma_wait3A_267 = tpu.memref_squeeze %dma_wait3A_266 : memref<1x80xi32, #tpu.memory_space<vmem>> -> memref<80xi32, #tpu.memory_space<vmem>>
        %dma_wait3A_268 = arith.constant 0 : i32
        %dma_wait3A_269 = arith.constant 0 : i32
        %dma_wait3A_270 = tpu.memref_slice %arg7[%dma_wait3A_268, %dma_wait3A_269] : memref<10000x64xf32, #tpu.memory_space<hbm>> -> memref<10000x64xf32, #tpu.memory_space<hbm>>
        tpu.wait_indirect_dma semaphore(%arg23 : memref<!tpu.dma_semaphore, #tpu.memory_space<semaphore_mem>>) src(%dma_wait3A_270 : memref<10000x64xf32, #tpu.memory_space<hbm>>) dst(%dma_wait3A_264 : memref<80x64xf32, #tpu.memory_space<vmem>>)
        %dma_start3A_271 = arith.constant 1 : i32
        %dma_start3A_272 = arith.constant 0 : i32
        %dma_start3A_273 = arith.constant 0 : i32
        %dma_start3A_274 = tpu.memref_slice %arg17[%dma_start3A_271, %dma_start3A_272, %dma_start3A_273] : memref<3x80x64xf32, #tpu.memory_space<vmem>> -> memref<1x80x64xf32, #tpu.memory_space<vmem>>
        %dma_start3A_275 = tpu.memref_squeeze %dma_start3A_274 : memref<1x80x64xf32, #tpu.memory_space<vmem>> -> memref<80x64xf32, #tpu.memory_space<vmem>>
        %dma_start3A_276 = arith.constant 0 : i32
        %dma_start3A_277 = tpu.memref_slice %arg16[%add3A_259, %dma_start3A_276] : memref<250x80xi32, #tpu.memory_space<vmem>> -> memref<1x80xi32, #tpu.memory_space<vmem>>
        %dma_start3A_278 = tpu.memref_squeeze %dma_start3A_277 : memref<1x80xi32, #tpu.memory_space<vmem>> -> memref<80xi32, #tpu.memory_space<vmem>>
        %dma_start3A_279 = arith.constant 0 : i32
        %dma_start3A_280 = arith.constant 0 : i32
        %dma_start3A_281 = tpu.memref_slice %arg20[%dma_start3A_279, %dma_start3A_280] : memref<10240x64xf32, #tpu.memory_space<vmem_shared>> -> memref<10240x64xf32, #tpu.memory_space<vmem_shared>>
        tpu.enqueue_indirect_dma source(%dma_start3A_275 : memref<80x64xf32, #tpu.memory_space<vmem>>) target(%dma_start3A_281 : memref<10240x64xf32, #tpu.memory_space<vmem_shared>>) offsets(%dma_start3A_278 : memref<80xi32, #tpu.memory_space<vmem>>) semaphore(%arg32 : memref<!tpu.dma_semaphore, #tpu.memory_space<semaphore_mem>>) {add = true}
        %ge3A_282 = arith.constant 1 : i32
        %ge3A_283 = arith.cmpi sge, %add3A_259, %ge3A_282 : i32
        %convert_element_type3A_284 = arith.extui %ge3A_283 : i1 to i32
        %cond3A_285 = arith.constant 0 : i32
        %cond3A_286 = arith.cmpi ne, %convert_element_type3A_284, %cond3A_285 : i32
        scf.if %cond3A_286 {
          %sub3A = arith.constant 1 : i32
          %sub3A_329 = arith.subi %add3A_259, %sub3A : i32
          %dma_wait3A_330 = arith.constant 0 : i32
          %dma_wait3A_331 = arith.constant 0 : i32
          %dma_wait3A_332 = arith.constant 0 : i32
          %dma_wait3A_333 = tpu.memref_slice %arg17[%dma_wait3A_330, %dma_wait3A_331, %dma_wait3A_332] : memref<3x80x64xf32, #tpu.memory_space<vmem>> -> memref<1x80x64xf32, #tpu.memory_space<vmem>>
          %dma_wait3A_334 = tpu.memref_squeeze %dma_wait3A_333 : memref<1x80x64xf32, #tpu.memory_space<vmem>> -> memref<80x64xf32, #tpu.memory_space<vmem>>
          %dma_wait3A_335 = arith.constant 0 : i32
          %dma_wait3A_336 = tpu.memref_slice %arg16[%sub3A_329, %dma_wait3A_335] : memref<250x80xi32, #tpu.memory_space<vmem>> -> memref<1x80xi32, #tpu.memory_space<vmem>>
          %dma_wait3A_337 = tpu.memref_squeeze %dma_wait3A_336 : memref<1x80xi32, #tpu.memory_space<vmem>> -> memref<80xi32, #tpu.memory_space<vmem>>
          %dma_wait3A_338 = arith.constant 0 : i32
          %dma_wait3A_339 = arith.constant 0 : i32
          %dma_wait3A_340 = tpu.memref_slice %arg20[%dma_wait3A_338, %dma_wait3A_339] : memref<10240x64xf32, #tpu.memory_space<vmem_shared>> -> memref<10240x64xf32, #tpu.memory_space<vmem_shared>>
          tpu.wait_indirect_dma semaphore(%arg31 : memref<!tpu.dma_semaphore, #tpu.memory_space<semaphore_mem>>) src(%dma_wait3A_334 : memref<80x64xf32, #tpu.memory_space<vmem>>) dst(%dma_wait3A_340 : memref<10240x64xf32, #tpu.memory_space<vmem_shared>>)
        } else {
        }
        %lt3A_287 = arith.constant 248 : i32
        %lt3A_288 = arith.cmpi slt, %add3A_259, %lt3A_287 : i32
        %convert_element_type3A_289 = arith.extui %lt3A_288 : i1 to i32
        %cond3A_290 = arith.constant 0 : i32
        %cond3A_291 = arith.cmpi ne, %convert_element_type3A_289, %cond3A_290 : i32
        scf.if %cond3A_291 {
          %add3A_329 = arith.constant 2 : i32
          %add3A_330 = arith.addi %add3A_259, %add3A_329 : i32
          %dma_start3A_331 = arith.constant 0 : i32
          %dma_start3A_332 = arith.constant 0 : i32
          %dma_start3A_333 = arith.constant 0 : i32
          %dma_start3A_334 = tpu.memref_slice %arg17[%dma_start3A_331, %dma_start3A_332, %dma_start3A_333] : memref<3x80x64xf32, #tpu.memory_space<vmem>> -> memref<1x80x64xf32, #tpu.memory_space<vmem>>
          %dma_start3A_335 = tpu.memref_squeeze %dma_start3A_334 : memref<1x80x64xf32, #tpu.memory_space<vmem>> -> memref<80x64xf32, #tpu.memory_space<vmem>>
          %dma_start3A_336 = arith.constant 0 : i32
          %dma_start3A_337 = tpu.memref_slice %arg15[%add3A_330, %dma_start3A_336] : memref<250x80xi32, #tpu.memory_space<vmem>> -> memref<1x80xi32, #tpu.memory_space<vmem>>
          %dma_start3A_338 = tpu.memref_squeeze %dma_start3A_337 : memref<1x80xi32, #tpu.memory_space<vmem>> -> memref<80xi32, #tpu.memory_space<vmem>>
          %dma_start3A_339 = arith.constant 0 : i32
          %dma_start3A_340 = arith.constant 0 : i32
          %dma_start3A_341 = tpu.memref_slice %arg7[%dma_start3A_339, %dma_start3A_340] : memref<10000x64xf32, #tpu.memory_space<hbm>> -> memref<10000x64xf32, #tpu.memory_space<hbm>>
          tpu.enqueue_indirect_dma source(%dma_start3A_341 : memref<10000x64xf32, #tpu.memory_space<hbm>>) target(%dma_start3A_335 : memref<80x64xf32, #tpu.memory_space<vmem>>) offsets(%dma_start3A_338 : memref<80xi32, #tpu.memory_space<vmem>>) semaphore(%arg22 : memref<!tpu.dma_semaphore, #tpu.memory_space<semaphore_mem>>)
        } else {
        }
        %mul3A_292 = arith.constant 3 : i32
        %mul3A_293 = arith.muli %scan3A_220, %mul3A_292 : i32
        %add3A_294 = arith.constant 2 : i32
        %add3A_295 = arith.addi %mul3A_293, %add3A_294 : i32
        %dma_wait3A_296 = arith.constant 2 : i32
        %dma_wait3A_297 = arith.constant 0 : i32
        %dma_wait3A_298 = arith.constant 0 : i32
        %dma_wait3A_299 = tpu.memref_slice %arg17[%dma_wait3A_296, %dma_wait3A_297, %dma_wait3A_298] : memref<3x80x64xf32, #tpu.memory_space<vmem>> -> memref<1x80x64xf32, #tpu.memory_space<vmem>>
        %dma_wait3A_300 = tpu.memref_squeeze %dma_wait3A_299 : memref<1x80x64xf32, #tpu.memory_space<vmem>> -> memref<80x64xf32, #tpu.memory_space<vmem>>
        %dma_wait3A_301 = arith.constant 0 : i32
        %dma_wait3A_302 = tpu.memref_slice %arg15[%add3A_295, %dma_wait3A_301] : memref<250x80xi32, #tpu.memory_space<vmem>> -> memref<1x80xi32, #tpu.memory_space<vmem>>
        %dma_wait3A_303 = tpu.memref_squeeze %dma_wait3A_302 : memref<1x80xi32, #tpu.memory_space<vmem>> -> memref<80xi32, #tpu.memory_space<vmem>>
        %dma_wait3A_304 = arith.constant 0 : i32
        %dma_wait3A_305 = arith.constant 0 : i32
        %dma_wait3A_306 = tpu.memref_slice %arg7[%dma_wait3A_304, %dma_wait3A_305] : memref<10000x64xf32, #tpu.memory_space<hbm>> -> memref<10000x64xf32, #tpu.memory_space<hbm>>
        tpu.wait_indirect_dma semaphore(%arg24 : memref<!tpu.dma_semaphore, #tpu.memory_space<semaphore_mem>>) src(%dma_wait3A_306 : memref<10000x64xf32, #tpu.memory_space<hbm>>) dst(%dma_wait3A_300 : memref<80x64xf32, #tpu.memory_space<vmem>>)
        %dma_start3A_307 = arith.constant 2 : i32
        %dma_start3A_308 = arith.constant 0 : i32
        %dma_start3A_309 = arith.constant 0 : i32
        %dma_start3A_310 = tpu.memref_slice %arg17[%dma_start3A_307, %dma_start3A_308, %dma_start3A_309] : memref<3x80x64xf32, #tpu.memory_space<vmem>> -> memref<1x80x64xf32, #tpu.memory_space<vmem>>
        %dma_start3A_311 = tpu.memref_squeeze %dma_start3A_310 : memref<1x80x64xf32, #tpu.memory_space<vmem>> -> memref<80x64xf32, #tpu.memory_space<vmem>>
        %dma_start3A_312 = arith.constant 0 : i32
        %dma_start3A_313 = tpu.memref_slice %arg16[%add3A_295, %dma_start3A_312] : memref<250x80xi32, #tpu.memory_space<vmem>> -> memref<1x80xi32, #tpu.memory_space<vmem>>
        %dma_start3A_314 = tpu.memref_squeeze %dma_start3A_313 : memref<1x80xi32, #tpu.memory_space<vmem>> -> memref<80xi32, #tpu.memory_space<vmem>>
        %dma_start3A_315 = arith.constant 0 : i32
        %dma_start3A_316 = arith.constant 0 : i32
        %dma_start3A_317 = tpu.memref_slice %arg20[%dma_start3A_315, %dma_start3A_316] : memref<10240x64xf32, #tpu.memory_space<vmem_shared>> -> memref<10240x64xf32, #tpu.memory_space<vmem_shared>>
        tpu.enqueue_indirect_dma source(%dma_start3A_311 : memref<80x64xf32, #tpu.memory_space<vmem>>) target(%dma_start3A_317 : memref<10240x64xf32, #tpu.memory_space<vmem_shared>>) offsets(%dma_start3A_314 : memref<80xi32, #tpu.memory_space<vmem>>) semaphore(%arg33 : memref<!tpu.dma_semaphore, #tpu.memory_space<semaphore_mem>>) {add = true}
        %ge3A_318 = arith.constant 1 : i32
        %ge3A_319 = arith.cmpi sge, %add3A_295, %ge3A_318 : i32
        %convert_element_type3A_320 = arith.extui %ge3A_319 : i1 to i32
        %cond3A_321 = arith.constant 0 : i32
        %cond3A_322 = arith.cmpi ne, %convert_element_type3A_320, %cond3A_321 : i32
        scf.if %cond3A_322 {
          %sub3A = arith.constant 1 : i32
          %sub3A_329 = arith.subi %add3A_295, %sub3A : i32
          %dma_wait3A_330 = arith.constant 1 : i32
          %dma_wait3A_331 = arith.constant 0 : i32
          %dma_wait3A_332 = arith.constant 0 : i32
          %dma_wait3A_333 = tpu.memref_slice %arg17[%dma_wait3A_330, %dma_wait3A_331, %dma_wait3A_332] : memref<3x80x64xf32, #tpu.memory_space<vmem>> -> memref<1x80x64xf32, #tpu.memory_space<vmem>>
          %dma_wait3A_334 = tpu.memref_squeeze %dma_wait3A_333 : memref<1x80x64xf32, #tpu.memory_space<vmem>> -> memref<80x64xf32, #tpu.memory_space<vmem>>
          %dma_wait3A_335 = arith.constant 0 : i32
          %dma_wait3A_336 = tpu.memref_slice %arg16[%sub3A_329, %dma_wait3A_335] : memref<250x80xi32, #tpu.memory_space<vmem>> -> memref<1x80xi32, #tpu.memory_space<vmem>>
          %dma_wait3A_337 = tpu.memref_squeeze %dma_wait3A_336 : memref<1x80xi32, #tpu.memory_space<vmem>> -> memref<80xi32, #tpu.memory_space<vmem>>
          %dma_wait3A_338 = arith.constant 0 : i32
          %dma_wait3A_339 = arith.constant 0 : i32
          %dma_wait3A_340 = tpu.memref_slice %arg20[%dma_wait3A_338, %dma_wait3A_339] : memref<10240x64xf32, #tpu.memory_space<vmem_shared>> -> memref<10240x64xf32, #tpu.memory_space<vmem_shared>>
          tpu.wait_indirect_dma semaphore(%arg32 : memref<!tpu.dma_semaphore, #tpu.memory_space<semaphore_mem>>) src(%dma_wait3A_334 : memref<80x64xf32, #tpu.memory_space<vmem>>) dst(%dma_wait3A_340 : memref<10240x64xf32, #tpu.memory_space<vmem_shared>>)
        } else {
        }
        %lt3A_323 = arith.constant 248 : i32
        %lt3A_324 = arith.cmpi slt, %add3A_295, %lt3A_323 : i32
        %convert_element_type3A_325 = arith.extui %lt3A_324 : i1 to i32
        %cond3A_326 = arith.constant 0 : i32
        %cond3A_327 = arith.cmpi ne, %convert_element_type3A_325, %cond3A_326 : i32
        scf.if %cond3A_327 {
          %add3A_329 = arith.constant 2 : i32
          %add3A_330 = arith.addi %add3A_295, %add3A_329 : i32
          %dma_start3A_331 = arith.constant 1 : i32
          %dma_start3A_332 = arith.constant 0 : i32
          %dma_start3A_333 = arith.constant 0 : i32
          %dma_start3A_334 = tpu.memref_slice %arg17[%dma_start3A_331, %dma_start3A_332, %dma_start3A_333] : memref<3x80x64xf32, #tpu.memory_space<vmem>> -> memref<1x80x64xf32, #tpu.memory_space<vmem>>
          %dma_start3A_335 = tpu.memref_squeeze %dma_start3A_334 : memref<1x80x64xf32, #tpu.memory_space<vmem>> -> memref<80x64xf32, #tpu.memory_space<vmem>>
          %dma_start3A_336 = arith.constant 0 : i32
          %dma_start3A_337 = tpu.memref_slice %arg15[%add3A_330, %dma_start3A_336] : memref<250x80xi32, #tpu.memory_space<vmem>> -> memref<1x80xi32, #tpu.memory_space<vmem>>
          %dma_start3A_338 = tpu.memref_squeeze %dma_start3A_337 : memref<1x80xi32, #tpu.memory_space<vmem>> -> memref<80xi32, #tpu.memory_space<vmem>>
          %dma_start3A_339 = arith.constant 0 : i32
          %dma_start3A_340 = arith.constant 0 : i32
          %dma_start3A_341 = tpu.memref_slice %arg7[%dma_start3A_339, %dma_start3A_340] : memref<10000x64xf32, #tpu.memory_space<hbm>> -> memref<10000x64xf32, #tpu.memory_space<hbm>>
          tpu.enqueue_indirect_dma source(%dma_start3A_341 : memref<10000x64xf32, #tpu.memory_space<hbm>>) target(%dma_start3A_335 : memref<80x64xf32, #tpu.memory_space<vmem>>) offsets(%dma_start3A_338 : memref<80xi32, #tpu.memory_space<vmem>>) semaphore(%arg23 : memref<!tpu.dma_semaphore, #tpu.memory_space<semaphore_mem>>)
        } else {
        }
        %scan3A_328 = arith.constant 0 : i32
        scf.yield %scan3A_328 : i32
      }
      %scan3A_172 = arith.constant 83 : i32
      %dma_wait3A = arith.constant 249 : i32
      %dma_wait3A_173 = arith.constant 0 : i32
      %dma_wait3A_174 = arith.constant 0 : i32
      %dma_wait3A_175 = arith.constant 0 : i32
      %dma_wait3A_176 = tpu.memref_slice %arg17[%dma_wait3A_173, %dma_wait3A_174, %dma_wait3A_175] : memref<3x80x64xf32, #tpu.memory_space<vmem>> -> memref<1x80x64xf32, #tpu.memory_space<vmem>>
      %dma_wait3A_177 = tpu.memref_squeeze %dma_wait3A_176 : memref<1x80x64xf32, #tpu.memory_space<vmem>> -> memref<80x64xf32, #tpu.memory_space<vmem>>
      %dma_wait3A_178 = arith.constant 0 : i32
      %dma_wait3A_179 = tpu.memref_slice %arg15[%dma_wait3A, %dma_wait3A_178] : memref<250x80xi32, #tpu.memory_space<vmem>> -> memref<1x80xi32, #tpu.memory_space<vmem>>
      %dma_wait3A_180 = tpu.memref_squeeze %dma_wait3A_179 : memref<1x80xi32, #tpu.memory_space<vmem>> -> memref<80xi32, #tpu.memory_space<vmem>>
      %dma_wait3A_181 = arith.constant 0 : i32
      %dma_wait3A_182 = arith.constant 0 : i32
      %dma_wait3A_183 = tpu.memref_slice %arg7[%dma_wait3A_181, %dma_wait3A_182] : memref<10000x64xf32, #tpu.memory_space<hbm>> -> memref<10000x64xf32, #tpu.memory_space<hbm>>
      tpu.wait_indirect_dma semaphore(%arg22 : memref<!tpu.dma_semaphore, #tpu.memory_space<semaphore_mem>>) src(%dma_wait3A_183 : memref<10000x64xf32, #tpu.memory_space<hbm>>) dst(%dma_wait3A_177 : memref<80x64xf32, #tpu.memory_space<vmem>>)
      %dma_start3A_184 = arith.constant 0 : i32
      %dma_start3A_185 = arith.constant 249 : i32
      %dma_start3A_186 = arith.constant 0 : i32
      %dma_start3A_187 = arith.constant 0 : i32
      %dma_start3A_188 = tpu.memref_slice %arg17[%dma_start3A_184, %dma_start3A_186, %dma_start3A_187] : memref<3x80x64xf32, #tpu.memory_space<vmem>> -> memref<1x80x64xf32, #tpu.memory_space<vmem>>
      %dma_start3A_189 = tpu.memref_squeeze %dma_start3A_188 : memref<1x80x64xf32, #tpu.memory_space<vmem>> -> memref<80x64xf32, #tpu.memory_space<vmem>>
      %dma_start3A_190 = arith.constant 0 : i32
      %dma_start3A_191 = tpu.memref_slice %arg16[%dma_start3A_185, %dma_start3A_190] : memref<250x80xi32, #tpu.memory_space<vmem>> -> memref<1x80xi32, #tpu.memory_space<vmem>>
      %dma_start3A_192 = tpu.memref_squeeze %dma_start3A_191 : memref<1x80xi32, #tpu.memory_space<vmem>> -> memref<80xi32, #tpu.memory_space<vmem>>
      %dma_start3A_193 = arith.constant 0 : i32
      %dma_start3A_194 = arith.constant 0 : i32
      %dma_start3A_195 = tpu.memref_slice %arg20[%dma_start3A_193, %dma_start3A_194] : memref<10240x64xf32, #tpu.memory_space<vmem_shared>> -> memref<10240x64xf32, #tpu.memory_space<vmem_shared>>
      tpu.enqueue_indirect_dma source(%dma_start3A_189 : memref<80x64xf32, #tpu.memory_space<vmem>>) target(%dma_start3A_195 : memref<10240x64xf32, #tpu.memory_space<vmem_shared>>) offsets(%dma_start3A_192 : memref<80xi32, #tpu.memory_space<vmem>>) semaphore(%arg31 : memref<!tpu.dma_semaphore, #tpu.memory_space<semaphore_mem>>) {add = true}
      %dma_wait3A_196 = arith.constant 2 : i32
      %dma_wait3A_197 = arith.constant 248 : i32
      %dma_wait3A_198 = arith.constant 0 : i32
      %dma_wait3A_199 = arith.constant 0 : i32
      %dma_wait3A_200 = tpu.memref_slice %arg17[%dma_wait3A_196, %dma_wait3A_198, %dma_wait3A_199] : memref<3x80x64xf32, #tpu.memory_space<vmem>> -> memref<1x80x64xf32, #tpu.memory_space<vmem>>
      %dma_wait3A_201 = tpu.memref_squeeze %dma_wait3A_200 : memref<1x80x64xf32, #tpu.memory_space<vmem>> -> memref<80x64xf32, #tpu.memory_space<vmem>>
      %dma_wait3A_202 = arith.constant 0 : i32
      %dma_wait3A_203 = tpu.memref_slice %arg16[%dma_wait3A_197, %dma_wait3A_202] : memref<250x80xi32, #tpu.memory_space<vmem>> -> memref<1x80xi32, #tpu.memory_space<vmem>>
      %dma_wait3A_204 = tpu.memref_squeeze %dma_wait3A_203 : memref<1x80xi32, #tpu.memory_space<vmem>> -> memref<80xi32, #tpu.memory_space<vmem>>
      %dma_wait3A_205 = arith.constant 0 : i32
      %dma_wait3A_206 = arith.constant 0 : i32
      %dma_wait3A_207 = tpu.memref_slice %arg20[%dma_wait3A_205, %dma_wait3A_206] : memref<10240x64xf32, #tpu.memory_space<vmem_shared>> -> memref<10240x64xf32, #tpu.memory_space<vmem_shared>>
      tpu.wait_indirect_dma semaphore(%arg33 : memref<!tpu.dma_semaphore, #tpu.memory_space<semaphore_mem>>) src(%dma_wait3A_201 : memref<80x64xf32, #tpu.memory_space<vmem>>) dst(%dma_wait3A_207 : memref<10240x64xf32, #tpu.memory_space<vmem_shared>>)
      %dma_wait3A_208 = arith.constant 0 : i32
      %dma_wait3A_209 = arith.constant 249 : i32
      %dma_wait3A_210 = arith.constant 0 : i32
      %dma_wait3A_211 = arith.constant 0 : i32
      %dma_wait3A_212 = tpu.memref_slice %arg17[%dma_wait3A_208, %dma_wait3A_210, %dma_wait3A_211] : memref<3x80x64xf32, #tpu.memory_space<vmem>> -> memref<1x80x64xf32, #tpu.memory_space<vmem>>
      %dma_wait3A_213 = tpu.memref_squeeze %dma_wait3A_212 : memref<1x80x64xf32, #tpu.memory_space<vmem>> -> memref<80x64xf32, #tpu.memory_space<vmem>>
      %dma_wait3A_214 = arith.constant 0 : i32
      %dma_wait3A_215 = tpu.memref_slice %arg16[%dma_wait3A_209, %dma_wait3A_214] : memref<250x80xi32, #tpu.memory_space<vmem>> -> memref<1x80xi32, #tpu.memory_space<vmem>>
      %dma_wait3A_216 = tpu.memref_squeeze %dma_wait3A_215 : memref<1x80xi32, #tpu.memory_space<vmem>> -> memref<80xi32, #tpu.memory_space<vmem>>
      %dma_wait3A_217 = arith.constant 0 : i32
      %dma_wait3A_218 = arith.constant 0 : i32
      %dma_wait3A_219 = tpu.memref_slice %arg20[%dma_wait3A_217, %dma_wait3A_218] : memref<10240x64xf32, #tpu.memory_space<vmem_shared>> -> memref<10240x64xf32, #tpu.memory_space<vmem_shared>>
      tpu.wait_indirect_dma semaphore(%arg31 : memref<!tpu.dma_semaphore, #tpu.memory_space<semaphore_mem>>) src(%dma_wait3A_213 : memref<80x64xf32, #tpu.memory_space<vmem>>) dst(%dma_wait3A_219 : memref<10240x64xf32, #tpu.memory_space<vmem_shared>>)
    } else {
    }
    %barrier3A_130 = arith.constant 0 : index
    tpu.barrier barrier_id(%barrier3A_130)
    %eq3A_131 = arith.constant 0 : i32
    %eq3A_132 = arith.cmpi eq, %arg0, %eq3A_131 : i32
    %convert_element_type3A_133 = arith.extui %eq3A_132 : i1 to i32
    %cond3A_134 = arith.constant 0 : i32
    %cond3A_135 = arith.cmpi ne, %convert_element_type3A_133, %cond3A_134 : i32
    scf.if %cond3A_135 {
      %lt3A = arith.constant 15 : i32
      %lt3A_141 = arith.cmpi slt, %arg1, %lt3A : i32
      %convert_element_type3A_142 = arith.extui %lt3A_141 : i1 to i32
      %cond3A_143 = arith.constant 0 : i32
      %cond3A_144 = arith.cmpi ne, %convert_element_type3A_142, %cond3A_143 : i32
      scf.if %cond3A_144 {
        %mul3A_150 = arith.constant 640 : i32
        %mul3A_151 = arith.muli %arg1, %mul3A_150 : i32
        "tpu.region"() ({
          %run_scoped3A_152 = tpu.sem_alloc : memref<!tpu.dma_semaphore, #tpu.memory_space<semaphore_mem>>
          %dma_start3A = arith.constant 0 : i32
          %dma_start3A_153 = tpu.memref_slice %arg12[%mul3A_151, %dma_start3A] : memref<10000x64xf32, #tpu.memory_space<hbm>> -> memref<640x64xf32, #tpu.memory_space<hbm>>
          %dma_start3A_154 = arith.constant 0 : i32
          %dma_start3A_155 = tpu.memref_slice %arg20[%mul3A_151, %dma_start3A_154] : memref<10240x64xf32, #tpu.memory_space<vmem_shared>> -> memref<640x64xf32, #tpu.memory_space<vmem_shared>>
          tpu.enqueue_dma source(%dma_start3A_155 : memref<640x64xf32, #tpu.memory_space<vmem_shared>>) target(%dma_start3A_153 : memref<640x64xf32, #tpu.memory_space<hbm>>) target_semaphore(%run_scoped3A_152 : memref<!tpu.dma_semaphore, #tpu.memory_space<semaphore_mem>>)
          %dma_wait3A = arith.constant 0 : i32
          %dma_wait3A_156 = tpu.memref_slice %arg12[%mul3A_151, %dma_wait3A] : memref<10000x64xf32, #tpu.memory_space<hbm>> -> memref<640x64xf32, #tpu.memory_space<hbm>>
          %dma_wait3A_157 = arith.constant 0 : i32
          %dma_wait3A_158 = tpu.memref_slice %arg20[%mul3A_151, %dma_wait3A_157] : memref<10240x64xf32, #tpu.memory_space<vmem_shared>> -> memref<640x64xf32, #tpu.memory_space<vmem_shared>>
          tpu.wait_dma2 semaphore(%run_scoped3A_152 : memref<!tpu.dma_semaphore, #tpu.memory_space<semaphore_mem>>) src(%dma_wait3A_158 : memref<640x64xf32, #tpu.memory_space<vmem_shared>>) dst(%dma_wait3A_156 : memref<640x64xf32, #tpu.memory_space<hbm>>)
          tpu.yield
        }) : () -> ()
      } else {
      }
      %eq3A_145 = arith.constant 15 : i32
      %eq3A_146 = arith.cmpi eq, %arg1, %eq3A_145 : i32
      %convert_element_type3A_147 = arith.extui %eq3A_146 : i1 to i32
      %cond3A_148 = arith.constant 0 : i32
      %cond3A_149 = arith.cmpi ne, %convert_element_type3A_147, %cond3A_148 : i32
      scf.if %cond3A_149 {
        "tpu.region"() ({
          %run_scoped3A_150 = tpu.sem_alloc : memref<!tpu.dma_semaphore, #tpu.memory_space<semaphore_mem>>
          %dma_start3A = arith.constant 9600 : i32
          %dma_start3A_151 = arith.constant 0 : i32
          %dma_start3A_152 = tpu.memref_slice %arg12[%dma_start3A, %dma_start3A_151] : memref<10000x64xf32, #tpu.memory_space<hbm>> -> memref<400x64xf32, #tpu.memory_space<hbm>>
          %dma_start3A_153 = arith.constant 9600 : i32
          %dma_start3A_154 = arith.constant 0 : i32
          %dma_start3A_155 = tpu.memref_slice %arg20[%dma_start3A_153, %dma_start3A_154] : memref<10240x64xf32, #tpu.memory_space<vmem_shared>> -> memref<400x64xf32, #tpu.memory_space<vmem_shared>>
          tpu.enqueue_dma source(%dma_start3A_155 : memref<400x64xf32, #tpu.memory_space<vmem_shared>>) target(%dma_start3A_152 : memref<400x64xf32, #tpu.memory_space<hbm>>) target_semaphore(%run_scoped3A_150 : memref<!tpu.dma_semaphore, #tpu.memory_space<semaphore_mem>>)
          %dma_wait3A = arith.constant 9600 : i32
          %dma_wait3A_156 = arith.constant 0 : i32
          %dma_wait3A_157 = tpu.memref_slice %arg12[%dma_wait3A, %dma_wait3A_156] : memref<10000x64xf32, #tpu.memory_space<hbm>> -> memref<400x64xf32, #tpu.memory_space<hbm>>
          %dma_wait3A_158 = arith.constant 9600 : i32
          %dma_wait3A_159 = arith.constant 0 : i32
          %dma_wait3A_160 = tpu.memref_slice %arg20[%dma_wait3A_158, %dma_wait3A_159] : memref<10240x64xf32, #tpu.memory_space<vmem_shared>> -> memref<400x64xf32, #tpu.memory_space<vmem_shared>>
          tpu.wait_dma2 semaphore(%run_scoped3A_150 : memref<!tpu.dma_semaphore, #tpu.memory_space<semaphore_mem>>) src(%dma_wait3A_160 : memref<400x64xf32, #tpu.memory_space<vmem_shared>>) dst(%dma_wait3A_157 : memref<400x64xf32, #tpu.memory_space<hbm>>)
          tpu.yield
        }) : () -> ()
      } else {
      }
    } else {
    }
    %eq3A_136 = arith.constant 1 : i32
    %eq3A_137 = arith.cmpi eq, %arg0, %eq3A_136 : i32
    %convert_element_type3A_138 = arith.extui %eq3A_137 : i1 to i32
    %cond3A_139 = arith.constant 0 : i32
    %cond3A_140 = arith.cmpi ne, %convert_element_type3A_138, %cond3A_139 : i32
    scf.if %cond3A_140 {
      %lt3A = arith.constant 15 : i32
      %lt3A_141 = arith.cmpi slt, %arg1, %lt3A : i32
      %convert_element_type3A_142 = arith.extui %lt3A_141 : i1 to i32
      %cond3A_143 = arith.constant 0 : i32
      %cond3A_144 = arith.cmpi ne, %convert_element_type3A_142, %cond3A_143 : i32
      scf.if %cond3A_144 {
        %mul3A_150 = arith.constant 640 : i32
        %mul3A_151 = arith.muli %arg1, %mul3A_150 : i32
        "tpu.region"() ({
          %run_scoped3A_152 = tpu.sem_alloc : memref<!tpu.dma_semaphore, #tpu.memory_space<semaphore_mem>>
          %dma_start3A = arith.constant 0 : i32
          %dma_start3A_153 = tpu.memref_slice %arg13[%mul3A_151, %dma_start3A] : memref<10000x64xf32, #tpu.memory_space<hbm>> -> memref<640x64xf32, #tpu.memory_space<hbm>>
          %dma_start3A_154 = arith.constant 0 : i32
          %dma_start3A_155 = tpu.memref_slice %arg20[%mul3A_151, %dma_start3A_154] : memref<10240x64xf32, #tpu.memory_space<vmem_shared>> -> memref<640x64xf32, #tpu.memory_space<vmem_shared>>
          tpu.enqueue_dma source(%dma_start3A_155 : memref<640x64xf32, #tpu.memory_space<vmem_shared>>) target(%dma_start3A_153 : memref<640x64xf32, #tpu.memory_space<hbm>>) target_semaphore(%run_scoped3A_152 : memref<!tpu.dma_semaphore, #tpu.memory_space<semaphore_mem>>)
          %dma_wait3A = arith.constant 0 : i32
          %dma_wait3A_156 = tpu.memref_slice %arg13[%mul3A_151, %dma_wait3A] : memref<10000x64xf32, #tpu.memory_space<hbm>> -> memref<640x64xf32, #tpu.memory_space<hbm>>
          %dma_wait3A_157 = arith.constant 0 : i32
          %dma_wait3A_158 = tpu.memref_slice %arg20[%mul3A_151, %dma_wait3A_157] : memref<10240x64xf32, #tpu.memory_space<vmem_shared>> -> memref<640x64xf32, #tpu.memory_space<vmem_shared>>
          tpu.wait_dma2 semaphore(%run_scoped3A_152 : memref<!tpu.dma_semaphore, #tpu.memory_space<semaphore_mem>>) src(%dma_wait3A_158 : memref<640x64xf32, #tpu.memory_space<vmem_shared>>) dst(%dma_wait3A_156 : memref<640x64xf32, #tpu.memory_space<hbm>>)
          tpu.yield
        }) : () -> ()
      } else {
      }
      %eq3A_145 = arith.constant 15 : i32
      %eq3A_146 = arith.cmpi eq, %arg1, %eq3A_145 : i32
      %convert_element_type3A_147 = arith.extui %eq3A_146 : i1 to i32
      %cond3A_148 = arith.constant 0 : i32
      %cond3A_149 = arith.cmpi ne, %convert_element_type3A_147, %cond3A_148 : i32
      scf.if %cond3A_149 {
        "tpu.region"() ({
          %run_scoped3A_150 = tpu.sem_alloc : memref<!tpu.dma_semaphore, #tpu.memory_space<semaphore_mem>>
          %dma_start3A = arith.constant 9600 : i32
          %dma_start3A_151 = arith.constant 0 : i32
          %dma_start3A_152 = tpu.memref_slice %arg13[%dma_start3A, %dma_start3A_151] : memref<10000x64xf32, #tpu.memory_space<hbm>> -> memref<400x64xf32, #tpu.memory_space<hbm>>
          %dma_start3A_153 = arith.constant 9600 : i32
          %dma_start3A_154 = arith.constant 0 : i32
          %dma_start3A_155 = tpu.memref_slice %arg20[%dma_start3A_153, %dma_start3A_154] : memref<10240x64xf32, #tpu.memory_space<vmem_shared>> -> memref<400x64xf32, #tpu.memory_space<vmem_shared>>
          tpu.enqueue_dma source(%dma_start3A_155 : memref<400x64xf32, #tpu.memory_space<vmem_shared>>) target(%dma_start3A_152 : memref<400x64xf32, #tpu.memory_space<hbm>>) target_semaphore(%run_scoped3A_150 : memref<!tpu.dma_semaphore, #tpu.memory_space<semaphore_mem>>)
          %dma_wait3A = arith.constant 9600 : i32
          %dma_wait3A_156 = arith.constant 0 : i32
          %dma_wait3A_157 = tpu.memref_slice %arg13[%dma_wait3A, %dma_wait3A_156] : memref<10000x64xf32, #tpu.memory_space<hbm>> -> memref<400x64xf32, #tpu.memory_space<hbm>>
          %dma_wait3A_158 = arith.constant 9600 : i32
          %dma_wait3A_159 = arith.constant 0 : i32
          %dma_wait3A_160 = tpu.memref_slice %arg20[%dma_wait3A_158, %dma_wait3A_159] : memref<10240x64xf32, #tpu.memory_space<vmem_shared>> -> memref<400x64xf32, #tpu.memory_space<vmem_shared>>
          tpu.wait_dma2 semaphore(%run_scoped3A_150 : memref<!tpu.dma_semaphore, #tpu.memory_space<semaphore_mem>>) src(%dma_wait3A_160 : memref<400x64xf32, #tpu.memory_space<vmem_shared>>) dst(%dma_wait3A_157 : memref<400x64xf32, #tpu.memory_space<hbm>>)
          tpu.yield
        }) : () -> ()
      } else {
      }
    } else {
    }
    return
  }
}

module attributes {stable_mosaic.version = 14 : i64} {
  func.func @_pre_body(%arg0: i32, %arg1: memref<1000x128xf32, #tpu.memory_space<vmem>>, %arg2: memref<1000x16xf32, #tpu.memory_space<vmem>>, %arg3: memref<1000x1xf32, #tpu.memory_space<vmem>>, %arg4: memref<128x128xf32, #tpu.memory_space<vmem>>, %arg5: memref<16x128xf32, #tpu.memory_space<vmem>>, %arg6: memref<1000x64xf32, #tpu.memory_space<vmem>>, %arg7: memref<1000x64xf32, #tpu.memory_space<vmem>>, %arg8: memref<1000x64xf32, #tpu.memory_space<vmem>>, %arg9: memref<1000x64xf32, #tpu.memory_space<vmem>>) attributes {dimension_semantics = [#tpu.dimension_semantics<arbitrary>], iteration_bounds = array<i64: 10>, scalar_prefetch = 0 : i64, scratch_operands = 0 : i64, tpu.core_type = #tpu.core_type<tc>, window_params = [{transform_indices = @transform_0, window_bounds = array<i64: 1000, 128>}, {transform_indices = @transform_1, window_bounds = array<i64: 1000, 16>}, {transform_indices = @transform_2, window_bounds = array<i64: 1000, 1>}, {pipeline_mode = #tpu.pipeline_mode<synchronous>, transform_indices = @transform_3, window_bounds = array<i64: 128, 128>}, {pipeline_mode = #tpu.pipeline_mode<synchronous>, transform_indices = @transform_4, window_bounds = array<i64: 16, 128>}, {transform_indices = @transform_5, window_bounds = array<i64: 1000, 64>}, {transform_indices = @transform_6, window_bounds = array<i64: 1000, 64>}, {transform_indices = @transform_7, window_bounds = array<i64: 1000, 64>}, {transform_indices = @transform_8, window_bounds = array<i64: 1000, 64>}]} {
    %get3A = arith.constant 0 : index
    %get3A_0 = arith.constant 0 : index
    %get3A_1 = vector.load %arg1[%get3A, %get3A_0] : memref<1000x128xf32, #tpu.memory_space<vmem>>, vector<1000x128xf32>
    %get3A_2 = arith.constant 0 : index
    %get3A_3 = arith.constant 0 : index
    %get3A_4 = vector.load %arg4[%get3A_2, %get3A_3] : memref<128x128xf32, #tpu.memory_space<vmem>>, vector<128x128xf32>
    %dot_general3A = arith.constant dense<0.000000e+00> : vector<1000x128xf32>
    %dot_general3A_5 = tpu.matmul %get3A_1, %get3A_4, %dot_general3A {dimension_numbers = #tpu.dot_dimension_numbers<[1], [0], [0], [1], [0, 0, 1, 1], [], []>, transpose_lhs_hint = false} : vector<1000x128xf32>, vector<128x128xf32>, vector<1000x128xf32> -> vector<1000x128xf32>
    %mul3A = arith.constant 0.0883883461 : f32
    %mul3A_6 = vector.broadcast %mul3A : f32 to vector<1000x128xf32>
    %mul3A_7 = arith.mulf %dot_general3A_5, %mul3A_6 : vector<1000x128xf32>
    %get3A_8 = arith.constant 0 : index
    %get3A_9 = arith.constant 0 : index
    %get3A_10 = vector.load %arg2[%get3A_8, %get3A_9] : memref<1000x16xf32, #tpu.memory_space<vmem>>, vector<1000x16xf32>
    %get3A_11 = arith.constant 0 : index
    %get3A_12 = arith.constant 0 : index
    %get3A_13 = vector.load %arg5[%get3A_11, %get3A_12] : memref<16x128xf32, #tpu.memory_space<vmem>>, vector<16x128xf32>
    %dot_general3A_14 = arith.constant dense<0.000000e+00> : vector<1000x128xf32>
    %dot_general3A_15 = tpu.matmul %get3A_10, %get3A_13, %dot_general3A_14 {dimension_numbers = #tpu.dot_dimension_numbers<[1], [0], [0], [1], [0, 0, 1, 1], [], []>, transpose_lhs_hint = false} : vector<1000x16xf32>, vector<16x128xf32>, vector<1000x128xf32> -> vector<1000x128xf32>
    %mul3A_16 = arith.constant 2.500000e-01 : f32
    %mul3A_17 = vector.broadcast %mul3A_16 : f32 to vector<1000x128xf32>
    %mul3A_18 = arith.mulf %dot_general3A_15, %mul3A_17 : vector<1000x128xf32>
    %get3A_19 = arith.constant 0 : index
    %get3A_20 = arith.constant 0 : index
    %get3A_21 = vector.load %arg3[%get3A_19, %get3A_20] : memref<1000x1xf32, #tpu.memory_space<vmem>>, vector<1000x1xf32>
    %mul3A_22 = vector.broadcast %get3A_21 : vector<1000x1xf32> to vector<1000x128xf32>
    %mul3A_23 = arith.mulf %mul3A_7, %mul3A_22 : vector<1000x128xf32>
    %mul3A_24 = arith.mulf %mul3A_23, %mul3A_18 : vector<1000x128xf32>
    %slice3A = vector.extract_strided_slice %mul3A_7 {offsets = [0, 0], sizes = [1000, 64], strides = [1, 1]} : vector<1000x128xf32> to vector<1000x64xf32>
    %swap3A = arith.constant 0 : index
    %swap3A_25 = arith.constant 0 : index
    %swap3A_26 = vector.load %arg6[%swap3A, %swap3A_25] : memref<1000x64xf32, #tpu.memory_space<vmem>>, vector<1000x64xf32>
    tpu.vector_store %arg6[%swap3A, %swap3A_25], %slice3A {strides = array<i32>} : memref<1000x64xf32, #tpu.memory_space<vmem>>, vector<1000x64xf32>,
    %slice3A_27 = vector.extract_strided_slice %mul3A_7 {offsets = [0, 64], sizes = [1000, 64], strides = [1, 1]} : vector<1000x128xf32> to vector<1000x64xf32>
    %swap3A_28 = arith.constant 0 : index
    %swap3A_29 = arith.constant 0 : index
    %swap3A_30 = vector.load %arg7[%swap3A_28, %swap3A_29] : memref<1000x64xf32, #tpu.memory_space<vmem>>, vector<1000x64xf32>
    tpu.vector_store %arg7[%swap3A_28, %swap3A_29], %slice3A_27 {strides = array<i32>} : memref<1000x64xf32, #tpu.memory_space<vmem>>, vector<1000x64xf32>,
    %slice3A_31 = vector.extract_strided_slice %mul3A_24 {offsets = [0, 0], sizes = [1000, 64], strides = [1, 1]} : vector<1000x128xf32> to vector<1000x64xf32>
    %swap3A_32 = arith.constant 0 : index
    %swap3A_33 = arith.constant 0 : index
    %swap3A_34 = vector.load %arg8[%swap3A_32, %swap3A_33] : memref<1000x64xf32, #tpu.memory_space<vmem>>, vector<1000x64xf32>
    tpu.vector_store %arg8[%swap3A_32, %swap3A_33], %slice3A_31 {strides = array<i32>} : memref<1000x64xf32, #tpu.memory_space<vmem>>, vector<1000x64xf32>,
    %slice3A_35 = vector.extract_strided_slice %mul3A_24 {offsets = [0, 64], sizes = [1000, 64], strides = [1, 1]} : vector<1000x128xf32> to vector<1000x64xf32>
    %swap3A_36 = arith.constant 0 : index
    %swap3A_37 = arith.constant 0 : index
    %swap3A_38 = vector.load %arg9[%swap3A_36, %swap3A_37] : memref<1000x64xf32, #tpu.memory_space<vmem>>, vector<1000x64xf32>
    tpu.vector_store %arg9[%swap3A_36, %swap3A_37], %slice3A_35 {strides = array<i32>} : memref<1000x64xf32, #tpu.memory_space<vmem>>, vector<1000x64xf32>,
    return
  }
  func.func @transform_0(%arg0: i32) -> (i32, i32) {
    %c0_i32 = arith.constant 0 : i32
    %c0_i32_0 = arith.constant 0 : i32
    return %arg0, %c0_i32 : i32, i32
  }
  func.func @transform_1(%arg0: i32) -> (i32, i32) {
    %c0_i32 = arith.constant 0 : i32
    %c0_i32_0 = arith.constant 0 : i32
    return %arg0, %c0_i32 : i32, i32
  }
  func.func @transform_2(%arg0: i32) -> (i32, i32) {
    %c0_i32 = arith.constant 0 : i32
    %c0_i32_0 = arith.constant 0 : i32
    return %arg0, %c0_i32 : i32, i32
  }
  func.func @transform_3(%arg0: i32) -> (i32, i32) {
    %c0_i32 = arith.constant 0 : i32
    %c0_i32_0 = arith.constant 0 : i32
    %c0_i32_1 = arith.constant 0 : i32
    return %c0_i32, %c0_i32_0 : i32, i32
  }
  func.func @transform_4(%arg0: i32) -> (i32, i32) {
    %c0_i32 = arith.constant 0 : i32
    %c0_i32_0 = arith.constant 0 : i32
    %c0_i32_1 = arith.constant 0 : i32
    return %c0_i32, %c0_i32_0 : i32, i32
  }
  func.func @transform_5(%arg0: i32) -> (i32, i32) {
    %c0_i32 = arith.constant 0 : i32
    %c0_i32_0 = arith.constant 0 : i32
    return %arg0, %c0_i32 : i32, i32
  }
  func.func @transform_6(%arg0: i32) -> (i32, i32) {
    %c0_i32 = arith.constant 0 : i32
    %c0_i32_0 = arith.constant 0 : i32
    return %arg0, %c0_i32 : i32, i32
  }
  func.func @transform_7(%arg0: i32) -> (i32, i32) {
    %c0_i32 = arith.constant 0 : i32
    %c0_i32_0 = arith.constant 0 : i32
    return %arg0, %c0_i32 : i32, i32
  }
  func.func @transform_8(%arg0: i32) -> (i32, i32) {
    %c0_i32 = arith.constant 0 : i32
    %c0_i32_0 = arith.constant 0 : i32
    return %arg0, %c0_i32 : i32, i32
  }
}

module attributes {stable_mosaic.version = 14 : i64} {
  func.func @_edge_body(%arg0: i32, %arg1: memref<2000x8xf32, #tpu.memory_space<vmem>>, %arg2: memref<2000x1xf32, #tpu.memory_space<vmem>>, %arg3: memref<8x64xf32, #tpu.memory_space<vmem>>, %arg4: memref<64x64xf32, #tpu.memory_space<vmem>>, %arg5: memref<64x64xf32, #tpu.memory_space<vmem>>, %arg6: memref<64x128xf32, #tpu.memory_space<vmem>>, %arg7: memref<8x1xf32, #tpu.memory_space<vmem>>, %arg8: memref<2000x128xf32, #tpu.memory_space<vmem>>, %arg9: memref<2000x16xf32, #tpu.memory_space<vmem>>) attributes {dimension_semantics = [#tpu.dimension_semantics<arbitrary>], iteration_bounds = array<i64: 160>, scalar_prefetch = 0 : i64, scratch_operands = 0 : i64, tpu.core_type = #tpu.core_type<tc>, window_params = [{transform_indices = @transform_0, window_bounds = array<i64: 2000, 8>}, {transform_indices = @transform_1, window_bounds = array<i64: 2000, 1>}, {pipeline_mode = #tpu.pipeline_mode<synchronous>, transform_indices = @transform_2, window_bounds = array<i64: 8, 64>}, {pipeline_mode = #tpu.pipeline_mode<synchronous>, transform_indices = @transform_3, window_bounds = array<i64: 64, 64>}, {pipeline_mode = #tpu.pipeline_mode<synchronous>, transform_indices = @transform_4, window_bounds = array<i64: 64, 64>}, {pipeline_mode = #tpu.pipeline_mode<synchronous>, transform_indices = @transform_5, window_bounds = array<i64: 64, 128>}, {pipeline_mode = #tpu.pipeline_mode<synchronous>, transform_indices = @transform_6, window_bounds = array<i64: 8, 1>}, {transform_indices = @transform_7, window_bounds = array<i64: 2000, 128>}, {transform_indices = @transform_8, window_bounds = array<i64: 2000, 16>}]} {
    %get3A = arith.constant 0 : index
    %get3A_0 = arith.constant 0 : index
    %get3A_1 = vector.load %arg1[%get3A, %get3A_0] : memref<2000x8xf32, #tpu.memory_space<vmem>>, vector<2000x8xf32>
    %get3A_2 = arith.constant 0 : index
    %get3A_3 = arith.constant 0 : index
    %get3A_4 = vector.load %arg3[%get3A_2, %get3A_3] : memref<8x64xf32, #tpu.memory_space<vmem>>, vector<8x64xf32>
    %dot_general3A = arith.constant dense<0.000000e+00> : vector<2000x64xf32>
    %dot_general3A_5 = tpu.matmul %get3A_1, %get3A_4, %dot_general3A {dimension_numbers = #tpu.dot_dimension_numbers<[1], [0], [0], [1], [0, 0, 1, 1], [], []>, transpose_lhs_hint = false} : vector<2000x8xf32>, vector<8x64xf32>, vector<2000x64xf32> -> vector<2000x64xf32>
    %mul3A = arith.constant 0.353553385 : f32
    %mul3A_6 = vector.broadcast %mul3A : f32 to vector<2000x64xf32>
    %mul3A_7 = arith.mulf %dot_general3A_5, %mul3A_6 : vector<2000x64xf32>
    %logistic3A = arith.negf %mul3A_7 : vector<2000x64xf32>
    %logistic3A_8 = math.exp %logistic3A : vector<2000x64xf32>
    %logistic3A_9 = arith.constant 1.000000e+00 : f32
    %logistic3A_10 = vector.broadcast %logistic3A_9 : f32 to vector<2000x64xf32>
    %logistic3A_11 = arith.addf %logistic3A_10, %logistic3A_8 : vector<2000x64xf32>
    %logistic3A_12 = arith.divf %logistic3A_10, %logistic3A_11 : vector<2000x64xf32>
    %mul3A_13 = arith.mulf %mul3A_7, %logistic3A_12 : vector<2000x64xf32>
    %convert_element_type3A = arith.truncf %mul3A_13 : vector<2000x64xf32> to vector<2000x64xbf16>
    %get3A_14 = arith.constant 0 : index
    %get3A_15 = arith.constant 0 : index
    %get3A_16 = vector.load %arg4[%get3A_14, %get3A_15] : memref<64x64xf32, #tpu.memory_space<vmem>>, vector<64x64xf32>
    %convert_element_type3A_17 = arith.truncf %get3A_16 : vector<64x64xf32> to vector<64x64xbf16>
    %dot_general3A_18 = arith.constant dense<0.000000e+00> : vector<2000x64xf32>
    %dot_general3A_19 = tpu.matmul %convert_element_type3A, %convert_element_type3A_17, %dot_general3A_18 {dimension_numbers = #tpu.dot_dimension_numbers<[1], [0], [0], [1], [0, 0, 1, 1], [], []>, transpose_lhs_hint = false} : vector<2000x64xbf16>, vector<64x64xbf16>, vector<2000x64xf32> -> vector<2000x64xf32>
    %mul3A_20 = arith.constant 1.250000e-01 : f32
    %mul3A_21 = vector.broadcast %mul3A_20 : f32 to vector<2000x64xf32>
    %mul3A_22 = arith.mulf %dot_general3A_19, %mul3A_21 : vector<2000x64xf32>
    %logistic3A_23 = arith.negf %mul3A_22 : vector<2000x64xf32>
    %logistic3A_24 = math.exp %logistic3A_23 : vector<2000x64xf32>
    %logistic3A_25 = arith.constant 1.000000e+00 : f32
    %logistic3A_26 = vector.broadcast %logistic3A_25 : f32 to vector<2000x64xf32>
    %logistic3A_27 = arith.addf %logistic3A_26, %logistic3A_24 : vector<2000x64xf32>
    %logistic3A_28 = arith.divf %logistic3A_26, %logistic3A_27 : vector<2000x64xf32>
    %mul3A_29 = arith.mulf %mul3A_22, %logistic3A_28 : vector<2000x64xf32>
    %convert_element_type3A_30 = arith.truncf %mul3A_29 : vector<2000x64xf32> to vector<2000x64xbf16>
    %get3A_31 = arith.constant 0 : index
    %get3A_32 = arith.constant 0 : index
    %get3A_33 = vector.load %arg5[%get3A_31, %get3A_32] : memref<64x64xf32, #tpu.memory_space<vmem>>, vector<64x64xf32>
    %convert_element_type3A_34 = arith.truncf %get3A_33 : vector<64x64xf32> to vector<64x64xbf16>
    %dot_general3A_35 = arith.constant dense<0.000000e+00> : vector<2000x64xf32>
    %dot_general3A_36 = tpu.matmul %convert_element_type3A_30, %convert_element_type3A_34, %dot_general3A_35 {dimension_numbers = #tpu.dot_dimension_numbers<[1], [0], [0], [1], [0, 0, 1, 1], [], []>, transpose_lhs_hint = false} : vector<2000x64xbf16>, vector<64x64xbf16>, vector<2000x64xf32> -> vector<2000x64xf32>
    %mul3A_37 = arith.constant 1.250000e-01 : f32
    %mul3A_38 = vector.broadcast %mul3A_37 : f32 to vector<2000x64xf32>
    %mul3A_39 = arith.mulf %dot_general3A_36, %mul3A_38 : vector<2000x64xf32>
    %logistic3A_40 = arith.negf %mul3A_39 : vector<2000x64xf32>
    %logistic3A_41 = math.exp %logistic3A_40 : vector<2000x64xf32>
    %logistic3A_42 = arith.constant 1.000000e+00 : f32
    %logistic3A_43 = vector.broadcast %logistic3A_42 : f32 to vector<2000x64xf32>
    %logistic3A_44 = arith.addf %logistic3A_43, %logistic3A_41 : vector<2000x64xf32>
    %logistic3A_45 = arith.divf %logistic3A_43, %logistic3A_44 : vector<2000x64xf32>
    %mul3A_46 = arith.mulf %mul3A_39, %logistic3A_45 : vector<2000x64xf32>
    %convert_element_type3A_47 = arith.truncf %mul3A_46 : vector<2000x64xf32> to vector<2000x64xbf16>
    %get3A_48 = arith.constant 0 : index
    %get3A_49 = arith.constant 0 : index
    %get3A_50 = vector.load %arg6[%get3A_48, %get3A_49] : memref<64x128xf32, #tpu.memory_space<vmem>>, vector<64x128xf32>
    %convert_element_type3A_51 = arith.truncf %get3A_50 : vector<64x128xf32> to vector<64x128xbf16>
    %dot_general3A_52 = arith.constant dense<0.000000e+00> : vector<2000x128xf32>
    %dot_general3A_53 = tpu.matmul %convert_element_type3A_47, %convert_element_type3A_51, %dot_general3A_52 {dimension_numbers = #tpu.dot_dimension_numbers<[1], [0], [0], [1], [0, 0, 1, 1], [], []>, transpose_lhs_hint = false} : vector<2000x64xbf16>, vector<64x128xbf16>, vector<2000x128xf32> -> vector<2000x128xf32>
    %mul3A_54 = arith.constant 1.250000e-01 : f32
    %mul3A_55 = vector.broadcast %mul3A_54 : f32 to vector<2000x128xf32>
    %mul3A_56 = arith.mulf %dot_general3A_53, %mul3A_55 : vector<2000x128xf32>
    %get3A_57 = arith.constant 0 : index
    %get3A_58 = arith.constant 0 : index
    %get3A_59 = vector.load %arg2[%get3A_57, %get3A_58] : memref<2000x1xf32, #tpu.memory_space<vmem>>, vector<2000x1xf32>
    %mul3A_60 = vector.broadcast %get3A_59 : vector<2000x1xf32> to vector<2000x128xf32>
    %mul3A_61 = arith.mulf %mul3A_56, %mul3A_60 : vector<2000x128xf32>
    %swap3A = arith.constant 0 : index
    %swap3A_62 = arith.constant 0 : index
    %swap3A_63 = vector.load %arg8[%swap3A, %swap3A_62] : memref<2000x128xf32, #tpu.memory_space<vmem>>, vector<2000x128xf32>
    tpu.vector_store %arg8[%swap3A, %swap3A_62], %mul3A_61 {strides = array<i32>} : memref<2000x128xf32, #tpu.memory_space<vmem>>, vector<2000x128xf32>,
    %get3A_64 = arith.constant 0 : index
    %get3A_65 = arith.constant 0 : index
    %get3A_66 = vector.load %arg7[%get3A_64, %get3A_65] : memref<8x1xf32, #tpu.memory_space<vmem>>, vector<8x1xf32>
    %dot_general3A_67 = arith.constant dense<0.000000e+00> : vector<2000x1xf32>
    %dot_general3A_68 = tpu.matmul %get3A_1, %get3A_66, %dot_general3A_67 {dimension_numbers = #tpu.dot_dimension_numbers<[1], [0], [0], [1], [0, 0, 1, 1], [], []>, transpose_lhs_hint = false} : vector<2000x8xf32>, vector<8x1xf32>, vector<2000x1xf32> -> vector<2000x1xf32>
    %mul3A_69 = arith.constant 0.353553385 : f32
    %mul3A_70 = vector.broadcast %mul3A_69 : f32 to vector<2000x1xf32>
    %mul3A_71 = arith.mulf %dot_general3A_68, %mul3A_70 : vector<2000x1xf32>
    %mul3A_72 = arith.mulf %mul3A_71, %mul3A_71 : vector<2000x1xf32>
    %tanh3A = math.tanh %mul3A_72 : vector<2000x1xf32>
    %iota3A = tpu.iota {dimensions = array<i32: 1>} : vector<2000x16xi32>
    %eq3A = arith.constant 0 : i32
    %eq3A_73 = vector.broadcast %eq3A : i32 to vector<2000x16xi32>
    %eq3A_74 = arith.cmpi eq, %iota3A, %eq3A_73 : vector<2000x16xi32>
    %jit3A = arith.constant 0.000000e+00 : f32
    %broadcast_in_dim3A = vector.shape_cast %tanh3A : vector<2000x1xf32> to vector<2000x1xf32>
    %broadcast_in_dim3A_75 = vector.broadcast %broadcast_in_dim3A : vector<2000x1xf32> to vector<2000x16xf32>
    %broadcast_in_dim3A_76 = vector.broadcast %jit3A : f32 to vector<2000x16xf32>
    %select_n3A = arith.select %eq3A_74, %broadcast_in_dim3A_75, %broadcast_in_dim3A_76 : vector<2000x16xi1>, vector<2000x16xf32>
    %swap3A_77 = arith.constant 0 : index
    %swap3A_78 = arith.constant 0 : index
    %swap3A_79 = vector.load %arg9[%swap3A_77, %swap3A_78] : memref<2000x16xf32, #tpu.memory_space<vmem>>, vector<2000x16xf32>
    tpu.vector_store %arg9[%swap3A_77, %swap3A_78], %select_n3A {strides = array<i32>} : memref<2000x16xf32, #tpu.memory_space<vmem>>, vector<2000x16xf32>,
    return
  }
  func.func @transform_0(%arg0: i32) -> (i32, i32) {
    %c0_i32 = arith.constant 0 : i32
    %c0_i32_0 = arith.constant 0 : i32
    return %arg0, %c0_i32 : i32, i32
  }
  func.func @transform_1(%arg0: i32) -> (i32, i32) {
    %c0_i32 = arith.constant 0 : i32
    %c0_i32_0 = arith.constant 0 : i32
    return %arg0, %c0_i32 : i32, i32
  }
  func.func @transform_2(%arg0: i32) -> (i32, i32) {
    %c0_i32 = arith.constant 0 : i32
    %c0_i32_0 = arith.constant 0 : i32
    %c0_i32_1 = arith.constant 0 : i32
    return %c0_i32, %c0_i32_0 : i32, i32
  }
  func.func @transform_3(%arg0: i32) -> (i32, i32) {
    %c0_i32 = arith.constant 0 : i32
    %c0_i32_0 = arith.constant 0 : i32
    %c0_i32_1 = arith.constant 0 : i32
    return %c0_i32, %c0_i32_0 : i32, i32
  }
  func.func @transform_4(%arg0: i32) -> (i32, i32) {
    %c0_i32 = arith.constant 0 : i32
    %c0_i32_0 = arith.constant 0 : i32
    %c0_i32_1 = arith.constant 0 : i32
    return %c0_i32, %c0_i32_0 : i32, i32
  }
  func.func @transform_5(%arg0: i32) -> (i32, i32) {
    %c0_i32 = arith.constant 0 : i32
    %c0_i32_0 = arith.constant 0 : i32
    %c0_i32_1 = arith.constant 0 : i32
    return %c0_i32, %c0_i32_0 : i32, i32
  }
  func.func @transform_6(%arg0: i32) -> (i32, i32) {
    %c0_i32 = arith.constant 0 : i32
    %c0_i32_0 = arith.constant 0 : i32
    %c0_i32_1 = arith.constant 0 : i32
    return %c0_i32, %c0_i32_0 : i32, i32
  }
  func.func @transform_7(%arg0: i32) -> (i32, i32) {
    %c0_i32 = arith.constant 0 : i32
    %c0_i32_0 = arith.constant 0 : i32
    return %arg0, %c0_i32 : i32, i32
  }
  func.func @transform_8(%arg0: i32) -> (i32, i32) {
    %c0_i32 = arith.constant 0 : i32
    %c0_i32_0 = arith.constant 0 : i32
    return %arg0, %c0_i32 : i32, i32
  }
}

module attributes {stable_mosaic.version = 14 : i64} {
  func.func @_post_body(%arg0: i32, %arg1: memref<1000x64xf32, #tpu.memory_space<vmem>>, %arg2: memref<1000x64xf32, #tpu.memory_space<vmem>>, %arg3: memref<1000x64xf32, #tpu.memory_space<vmem>>, %arg4: memref<1000x64xf32, #tpu.memory_space<vmem>>, %arg5: memref<1000x1xf32, #tpu.memory_space<vmem>>, %arg6: memref<1000x10xf32, #tpu.memory_space<vmem>>, %arg7: memref<64x128xf32, #tpu.memory_space<vmem>>, %arg8: memref<64x128xf32, #tpu.memory_space<vmem>>, %arg9: memref<64x128xf32, #tpu.memory_space<vmem>>, %arg10: memref<64x128xf32, #tpu.memory_space<vmem>>, %arg11: memref<10x128x128xf32, #tpu.memory_space<vmem>>, %arg12: memref<10x128x128xf32, #tpu.memory_space<vmem>>, %arg13: memref<1000x128xf32, #tpu.memory_space<vmem>>, %arg14: memref<1000x128xf32, #tpu.memory_space<vmem>>) attributes {dimension_semantics = [#tpu.dimension_semantics<arbitrary>], iteration_bounds = array<i64: 10>, scalar_prefetch = 0 : i64, scratch_operands = 0 : i64, tpu.core_type = #tpu.core_type<tc>, window_params = [{transform_indices = @transform_0, window_bounds = array<i64: 1000, 64>}, {transform_indices = @transform_1, window_bounds = array<i64: 1000, 64>}, {transform_indices = @transform_2, window_bounds = array<i64: 1000, 64>}, {transform_indices = @transform_3, window_bounds = array<i64: 1000, 64>}, {transform_indices = @transform_4, window_bounds = array<i64: 1000, 1>}, {transform_indices = @transform_5, window_bounds = array<i64: 1000, 10>}, {pipeline_mode = #tpu.pipeline_mode<synchronous>, transform_indices = @transform_6, window_bounds = array<i64: 64, 128>}, {pipeline_mode = #tpu.pipeline_mode<synchronous>, transform_indices = @transform_7, window_bounds = array<i64: 64, 128>}, {pipeline_mode = #tpu.pipeline_mode<synchronous>, transform_indices = @transform_8, window_bounds = array<i64: 64, 128>}, {pipeline_mode = #tpu.pipeline_mode<synchronous>, transform_indices = @transform_9, window_bounds = array<i64: 64, 128>}, {pipeline_mode = #tpu.pipeline_mode<synchronous>, transform_indices = @transform_10, window_bounds = array<i64: 10, 128, 128>}, {pipeline_mode = #tpu.pipeline_mode<synchronous>, transform_indices = @transform_11, window_bounds = array<i64: 10, 128, 128>}, {transform_indices = @transform_12, window_bounds = array<i64: 1000, 128>}, {transform_indices = @transform_13, window_bounds = array<i64: 1000, 128>}]} {
    %get3A = arith.constant 0 : index
    %get3A_0 = arith.constant 0 : index
    %get3A_1 = vector.load %arg1[%get3A, %get3A_0] : memref<1000x64xf32, #tpu.memory_space<vmem>>, vector<1000x64xf32>
    %get3A_2 = arith.constant 0 : index
    %get3A_3 = arith.constant 0 : index
    %get3A_4 = vector.load %arg7[%get3A_2, %get3A_3] : memref<64x128xf32, #tpu.memory_space<vmem>>, vector<64x128xf32>
    %dot_general3A = arith.constant dense<0.000000e+00> : vector<1000x128xf32>
    %dot_general3A_5 = tpu.matmul %get3A_1, %get3A_4, %dot_general3A {dimension_numbers = #tpu.dot_dimension_numbers<[1], [0], [0], [1], [0, 0, 1, 1], [], []>, transpose_lhs_hint = false} : vector<1000x64xf32>, vector<64x128xf32>, vector<1000x128xf32> -> vector<1000x128xf32>
    %get3A_6 = arith.constant 0 : index
    %get3A_7 = arith.constant 0 : index
    %get3A_8 = vector.load %arg2[%get3A_6, %get3A_7] : memref<1000x64xf32, #tpu.memory_space<vmem>>, vector<1000x64xf32>
    %get3A_9 = arith.constant 0 : index
    %get3A_10 = arith.constant 0 : index
    %get3A_11 = vector.load %arg8[%get3A_9, %get3A_10] : memref<64x128xf32, #tpu.memory_space<vmem>>, vector<64x128xf32>
    %dot_general3A_12 = arith.constant dense<0.000000e+00> : vector<1000x128xf32>
    %dot_general3A_13 = tpu.matmul %get3A_8, %get3A_11, %dot_general3A_12 {dimension_numbers = #tpu.dot_dimension_numbers<[1], [0], [0], [1], [0, 0, 1, 1], [], []>, transpose_lhs_hint = false} : vector<1000x64xf32>, vector<64x128xf32>, vector<1000x128xf32> -> vector<1000x128xf32>
    %add3A = arith.addf %dot_general3A_5, %dot_general3A_13 : vector<1000x128xf32>
    %mul3A = arith.constant 0.0883883461 : f32
    %mul3A_14 = vector.broadcast %mul3A : f32 to vector<1000x128xf32>
    %mul3A_15 = arith.mulf %add3A, %mul3A_14 : vector<1000x128xf32>
    %get3A_16 = arith.constant 0 : index
    %get3A_17 = arith.constant 0 : index
    %get3A_18 = vector.load %arg5[%get3A_16, %get3A_17] : memref<1000x1xf32, #tpu.memory_space<vmem>>, vector<1000x1xf32>
    %add3A_19 = arith.constant 1.000000e+00 : f32
    %add3A_20 = vector.broadcast %add3A_19 : f32 to vector<1000x1xf32>
    %add3A_21 = arith.addf %get3A_18, %add3A_20 : vector<1000x1xf32>
    %div3A = vector.broadcast %add3A_21 : vector<1000x1xf32> to vector<1000x128xf32>
    %div3A_22 = arith.divf %mul3A_15, %div3A : vector<1000x128xf32>
    %get3A_23 = arith.constant 0 : index
    %get3A_24 = arith.constant 0 : index
    %get3A_25 = vector.load %arg3[%get3A_23, %get3A_24] : memref<1000x64xf32, #tpu.memory_space<vmem>>, vector<1000x64xf32>
    %get3A_26 = arith.constant 0 : index
    %get3A_27 = arith.constant 0 : index
    %get3A_28 = vector.load %arg9[%get3A_26, %get3A_27] : memref<64x128xf32, #tpu.memory_space<vmem>>, vector<64x128xf32>
    %dot_general3A_29 = arith.constant dense<0.000000e+00> : vector<1000x128xf32>
    %dot_general3A_30 = tpu.matmul %get3A_25, %get3A_28, %dot_general3A_29 {dimension_numbers = #tpu.dot_dimension_numbers<[1], [0], [0], [1], [0, 0, 1, 1], [], []>, transpose_lhs_hint = false} : vector<1000x64xf32>, vector<64x128xf32>, vector<1000x128xf32> -> vector<1000x128xf32>
    %get3A_31 = arith.constant 0 : index
    %get3A_32 = arith.constant 0 : index
    %get3A_33 = vector.load %arg4[%get3A_31, %get3A_32] : memref<1000x64xf32, #tpu.memory_space<vmem>>, vector<1000x64xf32>
    %get3A_34 = arith.constant 0 : index
    %get3A_35 = arith.constant 0 : index
    %get3A_36 = vector.load %arg10[%get3A_34, %get3A_35] : memref<64x128xf32, #tpu.memory_space<vmem>>, vector<64x128xf32>
    %dot_general3A_37 = arith.constant dense<0.000000e+00> : vector<1000x128xf32>
    %dot_general3A_38 = tpu.matmul %get3A_33, %get3A_36, %dot_general3A_37 {dimension_numbers = #tpu.dot_dimension_numbers<[1], [0], [0], [1], [0, 0, 1, 1], [], []>, transpose_lhs_hint = false} : vector<1000x64xf32>, vector<64x128xf32>, vector<1000x128xf32> -> vector<1000x128xf32>
    %add3A_39 = arith.addf %dot_general3A_30, %dot_general3A_38 : vector<1000x128xf32>
    %mul3A_40 = arith.constant 0.00276213582 : f32
    %mul3A_41 = vector.broadcast %mul3A_40 : f32 to vector<1000x128xf32>
    %mul3A_42 = arith.mulf %add3A_39, %mul3A_41 : vector<1000x128xf32>
    %get3A_43 = arith.constant 0 : index
    %get3A_44 = arith.constant 0 : index
    %get3A_45 = vector.load %arg6[%get3A_43, %get3A_44] : memref<1000x10xf32, #tpu.memory_space<vmem>>, vector<1000x10xf32>
    %broadcast_in_dim3A = arith.constant 0.000000e+00 : f32
    %broadcast_in_dim3A_46 = vector.broadcast %broadcast_in_dim3A : f32 to vector<1000x128xf32>
    %broadcast_in_dim3A_47 = arith.constant 0.000000e+00 : f32
    %broadcast_in_dim3A_48 = vector.broadcast %broadcast_in_dim3A_47 : f32 to vector<1000x128xf32>
    %slice3A = vector.extract_strided_slice %get3A_45 {offsets = [0, 0], sizes = [1000, 1], strides = [1, 1]} : vector<1000x10xf32> to vector<1000x1xf32>
    %mul3A_49 = vector.broadcast %slice3A : vector<1000x1xf32> to vector<1000x128xf32>
    %mul3A_50 = arith.mulf %div3A_22, %mul3A_49 : vector<1000x128xf32>
    %get3A_51 = arith.constant 0 : index
    %get3A_52 = arith.constant 0 : index
    %get3A_53 = arith.constant 0 : index
    %get3A_54 = vector.load %arg11[%get3A_51, %get3A_52, %get3A_53] : memref<10x128x128xf32, #tpu.memory_space<vmem>>, vector<1x128x128xf32>
    %get3A_55 = vector.shape_cast %get3A_54 : vector<1x128x128xf32> to vector<128x128xf32>
    %dot_general3A_56 = arith.constant dense<0.000000e+00> : vector<1000x128xf32>
    %dot_general3A_57 = tpu.matmul %mul3A_50, %get3A_55, %dot_general3A_56 {dimension_numbers = #tpu.dot_dimension_numbers<[1], [0], [0], [1], [0, 0, 1, 1], [], []>, transpose_lhs_hint = false} : vector<1000x128xf32>, vector<128x128xf32>, vector<1000x128xf32> -> vector<1000x128xf32>
    %add3A_58 = arith.addf %broadcast_in_dim3A_46, %dot_general3A_57 : vector<1000x128xf32>
    %mul3A_59 = vector.broadcast %slice3A : vector<1000x1xf32> to vector<1000x128xf32>
    %mul3A_60 = arith.mulf %mul3A_42, %mul3A_59 : vector<1000x128xf32>
    %get3A_61 = arith.constant 0 : index
    %get3A_62 = arith.constant 0 : index
    %get3A_63 = arith.constant 0 : index
    %get3A_64 = vector.load %arg12[%get3A_61, %get3A_62, %get3A_63] : memref<10x128x128xf32, #tpu.memory_space<vmem>>, vector<1x128x128xf32>
    %get3A_65 = vector.shape_cast %get3A_64 : vector<1x128x128xf32> to vector<128x128xf32>
    %dot_general3A_66 = arith.constant dense<0.000000e+00> : vector<1000x128xf32>
    %dot_general3A_67 = tpu.matmul %mul3A_60, %get3A_65, %dot_general3A_66 {dimension_numbers = #tpu.dot_dimension_numbers<[1], [0], [0], [1], [0, 0, 1, 1], [], []>, transpose_lhs_hint = false} : vector<1000x128xf32>, vector<128x128xf32>, vector<1000x128xf32> -> vector<1000x128xf32>
    %add3A_68 = arith.addf %broadcast_in_dim3A_48, %dot_general3A_67 : vector<1000x128xf32>
    %slice3A_69 = vector.extract_strided_slice %get3A_45 {offsets = [0, 1], sizes = [1000, 1], strides = [1, 1]} : vector<1000x10xf32> to vector<1000x1xf32>
    %mul3A_70 = vector.broadcast %slice3A_69 : vector<1000x1xf32> to vector<1000x128xf32>
    %mul3A_71 = arith.mulf %div3A_22, %mul3A_70 : vector<1000x128xf32>
    %get3A_72 = arith.constant 1 : index
    %get3A_73 = arith.constant 0 : index
    %get3A_74 = arith.constant 0 : index
    %get3A_75 = vector.load %arg11[%get3A_72, %get3A_73, %get3A_74] : memref<10x128x128xf32, #tpu.memory_space<vmem>>, vector<1x128x128xf32>
    %get3A_76 = vector.shape_cast %get3A_75 : vector<1x128x128xf32> to vector<128x128xf32>
    %dot_general3A_77 = arith.constant dense<0.000000e+00> : vector<1000x128xf32>
    %dot_general3A_78 = tpu.matmul %mul3A_71, %get3A_76, %dot_general3A_77 {dimension_numbers = #tpu.dot_dimension_numbers<[1], [0], [0], [1], [0, 0, 1, 1], [], []>, transpose_lhs_hint = false} : vector<1000x128xf32>, vector<128x128xf32>, vector<1000x128xf32> -> vector<1000x128xf32>
    %add3A_79 = arith.addf %add3A_58, %dot_general3A_78 : vector<1000x128xf32>
    %mul3A_80 = vector.broadcast %slice3A_69 : vector<1000x1xf32> to vector<1000x128xf32>
    %mul3A_81 = arith.mulf %mul3A_42, %mul3A_80 : vector<1000x128xf32>
    %get3A_82 = arith.constant 1 : index
    %get3A_83 = arith.constant 0 : index
    %get3A_84 = arith.constant 0 : index
    %get3A_85 = vector.load %arg12[%get3A_82, %get3A_83, %get3A_84] : memref<10x128x128xf32, #tpu.memory_space<vmem>>, vector<1x128x128xf32>
    %get3A_86 = vector.shape_cast %get3A_85 : vector<1x128x128xf32> to vector<128x128xf32>
    %dot_general3A_87 = arith.constant dense<0.000000e+00> : vector<1000x128xf32>
    %dot_general3A_88 = tpu.matmul %mul3A_81, %get3A_86, %dot_general3A_87 {dimension_numbers = #tpu.dot_dimension_numbers<[1], [0], [0], [1], [0, 0, 1, 1], [], []>, transpose_lhs_hint = false} : vector<1000x128xf32>, vector<128x128xf32>, vector<1000x128xf32> -> vector<1000x128xf32>
    %add3A_89 = arith.addf %add3A_68, %dot_general3A_88 : vector<1000x128xf32>
    %slice3A_90 = vector.extract_strided_slice %get3A_45 {offsets = [0, 2], sizes = [1000, 1], strides = [1, 1]} : vector<1000x10xf32> to vector<1000x1xf32>
    %mul3A_91 = vector.broadcast %slice3A_90 : vector<1000x1xf32> to vector<1000x128xf32>
    %mul3A_92 = arith.mulf %div3A_22, %mul3A_91 : vector<1000x128xf32>
    %get3A_93 = arith.constant 2 : index
    %get3A_94 = arith.constant 0 : index
    %get3A_95 = arith.constant 0 : index
    %get3A_96 = vector.load %arg11[%get3A_93, %get3A_94, %get3A_95] : memref<10x128x128xf32, #tpu.memory_space<vmem>>, vector<1x128x128xf32>
    %get3A_97 = vector.shape_cast %get3A_96 : vector<1x128x128xf32> to vector<128x128xf32>
    %dot_general3A_98 = arith.constant dense<0.000000e+00> : vector<1000x128xf32>
    %dot_general3A_99 = tpu.matmul %mul3A_92, %get3A_97, %dot_general3A_98 {dimension_numbers = #tpu.dot_dimension_numbers<[1], [0], [0], [1], [0, 0, 1, 1], [], []>, transpose_lhs_hint = false} : vector<1000x128xf32>, vector<128x128xf32>, vector<1000x128xf32> -> vector<1000x128xf32>
    %add3A_100 = arith.addf %add3A_79, %dot_general3A_99 : vector<1000x128xf32>
    %mul3A_101 = vector.broadcast %slice3A_90 : vector<1000x1xf32> to vector<1000x128xf32>
    %mul3A_102 = arith.mulf %mul3A_42, %mul3A_101 : vector<1000x128xf32>
    %get3A_103 = arith.constant 2 : index
    %get3A_104 = arith.constant 0 : index
    %get3A_105 = arith.constant 0 : index
    %get3A_106 = vector.load %arg12[%get3A_103, %get3A_104, %get3A_105] : memref<10x128x128xf32, #tpu.memory_space<vmem>>, vector<1x128x128xf32>
    %get3A_107 = vector.shape_cast %get3A_106 : vector<1x128x128xf32> to vector<128x128xf32>
    %dot_general3A_108 = arith.constant dense<0.000000e+00> : vector<1000x128xf32>
    %dot_general3A_109 = tpu.matmul %mul3A_102, %get3A_107, %dot_general3A_108 {dimension_numbers = #tpu.dot_dimension_numbers<[1], [0], [0], [1], [0, 0, 1, 1], [], []>, transpose_lhs_hint = false} : vector<1000x128xf32>, vector<128x128xf32>, vector<1000x128xf32> -> vector<1000x128xf32>
    %add3A_110 = arith.addf %add3A_89, %dot_general3A_109 : vector<1000x128xf32>
    %slice3A_111 = vector.extract_strided_slice %get3A_45 {offsets = [0, 3], sizes = [1000, 1], strides = [1, 1]} : vector<1000x10xf32> to vector<1000x1xf32>
    %mul3A_112 = vector.broadcast %slice3A_111 : vector<1000x1xf32> to vector<1000x128xf32>
    %mul3A_113 = arith.mulf %div3A_22, %mul3A_112 : vector<1000x128xf32>
    %get3A_114 = arith.constant 3 : index
    %get3A_115 = arith.constant 0 : index
    %get3A_116 = arith.constant 0 : index
    %get3A_117 = vector.load %arg11[%get3A_114, %get3A_115, %get3A_116] : memref<10x128x128xf32, #tpu.memory_space<vmem>>, vector<1x128x128xf32>
    %get3A_118 = vector.shape_cast %get3A_117 : vector<1x128x128xf32> to vector<128x128xf32>
    %dot_general3A_119 = arith.constant dense<0.000000e+00> : vector<1000x128xf32>
    %dot_general3A_120 = tpu.matmul %mul3A_113, %get3A_118, %dot_general3A_119 {dimension_numbers = #tpu.dot_dimension_numbers<[1], [0], [0], [1], [0, 0, 1, 1], [], []>, transpose_lhs_hint = false} : vector<1000x128xf32>, vector<128x128xf32>, vector<1000x128xf32> -> vector<1000x128xf32>
    %add3A_121 = arith.addf %add3A_100, %dot_general3A_120 : vector<1000x128xf32>
    %mul3A_122 = vector.broadcast %slice3A_111 : vector<1000x1xf32> to vector<1000x128xf32>
    %mul3A_123 = arith.mulf %mul3A_42, %mul3A_122 : vector<1000x128xf32>
    %get3A_124 = arith.constant 3 : index
    %get3A_125 = arith.constant 0 : index
    %get3A_126 = arith.constant 0 : index
    %get3A_127 = vector.load %arg12[%get3A_124, %get3A_125, %get3A_126] : memref<10x128x128xf32, #tpu.memory_space<vmem>>, vector<1x128x128xf32>
    %get3A_128 = vector.shape_cast %get3A_127 : vector<1x128x128xf32> to vector<128x128xf32>
    %dot_general3A_129 = arith.constant dense<0.000000e+00> : vector<1000x128xf32>
    %dot_general3A_130 = tpu.matmul %mul3A_123, %get3A_128, %dot_general3A_129 {dimension_numbers = #tpu.dot_dimension_numbers<[1], [0], [0], [1], [0, 0, 1, 1], [], []>, transpose_lhs_hint = false} : vector<1000x128xf32>, vector<128x128xf32>, vector<1000x128xf32> -> vector<1000x128xf32>
    %add3A_131 = arith.addf %add3A_110, %dot_general3A_130 : vector<1000x128xf32>
    %slice3A_132 = vector.extract_strided_slice %get3A_45 {offsets = [0, 4], sizes = [1000, 1], strides = [1, 1]} : vector<1000x10xf32> to vector<1000x1xf32>
    %mul3A_133 = vector.broadcast %slice3A_132 : vector<1000x1xf32> to vector<1000x128xf32>
    %mul3A_134 = arith.mulf %div3A_22, %mul3A_133 : vector<1000x128xf32>
    %get3A_135 = arith.constant 4 : index
    %get3A_136 = arith.constant 0 : index
    %get3A_137 = arith.constant 0 : index
    %get3A_138 = vector.load %arg11[%get3A_135, %get3A_136, %get3A_137] : memref<10x128x128xf32, #tpu.memory_space<vmem>>, vector<1x128x128xf32>
    %get3A_139 = vector.shape_cast %get3A_138 : vector<1x128x128xf32> to vector<128x128xf32>
    %dot_general3A_140 = arith.constant dense<0.000000e+00> : vector<1000x128xf32>
    %dot_general3A_141 = tpu.matmul %mul3A_134, %get3A_139, %dot_general3A_140 {dimension_numbers = #tpu.dot_dimension_numbers<[1], [0], [0], [1], [0, 0, 1, 1], [], []>, transpose_lhs_hint = false} : vector<1000x128xf32>, vector<128x128xf32>, vector<1000x128xf32> -> vector<1000x128xf32>
    %add3A_142 = arith.addf %add3A_121, %dot_general3A_141 : vector<1000x128xf32>
    %mul3A_143 = vector.broadcast %slice3A_132 : vector<1000x1xf32> to vector<1000x128xf32>
    %mul3A_144 = arith.mulf %mul3A_42, %mul3A_143 : vector<1000x128xf32>
    %get3A_145 = arith.constant 4 : index
    %get3A_146 = arith.constant 0 : index
    %get3A_147 = arith.constant 0 : index
    %get3A_148 = vector.load %arg12[%get3A_145, %get3A_146, %get3A_147] : memref<10x128x128xf32, #tpu.memory_space<vmem>>, vector<1x128x128xf32>
    %get3A_149 = vector.shape_cast %get3A_148 : vector<1x128x128xf32> to vector<128x128xf32>
    %dot_general3A_150 = arith.constant dense<0.000000e+00> : vector<1000x128xf32>
    %dot_general3A_151 = tpu.matmul %mul3A_144, %get3A_149, %dot_general3A_150 {dimension_numbers = #tpu.dot_dimension_numbers<[1], [0], [0], [1], [0, 0, 1, 1], [], []>, transpose_lhs_hint = false} : vector<1000x128xf32>, vector<128x128xf32>, vector<1000x128xf32> -> vector<1000x128xf32>
    %add3A_152 = arith.addf %add3A_131, %dot_general3A_151 : vector<1000x128xf32>
    %slice3A_153 = vector.extract_strided_slice %get3A_45 {offsets = [0, 5], sizes = [1000, 1], strides = [1, 1]} : vector<1000x10xf32> to vector<1000x1xf32>
    %mul3A_154 = vector.broadcast %slice3A_153 : vector<1000x1xf32> to vector<1000x128xf32>
    %mul3A_155 = arith.mulf %div3A_22, %mul3A_154 : vector<1000x128xf32>
    %get3A_156 = arith.constant 5 : index
    %get3A_157 = arith.constant 0 : index
    %get3A_158 = arith.constant 0 : index
    %get3A_159 = vector.load %arg11[%get3A_156, %get3A_157, %get3A_158] : memref<10x128x128xf32, #tpu.memory_space<vmem>>, vector<1x128x128xf32>
    %get3A_160 = vector.shape_cast %get3A_159 : vector<1x128x128xf32> to vector<128x128xf32>
    %dot_general3A_161 = arith.constant dense<0.000000e+00> : vector<1000x128xf32>
    %dot_general3A_162 = tpu.matmul %mul3A_155, %get3A_160, %dot_general3A_161 {dimension_numbers = #tpu.dot_dimension_numbers<[1], [0], [0], [1], [0, 0, 1, 1], [], []>, transpose_lhs_hint = false} : vector<1000x128xf32>, vector<128x128xf32>, vector<1000x128xf32> -> vector<1000x128xf32>
    %add3A_163 = arith.addf %add3A_142, %dot_general3A_162 : vector<1000x128xf32>
    %mul3A_164 = vector.broadcast %slice3A_153 : vector<1000x1xf32> to vector<1000x128xf32>
    %mul3A_165 = arith.mulf %mul3A_42, %mul3A_164 : vector<1000x128xf32>
    %get3A_166 = arith.constant 5 : index
    %get3A_167 = arith.constant 0 : index
    %get3A_168 = arith.constant 0 : index
    %get3A_169 = vector.load %arg12[%get3A_166, %get3A_167, %get3A_168] : memref<10x128x128xf32, #tpu.memory_space<vmem>>, vector<1x128x128xf32>
    %get3A_170 = vector.shape_cast %get3A_169 : vector<1x128x128xf32> to vector<128x128xf32>
    %dot_general3A_171 = arith.constant dense<0.000000e+00> : vector<1000x128xf32>
    %dot_general3A_172 = tpu.matmul %mul3A_165, %get3A_170, %dot_general3A_171 {dimension_numbers = #tpu.dot_dimension_numbers<[1], [0], [0], [1], [0, 0, 1, 1], [], []>, transpose_lhs_hint = false} : vector<1000x128xf32>, vector<128x128xf32>, vector<1000x128xf32> -> vector<1000x128xf32>
    %add3A_173 = arith.addf %add3A_152, %dot_general3A_172 : vector<1000x128xf32>
    %slice3A_174 = vector.extract_strided_slice %get3A_45 {offsets = [0, 6], sizes = [1000, 1], strides = [1, 1]} : vector<1000x10xf32> to vector<1000x1xf32>
    %mul3A_175 = vector.broadcast %slice3A_174 : vector<1000x1xf32> to vector<1000x128xf32>
    %mul3A_176 = arith.mulf %div3A_22, %mul3A_175 : vector<1000x128xf32>
    %get3A_177 = arith.constant 6 : index
    %get3A_178 = arith.constant 0 : index
    %get3A_179 = arith.constant 0 : index
    %get3A_180 = vector.load %arg11[%get3A_177, %get3A_178, %get3A_179] : memref<10x128x128xf32, #tpu.memory_space<vmem>>, vector<1x128x128xf32>
    %get3A_181 = vector.shape_cast %get3A_180 : vector<1x128x128xf32> to vector<128x128xf32>
    %dot_general3A_182 = arith.constant dense<0.000000e+00> : vector<1000x128xf32>
    %dot_general3A_183 = tpu.matmul %mul3A_176, %get3A_181, %dot_general3A_182 {dimension_numbers = #tpu.dot_dimension_numbers<[1], [0], [0], [1], [0, 0, 1, 1], [], []>, transpose_lhs_hint = false} : vector<1000x128xf32>, vector<128x128xf32>, vector<1000x128xf32> -> vector<1000x128xf32>
    %add3A_184 = arith.addf %add3A_163, %dot_general3A_183 : vector<1000x128xf32>
    %mul3A_185 = vector.broadcast %slice3A_174 : vector<1000x1xf32> to vector<1000x128xf32>
    %mul3A_186 = arith.mulf %mul3A_42, %mul3A_185 : vector<1000x128xf32>
    %get3A_187 = arith.constant 6 : index
    %get3A_188 = arith.constant 0 : index
    %get3A_189 = arith.constant 0 : index
    %get3A_190 = vector.load %arg12[%get3A_187, %get3A_188, %get3A_189] : memref<10x128x128xf32, #tpu.memory_space<vmem>>, vector<1x128x128xf32>
    %get3A_191 = vector.shape_cast %get3A_190 : vector<1x128x128xf32> to vector<128x128xf32>
    %dot_general3A_192 = arith.constant dense<0.000000e+00> : vector<1000x128xf32>
    %dot_general3A_193 = tpu.matmul %mul3A_186, %get3A_191, %dot_general3A_192 {dimension_numbers = #tpu.dot_dimension_numbers<[1], [0], [0], [1], [0, 0, 1, 1], [], []>, transpose_lhs_hint = false} : vector<1000x128xf32>, vector<128x128xf32>, vector<1000x128xf32> -> vector<1000x128xf32>
    %add3A_194 = arith.addf %add3A_173, %dot_general3A_193 : vector<1000x128xf32>
    %slice3A_195 = vector.extract_strided_slice %get3A_45 {offsets = [0, 7], sizes = [1000, 1], strides = [1, 1]} : vector<1000x10xf32> to vector<1000x1xf32>
    %mul3A_196 = vector.broadcast %slice3A_195 : vector<1000x1xf32> to vector<1000x128xf32>
    %mul3A_197 = arith.mulf %div3A_22, %mul3A_196 : vector<1000x128xf32>
    %get3A_198 = arith.constant 7 : index
    %get3A_199 = arith.constant 0 : index
    %get3A_200 = arith.constant 0 : index
    %get3A_201 = vector.load %arg11[%get3A_198, %get3A_199, %get3A_200] : memref<10x128x128xf32, #tpu.memory_space<vmem>>, vector<1x128x128xf32>
    %get3A_202 = vector.shape_cast %get3A_201 : vector<1x128x128xf32> to vector<128x128xf32>
    %dot_general3A_203 = arith.constant dense<0.000000e+00> : vector<1000x128xf32>
    %dot_general3A_204 = tpu.matmul %mul3A_197, %get3A_202, %dot_general3A_203 {dimension_numbers = #tpu.dot_dimension_numbers<[1], [0], [0], [1], [0, 0, 1, 1], [], []>, transpose_lhs_hint = false} : vector<1000x128xf32>, vector<128x128xf32>, vector<1000x128xf32> -> vector<1000x128xf32>
    %add3A_205 = arith.addf %add3A_184, %dot_general3A_204 : vector<1000x128xf32>
    %mul3A_206 = vector.broadcast %slice3A_195 : vector<1000x1xf32> to vector<1000x128xf32>
    %mul3A_207 = arith.mulf %mul3A_42, %mul3A_206 : vector<1000x128xf32>
    %get3A_208 = arith.constant 7 : index
    %get3A_209 = arith.constant 0 : index
    %get3A_210 = arith.constant 0 : index
    %get3A_211 = vector.load %arg12[%get3A_208, %get3A_209, %get3A_210] : memref<10x128x128xf32, #tpu.memory_space<vmem>>, vector<1x128x128xf32>
    %get3A_212 = vector.shape_cast %get3A_211 : vector<1x128x128xf32> to vector<128x128xf32>
    %dot_general3A_213 = arith.constant dense<0.000000e+00> : vector<1000x128xf32>
    %dot_general3A_214 = tpu.matmul %mul3A_207, %get3A_212, %dot_general3A_213 {dimension_numbers = #tpu.dot_dimension_numbers<[1], [0], [0], [1], [0, 0, 1, 1], [], []>, transpose_lhs_hint = false} : vector<1000x128xf32>, vector<128x128xf32>, vector<1000x128xf32> -> vector<1000x128xf32>
    %add3A_215 = arith.addf %add3A_194, %dot_general3A_214 : vector<1000x128xf32>
    %slice3A_216 = vector.extract_strided_slice %get3A_45 {offsets = [0, 8], sizes = [1000, 1], strides = [1, 1]} : vector<1000x10xf32> to vector<1000x1xf32>
    %mul3A_217 = vector.broadcast %slice3A_216 : vector<1000x1xf32> to vector<1000x128xf32>
    %mul3A_218 = arith.mulf %div3A_22, %mul3A_217 : vector<1000x128xf32>
    %get3A_219 = arith.constant 8 : index
    %get3A_220 = arith.constant 0 : index
    %get3A_221 = arith.constant 0 : index
    %get3A_222 = vector.load %arg11[%get3A_219, %get3A_220, %get3A_221] : memref<10x128x128xf32, #tpu.memory_space<vmem>>, vector<1x128x128xf32>
    %get3A_223 = vector.shape_cast %get3A_222 : vector<1x128x128xf32> to vector<128x128xf32>
    %dot_general3A_224 = arith.constant dense<0.000000e+00> : vector<1000x128xf32>
    %dot_general3A_225 = tpu.matmul %mul3A_218, %get3A_223, %dot_general3A_224 {dimension_numbers = #tpu.dot_dimension_numbers<[1], [0], [0], [1], [0, 0, 1, 1], [], []>, transpose_lhs_hint = false} : vector<1000x128xf32>, vector<128x128xf32>, vector<1000x128xf32> -> vector<1000x128xf32>
    %add3A_226 = arith.addf %add3A_205, %dot_general3A_225 : vector<1000x128xf32>
    %mul3A_227 = vector.broadcast %slice3A_216 : vector<1000x1xf32> to vector<1000x128xf32>
    %mul3A_228 = arith.mulf %mul3A_42, %mul3A_227 : vector<1000x128xf32>
    %get3A_229 = arith.constant 8 : index
    %get3A_230 = arith.constant 0 : index
    %get3A_231 = arith.constant 0 : index
    %get3A_232 = vector.load %arg12[%get3A_229, %get3A_230, %get3A_231] : memref<10x128x128xf32, #tpu.memory_space<vmem>>, vector<1x128x128xf32>
    %get3A_233 = vector.shape_cast %get3A_232 : vector<1x128x128xf32> to vector<128x128xf32>
    %dot_general3A_234 = arith.constant dense<0.000000e+00> : vector<1000x128xf32>
    %dot_general3A_235 = tpu.matmul %mul3A_228, %get3A_233, %dot_general3A_234 {dimension_numbers = #tpu.dot_dimension_numbers<[1], [0], [0], [1], [0, 0, 1, 1], [], []>, transpose_lhs_hint = false} : vector<1000x128xf32>, vector<128x128xf32>, vector<1000x128xf32> -> vector<1000x128xf32>
    %add3A_236 = arith.addf %add3A_215, %dot_general3A_235 : vector<1000x128xf32>
    %slice3A_237 = vector.extract_strided_slice %get3A_45 {offsets = [0, 9], sizes = [1000, 1], strides = [1, 1]} : vector<1000x10xf32> to vector<1000x1xf32>
    %mul3A_238 = vector.broadcast %slice3A_237 : vector<1000x1xf32> to vector<1000x128xf32>
    %mul3A_239 = arith.mulf %div3A_22, %mul3A_238 : vector<1000x128xf32>
    %get3A_240 = arith.constant 9 : index
    %get3A_241 = arith.constant 0 : index
    %get3A_242 = arith.constant 0 : index
    %get3A_243 = vector.load %arg11[%get3A_240, %get3A_241, %get3A_242] : memref<10x128x128xf32, #tpu.memory_space<vmem>>, vector<1x128x128xf32>
    %get3A_244 = vector.shape_cast %get3A_243 : vector<1x128x128xf32> to vector<128x128xf32>
    %dot_general3A_245 = arith.constant dense<0.000000e+00> : vector<1000x128xf32>
    %dot_general3A_246 = tpu.matmul %mul3A_239, %get3A_244, %dot_general3A_245 {dimension_numbers = #tpu.dot_dimension_numbers<[1], [0], [0], [1], [0, 0, 1, 1], [], []>, transpose_lhs_hint = false} : vector<1000x128xf32>, vector<128x128xf32>, vector<1000x128xf32> -> vector<1000x128xf32>
    %add3A_247 = arith.addf %add3A_226, %dot_general3A_246 : vector<1000x128xf32>
    %mul3A_248 = vector.broadcast %slice3A_237 : vector<1000x1xf32> to vector<1000x128xf32>
    %mul3A_249 = arith.mulf %mul3A_42, %mul3A_248 : vector<1000x128xf32>
    %get3A_250 = arith.constant 9 : index
    %get3A_251 = arith.constant 0 : index
    %get3A_252 = arith.constant 0 : index
    %get3A_253 = vector.load %arg12[%get3A_250, %get3A_251, %get3A_252] : memref<10x128x128xf32, #tpu.memory_space<vmem>>, vector<1x128x128xf32>
    %get3A_254 = vector.shape_cast %get3A_253 : vector<1x128x128xf32> to vector<128x128xf32>
    %dot_general3A_255 = arith.constant dense<0.000000e+00> : vector<1000x128xf32>
    %dot_general3A_256 = tpu.matmul %mul3A_249, %get3A_254, %dot_general3A_255 {dimension_numbers = #tpu.dot_dimension_numbers<[1], [0], [0], [1], [0, 0, 1, 1], [], []>, transpose_lhs_hint = false} : vector<1000x128xf32>, vector<128x128xf32>, vector<1000x128xf32> -> vector<1000x128xf32>
    %add3A_257 = arith.addf %add3A_236, %dot_general3A_256 : vector<1000x128xf32>
    %mul3A_258 = arith.constant 0.0279508494 : f32
    %mul3A_259 = vector.broadcast %mul3A_258 : f32 to vector<1000x128xf32>
    %mul3A_260 = arith.mulf %add3A_247, %mul3A_259 : vector<1000x128xf32>
    %swap3A = arith.constant 0 : index
    %swap3A_261 = arith.constant 0 : index
    %swap3A_262 = vector.load %arg13[%swap3A, %swap3A_261] : memref<1000x128xf32, #tpu.memory_space<vmem>>, vector<1000x128xf32>
    tpu.vector_store %arg13[%swap3A, %swap3A_261], %mul3A_260 {strides = array<i32>} : memref<1000x128xf32, #tpu.memory_space<vmem>>, vector<1000x128xf32>,
    %mul3A_263 = arith.constant 0.0279508494 : f32
    %mul3A_264 = vector.broadcast %mul3A_263 : f32 to vector<1000x128xf32>
    %mul3A_265 = arith.mulf %add3A_257, %mul3A_264 : vector<1000x128xf32>
    %swap3A_266 = arith.constant 0 : index
    %swap3A_267 = arith.constant 0 : index
    %swap3A_268 = vector.load %arg14[%swap3A_266, %swap3A_267] : memref<1000x128xf32, #tpu.memory_space<vmem>>, vector<1000x128xf32>
    tpu.vector_store %arg14[%swap3A_266, %swap3A_267], %mul3A_265 {strides = array<i32>} : memref<1000x128xf32, #tpu.memory_space<vmem>>, vector<1000x128xf32>,
    return
  }
  func.func @transform_0(%arg0: i32) -> (i32, i32) {
    %c0_i32 = arith.constant 0 : i32
    %c0_i32_0 = arith.constant 0 : i32
    return %arg0, %c0_i32 : i32, i32
  }
  func.func @transform_1(%arg0: i32) -> (i32, i32) {
    %c0_i32 = arith.constant 0 : i32
    %c0_i32_0 = arith.constant 0 : i32
    return %arg0, %c0_i32 : i32, i32
  }
  func.func @transform_2(%arg0: i32) -> (i32, i32) {
    %c0_i32 = arith.constant 0 : i32
    %c0_i32_0 = arith.constant 0 : i32
    return %arg0, %c0_i32 : i32, i32
  }
  func.func @transform_3(%arg0: i32) -> (i32, i32) {
    %c0_i32 = arith.constant 0 : i32
    %c0_i32_0 = arith.constant 0 : i32
    return %arg0, %c0_i32 : i32, i32
  }
  func.func @transform_4(%arg0: i32) -> (i32, i32) {
    %c0_i32 = arith.constant 0 : i32
    %c0_i32_0 = arith.constant 0 : i32
    return %arg0, %c0_i32 : i32, i32
  }
  func.func @transform_5(%arg0: i32) -> (i32, i32) {
    %c0_i32 = arith.constant 0 : i32
    %c0_i32_0 = arith.constant 0 : i32
    return %arg0, %c0_i32 : i32, i32
  }
  func.func @transform_6(%arg0: i32) -> (i32, i32) {
    %c0_i32 = arith.constant 0 : i32
    %c0_i32_0 = arith.constant 0 : i32
    %c0_i32_1 = arith.constant 0 : i32
    return %c0_i32, %c0_i32_0 : i32, i32
  }
  func.func @transform_7(%arg0: i32) -> (i32, i32) {
    %c0_i32 = arith.constant 0 : i32
    %c0_i32_0 = arith.constant 0 : i32
    %c0_i32_1 = arith.constant 0 : i32
    return %c0_i32, %c0_i32_0 : i32, i32
  }
  func.func @transform_8(%arg0: i32) -> (i32, i32) {
    %c0_i32 = arith.constant 0 : i32
    %c0_i32_0 = arith.constant 0 : i32
    %c0_i32_1 = arith.constant 0 : i32
    return %c0_i32, %c0_i32_0 : i32, i32
  }
  func.func @transform_9(%arg0: i32) -> (i32, i32) {
    %c0_i32 = arith.constant 0 : i32
    %c0_i32_0 = arith.constant 0 : i32
    %c0_i32_1 = arith.constant 0 : i32
    return %c0_i32, %c0_i32_0 : i32, i32
  }
  func.func @transform_10(%arg0: i32) -> (i32, i32, i32) {
    %c0_i32 = arith.constant 0 : i32
    %c0_i32_0 = arith.constant 0 : i32
    %c0_i32_1 = arith.constant 0 : i32
    %c0_i32_2 = arith.constant 0 : i32
    return %c0_i32, %c0_i32_0, %c0_i32_1 : i32, i32, i32
  }
  func.func @transform_11(%arg0: i32) -> (i32, i32, i32) {
    %c0_i32 = arith.constant 0 : i32
    %c0_i32_0 = arith.constant 0 : i32
    %c0_i32_1 = arith.constant 0 : i32
    %c0_i32_2 = arith.constant 0 : i32
    return %c0_i32, %c0_i32_0, %c0_i32_1 : i32, i32, i32
  }
  func.func @transform_12(%arg0: i32) -> (i32, i32) {
    %c0_i32 = arith.constant 0 : i32
    %c0_i32_0 = arith.constant 0 : i32
    return %arg0, %c0_i32 : i32, i32
  }
  func.func @transform_13(%arg0: i32) -> (i32, i32) {
    %c0_i32 = arith.constant 0 : i32
    %c0_i32_0 = arith.constant 0 : i32
    return %arg0, %c0_i32 : i32, i32
  }
}

</mosaic_0001>

<sc_bundles>
// kernel: kernel.6.cloned.1.call-start
scs
__scs_entry_jumppad:
0x0: {  	(pc) =	sbr.rel $0x88, $3  }
0x1: {  	(tag) =	ssettag $0x0;
	lr =	simm.s32 $0x1  }
0x2: {  	[smem:$0x3F8F] =	sst lr;
	_ =	strace $0xD0000000  }
0x3: {  	_ = 	snop  }
0x4: {  	_ = 	snop  }
0x5: {  	_ = 	snop  }
0x6: {  	_ = 	snop  }
0x7: {  	_ = 	snop  }
__scs_overlays_trampoline_lowered:
0x8: {  	[smem:$0x3F9E] =	sst s0  }
0x9: {  	[smem:$0x3F9F] =	sst s1  }
0xa: {  	[smem:$0x3FA0] =	sst s2  }
0xb: {  	[smem:$0x3FA1] =	sst s3  }
0xc: {  	[smem:$0x3FA2] =	sst s4  }
0xd: {  	[smem:$0x3FA3] =	sst s5  }
0xe: {  	[smem:$0x3FA4] =	sst s6  }
0xf: {  	[smem:$0x3FA5] =	sst s7  }
0x10: {  	[smem:$0x3FA6] =	sst s8  }
0x11: {  	[smem:$0x3FA7] =	sst s9;
	s0 =	simm.s32 @!p0 $0x0  }
0x12: {  	s1 =	sld [smem:$0x3F8D];
	s0 =	simm.s32 @p0 $0x1  }
0x13: {  	[smem:$0x3FA8] =	sst s0;
	s0 =	simm.s32 @!p1 $0x0  }
0x14: {  	s2 =	sld [smem:$0x3F8C];
	s0 =	simm.s32 @p1 $0x1  }
0x15: {  	[smem:$0x3FA9] =	sst s0;
	s0 =	simm.s32 @!p2 $0x0  }
0x16: {  	s3 =	sld [smem:$0x3FDB];
	s0 =	simm.s32 @p2 $0x1  }
0x17: {  	s4 =	simm.s32 $0x1BF5;
	[smem:$0x3FAB] =	sst s0  }
0x18: {  	s0 =	sld [smem:$0x3F8E];
	_ =	swait.ge [sflag:s4], $0x0  }
0x19: {  	s7 =	sld [smem:$0x3F8F]  }
0x1a: {  	s8 =	sadd.s32 $0xFFFFE003, lr  }
0x1b: {  	s9 =	sadd.s32 $0xFFFFFEF7, lr;
	s5 =	simm.s32 $0xFFFFFFFF;
	p2 =	slt.u32 s8, $0xFFFFF086  }
0x1c: {  	p1 =	slt.u32 s9, $0xF7A;
	s5 =	simm.s32 @!p2 $0x0  }
0x1d: {  	s5 =	simm.s32 @p1 $0x1;
	p0 =	seq.s32 s7, s2  }
0x1e: {  	s7 =	smul.u32 @!p0 $0xF7A, s2;
	p2 =	seq.s32 @!p0 s5, $0x0  }
0x1f: {  	s9 =	smul.u32 $0xF7A, s1;
	s8 =	simm.s32 @!p0 $0x1BF5;
	p2 =	por !p2, p0  }
0x20: {  	[sflag:s8] =	ssyncset.s32 @!p0 $0xFFFFF086;
	s6 =	sadd.s32 @!p0 s3, s7;
	s7 =	simm.s32 @!p0 $0x108  }
0x21: {  	s3 =	sadd.s32 s3, s9;
	s6 =	sadd.s32 @!p0 $0x88, s6;
	s7 =	simm.s32 @p2 $0x1082  }
0x22: {  	[simem:s7], [sflag:s8] =	dma.local @!p0 [hbm:s6], $0xF7A  }
0x23: {  	s9 =	sor.u32 $0xD0000000, s2;
	s6 =	simm.s32 $0x108;
	_ =	swait.ge @!p0 [sflag:s8], $0x0  }
0x24: {  	s3 =	sadd.s32 $0x88, s3;
	s6 =	simm.s32 @!p1 $0x1082;
	[sflag:s4] =	ssyncset.s32 $0xFFFFF086  }
0x25: {  	[simem:s6], [sflag:s4] =	dma.local [hbm:s3], $0xF7A  }
0x26: {  	[smem:$0x3F8F] =	sst s1;
	(tag) =	ssettag s2;
	_ =	strace s9  }
0x27: {  	s1 =	sld [smem:$0x3F9F]  }
0x28: {  	s2 =	sld [smem:$0x3FA0]  }
0x29: {  	s4 =	sld [smem:$0x3FA2]  }
0x2a: {  	p0 =	seq.s32 s5, $0x0;
	s5 =	sld [smem:$0x3FA3]  }
0x2b: {  	s6 =	sld [smem:$0x3FA4]  }
0x2c: {  	s7 =	sld [smem:$0x3FA5]  }
0x2d: {  	s3 =	simm.s32 $0x108;
	s8 =	sld [smem:$0x3FA6]  }
0x2e: {  	s3 =	simm.s32 @!p0 $0x1082;
	s9 =	sld [smem:$0x3FA7]  }
0x2f: {  	lr =	sadd.s32 s0, s3;
	s0 =	sld [smem:$0x3F9E]  }
0x30: {  	s3 =	sld [smem:$0x3FA1]  }
0x31: {  	[smem:$0x3FAA] =	sst s10  }
0x32: {  	s10 =	sld [smem:$0x3FA8];
	_ =	sdelay $0x3  }
0x33: {  	p0 =	seq.s32 s10, $0x1;
	s10 =	sld [smem:$0x3FAA];
	_ =	sdelay $0x3  }
0x34: {  	[smem:$0x3FAA] =	sst s10  }
0x35: {  	s10 =	sld [smem:$0x3FA9];
	_ =	sdelay $0x3  }
0x36: {  	p1 =	seq.s32 s10, $0x1;
	s10 =	sld [smem:$0x3FAA];
	_ =	sdelay $0x3  }
0x37: {  	[smem:$0x3FAA] =	sst s10  }
0x38: {  	s10 =	sld [smem:$0x3FAB]  }
0x39: {  	_ = 	snop;
	(pc) =	sbr.ind lr, $3  }
0x3a: {  	_ = 	snop  }
0x3b: {  	_ = 	snop  }
0x3c: {  	p2 =	seq.s32 s10, $0x1;
	s10 =	sld [smem:$0x3FAA]  }
0x3d: {  	_ =	shalt  }
0x3e: {  	_ =	shalt  }
0x3f: {  	_ =	shalt  }
0x40: {  	_ =	shalt  }
0x41: {  	_ =	shalt  }
0x42: {  	_ =	shalt  }
0x43: {  	_ =	shalt  }
0x44: {  	_ =	shalt  }
0x45: {  	_ =	shalt  }
0x46: {  	_ =	shalt  }
0x47: {  	_ =	shalt  }
0x48: {  	_ =	shalt  }
0x49: {  	_ =	shalt  }
0x4a: {  	_ =	shalt  }
0x4b: {  	_ =	shalt  }
0x4c: {  	_ =	shalt  }
0x4d: {  	_ =	shalt  }
0x4e: {  	_ =	shalt  }
0x4f: {  	_ =	shalt  }
0x50: {  	_ =	shalt  }
0x51: {  	_ =	shalt  }
0x52: {  	_ =	shalt  }
0x53: {  	_ =	shalt  }
0x54: {  	_ =	shalt  }
0x55: {  	_ =	shalt  }
0x56: {  	_ =	shalt  }
0x57: {  	_ =	shalt  }
0x58: {  	_ =	shalt  }
0x59: {  	_ =	shalt  }
0x5a: {  	_ =	shalt  }
0x5b: {  	_ =	shalt  }
0x5c: {  	_ =	shalt  }
0x5d: {  	_ =	shalt  }
0x5e: {  	_ =	shalt  }
0x5f: {  	_ =	shalt  }
0x60: {  	_ =	shalt  }
0x61: {  	_ =	shalt  }
0x62: {  	_ =	shalt  }
0x63: {  	_ =	shalt  }
0x64: {  	_ =	shalt  }
0x65: {  	_ =	shalt  }
0x66: {  	_ =	shalt  }
0x67: {  	_ =	shalt  }
0x68: {  	_ =	shalt  }
0x69: {  	_ =	shalt  }
0x6a: {  	_ =	shalt  }
0x6b: {  	_ =	shalt  }
0x6c: {  	_ =	shalt  }
0x6d: {  	_ =	shalt  }
0x6e: {  	_ =	shalt  }
0x6f: {  	_ =	shalt  }
0x70: {  	_ =	shalt  }
0x71: {  	_ =	shalt  }
0x72: {  	_ =	shalt  }
0x73: {  	_ =	shalt  }
0x74: {  	_ =	shalt  }
0x75: {  	_ =	shalt  }
0x76: {  	_ =	shalt  }
0x77: {  	_ =	shalt  }
0x78: {  	_ =	shalt  }
0x79: {  	_ =	shalt  }
0x7a: {  	_ =	shalt  }
0x7b: {  	_ =	shalt  }
0x7c: {  	_ =	shalt  }
0x7d: {  	_ =	shalt  }
0x7e: {  	_ =	shalt  }
0x7f: {  	_ =	shalt  }
0x80: {  	_ =	shalt  }
0x81: {  	_ =	shalt  }
0x82: {  	_ =	shalt  }
0x83: {  	_ =	shalt  }
0x84: {  	_ =	shalt  }
0x85: {  	_ =	shalt  }
0x86: {  	_ =	shalt  }
0x87: {  	_ =	shalt  }
.Lfunc_end0:
.L_simem_size_0:
called_computation_lowered:
.L_overlay_start_0:
0x88: {  	s2 =	sld [smem:$0x3FD9]  }
0x89: {  	s3 =	sld [smem:$0x3FFE];
	_ =	sdelay $0x1  }
0x8a: {  	s1 =	srdreg.scid  }
0x8b: {  	s0 =	sand.u32 $0x1, s1  }
0x8c: {  	s14 =	sshll.u32 s0, $0xA;
	s2 =	sadd.s32 s3, s2  }
0x8d: {  	s2 =	sadd.s32 s2, s14  }
0x8e: {  	[smem:$0x3FB6] =	sst s2  }
0x8f: {  	_ = 	snop  }
0x90: {  	s2 =	sld [smem:$0x3FD0];
	_ =	sdelay $0x2  }
0x91: {  	s15 =	simm.s32 $0xA;
	s4 =	simm.s32 $0x10  }
0x92: {  	[smem:s4], [sflag:s15] =	dma.local [hbm:s2], $0x1  }
0x93: {  	_ =	swait.eq [sflag:s15], $0x1  }
0x94: {  	[sflag:s15] =	ssyncset.done $0x0  }
0x95: {  	s16 =	sld [smem:$0x10];
	[sflag:s15] =	ssyncadd.s32 $0xFFFFFFFF  }
0x96: {  	s17 =	sld [smem:$0x11];
	(tm) =	ssettm $0x1  }
0x97: {  	s18 =	sld [smem:$0x3FFB];
	_ =	sdelay $0x3  }
0x98: {  	_ =	strace s18  }
0x99: {  	s4 =	sld [smem:$0x3FFC];
	_ =	sdelay $0x3  }
0x9a: {  	_ =	strace s4  }
0x9b: {  	s4 =	sld [smem:$0x3FFD];
	_ =	sdelay $0x3  }
0x9c: {  	_ =	strace s4  }
0x9d: {  	_ =	strace $0x8FFFFFFF  }
0x9e: {  	s19 =	sld [smem:$0x3FDB];
	_ =	sdelay $0x1  }
0x9f: {  	s5 =	simm.s32 $_scs_section_size  }
0xa0: {  	s6 =	simm.s32 $_size__tile_overlayer_lowered;
	s7 =	simm.s32 $_tile_overlayer_lowered  }
0xa1: {  	s22 =	simm.s32 $0x1BFF;
	s21 =	sshll.u32 s7, $0x1;
	s4 =	sadd.s32 s5, s19  }
0xa2: {  	s8 =	simm.s32 $0x0;
	s20 =	sshll.u32 s6, $0x1;
	s6 =	sadd.s32 s21, s4  }
0xa3: {  	[timem:s8], [sflag:s22] =	dma.local [hbm:s6], s20  }
0xa4: {  	_ =	swait.ge [sflag:s22], s20  }
0xa5: {  	s5 =	ssub.s32 $0x0, s20;
	[sflag:s22] =	ssyncset.done $0x0  }
0xa6: {  	[sflag:s22] =	ssyncadd.s32 s5;
	_ =	sdelay $0x1  }
0xa7: {  	s23 =	simm.s32 $0x1B8B  }
0xa8: {  	_ =	swait.ge [sflag:s23], $0x1  }
0xa9: {  	[sflag:s23] =	ssyncset.done $0x0  }
0xaa: {  	s25 =	simm.s32 $0x1B8E;
	s24 =	sld [smem:$0x3FFE];
	[sflag:s23] =	ssyncadd.s32 $0xFFFFFFFF  }
0xab: {  	s26 =	simm.s32 $execute0_lowered;
	[smem:$0x3FD2] =	sst s25  }
0xac: {  	s6 =	sshll.u32 s26, $0x1;
	_ =	strace $0x80000046;
	[dreg:$0x1] =	wrdreg $0xFFFFFFFF  }
0xad: {  	s28 =	simm.s32 $_size_execute0_lowered;
	s4 =	sadd.s32 s4, s6;
	[dreg:$0x0] =	wrdreg $0x0  }
0xae: {  	s6 =	sshll.u32 s28, $0x1;
	[dreg:$0x2] =	wrdreg s4  }
0xaf: {  	[dreg:$0x3] =	wrdreg s6  }
0xb0: {  	[dreg:$0x4] =	wrdreg $0xC0  }
0xb1: {  	_ =	task [dreg:s8], $0x5FFFF  }
0xb2: {  	[dreg:$0x1] =	wrdreg $0xFFFFFFFF  }
0xb3: {  	[dreg:$0x0] =	wrdreg $0x60  }
0xb4: {  	[dreg:$0x2] =	wrdreg s24  }
0xb5: {  	[dreg:$0x3] =	wrdreg s17  }
0xb6: {  	[dreg:$0x4] =	wrdreg s16  }
0xb7: {  	[dreg:$0x5] =	wrdreg $0x123400  }
0xb8: {  	[dreg:$0x6] =	wrdreg $0x1C3400  }
0xb9: {  	[dreg:$0x7] =	wrdreg $0x9  }
0xba: {  	_ =	task.clear_ibuf [dreg:s8], $0x8FFFF;
	_ =	strace $0x90000046  }
0xbb: {  	s29 =	simm.s32 $0x9;
	_ =	strace $0x80000048  }
0xbc: {  	_ =	swait.ge [sflag:s29], $0x1  }
0xbd: {  	[sflag:s29] =	ssyncadd.s32 $0xFFFFFFFF  }
0xbe: {  	_ =	strace $0x90000048  }
0xbf: {  	_ =	sfence  }
0xc0: {  	s30 =	sld [smem:$0x0];
	_ =	sdelay $0x2  }
0xc1: {  	s31 =	sshll.u32 s1, $0xD;
	s1 =	sshrl.u32 s1, $0x2  }
0xc2: {  	s3 =	sand.u32 $0x4000, s31;
	s1 =	sadd.s32 s1, s30  }
0xc3: {  	s0 =	sor.u32 s3, s0;
	s1 =	sshll.u32 s1, $0x11  }
0xc4: {  	s0 =	sor.u32 s1, s0  }
0xc5: {  	s0 =	sadd.s32 $0x8F2B, s0  }
0xc6: {  	[sflag:s0] =	ssyncadd.remote.s32 $0x1  }
0xc7: {  	_ =	sfence.sel $0xFFFF  }
0xc8: {  	[dreg:$0x0] =	wrdreg $0xFFFFFFFF;
	(pc) =	sbr.abs _section_cstart, $3  }
0xc9: {  	[dreg:$0x1] =	wrdreg $0xFFFFFFFF  }
0xca: {  	_ =	task.clear_ibuf [dreg:s8], $0x2FFFF;
	_ =	strace $0x9FFFFFFF  }
0xcb: {  	(tm) =	ssettm $0x7FFFFFFF  }
tec
execute0_lowered:
.L_overlay_start_1:
0x0: {  	(tag) =	ssettag $0x1  }
0x1: {  	s1 =	rddreg [dreg:$0x0]  }
0x2: {  	s4 =	rddreg [dreg:$0x3];
	s16 =	stileid.u32  }
0x3: {  	s17 =	rddreg [dreg:$0x4];
	s0 =	simm.s32 $0x0;
	s7 =	smul.u32 $0x4E20, s16  }
0x4: {  	s3 =	srdreg.scid;
	s31 =	simm.s32 $0x6;
	s22 =	smul.u32 $0xA000, s16  }
0x5: {  	[smem:$0x7FF] =	sst s0;
	s5 =	smul.u32 $0x2800, s16;
	s8 =	sand.u32 $0x1, s3  }
0x6: {  	s11 =	smul.u32 $0x280, s16;
	s29 =	sadd.s32 $0xED0E08, s1;
	s30 =	sadd.s32 $0x17400, s1  }
0x7: {  	s28 =	sadd.s32 $0x3A00, s1;
	p1 =	seq.s32 s16, $0xF;
	_ =	strace $0x80000047  }
0x8: {  	s10 =	ssub.s32 $0x2, s8;
	p0 =	sne.s32 s8, $0x0;
	s8 =	simm.s32 $0x10  }
0x9: {  	s2 =	sshrl.u32 s7, $0x3;
	s23 =	sshrl.u32 s22, $0x3;
	s9 =	sshrl.u32 s5, $0x3  }
0xa: {  	s24 =	sshrl.u32 s10, $0x1;
	s26 =	sor.u32 $0x50, s11;
	s0 =	sadd.s32 s22, s4  }
0xb: {  	s18 =	sadd.s32 $0xA0, s11;
	s19 =	sadd.s32 $0xF0, s11;
	s14 =	sadd.s32 $0x140, s11  }
0xc: {  	s22 =	sadd.s32 $0x190, s11;
	s5 =	sadd.s32 s5, s17;
	s6 =	sadd.s32 s2, s1  }
0xd: {  	s3 =	sadd.s32 s23, s1;
	s9 =	sadd.s32 s9, s1;
	s2 =	ssub.s32 s10, s24  }
0xe: {  	[dreg:$0x8] =	wrdreg s0;
	s15 =	sshll.u32 s26, $0x6;
	s12 =	sshll.u32 s18, $0x6  }
0xf: {  	s13 =	sshll.u32 s19, $0x6;
	s21 =	sshll.u32 s14, $0x6;
	s23 =	sadd.s32 $0x1E0, s11  }
0x10: {  	s11 =	sadd.s32 $0x230, s11;
	[dreg:$0x10] =	wrdreg s5;
	s25 =	sadd.s32 $0xD1000, s6  }
0x11: {  	s24 =	sshll.u32 s22, $0x6;
	s6 =	sadd.s32 $0xC7200, s6;
	[dreg:$0x6] =	wrdreg s25  }
0x12: {  	s26 =	sshll.u32 s26, $0x4;
	s0 =	sadd.s32 s15, s4;
	[dreg:$0x7] =	wrdreg s6  }
0x13: {  	s10 =	sshll.u32 s14, $0x4;
	s12 =	sadd.s32 s12, s4;
	[dreg:$0x9] =	wrdreg s0  }
0x14: {  	s14 =	sshll.u32 s22, $0x4;
	s20 =	sadd.s32 s13, s4;
	[dreg:$0xa] =	wrdreg s12  }
0x15: {  	s22 =	smul.u32 $0x4E200, s16;
	s13 =	sadd.s32 s24, s4;
	[dreg:$0xb] =	wrdreg s20  }
0x16: {  	s15 =	sshll.u32 s11, $0x6;
	s5 =	sadd.s32 s26, s17;
	[dreg:$0xd] =	wrdreg s13  }
0x17: {  	s12 =	sadd.s32 s21, s4;
	s25 =	sshll.u32 s23, $0x6;
	[dreg:$0x11] =	wrdreg s5  }
0x18: {  	s15 =	sadd.s32 s15, s4;
	s0 =	sshll.u32 s18, $0x4;
	[dreg:$0xc] =	wrdreg s12  }
0x19: {  	s6 =	sshll.u32 s19, $0x4;
	s18 =	sadd.s32 s14, s17;
	[dreg:$0xf] =	wrdreg s15  }
0x1a: {  	s19 =	sshll.u32 s23, $0x4;
	s23 =	sadd.s32 s22, s29;
	[dreg:$0x15] =	wrdreg s18  }
0x1b: {  	s24 =	smul.u32 $0x9C40, s16;
	s14 =	sadd.s32 $0xDAE00, s9;
	[dreg:$0x19] =	wrdreg s23  }
0x1c: {  	s26 =	sadd.s32 $0x50, s7;
	s0 =	sadd.s32 s0, s17;
	[dreg:$0x1d] =	wrdreg s14  }
0x1d: {  	s21 =	sshll.u32 s11, $0x4;
	s6 =	sadd.s32 s6, s17;
	[dreg:$0x12] =	wrdreg s0  }
0x1e: {  	s11 =	sshll.u32 s26, $0x4;
	s5 =	sadd.s32 s21, s17;
	[dreg:$0x13] =	wrdreg s6  }
0x1f: {  	s9 =	simm.s32 $0x3;
	s18 =	sadd.s32 $0x11AC00, s3;
	[dreg:$0x17] =	wrdreg s5  }
0x20: {  	s13 =	sadd.s32 s25, s4;
	s21 =	sadd.s32 $0x119E00, s1;
	[dreg:$0x1f] =	wrdreg s18  }
0x21: {  	s15 =	smul.u32 $0x271000, s16;
	s23 =	sadd.s32 $0xF2A00, s1;
	[smem:$0x7F8] =	sst s21  }
0x22: {  	s25 =	sadd.s32 $0xED0E00, s1;
	s16 =	simm.s32 $0x5;
	[smem:$0x7FA] =	sst s23  }
0x23: {  	s14 =	simm.s32 $0xB;
	s0 =	sadd.s32 s10, s17;
	[dreg:$0xe] =	wrdreg s13  }
0x24: {  	s10 =	sadd.s32 s25, s22;
	s12 =	sadd.s32 s25, s11;
	[dreg:$0x14] =	wrdreg s0  }
0x25: {  	s22 =	sadd.s32 $0x12D800, s1;
	s21 =	simm.s32 $0x50;
	[dreg:$0x1a] =	wrdreg s10  }
0x26: {  	s23 =	simm.s32 $0x80;
	s11 =	simm.s32 $0xD840;
	[dreg:$0x1c] =	wrdreg s12  }
0x27: {  	s18 =	simm.s32 $0x4;
	s0 =	sadd.s32 s19, s17;
	[smem:$0x7F9] =	sst s22  }
0x28: {  	s20 =	sshrl.u32 s15, $0x3;
	s17 =	sadd.s32 $0x107200, s3;
	[dreg:$0x16] =	wrdreg s0  }
0x29: {  	s15 =	sshll.u32 s26, $0x1;
	s19 =	sadd.s32 $0xDFE00, s3;
	[dreg:$0x1e] =	wrdreg s17  }
0x2a: {  	s3 =	sadd.s32 $0xF3800, s3;
	s26 =	sadd.s32 $0x96000, s4;
	[smem:$0x7F5] =	sst s19  }
0x2b: {  	s22 =	simm.s32 $0x40;
	s0 =	sadd.s32 s25, s20;
	[smem:$0x7F6] =	sst s3  }
0x2c: {  	s12 =	simm.s32 $0xC440;
	[smem:$0x7FD] =	sst s26;
	s0 =	sadd.s32 $0x508, s0  }
0x2d: {  	s10 =	simm.s32 $0xA;
	s19 =	simm.s32 $0x9C40;
	[dreg:$0x18] =	wrdreg s0  }
.Ltmp0:
0x2e: {  	s0 =	sadd.s32 $0x2AE00, s1;
	s1 =	sadd.s32 $0x106400, s1;
	(pc) =	sbr.rel .LBB2_1-.Ltmp0, $4  }
0x2f: {  	s26 =	simm.s32 $0xB040;
	s5 =	sadd.s32 s0, s24;
	[smem:$0x7FB] =	sst s1  }
0x30: {  	s3 =	simm.s32 $0x1;
	s20 =	sadd.s32 s0, s15;
	[dreg:$0x1b] =	wrdreg s5  }
0x31: {  	s24 =	smax.u32 s2, $0x1;
	s15 =	simm.s32 $0x2;
	[smem:$0x7F7] =	sst s20  }
0x32: {  	v0 =	vimm.f32 $0.0e+00;
	s2 =	simm.s32 $0x0;
	[smem:$0x7FC] =	sst s24;
	s20 =	simm.s32 $0xC  }
.LBB2_40:
0x33: {  	_ =	swait.ge [sflag:s3], $0x1400  }
0x34: {  	[sflag:s3] =	ssyncset.done $0x0  }
0x35: {  	s1 =	simm.s32 $0x9BF0;
	[sflag:s3] =	ssyncadd.s32 $0xFFFFEC00  }
0x36: {  	[spmem:s4] =	stream.indirect.scatter.add.f32 [tilespmem:s19], [sflag:$0xA], $0x40, s1, s21, $0xb8;
	[tilespmem:$0x1EB40] =	vst v63  }
0x37: {  	_ =	swait.ge [sflag:s20], $0x1400  }
0x38: {  	[sflag:s20] =	ssyncset.done $0x0  }
0x39: {  	[sflag:s20] =	ssyncadd.s32 $0xFFFFEC00  }
0x3a: {  	_ =	swait.ge [sflag:s10], $0x1400  }
0x3b: {  	[sflag:s10] =	ssyncset.done $0x0  }
0x3c: {  	[sflag:s10] =	ssyncadd.s32 $0xFFFFEC00  }
0x3d: {  	[bflag:$0x0] =	sbarrier.arrive $0xFFFF  }
0x3e: {  	s2 =	sld [smem:$0x7FA]  }
0x3f: {  	s5 =	sld [smem:$0x7F1];
	_ =	sdelay $0x1  }
0x40: {  	s1 =	simm.s32 @p1 $0x1FD0  }
0x41: {  	[hbm:s2], [sflag:s1] =	dma.local @p1 [spmem:s5], $0xC80  }
0x42: {  	s1 =	simm.s32 @p1 $0x10  }
0x43: {  	_ =	swait.ge @p1 [sflag:s1], $0xC80  }
0x44: {  	s2 =	sld [smem:$0x7F2]  }
0x45: {  	[sflag:s1] =	ssyncset.done @p1 $0x0;
	s5 =	sld [smem:$0x7F3]  }
0x46: {  	[sflag:s1] =	ssyncadd.s32 @p1 $0xFFFFF380;
	s1 =	sld [smem:$0x7F5];
	_ =	sdelay $0x2  }
0x47: {  	[hbm:s1], [sflag:s5] =	dma.local @!p1 [spmem:s2], $0x1400  }
0x48: {  	s1 =	simm.s32 @!p1 $0x10  }
0x49: {  	_ =	swait.ge @!p1 [sflag:s1], $0x1400  }
0x4a: {  	[sflag:s1] =	ssyncset.done @!p1 $0x0  }
0x4b: {  	s2 =	sld [smem:$0x7F4];
	[sflag:s1] =	ssyncadd.s32 @!p1 $0xFFFFEC00  }
.LBB2_41:
0x4c: {  	s1 =	sld [smem:$0x7FC];
	_ =	sdelay $0x1  }
0x4d: {  	s2 =	sadd.s32 $0x1, s2  }
0x4e: {  	p2 =	sne.s32 s2, s1  }
.Ltmp1:
0x4f: {  	_ = 	snop;
	(pc) =	sbr.rel @!p2 .LBB2_42-.Ltmp1, $1  }
0x50: {  	_ =	sdelay $0x3  }
.LBB2_1:
0x51: {  	[smem:$0x7F4] =	sst s2  }
0x52: {  	s1 =	simm.s32 $0x0;
	s17 =	rddreg [dreg:$0x6]  }
0x53: {  	[tilespmem:s1], [sflag:$0x10] =	stream.linear.gather [hbm4b:s17+s1], $0x4E20, $0x38;
	[tilespmem:$0x1EB40] =	vst v63  }
0x54: {  	_ =	swait.ge [sflag:s8], $0x4E20  }
0x55: {  	[sflag:s8] =	ssyncset.done $0x0  }
0x56: {  	s5 =	simm.s32 $0x4E20;
	s24 =	rddreg [dreg:$0x7];
	[sflag:s8] =	ssyncadd.s32 $0xFFFFB1E0  }
0x57: {  	[tilespmem:s5], [sflag:$0x10] =	stream.linear.gather [hbm4b:s24+s1], $0x4E20, $0x38;
	[tilespmem:$0x1EB40] =	vst v63  }
0x58: {  	_ =	swait.ge [sflag:s8], $0x4E20  }
0x59: {  	[sflag:s8] =	ssyncset.done $0x0  }
0x5a: {  	s1 =	simm.s32 $0x0;
	[sflag:s8] =	ssyncadd.s32 $0xFFFFB1E0  }
.LBB2_2:
0x5b: {  	p2 =	sne.s32 s1, $0x4F00  }
.Ltmp2:
0x5c: {  	s2 =	sshra.s32 s1, $0x2;
	(pc) =	sbr.rel @p2 .LBB2_2-.Ltmp2, $4  }
0x5d: {  	[tilespmem:s2+$0x9C40] =	vst v0  }
0x5e: {  	[tilespmem:s2+$0x9C50] =	vst v0  }
0x5f: {  	[tilespmem:s2+$0x9C60] =	vst v0  }
0x60: {  	s1 =	sadd.s32 $0x100, s1;
	[tilespmem:s2+$0x9C70] =	vst v0  }
0x61: {  	s1 =	simm.s32 $0x40;
	s2 =	simm.s32 $0x0;
	s5 =	simm.s32 $0x11440  }
.LBB2_4:
0x62: {  	p2 =	sne.s32 s1, $0x13C0;
	[tilespmem:s2+$0x11440] =	vst v0;
	s2 =	smov.u32 s1;
	s1 =	sadd.s32 $0x40, s1  }
.Ltmp3:
0x63: {  	(pc) =	sbr.rel @p2 .LBB2_4-.Ltmp3, $2  }
0x64: {  	_ =	sdelay $0x2  }
0x65: {  	s2 =	sshra.s32 s2, $0x2  }
0x66: {  	[tilespmem:s2+$0x11440] =	vst v0;
	s2 =	rddreg [dreg:$0x8]  }
0x67: {  	[spmem:s2] =	stream.linear.scatter [tilespmem:s19], [sflag:$0x10], $0x1400, $0x38;
	[tilespmem:$0x1EB40] =	vst v63  }
0x68: {  	_ =	swait.ge [sflag:s8], $0x1400  }
0x69: {  	[sflag:s8] =	ssyncset.done $0x0  }
0x6a: {  	s1 =	rddreg [dreg:$0x9];
	[sflag:s8] =	ssyncadd.s32 $0xFFFFEC00  }
0x6b: {  	[spmem:s1] =	stream.linear.scatter [tilespmem:s19], [sflag:$0x10], $0x1400, $0x38;
	[tilespmem:$0x1EB40] =	vst v63  }
0x6c: {  	_ =	swait.ge [sflag:s8], $0x1400  }
0x6d: {  	[sflag:s8] =	ssyncset.done $0x0  }
0x6e: {  	s17 =	rddreg [dreg:$0xa];
	[sflag:s8] =	ssyncadd.s32 $0xFFFFEC00  }
0x6f: {  	[spmem:s17] =	stream.linear.scatter [tilespmem:s19], [sflag:$0x10], $0x1400, $0x38;
	[tilespmem:$0x1EB40] =	vst v63  }
0x70: {  	_ =	swait.ge [sflag:s8], $0x1400  }
0x71: {  	[sflag:s8] =	ssyncset.done $0x0  }
0x72: {  	s24 =	rddreg [dreg:$0xb];
	[sflag:s8] =	ssyncadd.s32 $0xFFFFEC00  }
0x73: {  	[spmem:s24] =	stream.linear.scatter [tilespmem:s19], [sflag:$0x10], $0x1400, $0x38;
	[tilespmem:$0x1EB40] =	vst v63  }
0x74: {  	_ =	swait.ge [sflag:s8], $0x1400  }
0x75: {  	[sflag:s8] =	ssyncset.done $0x0  }
0x76: {  	s6 =	rddreg [dreg:$0xc];
	[sflag:s8] =	ssyncadd.s32 $0xFFFFEC00  }
0x77: {  	[spmem:s6] =	stream.linear.scatter [tilespmem:s19], [sflag:$0x10], $0x1400, $0x38;
	[tilespmem:$0x1EB40] =	vst v63  }
0x78: {  	_ =	swait.ge [sflag:s8], $0x1400  }
0x79: {  	[sflag:s8] =	ssyncset.done $0x0  }
0x7a: {  	s17 =	rddreg [dreg:$0xd];
	[sflag:s8] =	ssyncadd.s32 $0xFFFFEC00  }
0x7b: {  	[spmem:s17] =	stream.linear.scatter [tilespmem:s19], [sflag:$0x10], $0x1400, $0x38;
	[tilespmem:$0x1EB40] =	vst v63  }
0x7c: {  	_ =	swait.ge [sflag:s8], $0x1400  }
0x7d: {  	[sflag:s8] =	ssyncset.done $0x0  }
0x7e: {  	[sflag:s8] =	ssyncadd.s32 $0xFFFFEC00  }
0x7f: {  	[spmem:s13] =	stream.linear.scatter [tilespmem:s19], [sflag:$0x10], $0x1400, $0x38;
	[tilespmem:$0x1EB40] =	vst v63  }
0x80: {  	_ =	swait.ge [sflag:s8], $0x1400  }
0x81: {  	[sflag:s8] =	ssyncset.done $0x0  }
0x82: {  	s24 =	rddreg [dreg:$0xf];
	[sflag:s8] =	ssyncadd.s32 $0xFFFFEC00  }
0x83: {  	[spmem:s24] =	stream.linear.scatter [tilespmem:s19], [sflag:$0x10], $0x1400, $0x38;
	[tilespmem:$0x1EB40] =	vst v63  }
0x84: {  	_ =	swait.ge [sflag:s8], $0x1400  }
0x85: {  	[sflag:s8] =	ssyncset.done $0x0  }
0x86: {  	s6 =	rddreg [dreg:$0x10];
	[sflag:s8] =	ssyncadd.s32 $0xFFFFEC00  }
0x87: {  	[spmem:s6] =	stream.linear.scatter [tilespmem:s5], [sflag:$0x10], $0x500, $0x38;
	[tilespmem:$0x1EB40] =	vst v63  }
0x88: {  	_ =	swait.ge [sflag:s8], $0x500  }
0x89: {  	[sflag:s8] =	ssyncset.done $0x0  }
0x8a: {  	s13 =	rddreg [dreg:$0x11];
	[sflag:s8] =	ssyncadd.s32 $0xFFFFFB00  }
0x8b: {  	[spmem:s13] =	stream.linear.scatter [tilespmem:s5], [sflag:$0x10], $0x500, $0x38;
	[tilespmem:$0x1EB40] =	vst v63  }
0x8c: {  	_ =	swait.ge [sflag:s8], $0x500  }
0x8d: {  	[sflag:s8] =	ssyncset.done $0x0  }
0x8e: {  	s17 =	rddreg [dreg:$0x12];
	[sflag:s8] =	ssyncadd.s32 $0xFFFFFB00  }
0x8f: {  	[spmem:s17] =	stream.linear.scatter [tilespmem:s5], [sflag:$0x10], $0x500, $0x38;
	[tilespmem:$0x1EB40] =	vst v63  }
0x90: {  	_ =	swait.ge [sflag:s8], $0x500  }
0x91: {  	[sflag:s8] =	ssyncset.done $0x0  }
0x92: {  	s24 =	rddreg [dreg:$0x13];
	[sflag:s8] =	ssyncadd.s32 $0xFFFFFB00  }
0x93: {  	[spmem:s24] =	stream.linear.scatter [tilespmem:s5], [sflag:$0x10], $0x500, $0x38;
	[tilespmem:$0x1EB40] =	vst v63  }
0x94: {  	_ =	swait.ge [sflag:s8], $0x500  }
0x95: {  	[sflag:s8] =	ssyncset.done $0x0  }
0x96: {  	s6 =	rddreg [dreg:$0x14];
	[sflag:s8] =	ssyncadd.s32 $0xFFFFFB00  }
0x97: {  	[spmem:s6] =	stream.linear.scatter [tilespmem:s5], [sflag:$0x10], $0x500, $0x38;
	[tilespmem:$0x1EB40] =	vst v63  }
0x98: {  	_ =	swait.ge [sflag:s8], $0x500  }
0x99: {  	[sflag:s8] =	ssyncset.done $0x0  }
0x9a: {  	s13 =	rddreg [dreg:$0x15];
	[sflag:s8] =	ssyncadd.s32 $0xFFFFFB00  }
0x9b: {  	[spmem:s13] =	stream.linear.scatter [tilespmem:s5], [sflag:$0x10], $0x500, $0x38;
	[tilespmem:$0x1EB40] =	vst v63  }
0x9c: {  	_ =	swait.ge [sflag:s8], $0x500  }
0x9d: {  	[sflag:s8] =	ssyncset.done $0x0  }
0x9e: {  	s17 =	rddreg [dreg:$0x16];
	[sflag:s8] =	ssyncadd.s32 $0xFFFFFB00  }
0x9f: {  	[spmem:s17] =	stream.linear.scatter [tilespmem:s5], [sflag:$0x10], $0x500, $0x38;
	[tilespmem:$0x1EB40] =	vst v63  }
0xa0: {  	_ =	swait.ge [sflag:s8], $0x500  }
0xa1: {  	[sflag:s8] =	ssyncset.done $0x0  }
0xa2: {  	s24 =	rddreg [dreg:$0x17];
	[sflag:s8] =	ssyncadd.s32 $0xFFFFFB00  }
0xa3: {  	[spmem:s24] =	stream.linear.scatter [tilespmem:s5], [sflag:$0x10], $0x500, $0x38;
	[tilespmem:$0x1EB40] =	vst v63  }
0xa4: {  	_ =	swait.ge [sflag:s8], $0x500  }
0xa5: {  	[sflag:s8] =	ssyncset.done $0x0  }
0xa6: {  	[sflag:s8] =	ssyncadd.s32 $0xFFFFFB00  }
0xa7: {  	s1 =	stileid.u32;
	[bflag:$0x0] =	sbarrier.arrive $0xFFFF  }
.Ltmp4:
0xa8: {  	s5 =	sld [smem:$0x7FD];
	(pc) =	sbr.rel @p0 .LBB2_18-.Ltmp4, $4  }
0xa9: {  	s2 =	sshrl.u32 @!p1 s2, $0x3;
	s1 =	sshll.u32 @!p1 s1, $0x6  }
0xaa: {  	s1 =	sor.u32 @!p1 $0x1C10, s1;
	[smem:$0x7F2] =	sst s2  }
0xab: {  	[smem:$0x7F3] =	sst s1;
	s5 =	sshrl.u32 @p1 s5, $0x3  }
0xac: {  	s13 =	simm.s32 $0x11440;
	s1 =	simm.s32 $0x0;
	[smem:$0x7F1] =	sst s5  }
0xad: {  	s2 =	rddreg [dreg:$0x1]  }
0xae: {  	[tilespmem:s19], [sflag:$0x1] =	stream.indirect.gather [hbm4b:s2+s21], $0x40, s1, s21, $0xb8;
	[tilespmem:$0x1EB40] =	vst v63  }
0xaf: {  	s5 =	rddreg [dreg:$0x1a]  }
0xb0: {  	[tilespmem:s11], [sflag:$0x4] =	stream.strided.gather [hbm4b:s5+s22], $0x1400, s23, s22, $0x38;
	[tilespmem:$0x1EB40] =	vst v63  }
0xb1: {  	s24 =	rddreg [dreg:$0x1b]  }
0xb2: {  	[tilespmem:s13], [sflag:$0x7] =	stream.linear.gather [hbm4b:s24+s1], $0x500, $0x38;
	[tilespmem:$0x1EB40] =	vst v63  }
0xb3: {  	s17 =	sld [smem:$0x7F7]  }
0xb4: {  	[tilespmem:s26], [sflag:$0x2] =	stream.indirect.gather [hbm4b:s2+s21], $0x40, s21, s21, $0xb8;
	[tilespmem:$0x1EB40] =	vst v63  }
0xb5: {  	s5 =	rddreg [dreg:$0x1c];
	s13 =	simm.s32 $0xEC40  }
0xb6: {  	[tilespmem:s13], [sflag:$0x5] =	stream.strided.gather [hbm4b:s5+s22], $0x1400, s23, s22, $0x38;
	[tilespmem:$0x1EB40] =	vst v63  }
0xb7: {  	s6 =	simm.s32 $0xD840;
	s11 =	simm.s32 $0x11440;
	s24 =	simm.s32 $0x11940  }
0xb8: {  	[tilespmem:s24], [sflag:$0x8] =	stream.linear.gather [hbm4b:s17+s1], $0x500, $0x38;
	[tilespmem:$0x1EB40] =	vst v63  }
.LBB2_7:
0xb9: {  	_ =	swait.ge [sflag:s3], $0x1400  }
0xba: {  	[sflag:s3] =	ssyncset.done $0x0  }
0xbb: {  	[sflag:s3] =	ssyncadd.s32 $0xFFFFEC00  }
0xbc: {  	_ =	swait.ge [sflag:s18], $0x1400  }
0xbd: {  	[sflag:s18] =	ssyncset.done $0x0  }
0xbe: {  	s2 =	simm.s32 $0x7;
	[sflag:s18] =	ssyncadd.s32 $0xFFFFEC00  }
0xbf: {  	_ =	swait.ge [sflag:s2], $0x500  }
0xc0: {  	[sflag:s2] =	ssyncset.done $0x0  }
0xc1: {  	[sflag:s2] =	ssyncadd.s32 $0xFFFFFB00;
	s2 =	simm.s32 $0x0  }
0xc2: {  	v6 =	vld [tilespmem:s2+$0xD840]  }
0xc3: {  	v7 =	vld [tilespmem:s2+$0xD850]  }
0xc4: {  	v2 =	vld [tilespmem:s2+$0xD860]  }
0xc5: {  	v1 =	vld [tilespmem:s2+$0xD870]  }
0xc6: {  	v3 =	vld [tilespmem:s2+$0x9C40]  }
0xc7: {  	v5 =	vld [tilespmem:s2+$0x9C50]  }
0xc8: {  	s5 =	simm.s32 $0x100;
	v4 =	vld [tilespmem:s2+$0x9C60]  }
.LBB2_8:
0xc9: {  	s13 =	sshra.s32 s5, $0x2;
	p2 =	sne.s32 s5, $0x4F00;
	v8 =	vld [tilespmem:s2+$0x9C70];
	v9 =	vmov v2  }
0xca: {  	v10 =	vld [tilespmem:s13+$0xD840];
	v11 =	vmov v1  }
0xcb: {  	v12 =	vld [tilespmem:s13+$0xD850];
	v3 =	vmul.f32 v6, v3  }
.Ltmp5:
0xcc: {  	v2 =	vld [tilespmem:s13+$0xD860];
	v5 =	vmul.f32 v7, v5;
	(pc) =	sbr.rel @p2 .LBB2_8-.Ltmp5, $4  }
0xcd: {  	v1 =	vld [tilespmem:s13+$0xD870];
	[tilespmem:s2+$0x9C40] =	vst v3;
	v4 =	vmul.f32 v9, v4  }
0xce: {  	v3 =	vld [tilespmem:s13+$0x9C40];
	[tilespmem:s2+$0x9C50] =	vst v5;
	v8 =	vmul.f32 v11, v8  }
0xcf: {  	v5 =	vld [tilespmem:s13+$0x9C50];
	[tilespmem:s2+$0x9C60] =	vst v4;
	v6 =	vmov v10  }
0xd0: {  	s5 =	sadd.s32 $0x100, s5;
	v4 =	vld [tilespmem:s13+$0x9C60];
	[tilespmem:s2+$0x9C70] =	vst v8;
	v7 =	vmov v12;
	s2 =	smov.u32 s13  }
0xd1: {  	v8 =	vld [tilespmem:s2+$0x9C70];
	_ =	sdelay $0x1  }
0xd2: {  	v3 =	vmul.f32 v6, v3  }
0xd3: {  	v5 =	vmul.f32 v7, v5  }
0xd4: {  	s5 =	smul.u32 $0x3C0, s1;
	[tilespmem:s2+$0x9C40] =	vst v3;
	v2 =	vmul.f32 v2, v4  }
0xd5: {  	[tilespmem:s2+$0x9C50] =	vst v5;
	v1 =	vmul.f32 v1, v8  }
0xd6: {  	s5 =	sshra.s32 s5, $0x2;
	[tilespmem:s2+$0x9C60] =	vst v2  }
0xd7: {  	p2 =	seq.s32 s1, $0x0;
	s17 =	sadd.s32 $0x4E20, s5;
	[tilespmem:s2+$0x9C70] =	vst v1  }
0xd8: {  	[spmem:s4] =	stream.indirect.scatter.add.f32 [tilespmem:s19], [sflag:$0xA], $0x40, s17, s21, $0xb8;
	[tilespmem:$0x1EB40] =	vst v63  }
0xd9: {  	s13 =	rddreg [dreg:$0x4];
	s2 =	simm.s32 @!p2 $0xC  }
0xda: {  	[spmem:s13] =	stream.indirect.scatter.add.f32 [tilespmem:s11], [sflag:$0xD], $0x10, s17, s21, $0xb8;
	[tilespmem:$0x1EB40] =	vst v63  }
0xdb: {  	_ =	swait.ge @!p2 [sflag:s2], $0x1400  }
0xdc: {  	[sflag:s2] =	ssyncset.done @!p2 $0x0  }
0xdd: {  	s13 =	simm.s32 @!p2 $0xF;
	[sflag:s2] =	ssyncadd.s32 @!p2 $0xFFFFEC00  }
0xde: {  	s2 =	smul.u32 $0xF0, s1;
	_ =	swait.ge @!p2 [sflag:s13], $0x500  }
0xdf: {  	[sflag:s13] =	ssyncset.done @!p2 $0x0  }
0xe0: {  	s24 =	sadd.s32 $0xA0, s2;
	[sflag:s13] =	ssyncadd.s32 @!p2 $0xFFFFFB00  }
0xe1: {  	s13 =	sadd.s32 s7, s24;
	s17 =	rddreg [dreg:$0x1]  }
0xe2: {  	[tilespmem:s12], [sflag:$0x3] =	stream.indirect.gather [hbm4b:s17+s21], $0x40, s24, s21, $0xb8;
	[tilespmem:$0x1EB40] =	vst v63  }
0xe3: {  	s24 =	sshll.u32 s13, $0x4  }
0xe4: {  	s13 =	sshll.u32 s13, $0x1;
	s17 =	sadd.s32 s25, s24;
	s24 =	simm.s32 $0x10040  }
0xe5: {  	[tilespmem:s24], [sflag:$0x6] =	stream.strided.gather [hbm4b:s17+s22], $0x1400, s23, s22, $0x38;
	[tilespmem:$0x1EB40] =	vst v63  }
0xe6: {  	s13 =	sadd.s32 s0, s13;
	s17 =	simm.s32 $0x0;
	s24 =	simm.s32 $0x11E40  }
0xe7: {  	[tilespmem:s24], [sflag:$0x9] =	stream.linear.gather [hbm4b:s13+s17], $0x500, $0x38;
	[tilespmem:$0x1EB40] =	vst v63  }
0xe8: {  	_ =	swait.ge [sflag:s15], $0x1400  }
0xe9: {  	[sflag:s15] =	ssyncset.done $0x0  }
0xea: {  	[sflag:s15] =	ssyncadd.s32 $0xFFFFEC00  }
0xeb: {  	_ =	swait.ge [sflag:s16], $0x1400  }
0xec: {  	[sflag:s16] =	ssyncset.done $0x0  }
0xed: {  	s24 =	simm.s32 $0x8;
	[sflag:s16] =	ssyncadd.s32 $0xFFFFEC00  }
0xee: {  	_ =	swait.ge [sflag:s24], $0x500  }
0xef: {  	[sflag:s24] =	ssyncset.done $0x0  }
0xf0: {  	s17 =	simm.s32 $0x0;
	[sflag:s24] =	ssyncadd.s32 $0xFFFFFB00  }
0xf1: {  	v6 =	vld [tilespmem:s17+$0xEC40]  }
0xf2: {  	v7 =	vld [tilespmem:s17+$0xEC50]  }
0xf3: {  	v2 =	vld [tilespmem:s17+$0xEC60]  }
0xf4: {  	v1 =	vld [tilespmem:s17+$0xEC70]  }
0xf5: {  	v3 =	vld [tilespmem:s17+$0xB040]  }
0xf6: {  	v5 =	vld [tilespmem:s17+$0xB050]  }
0xf7: {  	s13 =	simm.s32 $0x100;
	v4 =	vld [tilespmem:s17+$0xB060]  }
.LBB2_10:
0xf8: {  	s24 =	sshra.s32 s13, $0x2;
	p2 =	sne.s32 s13, $0x4F00;
	v8 =	vld [tilespmem:s17+$0xB070];
	v9 =	vmov v2  }
0xf9: {  	v10 =	vld [tilespmem:s24+$0xEC40];
	v11 =	vmov v1  }
0xfa: {  	v12 =	vld [tilespmem:s24+$0xEC50];
	v3 =	vmul.f32 v6, v3  }
.Ltmp6:
0xfb: {  	v2 =	vld [tilespmem:s24+$0xEC60];
	v5 =	vmul.f32 v7, v5;
	(pc) =	sbr.rel @p2 .LBB2_10-.Ltmp6, $4  }
0xfc: {  	v1 =	vld [tilespmem:s24+$0xEC70];
	[tilespmem:s17+$0xB040] =	vst v3;
	v4 =	vmul.f32 v9, v4  }
0xfd: {  	v3 =	vld [tilespmem:s24+$0xB040];
	[tilespmem:s17+$0xB050] =	vst v5;
	v8 =	vmul.f32 v11, v8  }
0xfe: {  	v5 =	vld [tilespmem:s24+$0xB050];
	[tilespmem:s17+$0xB060] =	vst v4;
	v6 =	vmov v10  }
0xff: {  	s13 =	sadd.s32 $0x100, s13;
	v4 =	vld [tilespmem:s24+$0xB060];
	[tilespmem:s17+$0xB070] =	vst v8;
	v7 =	vmov v12;
	s17 =	smov.u32 s24  }
0x100: {  	v8 =	vld [tilespmem:s17+$0xB070];
	_ =	sdelay $0x1  }
0x101: {  	v3 =	vmul.f32 v6, v3  }
0x102: {  	v5 =	vmul.f32 v7, v5  }
0x103: {  	[tilespmem:s17+$0xB040] =	vst v3;
	v2 =	vmul.f32 v2, v4  }
0x104: {  	[tilespmem:s17+$0xB050] =	vst v5;
	v1 =	vmul.f32 v1, v8  }
0x105: {  	[tilespmem:s17+$0xB060] =	vst v2  }
0x106: {  	s13 =	sadd.s32 $0x4E70, s5;
	[tilespmem:s17+$0xB070] =	vst v1  }
0x107: {  	[spmem:s4] =	stream.indirect.scatter.add.f32 [tilespmem:s26], [sflag:$0xB], $0x40, s13, s21, $0xb8;
	[tilespmem:$0x1EB40] =	vst v63  }
0x108: {  	s24 =	simm.s32 $0x11940;
	s17 =	rddreg [dreg:$0x4]  }
0x109: {  	[spmem:s17] =	stream.indirect.scatter.add.f32 [tilespmem:s24], [sflag:$0xE], $0x10, s13, s21, $0xb8;
	[tilespmem:$0x1EB40] =	vst v63  }
0x10a: {  	_ =	swait.ge [sflag:s10], $0x1400  }
0x10b: {  	[sflag:s10] =	ssyncset.done $0x0  }
0x10c: {  	s17 =	simm.s32 $0xD;
	[sflag:s10] =	ssyncadd.s32 $0xFFFFEC00  }
0x10d: {  	_ =	swait.ge [sflag:s17], $0x500  }
0x10e: {  	[sflag:s17] =	ssyncset.done $0x0  }
0x10f: {  	[sflag:s17] =	ssyncadd.s32 $0xFFFFFB00  }
0x110: {  	s13 =	sadd.s32 $0xF0, s2;
	s24 =	rddreg [dreg:$0x1]  }
0x111: {  	[tilespmem:s19], [sflag:$0x1] =	stream.indirect.gather [hbm4b:s24+s21], $0x40, s13, s21, $0xb8;
	[tilespmem:$0x1EB40] =	vst v63  }
0x112: {  	s13 =	sadd.s32 s7, s13  }
0x113: {  	s24 =	sshll.u32 s13, $0x4  }
0x114: {  	s13 =	sshll.u32 s13, $0x1;
	s17 =	sadd.s32 s25, s24  }
0x115: {  	[tilespmem:s6], [sflag:$0x4] =	stream.strided.gather [hbm4b:s17+s22], $0x1400, s23, s22, $0x38;
	[tilespmem:$0x1EB40] =	vst v63  }
0x116: {  	s13 =	sadd.s32 s0, s13;
	s24 =	simm.s32 $0x0  }
0x117: {  	[tilespmem:s11], [sflag:$0x7] =	stream.linear.gather [hbm4b:s13+s24], $0x500, $0x38;
	[tilespmem:$0x1EB40] =	vst v63  }
0x118: {  	_ =	swait.ge [sflag:s9], $0x1400  }
0x119: {  	[sflag:s9] =	ssyncset.done $0x0  }
0x11a: {  	[sflag:s9] =	ssyncadd.s32 $0xFFFFEC00  }
0x11b: {  	_ =	swait.ge [sflag:s31], $0x1400  }
0x11c: {  	[sflag:s31] =	ssyncset.done $0x0  }
0x11d: {  	s24 =	simm.s32 $0x9;
	[sflag:s31] =	ssyncadd.s32 $0xFFFFEC00  }
0x11e: {  	_ =	swait.ge [sflag:s24], $0x500  }
0x11f: {  	[sflag:s24] =	ssyncset.done $0x0  }
0x120: {  	s17 =	simm.s32 $0x0;
	[sflag:s24] =	ssyncadd.s32 $0xFFFFFB00  }
0x121: {  	v6 =	vld [tilespmem:s17+$0x10040]  }
0x122: {  	v7 =	vld [tilespmem:s17+$0x10050]  }
0x123: {  	v2 =	vld [tilespmem:s17+$0x10060]  }
0x124: {  	v1 =	vld [tilespmem:s17+$0x10070]  }
0x125: {  	v3 =	vld [tilespmem:s17+$0xC440]  }
0x126: {  	v5 =	vld [tilespmem:s17+$0xC450]  }
0x127: {  	s13 =	simm.s32 $0x100;
	v4 =	vld [tilespmem:s17+$0xC460]  }
.LBB2_12:
0x128: {  	s24 =	sshra.s32 s13, $0x2;
	p2 =	sne.s32 s13, $0x4F00;
	v8 =	vld [tilespmem:s17+$0xC470];
	v9 =	vmov v2  }
0x129: {  	v10 =	vld [tilespmem:s24+$0x10040];
	v11 =	vmov v1  }
0x12a: {  	v12 =	vld [tilespmem:s24+$0x10050];
	v3 =	vmul.f32 v6, v3  }
.Ltmp7:
0x12b: {  	v2 =	vld [tilespmem:s24+$0x10060];
	v5 =	vmul.f32 v7, v5;
	(pc) =	sbr.rel @p2 .LBB2_12-.Ltmp7, $4  }
0x12c: {  	v1 =	vld [tilespmem:s24+$0x10070];
	[tilespmem:s17+$0xC440] =	vst v3;
	v4 =	vmul.f32 v9, v4  }
0x12d: {  	v3 =	vld [tilespmem:s24+$0xC440];
	[tilespmem:s17+$0xC450] =	vst v5;
	v8 =	vmul.f32 v11, v8  }
0x12e: {  	v5 =	vld [tilespmem:s24+$0xC450];
	[tilespmem:s17+$0xC460] =	vst v4;
	v6 =	vmov v10  }
0x12f: {  	s13 =	sadd.s32 $0x100, s13;
	v4 =	vld [tilespmem:s24+$0xC460];
	[tilespmem:s17+$0xC470] =	vst v8;
	v7 =	vmov v12;
	s17 =	smov.u32 s24  }
0x130: {  	v8 =	vld [tilespmem:s17+$0xC470];
	_ =	sdelay $0x1  }
0x131: {  	v3 =	vmul.f32 v6, v3  }
0x132: {  	v5 =	vmul.f32 v7, v5  }
0x133: {  	[tilespmem:s17+$0xC440] =	vst v3;
	v2 =	vmul.f32 v2, v4  }
0x134: {  	[tilespmem:s17+$0xC450] =	vst v5;
	v1 =	vmul.f32 v1, v8  }
0x135: {  	[tilespmem:s17+$0xC460] =	vst v2  }
0x136: {  	s5 =	sadd.s32 $0x4EC0, s5;
	[tilespmem:s17+$0xC470] =	vst v1  }
0x137: {  	[spmem:s4] =	stream.indirect.scatter.add.f32 [tilespmem:s12], [sflag:$0xC], $0x40, s5, s21, $0xb8;
	[tilespmem:$0x1EB40] =	vst v63  }
0x138: {  	s13 =	rddreg [dreg:$0x4];
	s24 =	simm.s32 $0x11E40  }
0x139: {  	[spmem:s13] =	stream.indirect.scatter.add.f32 [tilespmem:s24], [sflag:$0xF], $0x10, s5, s21, $0xb8;
	[tilespmem:$0x1EB40] =	vst v63  }
0x13a: {  	p2 =	seq.s32 s1, $0x52;
	_ =	swait.ge [sflag:s14], $0x1400  }
.Ltmp8:
0x13b: {  	[sflag:s14] =	ssyncset.done $0x0;
	(pc) =	sbr.rel @p2 .LBB2_15-.Ltmp8, $4  }
0x13c: {  	s24 =	simm.s32 $0xE;
	[sflag:s14] =	ssyncadd.s32 $0xFFFFEC00  }
0x13d: {  	_ =	swait.ge [sflag:s24], $0x500  }
0x13e: {  	[sflag:s24] =	ssyncset.done $0x0  }
0x13f: {  	[sflag:s24] =	ssyncadd.s32 $0xFFFFFB00  }
0x140: {  	s2 =	sadd.s32 $0x140, s2;
	s5 =	rddreg [dreg:$0x1]  }
0x141: {  	[tilespmem:s26], [sflag:$0x2] =	stream.indirect.gather [hbm4b:s5+s21], $0x40, s2, s21, $0xb8;
	[tilespmem:$0x1EB40] =	vst v63  }
0x142: {  	s2 =	sadd.s32 s7, s2  }
.Ltmp9:
0x143: {  	s17 =	simm.s32 $0x0;
	s13 =	sshll.u32 s2, $0x4;
	(pc) =	sbr.rel .LBB2_7-.Ltmp9, $4  }
0x144: {  	s2 =	sshll.u32 s2, $0x1;
	s5 =	sadd.s32 s25, s13;
	s13 =	simm.s32 $0xEC40  }
0x145: {  	[tilespmem:s13], [sflag:$0x5] =	stream.strided.gather [hbm4b:s5+s22], $0x1400, s23, s22, $0x38;
	[tilespmem:$0x1EB40] =	vst v63  }
0x146: {  	s24 =	simm.s32 $0x11940;
	s1 =	sadd.s32 $0x1, s1;
	s2 =	sadd.s32 s0, s2  }
0x147: {  	[tilespmem:s24], [sflag:$0x8] =	stream.linear.gather [hbm4b:s2+s17], $0x500, $0x38;
	[tilespmem:$0x1EB40] =	vst v63  }
.LBB2_18:
0x148: {  	s2 =	rddreg [dreg:$0x2]  }
0x149: {  	[tilespmem:s19], [sflag:$0x1] =	stream.indirect.gather [hbm4b:s2+s21], $0x40, s1, s21, $0xb8;
	[tilespmem:$0x1EB40] =	vst v63  }
0x14a: {  	s5 =	rddreg [dreg:$0x19]  }
0x14b: {  	[tilespmem:s11], [sflag:$0x4] =	stream.strided.gather [hbm4b:s5+s22], $0x1400, s23, s22, $0x38;
	[tilespmem:$0x1EB40] =	vst v63  }
0x14c: {  	_ = 	snop  }
0x14d: {  	[tilespmem:s26], [sflag:$0x2] =	stream.indirect.gather [hbm4b:s2+s21], $0x40, s21, s21, $0xb8;
	[tilespmem:$0x1EB40] =	vst v63  }
0x14e: {  	s17 =	rddreg [dreg:$0x18];
	s24 =	simm.s32 $0xEC40  }
0x14f: {  	[tilespmem:s24], [sflag:$0x5] =	stream.strided.gather [hbm4b:s17+s22], $0x1400, s23, s22, $0x38;
	[tilespmem:$0x1EB40] =	vst v63  }
.LBB2_19:
0x150: {  	_ =	swait.ge [sflag:s3], $0x1400  }
0x151: {  	[sflag:s3] =	ssyncset.done $0x0  }
0x152: {  	[sflag:s3] =	ssyncadd.s32 $0xFFFFEC00  }
0x153: {  	_ =	swait.ge [sflag:s18], $0x1400  }
0x154: {  	[sflag:s18] =	ssyncset.done $0x0  }
0x155: {  	s2 =	simm.s32 $0x0;
	[sflag:s18] =	ssyncadd.s32 $0xFFFFEC00  }
0x156: {  	v6 =	vld [tilespmem:s2+$0xD840]  }
0x157: {  	v7 =	vld [tilespmem:s2+$0xD850]  }
0x158: {  	v2 =	vld [tilespmem:s2+$0xD860]  }
0x159: {  	v1 =	vld [tilespmem:s2+$0xD870]  }
0x15a: {  	v3 =	vld [tilespmem:s2+$0x9C40]  }
0x15b: {  	v5 =	vld [tilespmem:s2+$0x9C50]  }
0x15c: {  	s5 =	simm.s32 $0x100;
	v4 =	vld [tilespmem:s2+$0x9C60]  }
.LBB2_20:
0x15d: {  	s13 =	sshra.s32 s5, $0x2;
	p2 =	sne.s32 s5, $0x4F00;
	v8 =	vld [tilespmem:s2+$0x9C70];
	v9 =	vmov v2  }
0x15e: {  	v10 =	vld [tilespmem:s13+$0xD840];
	v11 =	vmov v1  }
0x15f: {  	v12 =	vld [tilespmem:s13+$0xD850];
	v3 =	vmul.f32 v6, v3  }
.Ltmp10:
0x160: {  	v2 =	vld [tilespmem:s13+$0xD860];
	v5 =	vmul.f32 v7, v5;
	(pc) =	sbr.rel @p2 .LBB2_20-.Ltmp10, $4  }
0x161: {  	v1 =	vld [tilespmem:s13+$0xD870];
	[tilespmem:s2+$0x9C40] =	vst v3;
	v4 =	vmul.f32 v9, v4  }
0x162: {  	v3 =	vld [tilespmem:s13+$0x9C40];
	[tilespmem:s2+$0x9C50] =	vst v5;
	v8 =	vmul.f32 v11, v8  }
0x163: {  	v5 =	vld [tilespmem:s13+$0x9C50];
	[tilespmem:s2+$0x9C60] =	vst v4;
	v6 =	vmov v10  }
0x164: {  	s5 =	sadd.s32 $0x100, s5;
	v4 =	vld [tilespmem:s13+$0x9C60];
	[tilespmem:s2+$0x9C70] =	vst v8;
	v7 =	vmov v12;
	s2 =	smov.u32 s13  }
0x165: {  	v8 =	vld [tilespmem:s2+$0x9C70];
	_ =	sdelay $0x1  }
0x166: {  	v3 =	vmul.f32 v6, v3  }
0x167: {  	v5 =	vmul.f32 v7, v5  }
0x168: {  	s5 =	smul.u32 $0x3C0, s1;
	[tilespmem:s2+$0x9C40] =	vst v3;
	v2 =	vmul.f32 v2, v4  }
0x169: {  	[tilespmem:s2+$0x9C50] =	vst v5;
	v1 =	vmul.f32 v1, v8  }
0x16a: {  	p2 =	seq.s32 s1, $0x0;
	s5 =	sshra.s32 s5, $0x2;
	[tilespmem:s2+$0x9C60] =	vst v2  }
0x16b: {  	s13 =	simm.s32 @!p2 $0xC;
	s17 =	sadd.s32 $0x4E20, s5;
	[tilespmem:s2+$0x9C70] =	vst v1;
	s2 =	smul.u32 $0xF0, s1  }
0x16c: {  	[spmem:s4] =	stream.indirect.scatter.add.f32 [tilespmem:s19], [sflag:$0xA], $0x40, s17, s21, $0xb8;
	[tilespmem:$0x1EB40] =	vst v63  }
0x16d: {  	_ =	swait.ge @!p2 [sflag:s13], $0x1400  }
0x16e: {  	s24 =	sadd.s32 $0xA0, s2;
	[sflag:s13] =	ssyncset.done @!p2 $0x0  }
0x16f: {  	[sflag:s13] =	ssyncadd.s32 @!p2 $0xFFFFEC00;
	s13 =	sadd.s32 s7, s24  }
0x170: {  	s17 =	rddreg [dreg:$0x2];
	s13 =	sshll.u32 s13, $0x4  }
0x171: {  	[tilespmem:s12], [sflag:$0x3] =	stream.indirect.gather [hbm4b:s17+s21], $0x40, s24, s21, $0xb8;
	[tilespmem:$0x1EB40] =	vst v63  }
0x172: {  	s6 =	simm.s32 $0x10040;
	s13 =	sadd.s32 s13, s29  }
0x173: {  	[tilespmem:s6], [sflag:$0x6] =	stream.strided.gather [hbm4b:s13+s22], $0x1400, s23, s22, $0x38;
	[tilespmem:$0x1EB40] =	vst v63  }
0x174: {  	_ =	swait.ge [sflag:s15], $0x1400  }
0x175: {  	[sflag:s15] =	ssyncset.done $0x0  }
0x176: {  	[sflag:s15] =	ssyncadd.s32 $0xFFFFEC00  }
0x177: {  	_ =	swait.ge [sflag:s16], $0x1400  }
0x178: {  	[sflag:s16] =	ssyncset.done $0x0  }
0x179: {  	s17 =	simm.s32 $0x0;
	[sflag:s16] =	ssyncadd.s32 $0xFFFFEC00  }
0x17a: {  	v6 =	vld [tilespmem:s17+$0xEC40]  }
0x17b: {  	v7 =	vld [tilespmem:s17+$0xEC50]  }
0x17c: {  	v2 =	vld [tilespmem:s17+$0xEC60]  }
0x17d: {  	v1 =	vld [tilespmem:s17+$0xEC70]  }
0x17e: {  	v3 =	vld [tilespmem:s17+$0xB040]  }
0x17f: {  	v5 =	vld [tilespmem:s17+$0xB050]  }
0x180: {  	s13 =	simm.s32 $0x100;
	v4 =	vld [tilespmem:s17+$0xB060]  }
.LBB2_22:
0x181: {  	s24 =	sshra.s32 s13, $0x2;
	p2 =	sne.s32 s13, $0x4F00;
	v8 =	vld [tilespmem:s17+$0xB070];
	v9 =	vmov v2  }
0x182: {  	v10 =	vld [tilespmem:s24+$0xEC40];
	v11 =	vmov v1  }
0x183: {  	v12 =	vld [tilespmem:s24+$0xEC50];
	v3 =	vmul.f32 v6, v3  }
.Ltmp11:
0x184: {  	v2 =	vld [tilespmem:s24+$0xEC60];
	v5 =	vmul.f32 v7, v5;
	(pc) =	sbr.rel @p2 .LBB2_22-.Ltmp11, $4  }
0x185: {  	v1 =	vld [tilespmem:s24+$0xEC70];
	[tilespmem:s17+$0xB040] =	vst v3;
	v4 =	vmul.f32 v9, v4  }
0x186: {  	v3 =	vld [tilespmem:s24+$0xB040];
	[tilespmem:s17+$0xB050] =	vst v5;
	v8 =	vmul.f32 v11, v8  }
0x187: {  	v5 =	vld [tilespmem:s24+$0xB050];
	[tilespmem:s17+$0xB060] =	vst v4;
	v6 =	vmov v10  }
0x188: {  	s13 =	sadd.s32 $0x100, s13;
	v4 =	vld [tilespmem:s24+$0xB060];
	[tilespmem:s17+$0xB070] =	vst v8;
	v7 =	vmov v12;
	s17 =	smov.u32 s24  }
0x189: {  	v8 =	vld [tilespmem:s17+$0xB070];
	_ =	sdelay $0x1  }
0x18a: {  	v3 =	vmul.f32 v6, v3  }
0x18b: {  	v5 =	vmul.f32 v7, v5  }
0x18c: {  	[tilespmem:s17+$0xB040] =	vst v3;
	v2 =	vmul.f32 v2, v4  }
0x18d: {  	[tilespmem:s17+$0xB050] =	vst v5;
	v1 =	vmul.f32 v1, v8  }
0x18e: {  	[tilespmem:s17+$0xB060] =	vst v2  }
0x18f: {  	s13 =	sadd.s32 $0x4E70, s5;
	[tilespmem:s17+$0xB070] =	vst v1  }
0x190: {  	[spmem:s4] =	stream.indirect.scatter.add.f32 [tilespmem:s26], [sflag:$0xB], $0x40, s13, s21, $0xb8;
	[tilespmem:$0x1EB40] =	vst v63  }
0x191: {  	_ =	swait.ge [sflag:s10], $0x1400  }
0x192: {  	s6 =	sadd.s32 $0xF0, s2;
	[sflag:s10] =	ssyncset.done $0x0  }
0x193: {  	s13 =	sadd.s32 s7, s6;
	[sflag:s10] =	ssyncadd.s32 $0xFFFFEC00  }
0x194: {  	s13 =	sshll.u32 s13, $0x4;
	s24 =	rddreg [dreg:$0x2]  }
0x195: {  	[tilespmem:s19], [sflag:$0x1] =	stream.indirect.gather [hbm4b:s24+s21], $0x40, s6, s21, $0xb8;
	[tilespmem:$0x1EB40] =	vst v63  }
0x196: {  	s13 =	sadd.s32 s13, s29  }
0x197: {  	[tilespmem:s11], [sflag:$0x4] =	stream.strided.gather [hbm4b:s13+s22], $0x1400, s23, s22, $0x38;
	[tilespmem:$0x1EB40] =	vst v63  }
0x198: {  	_ =	swait.ge [sflag:s9], $0x1400  }
0x199: {  	[sflag:s9] =	ssyncset.done $0x0  }
0x19a: {  	[sflag:s9] =	ssyncadd.s32 $0xFFFFEC00  }
0x19b: {  	_ =	swait.ge [sflag:s31], $0x1400  }
0x19c: {  	[sflag:s31] =	ssyncset.done $0x0  }
0x19d: {  	s17 =	simm.s32 $0x0;
	[sflag:s31] =	ssyncadd.s32 $0xFFFFEC00  }
0x19e: {  	v6 =	vld [tilespmem:s17+$0x10040]  }
0x19f: {  	v7 =	vld [tilespmem:s17+$0x10050]  }
0x1a0: {  	v2 =	vld [tilespmem:s17+$0x10060]  }
0x1a1: {  	v1 =	vld [tilespmem:s17+$0x10070]  }
0x1a2: {  	v3 =	vld [tilespmem:s17+$0xC440]  }
0x1a3: {  	v5 =	vld [tilespmem:s17+$0xC450]  }
0x1a4: {  	s13 =	simm.s32 $0x100;
	v4 =	vld [tilespmem:s17+$0xC460]  }
.LBB2_24:
0x1a5: {  	s24 =	sshra.s32 s13, $0x2;
	p2 =	sne.s32 s13, $0x4F00;
	v8 =	vld [tilespmem:s17+$0xC470];
	v9 =	vmov v2  }
0x1a6: {  	v10 =	vld [tilespmem:s24+$0x10040];
	v11 =	vmov v1  }
0x1a7: {  	v12 =	vld [tilespmem:s24+$0x10050];
	v3 =	vmul.f32 v6, v3  }
.Ltmp12:
0x1a8: {  	v2 =	vld [tilespmem:s24+$0x10060];
	v5 =	vmul.f32 v7, v5;
	(pc) =	sbr.rel @p2 .LBB2_24-.Ltmp12, $4  }
0x1a9: {  	v1 =	vld [tilespmem:s24+$0x10070];
	[tilespmem:s17+$0xC440] =	vst v3;
	v4 =	vmul.f32 v9, v4  }
0x1aa: {  	v3 =	vld [tilespmem:s24+$0xC440];
	[tilespmem:s17+$0xC450] =	vst v5;
	v8 =	vmul.f32 v11, v8  }
0x1ab: {  	v5 =	vld [tilespmem:s24+$0xC450];
	[tilespmem:s17+$0xC460] =	vst v4;
	v6 =	vmov v10  }
0x1ac: {  	s13 =	sadd.s32 $0x100, s13;
	v4 =	vld [tilespmem:s24+$0xC460];
	[tilespmem:s17+$0xC470] =	vst v8;
	v7 =	vmov v12;
	s17 =	smov.u32 s24  }
0x1ad: {  	v8 =	vld [tilespmem:s17+$0xC470];
	_ =	sdelay $0x1  }
0x1ae: {  	v3 =	vmul.f32 v6, v3  }
0x1af: {  	v5 =	vmul.f32 v7, v5  }
0x1b0: {  	[tilespmem:s17+$0xC440] =	vst v3;
	v2 =	vmul.f32 v2, v4  }
0x1b1: {  	[tilespmem:s17+$0xC450] =	vst v5;
	v1 =	vmul.f32 v1, v8  }
0x1b2: {  	p2 =	seq.s32 s1, $0x52;
	[tilespmem:s17+$0xC460] =	vst v2  }
.Ltmp13:
0x1b3: {  	s5 =	sadd.s32 $0x4EC0, s5;
	[tilespmem:s17+$0xC470] =	vst v1;
	(pc) =	sbr.rel @p2 .LBB2_27-.Ltmp13, $4  }
0x1b4: {  	[spmem:s4] =	stream.indirect.scatter.add.f32 [tilespmem:s12], [sflag:$0xC], $0x40, s5, s21, $0xb8;
	[tilespmem:$0x1EB40] =	vst v63  }
0x1b5: {  	_ =	swait.ge [sflag:s14], $0x1400  }
0x1b6: {  	[sflag:s14] =	ssyncset.done $0x0  }
0x1b7: {  	[sflag:s14] =	ssyncadd.s32 $0xFFFFEC00  }
0x1b8: {  	s2 =	sadd.s32 $0x140, s2;
	s5 =	rddreg [dreg:$0x2]  }
0x1b9: {  	[tilespmem:s26], [sflag:$0x2] =	stream.indirect.gather [hbm4b:s5+s21], $0x40, s2, s21, $0xb8;
	[tilespmem:$0x1EB40] =	vst v63  }
.Ltmp14:
0x1ba: {  	_ = 	snop;
	(pc) =	sbr.rel .LBB2_19-.Ltmp14, $4  }
0x1bb: {  	s2 =	sadd.s32 s7, s2  }
0x1bc: {  	s2 =	sshll.u32 s2, $0x4  }
0x1bd: {  	s24 =	simm.s32 $0xEC40;
	s1 =	sadd.s32 $0x1, s1;
	s2 =	sadd.s32 s2, s29  }
0x1be: {  	[tilespmem:s24], [sflag:$0x5] =	stream.strided.gather [hbm4b:s2+s22], $0x1400, s23, s22, $0x38;
	[tilespmem:$0x1EB40] =	vst v63  }
.LBB2_15:
0x1bf: {  	_ =	swait.ge [sflag:s3], $0x1400  }
0x1c0: {  	[sflag:s3] =	ssyncset.done $0x0  }
0x1c1: {  	[sflag:s3] =	ssyncadd.s32 $0xFFFFEC00  }
0x1c2: {  	_ =	swait.ge [sflag:s18], $0x1400  }
0x1c3: {  	[sflag:s18] =	ssyncset.done $0x0  }
0x1c4: {  	s1 =	simm.s32 $0x7;
	[sflag:s18] =	ssyncadd.s32 $0xFFFFEC00  }
0x1c5: {  	_ =	swait.ge [sflag:s1], $0x500  }
0x1c6: {  	[sflag:s1] =	ssyncset.done $0x0  }
0x1c7: {  	[sflag:s1] =	ssyncadd.s32 $0xFFFFFB00;
	s1 =	simm.s32 $0x0  }
0x1c8: {  	v6 =	vld [tilespmem:s1+$0xD840]  }
0x1c9: {  	v7 =	vld [tilespmem:s1+$0xD850]  }
0x1ca: {  	v2 =	vld [tilespmem:s1+$0xD860]  }
0x1cb: {  	v1 =	vld [tilespmem:s1+$0xD870]  }
0x1cc: {  	v3 =	vld [tilespmem:s1+$0x9C40]  }
0x1cd: {  	v5 =	vld [tilespmem:s1+$0x9C50]  }
0x1ce: {  	s2 =	simm.s32 $0x100;
	v4 =	vld [tilespmem:s1+$0x9C60]  }
.LBB2_16:
0x1cf: {  	s5 =	sshra.s32 s2, $0x2;
	p2 =	sne.s32 s2, $0x4F00;
	v8 =	vld [tilespmem:s1+$0x9C70];
	v9 =	vmov v2  }
0x1d0: {  	v10 =	vld [tilespmem:s5+$0xD840];
	v11 =	vmov v1  }
0x1d1: {  	v12 =	vld [tilespmem:s5+$0xD850];
	v3 =	vmul.f32 v6, v3  }
.Ltmp15:
0x1d2: {  	v2 =	vld [tilespmem:s5+$0xD860];
	v5 =	vmul.f32 v7, v5;
	(pc) =	sbr.rel @p2 .LBB2_16-.Ltmp15, $4  }
0x1d3: {  	v1 =	vld [tilespmem:s5+$0xD870];
	[tilespmem:s1+$0x9C40] =	vst v3;
	v4 =	vmul.f32 v9, v4  }
0x1d4: {  	v3 =	vld [tilespmem:s5+$0x9C40];
	[tilespmem:s1+$0x9C50] =	vst v5;
	v8 =	vmul.f32 v11, v8  }
0x1d5: {  	v5 =	vld [tilespmem:s5+$0x9C50];
	[tilespmem:s1+$0x9C60] =	vst v4;
	v6 =	vmov v10  }
0x1d6: {  	s2 =	sadd.s32 $0x100, s2;
	v4 =	vld [tilespmem:s5+$0x9C60];
	[tilespmem:s1+$0x9C70] =	vst v8;
	v7 =	vmov v12;
	s1 =	smov.u32 s5  }
0x1d7: {  	v8 =	vld [tilespmem:s1+$0x9C70];
	_ =	sdelay $0x1  }
0x1d8: {  	v3 =	vmul.f32 v6, v3  }
0x1d9: {  	v5 =	vmul.f32 v7, v5  }
0x1da: {  	[tilespmem:s1+$0x9C40] =	vst v3;
	v2 =	vmul.f32 v2, v4  }
0x1db: {  	[tilespmem:s1+$0x9C50] =	vst v5;
	v1 =	vmul.f32 v1, v8  }
0x1dc: {  	[tilespmem:s1+$0x9C60] =	vst v2  }
0x1dd: {  	s2 =	simm.s32 $0x9BF0;
	[tilespmem:s1+$0x9C70] =	vst v1  }
0x1de: {  	[spmem:s4] =	stream.indirect.scatter.add.f32 [tilespmem:s19], [sflag:$0xA], $0x40, s2, s21, $0xb8;
	[tilespmem:$0x1EB40] =	vst v63  }
0x1df: {  	s24 =	rddreg [dreg:$0x4]  }
0x1e0: {  	[spmem:s24] =	stream.indirect.scatter.add.f32 [tilespmem:s11], [sflag:$0xD], $0x10, s2, s21, $0xb8;
	[tilespmem:$0x1EB40] =	vst v63  }
0x1e1: {  	_ =	swait.ge [sflag:s20], $0x1400  }
0x1e2: {  	[sflag:s20] =	ssyncset.done $0x0  }
0x1e3: {  	s5 =	simm.s32 $0xF;
	[sflag:s20] =	ssyncadd.s32 $0xFFFFEC00  }
0x1e4: {  	_ =	swait.ge [sflag:s5], $0x500  }
0x1e5: {  	[sflag:s5] =	ssyncset.done $0x0  }
0x1e6: {  	[sflag:s5] =	ssyncadd.s32 $0xFFFFFB00  }
0x1e7: {  	_ =	swait.ge [sflag:s10], $0x1400  }
0x1e8: {  	[sflag:s10] =	ssyncset.done $0x0  }
0x1e9: {  	s6 =	simm.s32 $0xD;
	[sflag:s10] =	ssyncadd.s32 $0xFFFFEC00  }
0x1ea: {  	_ =	swait.ge [sflag:s6], $0x500  }
0x1eb: {  	[sflag:s6] =	ssyncset.done $0x0  }
0x1ec: {  	[sflag:s6] =	ssyncadd.s32 $0xFFFFFB00  }
0x1ed: {  	[bflag:$0x0] =	sbarrier.arrive $0xFFFF  }
0x1ee: {  	s2 =	sld [smem:$0x7F9]  }
0x1ef: {  	s5 =	sld [smem:$0x7F1];
	_ =	sdelay $0x1  }
0x1f0: {  	s1 =	simm.s32 @p1 $0x1FD0  }
0x1f1: {  	[hbm:s2], [sflag:s1] =	dma.local @p1 [spmem:s5], $0xC80  }
0x1f2: {  	s1 =	simm.s32 @p1 $0x10  }
0x1f3: {  	_ =	swait.ge @p1 [sflag:s1], $0xC80  }
0x1f4: {  	s2 =	sld [smem:$0x7F2]  }
0x1f5: {  	s5 =	sld [smem:$0x7F3]  }
0x1f6: {  	[sflag:s1] =	ssyncset.done @p1 $0x0  }
0x1f7: {  	[sflag:s1] =	ssyncadd.s32 @p1 $0xFFFFF380;
	s1 =	rddreg [dreg:$0x1f]  }
0x1f8: {  	[hbm:s1], [sflag:s5] =	dma.local @!p1 [spmem:s2], $0x1400  }
0x1f9: {  	s1 =	simm.s32 @!p1 $0x10  }
0x1fa: {  	_ =	swait.ge @!p1 [sflag:s1], $0x1400  }
0x1fb: {  	s13 =	rddreg [dreg:$0xe]  }
0x1fc: {  	s11 =	stileid.u32;
	[sflag:s1] =	ssyncset.done @!p1 $0x0;
	s17 =	rddreg [dreg:$0x10]  }
0x1fd: {  	s24 =	rddreg [dreg:$0x1d];
	[sflag:s1] =	ssyncadd.s32 @!p1 $0xFFFFEC00;
	s1 =	sshll.u32 s11, $0x6  }
.Ltmp16:
0x1fe: {  	s2 =	sshrl.u32 s17, $0x3;
	s1 =	sor.u32 $0x1C10, s1;
	(pc) =	sbr.rel .LBB2_30-.Ltmp16, $4  }
0x1ff: {  	[hbm:s24], [sflag:s1] =	dma.local [spmem:s2], $0x500  }
0x200: {  	_ =	swait.ge [sflag:s8], $0x500  }
0x201: {  	[sflag:s8] =	ssyncset.done $0x0  }
0x202: {  	s11 =	simm.s32 $0xD840;
	[sflag:s8] =	ssyncadd.s32 $0xFFFFFB00  }
.LBB2_27:
0x203: {  	_ =	swait.ge [sflag:s3], $0x1400  }
0x204: {  	[sflag:s3] =	ssyncset.done $0x0  }
0x205: {  	[sflag:s3] =	ssyncadd.s32 $0xFFFFEC00  }
0x206: {  	_ =	swait.ge [sflag:s18], $0x1400  }
0x207: {  	[sflag:s18] =	ssyncset.done $0x0  }
0x208: {  	s1 =	simm.s32 $0x0;
	[sflag:s18] =	ssyncadd.s32 $0xFFFFEC00  }
0x209: {  	v6 =	vld [tilespmem:s1+$0xD840]  }
0x20a: {  	v7 =	vld [tilespmem:s1+$0xD850]  }
0x20b: {  	v2 =	vld [tilespmem:s1+$0xD860]  }
0x20c: {  	v1 =	vld [tilespmem:s1+$0xD870]  }
0x20d: {  	v3 =	vld [tilespmem:s1+$0x9C40]  }
0x20e: {  	v5 =	vld [tilespmem:s1+$0x9C50]  }
0x20f: {  	s2 =	simm.s32 $0x100;
	v4 =	vld [tilespmem:s1+$0x9C60]  }
.LBB2_28:
0x210: {  	s5 =	sshra.s32 s2, $0x2;
	p2 =	sne.s32 s2, $0x4F00;
	v8 =	vld [tilespmem:s1+$0x9C70];
	v9 =	vmov v2  }
0x211: {  	v10 =	vld [tilespmem:s5+$0xD840];
	v11 =	vmov v1  }
0x212: {  	v12 =	vld [tilespmem:s5+$0xD850];
	v3 =	vmul.f32 v6, v3  }
.Ltmp17:
0x213: {  	v2 =	vld [tilespmem:s5+$0xD860];
	v5 =	vmul.f32 v7, v5;
	(pc) =	sbr.rel @p2 .LBB2_28-.Ltmp17, $4  }
0x214: {  	v1 =	vld [tilespmem:s5+$0xD870];
	[tilespmem:s1+$0x9C40] =	vst v3;
	v4 =	vmul.f32 v9, v4  }
0x215: {  	v3 =	vld [tilespmem:s5+$0x9C40];
	[tilespmem:s1+$0x9C50] =	vst v5;
	v8 =	vmul.f32 v11, v8  }
0x216: {  	v5 =	vld [tilespmem:s5+$0x9C50];
	[tilespmem:s1+$0x9C60] =	vst v4;
	v6 =	vmov v10  }
0x217: {  	s2 =	sadd.s32 $0x100, s2;
	v4 =	vld [tilespmem:s5+$0x9C60];
	[tilespmem:s1+$0x9C70] =	vst v8;
	v7 =	vmov v12;
	s1 =	smov.u32 s5  }
0x218: {  	v8 =	vld [tilespmem:s1+$0x9C70];
	_ =	sdelay $0x1  }
0x219: {  	v3 =	vmul.f32 v6, v3  }
0x21a: {  	v5 =	vmul.f32 v7, v5  }
0x21b: {  	[tilespmem:s1+$0x9C40] =	vst v3;
	v2 =	vmul.f32 v2, v4  }
0x21c: {  	[tilespmem:s1+$0x9C50] =	vst v5;
	v1 =	vmul.f32 v1, v8  }
0x21d: {  	[tilespmem:s1+$0x9C60] =	vst v2  }
0x21e: {  	s24 =	simm.s32 $0x9BF0;
	[tilespmem:s1+$0x9C70] =	vst v1  }
0x21f: {  	[spmem:s4] =	stream.indirect.scatter.add.f32 [tilespmem:s19], [sflag:$0xA], $0x40, s24, s21, $0xb8;
	[tilespmem:$0x1EB40] =	vst v63  }
0x220: {  	_ =	swait.ge [sflag:s20], $0x1400  }
0x221: {  	[sflag:s20] =	ssyncset.done $0x0  }
0x222: {  	[sflag:s20] =	ssyncadd.s32 $0xFFFFEC00  }
0x223: {  	_ =	swait.ge [sflag:s10], $0x1400  }
0x224: {  	[sflag:s10] =	ssyncset.done $0x0  }
0x225: {  	[sflag:s10] =	ssyncadd.s32 $0xFFFFEC00  }
0x226: {  	[bflag:$0x0] =	sbarrier.arrive $0xFFFF  }
0x227: {  	s2 =	sld [smem:$0x7F8]  }
0x228: {  	s5 =	sld [smem:$0x7F1];
	_ =	sdelay $0x1  }
0x229: {  	s1 =	simm.s32 @p1 $0x1FD0  }
0x22a: {  	[hbm:s2], [sflag:s1] =	dma.local @p1 [spmem:s5], $0xC80  }
0x22b: {  	s1 =	simm.s32 @p1 $0x10  }
0x22c: {  	_ =	swait.ge @p1 [sflag:s1], $0xC80  }
0x22d: {  	s2 =	sld [smem:$0x7F2]  }
0x22e: {  	s5 =	sld [smem:$0x7F3]  }
0x22f: {  	[sflag:s1] =	ssyncset.done @p1 $0x0  }
0x230: {  	[sflag:s1] =	ssyncadd.s32 @p1 $0xFFFFF380;
	s1 =	rddreg [dreg:$0x1e]  }
0x231: {  	[hbm:s1], [sflag:s5] =	dma.local @!p1 [spmem:s2], $0x1400  }
0x232: {  	s1 =	simm.s32 @!p1 $0x10  }
0x233: {  	_ =	swait.ge @!p1 [sflag:s1], $0x1400  }
0x234: {  	[sflag:s1] =	ssyncset.done @!p1 $0x0  }
0x235: {  	s13 =	rddreg [dreg:$0xe];
	[sflag:s1] =	ssyncadd.s32 @!p1 $0xFFFFEC00  }
.LBB2_30:
0x236: {  	[bflag:$0x0] =	sbarrier.arrive $0xFFFF;
	s2 =	simm.s32 $0x100;
	s1 =	simm.s32 $0x0  }
.LBB2_31:
0x237: {  	p2 =	sne.s32 s2, $0x4F00;
	[tilespmem:s1+$0x9C70] =	vst v0;
	s5 =	smov.u32 s2;
	s2 =	sadd.s32 $0x100, s2  }
.Ltmp18:
0x238: {  	[tilespmem:s1+$0x9C60] =	vst v0;
	(pc) =	sbr.rel @p2 .LBB2_31-.Ltmp18, $3  }
0x239: {  	[tilespmem:s1+$0x9C40] =	vst v0  }
0x23a: {  	[tilespmem:s1+$0x9C50] =	vst v0;
	_ =	sdelay $0x1  }
0x23b: {  	s1 =	sshra.s32 s5, $0x2  }
0x23c: {  	[tilespmem:s1+$0x9C70] =	vst v0  }
0x23d: {  	[tilespmem:s1+$0x9C60] =	vst v0  }
0x23e: {  	[tilespmem:s1+$0x9C40] =	vst v0  }
0x23f: {  	[tilespmem:s1+$0x9C50] =	vst v0;
	s17 =	rddreg [dreg:$0x8]  }
0x240: {  	[spmem:s17] =	stream.linear.scatter [tilespmem:s19], [sflag:$0x10], $0x1400, $0x38;
	[tilespmem:$0x1EB40] =	vst v63  }
0x241: {  	_ =	swait.ge [sflag:s8], $0x1400  }
0x242: {  	[sflag:s8] =	ssyncset.done $0x0  }
0x243: {  	s24 =	rddreg [dreg:$0x9];
	[sflag:s8] =	ssyncadd.s32 $0xFFFFEC00  }
0x244: {  	[spmem:s24] =	stream.linear.scatter [tilespmem:s19], [sflag:$0x10], $0x1400, $0x38;
	[tilespmem:$0x1EB40] =	vst v63  }
0x245: {  	_ =	swait.ge [sflag:s8], $0x1400  }
0x246: {  	[sflag:s8] =	ssyncset.done $0x0  }
0x247: {  	s2 =	rddreg [dreg:$0xa];
	[sflag:s8] =	ssyncadd.s32 $0xFFFFEC00  }
0x248: {  	[spmem:s2] =	stream.linear.scatter [tilespmem:s19], [sflag:$0x10], $0x1400, $0x38;
	[tilespmem:$0x1EB40] =	vst v63  }
0x249: {  	_ =	swait.ge [sflag:s8], $0x1400  }
0x24a: {  	[sflag:s8] =	ssyncset.done $0x0  }
0x24b: {  	s5 =	rddreg [dreg:$0xb];
	[sflag:s8] =	ssyncadd.s32 $0xFFFFEC00  }
0x24c: {  	[spmem:s5] =	stream.linear.scatter [tilespmem:s19], [sflag:$0x10], $0x1400, $0x38;
	[tilespmem:$0x1EB40] =	vst v63  }
0x24d: {  	_ =	swait.ge [sflag:s8], $0x1400  }
0x24e: {  	[sflag:s8] =	ssyncset.done $0x0  }
0x24f: {  	s6 =	rddreg [dreg:$0xc];
	[sflag:s8] =	ssyncadd.s32 $0xFFFFEC00  }
0x250: {  	[spmem:s6] =	stream.linear.scatter [tilespmem:s19], [sflag:$0x10], $0x1400, $0x38;
	[tilespmem:$0x1EB40] =	vst v63  }
0x251: {  	_ =	swait.ge [sflag:s8], $0x1400  }
0x252: {  	[sflag:s8] =	ssyncset.done $0x0  }
0x253: {  	s17 =	rddreg [dreg:$0xd];
	[sflag:s8] =	ssyncadd.s32 $0xFFFFEC00  }
0x254: {  	[spmem:s17] =	stream.linear.scatter [tilespmem:s19], [sflag:$0x10], $0x1400, $0x38;
	[tilespmem:$0x1EB40] =	vst v63  }
0x255: {  	_ =	swait.ge [sflag:s8], $0x1400  }
0x256: {  	[sflag:s8] =	ssyncset.done $0x0  }
0x257: {  	[sflag:s8] =	ssyncadd.s32 $0xFFFFEC00  }
0x258: {  	[spmem:s13] =	stream.linear.scatter [tilespmem:s19], [sflag:$0x10], $0x1400, $0x38;
	[tilespmem:$0x1EB40] =	vst v63  }
0x259: {  	_ =	swait.ge [sflag:s8], $0x1400  }
0x25a: {  	[sflag:s8] =	ssyncset.done $0x0  }
0x25b: {  	s24 =	rddreg [dreg:$0xf];
	[sflag:s8] =	ssyncadd.s32 $0xFFFFEC00  }
0x25c: {  	[spmem:s24] =	stream.linear.scatter [tilespmem:s19], [sflag:$0x10], $0x1400, $0x38;
	[tilespmem:$0x1EB40] =	vst v63  }
.Ltmp19:
0x25d: {  	_ =	swait.ge [sflag:s8], $0x1400;
	(pc) =	sbr.rel @p0 .LBB2_37-.Ltmp19, $4  }
0x25e: {  	[sflag:s8] =	ssyncset.done $0x0  }
0x25f: {  	[sflag:s8] =	ssyncadd.s32 $0xFFFFEC00  }
0x260: {  	[bflag:$0x0] =	sbarrier.arrive $0xFFFF  }
0x261: {  	s1 =	simm.s32 $0x0  }
0x262: {  	[tilespmem:s19], [sflag:$0x1] =	stream.indirect.gather [hbm4b:s30+s21], $0x40, s1, s21, $0xb8;
	[tilespmem:$0x1EB40] =	vst v63  }
0x263: {  	_ = 	snop  }
0x264: {  	[tilespmem:s26], [sflag:$0x2] =	stream.indirect.gather [hbm4b:s30+s21], $0x40, s21, s21, $0xb8;
	[tilespmem:$0x1EB40] =	vst v63  }
0x265: {  	_ =	swait.ge [sflag:s3], $0x1400  }
0x266: {  	[sflag:s3] =	ssyncset.done $0x0  }
0x267: {  	s2 =	simm.s32 $0x4E20;
	[sflag:s3] =	ssyncadd.s32 $0xFFFFEC00  }
0x268: {  	[spmem:s4] =	stream.indirect.scatter.add.f32 [tilespmem:s19], [sflag:$0xA], $0x40, s2, s21, $0xb8;
	[tilespmem:$0x1EB40] =	vst v63  }
0x269: {  	s24 =	simm.s32 $0xA0  }
0x26a: {  	[tilespmem:s12], [sflag:$0x3] =	stream.indirect.gather [hbm4b:s30+s21], $0x40, s24, s21, $0xb8;
	[tilespmem:$0x1EB40] =	vst v63  }
0x26b: {  	_ =	swait.ge [sflag:s15], $0x1400  }
0x26c: {  	[sflag:s15] =	ssyncset.done $0x0  }
0x26d: {  	s5 =	simm.s32 $0x4E70;
	[sflag:s15] =	ssyncadd.s32 $0xFFFFEC00  }
0x26e: {  	[spmem:s4] =	stream.indirect.scatter.add.f32 [tilespmem:s26], [sflag:$0xB], $0x40, s5, s21, $0xb8;
	[tilespmem:$0x1EB40] =	vst v63  }
0x26f: {  	_ =	swait.ge [sflag:s10], $0x1400  }
0x270: {  	[sflag:s10] =	ssyncset.done $0x0  }
0x271: {  	s6 =	simm.s32 $0xF0;
	[sflag:s10] =	ssyncadd.s32 $0xFFFFEC00  }
0x272: {  	[tilespmem:s19], [sflag:$0x1] =	stream.indirect.gather [hbm4b:s30+s21], $0x40, s6, s21, $0xb8;
	[tilespmem:$0x1EB40] =	vst v63  }
0x273: {  	_ =	swait.ge [sflag:s9], $0x1400  }
0x274: {  	[sflag:s9] =	ssyncset.done $0x0  }
0x275: {  	s17 =	simm.s32 $0x4EC0;
	[sflag:s9] =	ssyncadd.s32 $0xFFFFEC00  }
0x276: {  	[spmem:s4] =	stream.indirect.scatter.add.f32 [tilespmem:s12], [sflag:$0xC], $0x40, s17, s21, $0xb8;
	[tilespmem:$0x1EB40] =	vst v63  }
0x277: {  	_ =	swait.ge [sflag:s14], $0x1400  }
0x278: {  	[sflag:s14] =	ssyncset.done $0x0  }
0x279: {  	s24 =	simm.s32 $0x140;
	[sflag:s14] =	ssyncadd.s32 $0xFFFFEC00  }
0x27a: {  	[tilespmem:s26], [sflag:$0x2] =	stream.indirect.gather [hbm4b:s30+s21], $0x40, s24, s21, $0xb8;
	[tilespmem:$0x1EB40] =	vst v63  }
.LBB2_34:
0x27b: {  	_ =	swait.ge [sflag:s3], $0x1400  }
0x27c: {  	s2 =	sshra.s32 s1, $0x2;
	[sflag:s3] =	ssyncset.done $0x0  }
0x27d: {  	s5 =	sadd.s32 $0x4F10, s2;
	[sflag:s3] =	ssyncadd.s32 $0xFFFFEC00  }
0x27e: {  	[spmem:s4] =	stream.indirect.scatter.add.f32 [tilespmem:s19], [sflag:$0xA], $0x40, s5, s21, $0xb8;
	[tilespmem:$0x1EB40] =	vst v63  }
0x27f: {  	_ =	swait.ge [sflag:s20], $0x1400  }
0x280: {  	[sflag:s20] =	ssyncset.done $0x0  }
0x281: {  	s24 =	sadd.s32 $0x190, s2;
	[sflag:s20] =	ssyncadd.s32 $0xFFFFEC00  }
0x282: {  	[tilespmem:s12], [sflag:$0x3] =	stream.indirect.gather [hbm4b:s30+s21], $0x40, s24, s21, $0xb8;
	[tilespmem:$0x1EB40] =	vst v63  }
0x283: {  	_ =	swait.ge [sflag:s15], $0x1400  }
0x284: {  	[sflag:s15] =	ssyncset.done $0x0  }
0x285: {  	s6 =	sadd.s32 $0x4F60, s2;
	[sflag:s15] =	ssyncadd.s32 $0xFFFFEC00  }
0x286: {  	[spmem:s4] =	stream.indirect.scatter.add.f32 [tilespmem:s26], [sflag:$0xB], $0x40, s6, s21, $0xb8;
	[tilespmem:$0x1EB40] =	vst v63  }
0x287: {  	_ =	swait.ge [sflag:s10], $0x1400  }
0x288: {  	[sflag:s10] =	ssyncset.done $0x0  }
0x289: {  	s17 =	sadd.s32 $0x1E0, s2;
	[sflag:s10] =	ssyncadd.s32 $0xFFFFEC00  }
0x28a: {  	[tilespmem:s19], [sflag:$0x1] =	stream.indirect.gather [hbm4b:s30+s21], $0x40, s17, s21, $0xb8;
	[tilespmem:$0x1EB40] =	vst v63  }
0x28b: {  	_ =	swait.ge [sflag:s9], $0x1400  }
0x28c: {  	p2 =	seq.s32 s1, $0x12FC0;
	[sflag:s9] =	ssyncset.done $0x0  }
.Ltmp20:
0x28d: {  	s24 =	sadd.s32 $0x4FB0, s2;
	[sflag:s9] =	ssyncadd.s32 $0xFFFFEC00;
	(pc) =	sbr.rel @p2 .LBB2_36-.Ltmp20, $4  }
0x28e: {  	[spmem:s4] =	stream.indirect.scatter.add.f32 [tilespmem:s12], [sflag:$0xC], $0x40, s24, s21, $0xb8;
	[tilespmem:$0x1EB40] =	vst v63  }
0x28f: {  	_ =	swait.ge [sflag:s14], $0x1400  }
0x290: {  	[sflag:s14] =	ssyncset.done $0x0  }
0x291: {  	[sflag:s14] =	ssyncadd.s32 $0xFFFFEC00  }
.Ltmp21:
0x292: {  	(pc) =	sbr.rel .LBB2_34-.Ltmp21, $3  }
0x293: {  	_ =	sdelay $0x1  }
0x294: {  	s2 =	sadd.s32 $0x230, s2;
	s1 =	sadd.s32 $0x3C0, s1  }
0x295: {  	[tilespmem:s26], [sflag:$0x2] =	stream.indirect.gather [hbm4b:s30+s21], $0x40, s2, s21, $0xb8;
	[tilespmem:$0x1EB40] =	vst v63  }
.LBB2_37:
0x296: {  	[tilespmem:s19], [sflag:$0x1] =	stream.indirect.gather [hbm4b:s28+s21], $0x40, s1, s21, $0xb8;
	[tilespmem:$0x1EB40] =	vst v63  }
0x297: {  	_ = 	snop  }
0x298: {  	[tilespmem:s26], [sflag:$0x2] =	stream.indirect.gather [hbm4b:s28+s21], $0x40, s21, s21, $0xb8;
	[tilespmem:$0x1EB40] =	vst v63  }
0x299: {  	_ =	swait.ge [sflag:s3], $0x1400  }
0x29a: {  	[sflag:s3] =	ssyncset.done $0x0  }
0x29b: {  	s2 =	simm.s32 $0x4E20;
	[sflag:s3] =	ssyncadd.s32 $0xFFFFEC00  }
0x29c: {  	[spmem:s4] =	stream.indirect.scatter.add.f32 [tilespmem:s19], [sflag:$0xA], $0x40, s2, s21, $0xb8;
	[tilespmem:$0x1EB40] =	vst v63  }
0x29d: {  	s24 =	simm.s32 $0xA0  }
0x29e: {  	[tilespmem:s12], [sflag:$0x3] =	stream.indirect.gather [hbm4b:s28+s21], $0x40, s24, s21, $0xb8;
	[tilespmem:$0x1EB40] =	vst v63  }
0x29f: {  	_ =	swait.ge [sflag:s15], $0x1400  }
0x2a0: {  	[sflag:s15] =	ssyncset.done $0x0  }
0x2a1: {  	s5 =	simm.s32 $0x4E70;
	[sflag:s15] =	ssyncadd.s32 $0xFFFFEC00  }
0x2a2: {  	[spmem:s4] =	stream.indirect.scatter.add.f32 [tilespmem:s26], [sflag:$0xB], $0x40, s5, s21, $0xb8;
	[tilespmem:$0x1EB40] =	vst v63  }
0x2a3: {  	_ =	swait.ge [sflag:s10], $0x1400  }
0x2a4: {  	[sflag:s10] =	ssyncset.done $0x0  }
0x2a5: {  	s6 =	simm.s32 $0xF0;
	[sflag:s10] =	ssyncadd.s32 $0xFFFFEC00  }
0x2a6: {  	[tilespmem:s19], [sflag:$0x1] =	stream.indirect.gather [hbm4b:s28+s21], $0x40, s6, s21, $0xb8;
	[tilespmem:$0x1EB40] =	vst v63  }
0x2a7: {  	_ =	swait.ge [sflag:s9], $0x1400  }
0x2a8: {  	[sflag:s9] =	ssyncset.done $0x0  }
0x2a9: {  	s17 =	simm.s32 $0x4EC0;
	[sflag:s9] =	ssyncadd.s32 $0xFFFFEC00  }
0x2aa: {  	[spmem:s4] =	stream.indirect.scatter.add.f32 [tilespmem:s12], [sflag:$0xC], $0x40, s17, s21, $0xb8;
	[tilespmem:$0x1EB40] =	vst v63  }
0x2ab: {  	_ =	swait.ge [sflag:s14], $0x1400  }
0x2ac: {  	[sflag:s14] =	ssyncset.done $0x0  }
0x2ad: {  	s24 =	simm.s32 $0x140;
	[sflag:s14] =	ssyncadd.s32 $0xFFFFEC00  }
0x2ae: {  	[tilespmem:s26], [sflag:$0x2] =	stream.indirect.gather [hbm4b:s28+s21], $0x40, s24, s21, $0xb8;
	[tilespmem:$0x1EB40] =	vst v63  }
.LBB2_38:
0x2af: {  	_ =	swait.ge [sflag:s3], $0x1400  }
0x2b0: {  	s2 =	sshra.s32 s1, $0x2;
	[sflag:s3] =	ssyncset.done $0x0  }
0x2b1: {  	s5 =	sadd.s32 $0x4F10, s2;
	[sflag:s3] =	ssyncadd.s32 $0xFFFFEC00  }
0x2b2: {  	[spmem:s4] =	stream.indirect.scatter.add.f32 [tilespmem:s19], [sflag:$0xA], $0x40, s5, s21, $0xb8;
	[tilespmem:$0x1EB40] =	vst v63  }
0x2b3: {  	_ =	swait.ge [sflag:s20], $0x1400  }
0x2b4: {  	[sflag:s20] =	ssyncset.done $0x0  }
0x2b5: {  	s24 =	sadd.s32 $0x190, s2;
	[sflag:s20] =	ssyncadd.s32 $0xFFFFEC00  }
0x2b6: {  	[tilespmem:s12], [sflag:$0x3] =	stream.indirect.gather [hbm4b:s28+s21], $0x40, s24, s21, $0xb8;
	[tilespmem:$0x1EB40] =	vst v63  }
0x2b7: {  	_ =	swait.ge [sflag:s15], $0x1400  }
0x2b8: {  	[sflag:s15] =	ssyncset.done $0x0  }
0x2b9: {  	s6 =	sadd.s32 $0x4F60, s2;
	[sflag:s15] =	ssyncadd.s32 $0xFFFFEC00  }
0x2ba: {  	[spmem:s4] =	stream.indirect.scatter.add.f32 [tilespmem:s26], [sflag:$0xB], $0x40, s6, s21, $0xb8;
	[tilespmem:$0x1EB40] =	vst v63  }
0x2bb: {  	_ =	swait.ge [sflag:s10], $0x1400  }
0x2bc: {  	[sflag:s10] =	ssyncset.done $0x0  }
0x2bd: {  	s17 =	sadd.s32 $0x1E0, s2;
	[sflag:s10] =	ssyncadd.s32 $0xFFFFEC00  }
0x2be: {  	[tilespmem:s19], [sflag:$0x1] =	stream.indirect.gather [hbm4b:s28+s21], $0x40, s17, s21, $0xb8;
	[tilespmem:$0x1EB40] =	vst v63  }
0x2bf: {  	_ =	swait.ge [sflag:s9], $0x1400  }
0x2c0: {  	p2 =	seq.s32 s1, $0x12FC0;
	[sflag:s9] =	ssyncset.done $0x0  }
.Ltmp22:
0x2c1: {  	s24 =	sadd.s32 $0x4FB0, s2;
	[sflag:s9] =	ssyncadd.s32 $0xFFFFEC00;
	(pc) =	sbr.rel @p2 .LBB2_40-.Ltmp22, $4  }
0x2c2: {  	[spmem:s4] =	stream.indirect.scatter.add.f32 [tilespmem:s12], [sflag:$0xC], $0x40, s24, s21, $0xb8;
	[tilespmem:$0x1EB40] =	vst v63  }
0x2c3: {  	_ =	swait.ge [sflag:s14], $0x1400  }
0x2c4: {  	[sflag:s14] =	ssyncset.done $0x0  }
0x2c5: {  	[sflag:s14] =	ssyncadd.s32 $0xFFFFEC00  }
.Ltmp23:
0x2c6: {  	(pc) =	sbr.rel .LBB2_38-.Ltmp23, $3  }
0x2c7: {  	_ =	sdelay $0x1  }
0x2c8: {  	s2 =	sadd.s32 $0x230, s2;
	s1 =	sadd.s32 $0x3C0, s1  }
0x2c9: {  	[tilespmem:s26], [sflag:$0x2] =	stream.indirect.gather [hbm4b:s28+s21], $0x40, s2, s21, $0xb8;
	[tilespmem:$0x1EB40] =	vst v63  }
.LBB2_36:
0x2ca: {  	_ =	swait.ge [sflag:s3], $0x1400  }
0x2cb: {  	[sflag:s3] =	ssyncset.done $0x0  }
0x2cc: {  	s1 =	simm.s32 $0x9BF0;
	[sflag:s3] =	ssyncadd.s32 $0xFFFFEC00  }
0x2cd: {  	[spmem:s4] =	stream.indirect.scatter.add.f32 [tilespmem:s19], [sflag:$0xA], $0x40, s1, s21, $0xb8;
	[tilespmem:$0x1EB40] =	vst v63  }
0x2ce: {  	_ =	swait.ge [sflag:s20], $0x1400  }
0x2cf: {  	[sflag:s20] =	ssyncset.done $0x0  }
0x2d0: {  	[sflag:s20] =	ssyncadd.s32 $0xFFFFEC00  }
0x2d1: {  	_ =	swait.ge [sflag:s10], $0x1400  }
0x2d2: {  	[sflag:s10] =	ssyncset.done $0x0  }
0x2d3: {  	[sflag:s10] =	ssyncadd.s32 $0xFFFFEC00  }
0x2d4: {  	[bflag:$0x0] =	sbarrier.arrive $0xFFFF  }
0x2d5: {  	s2 =	sld [smem:$0x7FB]  }
0x2d6: {  	s5 =	sld [smem:$0x7F1];
	_ =	sdelay $0x1  }
0x2d7: {  	s1 =	simm.s32 @p1 $0x1FD0  }
0x2d8: {  	[hbm:s2], [sflag:s1] =	dma.local @p1 [spmem:s5], $0xC80  }
0x2d9: {  	s1 =	simm.s32 @p1 $0x10  }
0x2da: {  	_ =	swait.ge @p1 [sflag:s1], $0xC80  }
0x2db: {  	s2 =	sld [smem:$0x7F2]  }
0x2dc: {  	[sflag:s1] =	ssyncset.done @p1 $0x0;
	s5 =	sld [smem:$0x7F3]  }
0x2dd: {  	[sflag:s1] =	ssyncadd.s32 @p1 $0xFFFFF380;
	s1 =	sld [smem:$0x7F6];
	_ =	sdelay $0x2  }
0x2de: {  	[hbm:s1], [sflag:s5] =	dma.local @!p1 [spmem:s2], $0x1400  }
.Ltmp24:
0x2df: {  	_ = 	snop;
	(pc) =	sbr.rel .LBB2_41-.Ltmp24, $4  }
0x2e0: {  	s1 =	simm.s32 @!p1 $0x10  }
0x2e1: {  	_ =	swait.ge @!p1 [sflag:s1], $0x1400  }
0x2e2: {  	[sflag:s1] =	ssyncset.done @!p1 $0x0  }
0x2e3: {  	s2 =	sld [smem:$0x7F4];
	[sflag:s1] =	ssyncadd.s32 @!p1 $0xFFFFEC00  }
.LBB2_42:
0x2e4: {  	_ =	sfence.sel $0x180000  }
0x2e5: {  	[bflag:$0x0] =	sbarrier.arrive $0xFFFF  }
0x2e6: {  	_ =	strace $0x90000047  }
0x2e7: {  	s0 =	stileid.u32;
	[bflag:$0x2] =	sbarrier.arrive $0xFFFF  }
0x2e8: {  	p0 =	sne.s32 s0, $0x0;
	s0 =	rddreg [dreg:$0x5]  }
0x2e9: {  	s0 =	sadd.s32 @!p0 $0x100000, s0  }
0x2ea: {  	[sflag:s0] =	ssyncadd.tile.s32 @!p0 $0x1;
	_ =	shalt  }
.Lfunc_end2:
_tile_overlayer_lowered:
.L_overlay_start_2:
0x2eb: {  	(tag) =	ssettag $0x2  }
0x2ec: {  	s0 =	rddreg [dreg:$0x0];
	s2 =	stileid.u32  }
0x2ed: {  	s1 =	rddreg [dreg:$0x1];
	p0 =	sne.s32 s2, $0x0  }
0x2ee: {  	s3 =	rddreg [dreg:$0x2];
	[bflag:$0x3] =	sbarrier.arrive $0xFFFF;
	s2 =	simm.s32 @!p0 $0x1C10  }
0x2ef: {  	[timem:s3], [sflag:s2] =	dma.local @!p0 [hbm:s0], s1  }
0x2f0: {  	s0 =	simm.s32 @!p0 $0x10  }
0x2f1: {  	_ =	swait.ge @!p0 [sflag:s0], s1  }
0x2f2: {  	s1 =	ssub.s32 @!p0 $0x0, s1;
	[sflag:s0] =	ssyncset.done @!p0 $0x0  }
0x2f3: {  	[sflag:s0] =	ssyncadd.s32 @!p0 s1  }
0x2f4: {  	[bflag:$0x3] =	sbarrier.arrive $0xFFFF  }
0x2f5: {  	_ =	shalt  }

</sc_bundles>
